<compile_context>
chip_gen: v7x
topology: tpu7x:2x2x1
jax: 0.10.2.dev20260603
libtpu: 0.0.44.dev20260713+nightly
codegen_flags: <defaults>
</compile_context>

<pallas_src>
import functools

import jax
import jax.numpy as jnp
import numpy as np
from jax import lax
from jax.experimental import pallas as pl
from jax.experimental.pallas import tpu as pltpu
from jax.experimental.pallas import tpu_sc as plsc

_DN = (((1,), (0,)), ((), ()))
_BLK = 2000

_info = plsc.get_sparse_core_info()
_NC, _NS = _info.num_cores, _info.num_subcores
_NW = _NC * _NS

_E = 320000
_K = _E // 2
_NT = 16
_CHUNK = _E // _NT
_SUB = _CHUNK // 16
_R = 256
_NPASS = 4
_SROWS = _CHUNK // 128 + 1
_PAD = 4096
_SIGN = np.int32(-2147483648)

_OCHUNK = _K // _NT


def _dot_body(c_ref, a_ref, b_ref, w_ref, o_ref):
    er = jnp.concatenate([a_ref[...], b_ref[...]], axis=1).astype(jnp.bfloat16)
    acc = lax.dot_general(er, w_ref[...], _DN, preferred_element_type=jnp.float32)
    o_ref[...] = acc + c_ref[0]


def _score(er0, er1, W, c):
    E = er0.shape[0]
    n_blk = E // _BLK
    return pl.pallas_call(
        _dot_body,
        grid=(n_blk,),
        in_specs=[
            pl.BlockSpec(memory_space=pltpu.SMEM),
            pl.BlockSpec((_BLK, 128), lambda i: (i, 0)),
            pl.BlockSpec((_BLK, 128), lambda i: (i, 0)),
            pl.BlockSpec((256, 1), lambda i: (0, 0)),
        ],
        out_specs=pl.BlockSpec((_BLK, 1), lambda i: (i, 0)),
        out_shape=jax.ShapeDtypeStruct((E, 1), jnp.float32),
    )(c, er0, er1, W)


def _gather_rows(xb32, row, col):
    N, D = xb32.shape
    E = row.shape[0]
    per_w = E // _NW
    CH = 400
    n_ch = per_w // CH
    mesh = plsc.VectorSubcoreMesh(core_axis_name="c", subcore_axis_name="s")

    @functools.partial(
        pl.kernel,
        mesh=mesh,
        out_type=[
            jax.ShapeDtypeStruct((E, D), jnp.float32),
            jax.ShapeDtypeStruct((E, D), jnp.float32),
        ],
        scratch_types=[
            pltpu.VMEM((CH,), jnp.int32),
            pltpu.VMEM((CH,), jnp.int32),
            pltpu.VMEM((CH, 128), jnp.float32),
            pltpu.VMEM((CH, 128), jnp.float32),
            pltpu.SemaphoreType.DMA,
            pltpu.SemaphoreType.DMA,
        ],
    )
    def k(x_hbm, row_hbm, col_hbm, er0_hbm, er1_hbm,
          idx_r, idx_c, rows_r, rows_c, sem1, sem2):
        wid = lax.axis_index("s") * _NC + lax.axis_index("c")
        base = wid * per_w

        def body(j, _):
            off = base + j * CH
            pltpu.sync_copy(row_hbm.at[pl.ds(off, CH)], idx_r)
            pltpu.sync_copy(col_hbm.at[pl.ds(off, CH)], idx_c)
            a1 = pltpu.async_copy(x_hbm.at[idx_r], rows_r, sem1)
            a2 = pltpu.async_copy(x_hbm.at[idx_c], rows_c, sem2)
            a1.wait()
            pltpu.sync_copy(rows_r, er0_hbm.at[pl.ds(off, CH), :])
            a2.wait()
            pltpu.sync_copy(rows_c, er1_hbm.at[pl.ds(off, CH), :])
            return 0

        lax.fori_loop(0, n_ch, body, 0)

    return k(xb32, row, col)


def _sort_topk(pred_bits):
    mesh = plsc.VectorSubcoreMesh(
        core_axis_name="c", subcore_axis_name="s", num_cores=1)

    @functools.partial(
        pl.kernel,
        mesh=mesh,
        out_type=[
            jax.ShapeDtypeStruct((_K,), jnp.int32),
            jax.ShapeDtypeStruct((_K,), jnp.int32),
            jax.ShapeDtypeStruct((_E + _PAD,), jnp.int32),
            jax.ShapeDtypeStruct((_E + _PAD,), jnp.int32),
        ],
        scratch_types=[
            pltpu.VMEM_SHARED((_E + _PAD,), jnp.int32),
            pltpu.VMEM_SHARED((_E + _PAD,), jnp.int32),
            pltpu.VMEM_SHARED((_R * _NT,), jnp.int32),
            pltpu.VMEM((_SROWS * 128,), jnp.int32),
            pltpu.VMEM((_SROWS * 128,), jnp.int32),
            pltpu.VMEM((_SROWS, 128), jnp.int32),
            pltpu.VMEM((_R * 16,), jnp.int32),
            pltpu.VMEM((_R * 16,), jnp.int32),
            pltpu.VMEM((_R * _NT,), jnp.int32),
            pltpu.VMEM((_R,), jnp.int32),
            pltpu.VMEM((16,), jnp.int32),
            pltpu.SemaphoreType.DMA,
            pltpu.SemaphoreType.DMA,
        ],
        compiler_params=pltpu.CompilerParams(needs_layout_passes=False),
    )
    def k(pred_hbm, key_out, idx_out, skA, svA,
          skB, svB, hist_sh, ck, cv, dests, lhist, counters,
          grid_v, totals_v, spill_v, sem, sem2):
        cid = lax.axis_index("c")
        sid = lax.axis_index("s")
        t = sid
        lane = jnp.arange(16, dtype=jnp.int32)
        cbase = t * _CHUNK

        @pl.when(cid == 0)
        def _sort():
            def fill_iota(jj, _):
                cv[pl.ds(jj * 16, 16)] = cbase + jj * 16 + lane
                return 0
            lax.fori_loop(0, _CHUNK // 16, fill_iota, 0)

            for p in range(_NPASS):
                src_k, src_v = skA, svA
                dst_k, dst_v = skB, svB
                shift = 8 * p
                if p == 0:
                    pltpu.sync_copy(pred_hbm.at[pl.ds(cbase, _CHUNK)],
                                    ck.at[pl.ds(0, _CHUNK)])

                    def xform(jj, _):
                        bb = ck[pl.ds(jj * 16, 16)]
                        ck[pl.ds(jj * 16, 16)] = jnp.where(
                            bb < 0, bb,
                            jnp.bitwise_xor(jnp.bitwise_not(bb), _SIGN))
                        return 0
                    lax.fori_loop(0, _CHUNK // 16, xform, 0)
                else:
                    pltpu.sync_copy(src_k.at[pl.ds(cbase, _CHUNK)],
                                    ck.at[pl.ds(0, _CHUNK)])
                    pltpu.sync_copy(src_v.at[pl.ds(cbase, _CHUNK)],
                                    cv.at[pl.ds(0, _CHUNK)])

                def zero_h(i, _):
                    lhist[pl.ds(i * 16, 16)] = jnp.zeros((16,), jnp.int32)
                    return 0
                lax.fori_loop(0, _R, zero_h, 0)

                def hist_body(j, _):
                    kk = plsc.load_gather(ck, [lane * _SUB + j])
                    d = lax.shift_right_logical(kk, shift) & 255
                    cidx = lane * _R + d
                    old = plsc.load_gather(lhist, [cidx])
                    plsc.store_scatter(lhist, [cidx], old + 1)
                    return 0
                lax.fori_loop(0, _SUB, hist_body, 0)

                def tot_body(q, _):
                    d = q * 16 + lane
                    acc = jnp.zeros((16,), jnp.int32)
                    for l in range(16):
                        acc = acc + plsc.load_gather(lhist, [l * _R + d])
                    totals_v[pl.ds(q * 16, 16)] = acc
                    return 0
                lax.fori_loop(0, _R // 16, tot_body, 0)
                pltpu.sync_copy(totals_v, hist_sh.at[pl.ds(t * _R, _R)])
                plsc.subcore_barrier()

                pltpu.sync_copy(hist_sh, grid_v)

                def scan_body(d, run):
                    v = plsc.load_gather(grid_v, [lane * _R + d])
                    cs = plsc.cumsum(v)
                    ex = cs - v
                    spill_v[...] = run + ex
                    my_base = plsc.load_gather(
                        spill_v, [jnp.full((16,), t, jnp.int32)])
                    lh = plsc.load_gather(lhist, [lane * _R + d])
                    lcs = plsc.cumsum(lh)
                    lex = lcs - lh
                    plsc.store_scatter(counters, [lane * _R + d], my_base + lex)
                    spill_v[...] = cs
                    tot = plsc.load_gather(
                        spill_v, [jnp.full((16,), 15, jnp.int32)])
                    return run + tot

                lax.fori_loop(0, _R, scan_body, jnp.zeros((16,), jnp.int32))

                def rank_body(j, _):
                    pos = lane * _SUB + j
                    kk = plsc.load_gather(ck, [pos])
                    d = lax.shift_right_logical(kk, shift) & 255
                    cidx = lane * _R + d
                    dest = plsc.load_gather(counters, [cidx])
                    plsc.store_scatter(counters, [cidx], dest + 1)
                    plsc.store_scatter(dests, [pos // 128, pos % 128], dest)
                    return 0
                lax.fori_loop(0, _SUB, rank_body, 0)

                def pad_body(j, _):
                    pos = _CHUNK + j * 16 + lane
                    plsc.store_scatter(dests, [pos // 128, pos % 128],
                                       _E + t * 128 + j * 16 + lane)
                    return 0
                lax.fori_loop(0, (_SROWS * 128 - _CHUNK) // 16, pad_body, 0)

                def scat_body(f, _):
                    a1 = pltpu.async_copy(ck.at[pl.ds(f * 128, 128)],
                                          dst_k.at[dests.at[f]], sem)
                    a2 = pltpu.async_copy(cv.at[pl.ds(f * 128, 128)],
                                          dst_v.at[dests.at[f]], sem2)
                    a1.wait()
                    a2.wait()
                    return 0
                lax.fori_loop(0, _SROWS, scat_body, 0)
                plsc.subcore_barrier()

                if p < _NPASS - 1:
                    pltpu.sync_copy(skB.at[pl.ds(cbase, _CHUNK)],
                                    ck.at[pl.ds(0, _CHUNK)])
                    pltpu.sync_copy(ck.at[pl.ds(0, _CHUNK)],
                                    skA.at[pl.ds(cbase, _CHUNK)])
                    pltpu.sync_copy(svB.at[pl.ds(cbase, _CHUNK)],
                                    cv.at[pl.ds(0, _CHUNK)])
                    pltpu.sync_copy(cv.at[pl.ds(0, _CHUNK)],
                                    svA.at[pl.ds(cbase, _CHUNK)])
                    plsc.subcore_barrier()

            fin_k, fin_v = skB, svB
            obase = t * _OCHUNK
            pltpu.sync_copy(fin_k.at[pl.ds(obase, _OCHUNK)],
                            ck.at[pl.ds(0, _OCHUNK)])
            pltpu.sync_copy(fin_v.at[pl.ds(obase, _OCHUNK)],
                            cv.at[pl.ds(0, _OCHUNK)])
            pltpu.sync_copy(ck.at[pl.ds(0, _OCHUNK)],
                            key_out.at[pl.ds(obase, _OCHUNK)])
            pltpu.sync_copy(cv.at[pl.ds(0, _OCHUNK)],
                            idx_out.at[pl.ds(obase, _OCHUNK)])

    return k(pred_bits)


_FCH = _K // _NW
_FROWS = _FCH // 128 + 1


def _finalize(sk, sv, row, col):
    mesh = plsc.VectorSubcoreMesh(core_axis_name="c", subcore_axis_name="s")

    @functools.partial(
        pl.kernel,
        mesh=mesh,
        out_type=[
            jax.ShapeDtypeStruct((_K,), jnp.float32),
            jax.ShapeDtypeStruct((_K,), jnp.int32),
            jax.ShapeDtypeStruct((_K,), jnp.int32),
        ],
        scratch_types=[
            pltpu.VMEM((_FCH,), jnp.int32),
            pltpu.VMEM((_FCH,), jnp.float32),
            pltpu.VMEM((_FROWS, 128), jnp.int32),
            pltpu.VMEM((_FROWS * 128,), jnp.int32),
            pltpu.VMEM((_FROWS * 128,), jnp.int32),
            pltpu.SemaphoreType.DMA,
            pltpu.SemaphoreType.DMA,
        ],
        compiler_params=pltpu.CompilerParams(needs_layout_passes=False),
    )
    def k(sk_hbm, sv_hbm, row_hbm, col_hbm, vals_out, eir_out, eic_out,
          buf, fvals, oidx, obuf, obuf2, sem, sem2):
        wid = lax.axis_index("s") * _NC + lax.axis_index("c")
        base = wid * _FCH
        lane = jnp.arange(16, dtype=jnp.int32)

        pltpu.sync_copy(sk_hbm.at[pl.ds(base, _FCH)], buf)

        def inv_one(off):
            k2 = buf[pl.ds(off, 16)]
            bb = jnp.where(k2 < 0, k2,
                           jnp.bitwise_xor(jnp.bitwise_not(k2), _SIGN))
            fvals[pl.ds(off, 16)] = plsc.bitcast(bb, jnp.float32)

        def inv_body(jj, _):
            inv_one(jj * 16)
            return 0
        lax.fori_loop(0, _FCH // 16, inv_body, 0)
        if _FCH % 16:
            inv_one(_FCH - 16)
        pltpu.sync_copy(fvals, vals_out.at[pl.ds(base, _FCH)])

        pltpu.sync_copy(sv_hbm.at[pl.ds(base, _FCH)], buf)

        def oidx_fill(jj, _):
            pos = jj * 16 + lane
            v = jnp.where(pos < _FCH,
                          plsc.load_gather(buf, [jnp.minimum(pos, _FCH - 1)]),
                          0)
            plsc.store_scatter(oidx, [pos // 128, pos % 128], v)
            return 0
        lax.fori_loop(0, (_FROWS * 128) // 16, oidx_fill, 0)

        def gat_rc(f, _):
            a1 = pltpu.async_copy(row_hbm.at[oidx.at[f]],
                                  obuf.at[pl.ds(f * 128, 128)], sem)
            a2 = pltpu.async_copy(col_hbm.at[oidx.at[f]],
                                  obuf2.at[pl.ds(f * 128, 128)], sem2)
            a1.wait()
            a2.wait()
            return 0
        lax.fori_loop(0, _FROWS, gat_rc, 0)
        pltpu.sync_copy(obuf.at[pl.ds(0, _FCH)],
                        eir_out.at[pl.ds(base, _FCH)])
        pltpu.sync_copy(obuf2.at[pl.ds(0, _FCH)],
                        eic_out.at[pl.ds(base, _FCH)])

    return k(sk, sv, row, col)


def kernel(x, edge_index, W, b, k):
    row = edge_index[0]
    col = edge_index[1]
    xb32 = x.astype(jnp.bfloat16).astype(jnp.float32)
    er0, er1 = _gather_rows(xb32, row, col)
    k_static = edge_index.shape[1] // 2
    k_residual = (jnp.asarray(k) - k_static).astype(jnp.float32)
    c = (b[0] + k_residual).reshape(1)
    pred = _score(er0, er1, W, c).reshape(-1)
    pred_bits = lax.bitcast_convert_type(pred, jnp.int32)
    sk, sv, _hk, _hv = _sort_topk(pred_bits)
    causal_vals, eir, eic = _finalize(sk, sv, row, col)
    causal_idx = sv
    causal_edge_index = jnp.stack([eir, eic])
    return (causal_vals, causal_idx, causal_edge_index)

# --- scband reference (transcript-rebuilt; emitter-appended) ---
"""Pipeline reference for scband-causal-att-net-15556371546338 (READ-ONLY COPY).

The authoritative reference and input builder live on the scoring server;
editing this copy changes nothing except your own understanding.
"""

import jax, jax.numpy as jnp
import numpy as np


def setup_inputs(seed: int = 0) -> dict:
    key = jax.random.key(seed)
    k1, k2, k3 = jax.random.split(key, 3)
    N = 10000
    E = 320000
    D = 128
    x = jax.random.normal(k1, (N, D), dtype=jnp.float32)
    edge_index = jax.random.randint(k2, (2, E), 0, N, dtype=jnp.int32)
    # learned params of the edge-scoring linear layer: Linear(2*D -> 1)
    W = jax.random.normal(k3, (2 * D, 1), dtype=jnp.float32) * 0.05
    b = jnp.zeros((1,), dtype=jnp.float32)
    k = 160000  # int(causal_ratio * E) with causal_ratio = 0.5
    return {"x": x, "edge_index": edge_index, "W": W, "b": b, "k": k}


def reference(x, edge_index, W, b, k):
    # CausalAttNet core: gather node reps at both edge endpoints,
    # score each edge with a linear layer, then select the top
    # ratio*E edges (causal subgraph) by predicted edge weight.
    row = edge_index[0]
    col = edge_index[1]
    edge_rep = jnp.concatenate(
        [jnp.take(x, row, axis=0), jnp.take(x, col, axis=0)], axis=-1
    )
    k_static = edge_index.shape[1] // 2
    k_residual = (jnp.asarray(k) - k_static).astype(jnp.float32)
    pred_edge_weight = (edge_rep @ W).reshape(-1) + b[0] + k_residual
    causal_vals, causal_idx = jax.lax.top_k(pred_edge_weight, k_static)
    causal_edge_index = jnp.take(edge_index, causal_idx, axis=1)
    return (causal_vals, causal_idx, causal_edge_index)

if __name__ == "__main__":
    import jax
    _d = setup_inputs()
    print(jax.jit(kernel)(*tuple(_d.values())))

</pallas_src>

<mosaic_0001>
#map = affine_map<(d0, d1) -> (0, 0)>
#map1 = affine_map<(d0, d1) -> (0)>
module attributes {stable_mosaic.version = 14 : i64} {
  func.func @k(%arg0: i32, %arg1: i32, %arg2: memref<10000x128xf32, #tpu.memory_space<hbm>>, %arg3: memref<320000xi32, #tpu.memory_space<hbm>>, %arg4: memref<320000xi32, #tpu.memory_space<hbm>>, %arg5: memref<320000x128xf32, #tpu.memory_space<hbm>>, %arg6: memref<320000x128xf32, #tpu.memory_space<hbm>>, %arg7: memref<400xi32, #tpu.memory_space<vmem>>, %arg8: memref<400xi32, #tpu.memory_space<vmem>>, %arg9: memref<400x128xf32, #tpu.memory_space<vmem>>, %arg10: memref<400x128xf32, #tpu.memory_space<vmem>>, %arg11: memref<!tpu.dma_semaphore, #tpu.memory_space<semaphore_mem>>, %arg12: memref<!tpu.dma_semaphore, #tpu.memory_space<semaphore_mem>>) attributes {dimension_semantics = [#tpu.dimension_semantics<core_parallel>, #tpu.dimension_semantics<subcore_parallel>], iteration_bounds = array<i64: 2, 16>, scalar_prefetch = 0 : i64, scratch_operands = 6 : i64, tpu.core_type = #tpu.core_type<sc_vector_subcore>, window_params = [{transform_indices = #map}, {transform_indices = #map1}, {transform_indices = #map1}, {transform_indices = #map}, {transform_indices = #map}]} {
    %mul3A = arith.constant 2 : i32
    %mul3A_0 = arith.muli %arg1, %mul3A : i32
    %add3A = arith.addi %mul3A_0, %arg0 : i32
    %mul3A_1 = arith.constant 10000 : i32
    %mul3A_2 = arith.muli %add3A, %mul3A_1 : i32
    %scan3A = arith.constant 0 : i32
    %scan3A_3 = arith.constant 0 : i32
    %scan3A_4 = arith.constant 25 : i32
    %scan3A_5 = arith.addi %scan3A_3, %scan3A_4 : i32
    %scan3A_6 = arith.constant 1 : i32
    %scan3A_7 = scf.for %scan3A_9 = %scan3A_3 to %scan3A_5 step %scan3A_6 iter_args(%scan3A_10 = %scan3A) -> (i32)  : i32 {
      %mul3A_11 = arith.constant 400 : i32
      %mul3A_12 = arith.muli %scan3A_9, %mul3A_11 : i32
      %add3A_13 = arith.addi %mul3A_2, %mul3A_12 : i32
      "tpu.region"() ({
        %run_scoped3A = tpu.sem_alloc : memref<!tpu.dma_semaphore, #tpu.memory_space<semaphore_mem>>
        %dma_start3A_25 = tpu.memref_slice %arg3[%add3A_13] : memref<320000xi32, #tpu.memory_space<hbm>> -> memref<400xi32, #tpu.memory_space<hbm>>
        %dma_start3A_26 = tpu.memref_slice %arg3[%add3A_13] : memref<320000xi32, #tpu.memory_space<hbm>> -> memref<400xi32, #tpu.memory_space<hbm>>
        tpu.enqueue_dma source(%dma_start3A_26 : memref<400xi32, #tpu.memory_space<hbm>>) target(%arg7 : memref<400xi32, #tpu.memory_space<vmem>>) target_semaphore(%run_scoped3A : memref<!tpu.dma_semaphore, #tpu.memory_space<semaphore_mem>>)
        %dma_wait3A_27 = tpu.memref_slice %arg3[%add3A_13] : memref<320000xi32, #tpu.memory_space<hbm>> -> memref<400xi32, #tpu.memory_space<hbm>>
        %dma_wait3A_28 = tpu.memref_slice %arg3[%add3A_13] : memref<320000xi32, #tpu.memory_space<hbm>> -> memref<400xi32, #tpu.memory_space<hbm>>
        tpu.wait_dma2 semaphore(%run_scoped3A : memref<!tpu.dma_semaphore, #tpu.memory_space<semaphore_mem>>) src(%dma_wait3A_28 : memref<400xi32, #tpu.memory_space<hbm>>) dst(%arg7 : memref<400xi32, #tpu.memory_space<vmem>>)
        tpu.yield
      }) : () -> ()
      "tpu.region"() ({
        %run_scoped3A = tpu.sem_alloc : memref<!tpu.dma_semaphore, #tpu.memory_space<semaphore_mem>>
        %dma_start3A_25 = tpu.memref_slice %arg4[%add3A_13] : memref<320000xi32, #tpu.memory_space<hbm>> -> memref<400xi32, #tpu.memory_space<hbm>>
        %dma_start3A_26 = tpu.memref_slice %arg4[%add3A_13] : memref<320000xi32, #tpu.memory_space<hbm>> -> memref<400xi32, #tpu.memory_space<hbm>>
        tpu.enqueue_dma source(%dma_start3A_26 : memref<400xi32, #tpu.memory_space<hbm>>) target(%arg8 : memref<400xi32, #tpu.memory_space<vmem>>) target_semaphore(%run_scoped3A : memref<!tpu.dma_semaphore, #tpu.memory_space<semaphore_mem>>)
        %dma_wait3A_27 = tpu.memref_slice %arg4[%add3A_13] : memref<320000xi32, #tpu.memory_space<hbm>> -> memref<400xi32, #tpu.memory_space<hbm>>
        %dma_wait3A_28 = tpu.memref_slice %arg4[%add3A_13] : memref<320000xi32, #tpu.memory_space<hbm>> -> memref<400xi32, #tpu.memory_space<hbm>>
        tpu.wait_dma2 semaphore(%run_scoped3A : memref<!tpu.dma_semaphore, #tpu.memory_space<semaphore_mem>>) src(%dma_wait3A_28 : memref<400xi32, #tpu.memory_space<hbm>>) dst(%arg8 : memref<400xi32, #tpu.memory_space<vmem>>)
        tpu.yield
      }) : () -> ()
      %dma_start3A = arith.constant 0 : i32
      %dma_start3A_14 = arith.constant 0 : i32
      %dma_start3A_15 = tpu.memref_slice %arg2[%dma_start3A, %dma_start3A_14] : memref<10000x128xf32, #tpu.memory_space<hbm>> -> memref<10000x128xf32, #tpu.memory_space<hbm>>
      tpu.enqueue_indirect_dma source(%dma_start3A_15 : memref<10000x128xf32, #tpu.memory_space<hbm>>) target(%arg9 : memref<400x128xf32, #tpu.memory_space<vmem>>) offsets(%arg7 : memref<400xi32, #tpu.memory_space<vmem>>) semaphore(%arg11 : memref<!tpu.dma_semaphore, #tpu.memory_space<semaphore_mem>>)
      %dma_start3A_16 = arith.constant 0 : i32
      %dma_start3A_17 = arith.constant 0 : i32
      %dma_start3A_18 = tpu.memref_slice %arg2[%dma_start3A_16, %dma_start3A_17] : memref<10000x128xf32, #tpu.memory_space<hbm>> -> memref<10000x128xf32, #tpu.memory_space<hbm>>
      tpu.enqueue_indirect_dma source(%dma_start3A_18 : memref<10000x128xf32, #tpu.memory_space<hbm>>) target(%arg10 : memref<400x128xf32, #tpu.memory_space<vmem>>) offsets(%arg8 : memref<400xi32, #tpu.memory_space<vmem>>) semaphore(%arg12 : memref<!tpu.dma_semaphore, #tpu.memory_space<semaphore_mem>>)
      %dma_wait3A = arith.constant 0 : i32
      %dma_wait3A_19 = arith.constant 0 : i32
      %dma_wait3A_20 = tpu.memref_slice %arg2[%dma_wait3A, %dma_wait3A_19] : memref<10000x128xf32, #tpu.memory_space<hbm>> -> memref<10000x128xf32, #tpu.memory_space<hbm>>
      tpu.wait_indirect_dma semaphore(%arg11 : memref<!tpu.dma_semaphore, #tpu.memory_space<semaphore_mem>>) src(%dma_wait3A_20 : memref<10000x128xf32, #tpu.memory_space<hbm>>) dst(%arg9 : memref<400x128xf32, #tpu.memory_space<vmem>>)
      "tpu.region"() ({
        %run_scoped3A = tpu.sem_alloc : memref<!tpu.dma_semaphore, #tpu.memory_space<semaphore_mem>>
        %dma_start3A_25 = arith.constant 0 : i32
        %dma_start3A_26 = tpu.memref_slice %arg5[%add3A_13, %dma_start3A_25] : memref<320000x128xf32, #tpu.memory_space<hbm>> -> memref<400x128xf32, #tpu.memory_space<hbm>>
        %dma_start3A_27 = arith.constant 0 : i32
        %dma_start3A_28 = tpu.memref_slice %arg5[%add3A_13, %dma_start3A_27] : memref<320000x128xf32, #tpu.memory_space<hbm>> -> memref<400x128xf32, #tpu.memory_space<hbm>>
        tpu.enqueue_dma source(%arg9 : memref<400x128xf32, #tpu.memory_space<vmem>>) target(%dma_start3A_28 : memref<400x128xf32, #tpu.memory_space<hbm>>) target_semaphore(%run_scoped3A : memref<!tpu.dma_semaphore, #tpu.memory_space<semaphore_mem>>)
        %dma_wait3A_29 = arith.constant 0 : i32
        %dma_wait3A_30 = tpu.memref_slice %arg5[%add3A_13, %dma_wait3A_29] : memref<320000x128xf32, #tpu.memory_space<hbm>> -> memref<400x128xf32, #tpu.memory_space<hbm>>
        %dma_wait3A_31 = arith.constant 0 : i32
        %dma_wait3A_32 = tpu.memref_slice %arg5[%add3A_13, %dma_wait3A_31] : memref<320000x128xf32, #tpu.memory_space<hbm>> -> memref<400x128xf32, #tpu.memory_space<hbm>>
        tpu.wait_dma2 semaphore(%run_scoped3A : memref<!tpu.dma_semaphore, #tpu.memory_space<semaphore_mem>>) src(%arg9 : memref<400x128xf32, #tpu.memory_space<vmem>>) dst(%dma_wait3A_32 : memref<400x128xf32, #tpu.memory_space<hbm>>)
        tpu.yield
      }) : () -> ()
      %dma_wait3A_21 = arith.constant 0 : i32
      %dma_wait3A_22 = arith.constant 0 : i32
      %dma_wait3A_23 = tpu.memref_slice %arg2[%dma_wait3A_21, %dma_wait3A_22] : memref<10000x128xf32, #tpu.memory_space<hbm>> -> memref<10000x128xf32, #tpu.memory_space<hbm>>
      tpu.wait_indirect_dma semaphore(%arg12 : memref<!tpu.dma_semaphore, #tpu.memory_space<semaphore_mem>>) src(%dma_wait3A_23 : memref<10000x128xf32, #tpu.memory_space<hbm>>) dst(%arg10 : memref<400x128xf32, #tpu.memory_space<vmem>>)
      "tpu.region"() ({
        %run_scoped3A = tpu.sem_alloc : memref<!tpu.dma_semaphore, #tpu.memory_space<semaphore_mem>>
        %dma_start3A_25 = arith.constant 0 : i32
        %dma_start3A_26 = tpu.memref_slice %arg6[%add3A_13, %dma_start3A_25] : memref<320000x128xf32, #tpu.memory_space<hbm>> -> memref<400x128xf32, #tpu.memory_space<hbm>>
        %dma_start3A_27 = arith.constant 0 : i32
        %dma_start3A_28 = tpu.memref_slice %arg6[%add3A_13, %dma_start3A_27] : memref<320000x128xf32, #tpu.memory_space<hbm>> -> memref<400x128xf32, #tpu.memory_space<hbm>>
        tpu.enqueue_dma source(%arg10 : memref<400x128xf32, #tpu.memory_space<vmem>>) target(%dma_start3A_28 : memref<400x128xf32, #tpu.memory_space<hbm>>) target_semaphore(%run_scoped3A : memref<!tpu.dma_semaphore, #tpu.memory_space<semaphore_mem>>)
        %dma_wait3A_29 = arith.constant 0 : i32
        %dma_wait3A_30 = tpu.memref_slice %arg6[%add3A_13, %dma_wait3A_29] : memref<320000x128xf32, #tpu.memory_space<hbm>> -> memref<400x128xf32, #tpu.memory_space<hbm>>
        %dma_wait3A_31 = arith.constant 0 : i32
        %dma_wait3A_32 = tpu.memref_slice %arg6[%add3A_13, %dma_wait3A_31] : memref<320000x128xf32, #tpu.memory_space<hbm>> -> memref<400x128xf32, #tpu.memory_space<hbm>>
        tpu.wait_dma2 semaphore(%run_scoped3A : memref<!tpu.dma_semaphore, #tpu.memory_space<semaphore_mem>>) src(%arg10 : memref<400x128xf32, #tpu.memory_space<vmem>>) dst(%dma_wait3A_32 : memref<400x128xf32, #tpu.memory_space<hbm>>)
        tpu.yield
      }) : () -> ()
      %scan3A_24 = arith.constant 0 : i32
      scf.yield %scan3A_24 : i32
    }
    %scan3A_8 = arith.constant 25 : i32
    return
  }
}

#map = affine_map<(d0, d1) -> (0)>
module attributes {stable_mosaic.version = 14 : i64} {
  func.func @k(%arg0: i32, %arg1: i32, %arg2: memref<320000xi32, #tpu.memory_space<hbm>>, %arg3: memref<160000xi32, #tpu.memory_space<hbm>>, %arg4: memref<160000xi32, #tpu.memory_space<hbm>>, %arg5: memref<324096xi32, #tpu.memory_space<hbm>>, %arg6: memref<324096xi32, #tpu.memory_space<hbm>>, %arg7: memref<324096xi32, #tpu.memory_space<vmem_shared>>, %arg8: memref<324096xi32, #tpu.memory_space<vmem_shared>>, %arg9: memref<4096xi32, #tpu.memory_space<vmem_shared>>, %arg10: memref<20096xi32, #tpu.memory_space<vmem>>, %arg11: memref<20096xi32, #tpu.memory_space<vmem>>, %arg12: memref<157x128xi32, #tpu.memory_space<vmem>>, %arg13: memref<4096xi32, #tpu.memory_space<vmem>>, %arg14: memref<4096xi32, #tpu.memory_space<vmem>>, %arg15: memref<4096xi32, #tpu.memory_space<vmem>>, %arg16: memref<256xi32, #tpu.memory_space<vmem>>, %arg17: memref<16xi32, #tpu.memory_space<vmem>>, %arg18: memref<!tpu.dma_semaphore, #tpu.memory_space<semaphore_mem>>, %arg19: memref<!tpu.dma_semaphore, #tpu.memory_space<semaphore_mem>>) attributes {dimension_semantics = [#tpu.dimension_semantics<core_parallel>, #tpu.dimension_semantics<subcore_parallel>], iteration_bounds = array<i64: 1, 16>, scalar_prefetch = 0 : i64, scratch_operands = 13 : i64, tpu.core_type = #tpu.core_type<sc_vector_subcore>, window_params = [{transform_indices = #map}, {transform_indices = #map}, {transform_indices = #map}, {transform_indices = #map}, {transform_indices = #map}]} {
    %iota3A = tpu.iota {dimensions = array<i32: 0>} : vector<16xi32>
    %mul3A = arith.constant 20000 : i32
    %mul3A_0 = arith.muli %arg1, %mul3A : i32
    %eq3A = arith.constant 0 : i32
    %eq3A_1 = arith.cmpi eq, %arg0, %eq3A : i32
    %convert_element_type3A = arith.extui %eq3A_1 : i1 to i32
    %cond3A = arith.constant 0 : i32
    %cond3A_2 = arith.cmpi ne, %convert_element_type3A, %cond3A : i32
    scf.if %cond3A_2 {
      %scan3A = arith.constant 0 : i32
      %scan3A_3 = arith.constant 0 : i32
      %scan3A_4 = arith.constant 1250 : i32
      %scan3A_5 = arith.addi %scan3A_3, %scan3A_4 : i32
      %scan3A_6 = arith.constant 1 : i32
      %scan3A_7 = scf.for %scan3A_235 = %scan3A_3 to %scan3A_5 step %scan3A_6 iter_args(%scan3A_236 = %scan3A) -> (i32)  : i32 {
        %mul3A_237 = arith.constant 16 : i32
        %mul3A_238 = arith.muli %scan3A_235, %mul3A_237 : i32
        %add3A = arith.addi %mul3A_0, %mul3A_238 : i32
        %add3A_239 = vector.broadcast %add3A : i32 to vector<16xi32>
        %add3A_240 = arith.addi %add3A_239, %iota3A : vector<16xi32>
        %mul3A_241 = arith.constant 16 : i32
        %mul3A_242 = arith.muli %scan3A_235, %mul3A_241 : i32
        %swap3A = arith.index_cast %mul3A_242 : i32 to index
        %swap3A_243 = tpu.vector_load %arg11[%swap3A] {strides = array<i32>} : memref<20096xi32, #tpu.memory_space<vmem>>, vector<16xi32>,
        tpu.vector_store %arg11[%swap3A], %add3A_240 {strides = array<i32>} : memref<20096xi32, #tpu.memory_space<vmem>>, vector<16xi32>,
        %scan3A_244 = arith.constant 0 : i32
        scf.yield %scan3A_244 : i32
      }
      %scan3A_8 = arith.constant 1250 : i32
      "tpu.region"() ({
        %run_scoped3A = tpu.sem_alloc : memref<!tpu.dma_semaphore, #tpu.memory_space<semaphore_mem>>
        %dma_start3A = arith.constant 0 : i32
        %dma_start3A_235 = tpu.memref_slice %arg10[%dma_start3A] : memref<20096xi32, #tpu.memory_space<vmem>> -> memref<20000xi32, #tpu.memory_space<vmem>>
        %dma_start3A_236 = tpu.memref_slice %arg2[%mul3A_0] : memref<320000xi32, #tpu.memory_space<hbm>> -> memref<20000xi32, #tpu.memory_space<hbm>>
        %dma_start3A_237 = arith.constant 0 : i32
        %dma_start3A_238 = tpu.memref_slice %arg10[%dma_start3A_237] : memref<20096xi32, #tpu.memory_space<vmem>> -> memref<20000xi32, #tpu.memory_space<vmem>>
        %dma_start3A_239 = tpu.memref_slice %arg2[%mul3A_0] : memref<320000xi32, #tpu.memory_space<hbm>> -> memref<20000xi32, #tpu.memory_space<hbm>>
        tpu.enqueue_dma source(%dma_start3A_239 : memref<20000xi32, #tpu.memory_space<hbm>>) target(%dma_start3A_238 : memref<20000xi32, #tpu.memory_space<vmem>>) target_semaphore(%run_scoped3A : memref<!tpu.dma_semaphore, #tpu.memory_space<semaphore_mem>>)
        %dma_wait3A = arith.constant 0 : i32
        %dma_wait3A_240 = tpu.memref_slice %arg10[%dma_wait3A] : memref<20096xi32, #tpu.memory_space<vmem>> -> memref<20000xi32, #tpu.memory_space<vmem>>
        %dma_wait3A_241 = tpu.memref_slice %arg2[%mul3A_0] : memref<320000xi32, #tpu.memory_space<hbm>> -> memref<20000xi32, #tpu.memory_space<hbm>>
        %dma_wait3A_242 = arith.constant 0 : i32
        %dma_wait3A_243 = tpu.memref_slice %arg10[%dma_wait3A_242] : memref<20096xi32, #tpu.memory_space<vmem>> -> memref<20000xi32, #tpu.memory_space<vmem>>
        %dma_wait3A_244 = tpu.memref_slice %arg2[%mul3A_0] : memref<320000xi32, #tpu.memory_space<hbm>> -> memref<20000xi32, #tpu.memory_space<hbm>>
        tpu.wait_dma2 semaphore(%run_scoped3A : memref<!tpu.dma_semaphore, #tpu.memory_space<semaphore_mem>>) src(%dma_wait3A_244 : memref<20000xi32, #tpu.memory_space<hbm>>) dst(%dma_wait3A_243 : memref<20000xi32, #tpu.memory_space<vmem>>)
        tpu.yield
      }) : () -> ()
      %scan3A_9 = arith.constant 0 : i32
      %scan3A_10 = arith.constant 0 : i32
      %scan3A_11 = arith.constant 1250 : i32
      %scan3A_12 = arith.addi %scan3A_10, %scan3A_11 : i32
      %scan3A_13 = arith.constant 1 : i32
      %scan3A_14 = scf.for %scan3A_235 = %scan3A_10 to %scan3A_12 step %scan3A_13 iter_args(%scan3A_236 = %scan3A_9) -> (i32)  : i32 {
        %mul3A_237 = arith.constant 16 : i32
        %mul3A_238 = arith.muli %scan3A_235, %mul3A_237 : i32
        %get3A = arith.index_cast %mul3A_238 : i32 to index
        %get3A_239 = tpu.vector_load %arg10[%get3A] {strides = array<i32>} : memref<20096xi32, #tpu.memory_space<vmem>>, vector<16xi32>,
        %lt3A = arith.constant 0 : i32
        %lt3A_240 = vector.broadcast %lt3A : i32 to vector<16xi32>
        %lt3A_241 = arith.cmpi slt, %get3A_239, %lt3A_240 : vector<16xi32>
        %not3A = arith.constant dense<-1> : vector<16xi32>
        %not3A_242 = arith.xori %get3A_239, %not3A : vector<16xi32>
        %xor3A = arith.constant -2147483648 : i32
        %xor3A_243 = vector.broadcast %xor3A : i32 to vector<16xi32>
        %xor3A_244 = arith.xori %not3A_242, %xor3A_243 : vector<16xi32>
        %select_n3A = arith.select %lt3A_241, %get3A_239, %xor3A_244 : vector<16xi1>, vector<16xi32>
        %mul3A_245 = arith.constant 16 : i32
        %mul3A_246 = arith.muli %scan3A_235, %mul3A_245 : i32
        %swap3A = arith.index_cast %mul3A_246 : i32 to index
        %swap3A_247 = tpu.vector_load %arg10[%swap3A] {strides = array<i32>} : memref<20096xi32, #tpu.memory_space<vmem>>, vector<16xi32>,
        tpu.vector_store %arg10[%swap3A], %select_n3A {strides = array<i32>} : memref<20096xi32, #tpu.memory_space<vmem>>, vector<16xi32>,
        %scan3A_248 = arith.constant 0 : i32
        scf.yield %scan3A_248 : i32
      }
      %scan3A_15 = arith.constant 1250 : i32
      %scan3A_16 = arith.constant 0 : i32
      %scan3A_17 = arith.constant 0 : i32
      %scan3A_18 = arith.constant 256 : i32
      %scan3A_19 = arith.addi %scan3A_17, %scan3A_18 : i32
      %scan3A_20 = arith.constant 1 : i32
      %scan3A_21 = scf.for %scan3A_235 = %scan3A_17 to %scan3A_19 step %scan3A_20 iter_args(%scan3A_236 = %scan3A_16) -> (i32)  : i32 {
        %broadcast_in_dim3A_237 = arith.constant 0 : i32
        %broadcast_in_dim3A_238 = vector.broadcast %broadcast_in_dim3A_237 : i32 to vector<16xi32>
        %mul3A_239 = arith.constant 16 : i32
        %mul3A_240 = arith.muli %scan3A_235, %mul3A_239 : i32
        %swap3A = arith.index_cast %mul3A_240 : i32 to index
        %swap3A_241 = tpu.vector_load %arg13[%swap3A] {strides = array<i32>} : memref<4096xi32, #tpu.memory_space<vmem>>, vector<16xi32>,
        tpu.vector_store %arg13[%swap3A], %broadcast_in_dim3A_238 {strides = array<i32>} : memref<4096xi32, #tpu.memory_space<vmem>>, vector<16xi32>,
        %scan3A_242 = arith.constant 0 : i32
        scf.yield %scan3A_242 : i32
      }
      %scan3A_22 = arith.constant 256 : i32
      %scan3A_23 = arith.constant 0 : i32
      %scan3A_24 = arith.constant 0 : i32
      %scan3A_25 = arith.constant 1250 : i32
      %scan3A_26 = arith.addi %scan3A_24, %scan3A_25 : i32
      %scan3A_27 = arith.constant 1 : i32
      %scan3A_28 = scf.for %scan3A_235 = %scan3A_24 to %scan3A_26 step %scan3A_27 iter_args(%scan3A_236 = %scan3A_23) -> (i32)  : i32 {
        %mul3A_237 = arith.constant 1250 : i32
        %mul3A_238 = vector.broadcast %mul3A_237 : i32 to vector<16xi32>
        %mul3A_239 = arith.muli %iota3A, %mul3A_238 : vector<16xi32>
        %add3A = vector.broadcast %scan3A_235 : i32 to vector<16xi32>
        %add3A_240 = arith.addi %mul3A_239, %add3A : vector<16xi32>
        %gather3A = tpu.vector_load_idx %arg10[%add3A_240] : memref<20096xi32, #tpu.memory_space<vmem>>[vector<16xi32>], vector<16xi32>,
        %shift_right_logical3A = arith.constant 0 : i32
        %shift_right_logical3A_241 = vector.broadcast %shift_right_logical3A : i32 to vector<16xi32>
        %shift_right_logical3A_242 = arith.shrui %gather3A, %shift_right_logical3A_241 : vector<16xi32>
        %and3A = arith.constant 255 : i32
        %and3A_243 = vector.broadcast %and3A : i32 to vector<16xi32>
        %and3A_244 = arith.andi %shift_right_logical3A_242, %and3A_243 : vector<16xi32>
        %mul3A_245 = arith.constant 256 : i32
        %mul3A_246 = vector.broadcast %mul3A_245 : i32 to vector<16xi32>
        %mul3A_247 = arith.muli %iota3A, %mul3A_246 : vector<16xi32>
        %add3A_248 = arith.addi %mul3A_247, %and3A_244 : vector<16xi32>
        %gather3A_249 = tpu.vector_load_idx %arg13[%add3A_248] : memref<4096xi32, #tpu.memory_space<vmem>>[vector<16xi32>], vector<16xi32>,
        %add3A_250 = arith.constant 1 : i32
        %add3A_251 = vector.broadcast %add3A_250 : i32 to vector<16xi32>
        %add3A_252 = arith.addi %gather3A_249, %add3A_251 : vector<16xi32>
        tpu.vector_store_idx %arg13[%add3A_248], %add3A_252 : memref<4096xi32, #tpu.memory_space<vmem>>[vector<16xi32>], vector<16xi32>,
        %scan3A_253 = arith.constant 0 : i32
        scf.yield %scan3A_253 : i32
      }
      %scan3A_29 = arith.constant 1250 : i32
      %scan3A_30 = arith.constant 0 : i32
      %scan3A_31 = arith.constant 0 : i32
      %scan3A_32 = arith.constant 16 : i32
      %scan3A_33 = arith.addi %scan3A_31, %scan3A_32 : i32
      %scan3A_34 = arith.constant 1 : i32
      %scan3A_35 = scf.for %scan3A_235 = %scan3A_31 to %scan3A_33 step %scan3A_34 iter_args(%scan3A_236 = %scan3A_30) -> (i32)  : i32 {
        %mul3A_237 = arith.constant 16 : i32
        %mul3A_238 = arith.muli %scan3A_235, %mul3A_237 : i32
        %add3A = vector.broadcast %mul3A_238 : i32 to vector<16xi32>
        %add3A_239 = arith.addi %add3A, %iota3A : vector<16xi32>
        %broadcast_in_dim3A_240 = arith.constant 0 : i32
        %broadcast_in_dim3A_241 = vector.broadcast %broadcast_in_dim3A_240 : i32 to vector<16xi32>
        %add3A_242 = arith.constant 0 : i32
        %add3A_243 = vector.broadcast %add3A_242 : i32 to vector<16xi32>
        %add3A_244 = arith.addi %add3A_243, %add3A_239 : vector<16xi32>
        %gather3A = tpu.vector_load_idx %arg13[%add3A_244] : memref<4096xi32, #tpu.memory_space<vmem>>[vector<16xi32>], vector<16xi32>,
        %add3A_245 = arith.addi %broadcast_in_dim3A_241, %gather3A : vector<16xi32>
        %add3A_246 = arith.constant 256 : i32
        %add3A_247 = vector.broadcast %add3A_246 : i32 to vector<16xi32>
        %add3A_248 = arith.addi %add3A_247, %add3A_239 : vector<16xi32>
        %gather3A_249 = tpu.vector_load_idx %arg13[%add3A_248] : memref<4096xi32, #tpu.memory_space<vmem>>[vector<16xi32>], vector<16xi32>,
        %add3A_250 = arith.addi %add3A_245, %gather3A_249 : vector<16xi32>
        %add3A_251 = arith.constant 512 : i32
        %add3A_252 = vector.broadcast %add3A_251 : i32 to vector<16xi32>
        %add3A_253 = arith.addi %add3A_252, %add3A_239 : vector<16xi32>
        %gather3A_254 = tpu.vector_load_idx %arg13[%add3A_253] : memref<4096xi32, #tpu.memory_space<vmem>>[vector<16xi32>], vector<16xi32>,
        %add3A_255 = arith.addi %add3A_250, %gather3A_254 : vector<16xi32>
        %add3A_256 = arith.constant 768 : i32
        %add3A_257 = vector.broadcast %add3A_256 : i32 to vector<16xi32>
        %add3A_258 = arith.addi %add3A_257, %add3A_239 : vector<16xi32>
        %gather3A_259 = tpu.vector_load_idx %arg13[%add3A_258] : memref<4096xi32, #tpu.memory_space<vmem>>[vector<16xi32>], vector<16xi32>,
        %add3A_260 = arith.addi %add3A_255, %gather3A_259 : vector<16xi32>
        %add3A_261 = arith.constant 1024 : i32
        %add3A_262 = vector.broadcast %add3A_261 : i32 to vector<16xi32>
        %add3A_263 = arith.addi %add3A_262, %add3A_239 : vector<16xi32>
        %gather3A_264 = tpu.vector_load_idx %arg13[%add3A_263] : memref<4096xi32, #tpu.memory_space<vmem>>[vector<16xi32>], vector<16xi32>,
        %add3A_265 = arith.addi %add3A_260, %gather3A_264 : vector<16xi32>
        %add3A_266 = arith.constant 1280 : i32
        %add3A_267 = vector.broadcast %add3A_266 : i32 to vector<16xi32>
        %add3A_268 = arith.addi %add3A_267, %add3A_239 : vector<16xi32>
        %gather3A_269 = tpu.vector_load_idx %arg13[%add3A_268] : memref<4096xi32, #tpu.memory_space<vmem>>[vector<16xi32>], vector<16xi32>,
        %add3A_270 = arith.addi %add3A_265, %gather3A_269 : vector<16xi32>
        %add3A_271 = arith.constant 1536 : i32
        %add3A_272 = vector.broadcast %add3A_271 : i32 to vector<16xi32>
        %add3A_273 = arith.addi %add3A_272, %add3A_239 : vector<16xi32>
        %gather3A_274 = tpu.vector_load_idx %arg13[%add3A_273] : memref<4096xi32, #tpu.memory_space<vmem>>[vector<16xi32>], vector<16xi32>,
        %add3A_275 = arith.addi %add3A_270, %gather3A_274 : vector<16xi32>
        %add3A_276 = arith.constant 1792 : i32
        %add3A_277 = vector.broadcast %add3A_276 : i32 to vector<16xi32>
        %add3A_278 = arith.addi %add3A_277, %add3A_239 : vector<16xi32>
        %gather3A_279 = tpu.vector_load_idx %arg13[%add3A_278] : memref<4096xi32, #tpu.memory_space<vmem>>[vector<16xi32>], vector<16xi32>,
        %add3A_280 = arith.addi %add3A_275, %gather3A_279 : vector<16xi32>
        %add3A_281 = arith.constant 2048 : i32
        %add3A_282 = vector.broadcast %add3A_281 : i32 to vector<16xi32>
        %add3A_283 = arith.addi %add3A_282, %add3A_239 : vector<16xi32>
        %gather3A_284 = tpu.vector_load_idx %arg13[%add3A_283] : memref<4096xi32, #tpu.memory_space<vmem>>[vector<16xi32>], vector<16xi32>,
        %add3A_285 = arith.addi %add3A_280, %gather3A_284 : vector<16xi32>
        %add3A_286 = arith.constant 2304 : i32
        %add3A_287 = vector.broadcast %add3A_286 : i32 to vector<16xi32>
        %add3A_288 = arith.addi %add3A_287, %add3A_239 : vector<16xi32>
        %gather3A_289 = tpu.vector_load_idx %arg13[%add3A_288] : memref<4096xi32, #tpu.memory_space<vmem>>[vector<16xi32>], vector<16xi32>,
        %add3A_290 = arith.addi %add3A_285, %gather3A_289 : vector<16xi32>
        %add3A_291 = arith.constant 2560 : i32
        %add3A_292 = vector.broadcast %add3A_291 : i32 to vector<16xi32>
        %add3A_293 = arith.addi %add3A_292, %add3A_239 : vector<16xi32>
        %gather3A_294 = tpu.vector_load_idx %arg13[%add3A_293] : memref<4096xi32, #tpu.memory_space<vmem>>[vector<16xi32>], vector<16xi32>,
        %add3A_295 = arith.addi %add3A_290, %gather3A_294 : vector<16xi32>
        %add3A_296 = arith.constant 2816 : i32
        %add3A_297 = vector.broadcast %add3A_296 : i32 to vector<16xi32>
        %add3A_298 = arith.addi %add3A_297, %add3A_239 : vector<16xi32>
        %gather3A_299 = tpu.vector_load_idx %arg13[%add3A_298] : memref<4096xi32, #tpu.memory_space<vmem>>[vector<16xi32>], vector<16xi32>,
        %add3A_300 = arith.addi %add3A_295, %gather3A_299 : vector<16xi32>
        %add3A_301 = arith.constant 3072 : i32
        %add3A_302 = vector.broadcast %add3A_301 : i32 to vector<16xi32>
        %add3A_303 = arith.addi %add3A_302, %add3A_239 : vector<16xi32>
        %gather3A_304 = tpu.vector_load_idx %arg13[%add3A_303] : memref<4096xi32, #tpu.memory_space<vmem>>[vector<16xi32>], vector<16xi32>,
        %add3A_305 = arith.addi %add3A_300, %gather3A_304 : vector<16xi32>
        %add3A_306 = arith.constant 3328 : i32
        %add3A_307 = vector.broadcast %add3A_306 : i32 to vector<16xi32>
        %add3A_308 = arith.addi %add3A_307, %add3A_239 : vector<16xi32>
        %gather3A_309 = tpu.vector_load_idx %arg13[%add3A_308] : memref<4096xi32, #tpu.memory_space<vmem>>[vector<16xi32>], vector<16xi32>,
        %add3A_310 = arith.addi %add3A_305, %gather3A_309 : vector<16xi32>
        %add3A_311 = arith.constant 3584 : i32
        %add3A_312 = vector.broadcast %add3A_311 : i32 to vector<16xi32>
        %add3A_313 = arith.addi %add3A_312, %add3A_239 : vector<16xi32>
        %gather3A_314 = tpu.vector_load_idx %arg13[%add3A_313] : memref<4096xi32, #tpu.memory_space<vmem>>[vector<16xi32>], vector<16xi32>,
        %add3A_315 = arith.addi %add3A_310, %gather3A_314 : vector<16xi32>
        %add3A_316 = arith.constant 3840 : i32
        %add3A_317 = vector.broadcast %add3A_316 : i32 to vector<16xi32>
        %add3A_318 = arith.addi %add3A_317, %add3A_239 : vector<16xi32>
        %gather3A_319 = tpu.vector_load_idx %arg13[%add3A_318] : memref<4096xi32, #tpu.memory_space<vmem>>[vector<16xi32>], vector<16xi32>,
        %add3A_320 = arith.addi %add3A_315, %gather3A_319 : vector<16xi32>
        %mul3A_321 = arith.constant 16 : i32
        %mul3A_322 = arith.muli %scan3A_235, %mul3A_321 : i32
        %swap3A = arith.index_cast %mul3A_322 : i32 to index
        %swap3A_323 = tpu.vector_load %arg16[%swap3A] {strides = array<i32>} : memref<256xi32, #tpu.memory_space<vmem>>, vector<16xi32>,
        tpu.vector_store %arg16[%swap3A], %add3A_320 {strides = array<i32>} : memref<256xi32, #tpu.memory_space<vmem>>, vector<16xi32>,
        %scan3A_324 = arith.constant 0 : i32
        scf.yield %scan3A_324 : i32
      }
      %scan3A_36 = arith.constant 16 : i32
      %mul3A_37 = arith.constant 256 : i32
      %mul3A_38 = arith.muli %arg1, %mul3A_37 : i32
      "tpu.region"() ({
        %run_scoped3A = tpu.sem_alloc : memref<!tpu.dma_semaphore, #tpu.memory_space<semaphore_mem>>
        %dma_start3A = tpu.memref_slice %arg9[%mul3A_38] : memref<4096xi32, #tpu.memory_space<vmem_shared>> -> memref<256xi32, #tpu.memory_space<vmem_shared>>
        %dma_start3A_235 = tpu.memref_slice %arg9[%mul3A_38] : memref<4096xi32, #tpu.memory_space<vmem_shared>> -> memref<256xi32, #tpu.memory_space<vmem_shared>>
        tpu.enqueue_dma source(%arg16 : memref<256xi32, #tpu.memory_space<vmem>>) target(%dma_start3A_235 : memref<256xi32, #tpu.memory_space<vmem_shared>>) target_semaphore(%run_scoped3A : memref<!tpu.dma_semaphore, #tpu.memory_space<semaphore_mem>>)
        %dma_wait3A = tpu.memref_slice %arg9[%mul3A_38] : memref<4096xi32, #tpu.memory_space<vmem_shared>> -> memref<256xi32, #tpu.memory_space<vmem_shared>>
        %dma_wait3A_236 = tpu.memref_slice %arg9[%mul3A_38] : memref<4096xi32, #tpu.memory_space<vmem_shared>> -> memref<256xi32, #tpu.memory_space<vmem_shared>>
        tpu.wait_dma2 semaphore(%run_scoped3A : memref<!tpu.dma_semaphore, #tpu.memory_space<semaphore_mem>>) src(%arg16 : memref<256xi32, #tpu.memory_space<vmem>>) dst(%dma_wait3A_236 : memref<256xi32, #tpu.memory_space<vmem_shared>>)
        tpu.yield
      }) : () -> ()
      %barrier3A = arith.constant 0 : index
      tpu.barrier barrier_id(%barrier3A)
      "tpu.region"() ({
        %run_scoped3A = tpu.sem_alloc : memref<!tpu.dma_semaphore, #tpu.memory_space<semaphore_mem>>
        tpu.enqueue_dma source(%arg9 : memref<4096xi32, #tpu.memory_space<vmem_shared>>) target(%arg15 : memref<4096xi32, #tpu.memory_space<vmem>>) target_semaphore(%run_scoped3A : memref<!tpu.dma_semaphore, #tpu.memory_space<semaphore_mem>>)
        tpu.wait_dma2 semaphore(%run_scoped3A : memref<!tpu.dma_semaphore, #tpu.memory_space<semaphore_mem>>) src(%arg9 : memref<4096xi32, #tpu.memory_space<vmem_shared>>) dst(%arg15 : memref<4096xi32, #tpu.memory_space<vmem>>)
        tpu.yield
      }) : () -> ()
      %broadcast_in_dim3A = arith.constant 0 : i32
      %broadcast_in_dim3A_39 = vector.broadcast %broadcast_in_dim3A : i32 to vector<16xi32>
      %scan3A_40 = arith.constant 0 : i32
      %scan3A_41 = arith.constant 256 : i32
      %scan3A_42 = arith.addi %scan3A_40, %scan3A_41 : i32
      %scan3A_43 = arith.constant 1 : i32
      %scan3A_44 = scf.for %scan3A_235 = %scan3A_40 to %scan3A_42 step %scan3A_43 iter_args(%scan3A_236 = %broadcast_in_dim3A_39) -> (vector<16xi32>)  : i32 {
        %mul3A_237 = arith.constant 256 : i32
        %mul3A_238 = vector.broadcast %mul3A_237 : i32 to vector<16xi32>
        %mul3A_239 = arith.muli %iota3A, %mul3A_238 : vector<16xi32>
        %add3A = vector.broadcast %scan3A_235 : i32 to vector<16xi32>
        %add3A_240 = arith.addi %mul3A_239, %add3A : vector<16xi32>
        %gather3A = tpu.vector_load_idx %arg15[%add3A_240] : memref<4096xi32, #tpu.memory_space<vmem>>[vector<16xi32>], vector<16xi32>,
        %broadcast_in_dim3A_241 = arith.constant true
        %broadcast_in_dim3A_242 = vector.broadcast %broadcast_in_dim3A_241 : i1 to vector<16xi1>
        %masked_cumsum3A = tpu.scan <sum>, %gather3A masked %broadcast_in_dim3A_242 : vector<16xi32>, vector<16xi1> -> vector<16xi32>
        %sub3A = arith.subi %masked_cumsum3A, %gather3A : vector<16xi32>
        %add3A_243 = arith.addi %scan3A_236, %sub3A : vector<16xi32>
        %swap3A = arith.constant 0 : index
        %swap3A_244 = tpu.vector_load %arg17[%swap3A] {strides = array<i32>} : memref<16xi32, #tpu.memory_space<vmem>>, vector<16xi32>,
        tpu.vector_store %arg17[%swap3A], %add3A_243 {strides = array<i32>} : memref<16xi32, #tpu.memory_space<vmem>>, vector<16xi32>,
        %broadcast_in_dim3A_245 = vector.broadcast %arg1 : i32 to vector<16xi32>
        %gather3A_246 = tpu.vector_load_idx %arg17[%broadcast_in_dim3A_245] : memref<16xi32, #tpu.memory_space<vmem>>[vector<16xi32>], vector<16xi32>,
        %mul3A_247 = arith.constant 256 : i32
        %mul3A_248 = vector.broadcast %mul3A_247 : i32 to vector<16xi32>
        %mul3A_249 = arith.muli %iota3A, %mul3A_248 : vector<16xi32>
        %add3A_250 = vector.broadcast %scan3A_235 : i32 to vector<16xi32>
        %add3A_251 = arith.addi %mul3A_249, %add3A_250 : vector<16xi32>
        %gather3A_252 = tpu.vector_load_idx %arg13[%add3A_251] : memref<4096xi32, #tpu.memory_space<vmem>>[vector<16xi32>], vector<16xi32>,
        %broadcast_in_dim3A_253 = arith.constant true
        %broadcast_in_dim3A_254 = vector.broadcast %broadcast_in_dim3A_253 : i1 to vector<16xi1>
        %masked_cumsum3A_255 = tpu.scan <sum>, %gather3A_252 masked %broadcast_in_dim3A_254 : vector<16xi32>, vector<16xi1> -> vector<16xi32>
        %sub3A_256 = arith.subi %masked_cumsum3A_255, %gather3A_252 : vector<16xi32>
        %mul3A_257 = arith.constant 256 : i32
        %mul3A_258 = vector.broadcast %mul3A_257 : i32 to vector<16xi32>
        %mul3A_259 = arith.muli %iota3A, %mul3A_258 : vector<16xi32>
        %add3A_260 = vector.broadcast %scan3A_235 : i32 to vector<16xi32>
        %add3A_261 = arith.addi %mul3A_259, %add3A_260 : vector<16xi32>
        %add3A_262 = arith.addi %gather3A_246, %sub3A_256 : vector<16xi32>
        tpu.vector_store_idx %arg14[%add3A_261], %add3A_262 : memref<4096xi32, #tpu.memory_space<vmem>>[vector<16xi32>], vector<16xi32>,
        %swap3A_263 = arith.constant 0 : index
        %swap3A_264 = tpu.vector_load %arg17[%swap3A_263] {strides = array<i32>} : memref<16xi32, #tpu.memory_space<vmem>>, vector<16xi32>,
        tpu.vector_store %arg17[%swap3A_263], %masked_cumsum3A {strides = array<i32>} : memref<16xi32, #tpu.memory_space<vmem>>, vector<16xi32>,
        %broadcast_in_dim3A_265 = arith.constant 15 : i32
        %broadcast_in_dim3A_266 = vector.broadcast %broadcast_in_dim3A_265 : i32 to vector<16xi32>
        %gather3A_267 = tpu.vector_load_idx %arg17[%broadcast_in_dim3A_266] : memref<16xi32, #tpu.memory_space<vmem>>[vector<16xi32>], vector<16xi32>,
        %add3A_268 = arith.addi %scan3A_236, %gather3A_267 : vector<16xi32>
        scf.yield %add3A_268 : vector<16xi32>
      }
      %scan3A_45 = arith.constant 256 : i32
      %scan3A_46 = arith.constant 0 : i32
      %scan3A_47 = arith.constant 0 : i32
      %scan3A_48 = arith.constant 1250 : i32
      %scan3A_49 = arith.addi %scan3A_47, %scan3A_48 : i32
      %scan3A_50 = arith.constant 1 : i32
      %scan3A_51 = scf.for %scan3A_235 = %scan3A_47 to %scan3A_49 step %scan3A_50 iter_args(%scan3A_236 = %scan3A_46) -> (i32)  : i32 {
        %mul3A_237 = arith.constant 1250 : i32
        %mul3A_238 = vector.broadcast %mul3A_237 : i32 to vector<16xi32>
        %mul3A_239 = arith.muli %iota3A, %mul3A_238 : vector<16xi32>
        %add3A = vector.broadcast %scan3A_235 : i32 to vector<16xi32>
        %add3A_240 = arith.addi %mul3A_239, %add3A : vector<16xi32>
        %gather3A = tpu.vector_load_idx %arg10[%add3A_240] : memref<20096xi32, #tpu.memory_space<vmem>>[vector<16xi32>], vector<16xi32>,
        %shift_right_logical3A = arith.constant 0 : i32
        %shift_right_logical3A_241 = vector.broadcast %shift_right_logical3A : i32 to vector<16xi32>
        %shift_right_logical3A_242 = arith.shrui %gather3A, %shift_right_logical3A_241 : vector<16xi32>
        %and3A = arith.constant 255 : i32
        %and3A_243 = vector.broadcast %and3A : i32 to vector<16xi32>
        %and3A_244 = arith.andi %shift_right_logical3A_242, %and3A_243 : vector<16xi32>
        %mul3A_245 = arith.constant 256 : i32
        %mul3A_246 = vector.broadcast %mul3A_245 : i32 to vector<16xi32>
        %mul3A_247 = arith.muli %iota3A, %mul3A_246 : vector<16xi32>
        %add3A_248 = arith.addi %mul3A_247, %and3A_244 : vector<16xi32>
        %gather3A_249 = tpu.vector_load_idx %arg14[%add3A_248] : memref<4096xi32, #tpu.memory_space<vmem>>[vector<16xi32>], vector<16xi32>,
        %add3A_250 = arith.constant 1 : i32
        %add3A_251 = vector.broadcast %add3A_250 : i32 to vector<16xi32>
        %add3A_252 = arith.addi %gather3A_249, %add3A_251 : vector<16xi32>
        tpu.vector_store_idx %arg14[%add3A_248], %add3A_252 : memref<4096xi32, #tpu.memory_space<vmem>>[vector<16xi32>], vector<16xi32>,
        %jit3A = arith.constant 128 : i32
        %div3A = vector.broadcast %jit3A : i32 to vector<16xi32>
        %div3A_253 = arith.divsi %add3A_240, %div3A : vector<16xi32>
        %sign3A = arith.constant 0 : i32
        %sign3A_254 = vector.broadcast %sign3A : i32 to vector<16xi32>
        %sign3A_255 = arith.cmpi sgt, %add3A_240, %sign3A_254 : vector<16xi32>
        %sign3A_256 = arith.extui %sign3A_255 : vector<16xi1> to vector<16xi32>
        %sign3A_257 = arith.constant 0 : i32
        %sign3A_258 = vector.broadcast %sign3A_257 : i32 to vector<16xi32>
        %sign3A_259 = arith.cmpi slt, %add3A_240, %sign3A_258 : vector<16xi32>
        %sign3A_260 = arith.extui %sign3A_259 : vector<16xi1> to vector<16xi32>
        %sign3A_261 = arith.subi %sign3A_256, %sign3A_260 : vector<16xi32>
        %sign3A_262 = arith.constant 0 : i32
        %sign3A_263 = arith.cmpi sgt, %jit3A, %sign3A_262 : i32
        %sign3A_264 = arith.extui %sign3A_263 : i1 to i32
        %sign3A_265 = arith.constant 0 : i32
        %sign3A_266 = arith.cmpi slt, %jit3A, %sign3A_265 : i32
        %sign3A_267 = arith.extui %sign3A_266 : i1 to i32
        %sign3A_268 = arith.subi %sign3A_264, %sign3A_267 : i32
        %ne3A = vector.broadcast %sign3A_268 : i32 to vector<16xi32>
        %ne3A_269 = arith.cmpi ne, %sign3A_261, %ne3A : vector<16xi32>
        %rem3A = vector.broadcast %jit3A : i32 to vector<16xi32>
        %rem3A_270 = arith.remsi %add3A_240, %rem3A : vector<16xi32>
        %ne3A_271 = arith.constant 0 : i32
        %ne3A_272 = vector.broadcast %ne3A_271 : i32 to vector<16xi32>
        %ne3A_273 = arith.cmpi ne, %rem3A_270, %ne3A_272 : vector<16xi32>
        %and3A_274 = arith.andi %ne3A_269, %ne3A_273 : vector<16xi1>
        %sub3A = arith.constant 1 : i32
        %sub3A_275 = vector.broadcast %sub3A : i32 to vector<16xi32>
        %sub3A_276 = arith.subi %div3A_253, %sub3A_275 : vector<16xi32>
        %select_n3A = arith.select %and3A_274, %sub3A_276, %div3A_253 : vector<16xi1>, vector<16xi32>
        %jit3A_277 = arith.constant 128 : i32
        %eq3A_278 = arith.constant 0 : i32
        %eq3A_279 = arith.cmpi eq, %jit3A_277, %eq3A_278 : i32
        %jit3A_280 = arith.constant 1 : i32
        %select_n3A_281 = arith.select %eq3A_279, %jit3A_280, %jit3A_277 : i32
        %rem3A_282 = vector.broadcast %select_n3A_281 : i32 to vector<16xi32>
        %rem3A_283 = arith.remsi %add3A_240, %rem3A_282 : vector<16xi32>
        %ne3A_284 = arith.constant 0 : i32
        %ne3A_285 = vector.broadcast %ne3A_284 : i32 to vector<16xi32>
        %ne3A_286 = arith.cmpi ne, %rem3A_283, %ne3A_285 : vector<16xi32>
        %lt3A = arith.constant 0 : i32
        %lt3A_287 = vector.broadcast %lt3A : i32 to vector<16xi32>
        %lt3A_288 = arith.cmpi slt, %rem3A_283, %lt3A_287 : vector<16xi32>
        %lt3A_289 = arith.constant 0 : i32
        %lt3A_290 = arith.cmpi slt, %select_n3A_281, %lt3A_289 : i32
        %ne3A_291 = vector.broadcast %lt3A_290 : i1 to vector<16xi1>
        %ne3A_292 = vector.broadcast %ne3A_291 : vector<16xi1> to vector<16xi1>
        %ne3A_293 = arith.xori %lt3A_288, %ne3A_292 : vector<16xi1>
        %and3A_294 = arith.andi %ne3A_293, %ne3A_286 : vector<16xi1>
        %add3A_295 = vector.broadcast %select_n3A_281 : i32 to vector<16xi32>
        %add3A_296 = arith.addi %rem3A_283, %add3A_295 : vector<16xi32>
        %select_n3A_297 = arith.select %and3A_294, %add3A_296, %rem3A_283 : vector<16xi1>, vector<16xi32>
        tpu.vector_store_idx %arg12[%select_n3A, %select_n3A_297], %gather3A_249 : memref<157x128xi32, #tpu.memory_space<vmem>>[vector<16xi32>, vector<16xi32>], vector<16xi32>,
        %scan3A_298 = arith.constant 0 : i32
        scf.yield %scan3A_298 : i32
      }
      %scan3A_52 = arith.constant 1250 : i32
      %scan3A_53 = arith.constant 0 : i32
      %scan3A_54 = arith.constant 0 : i32
      %scan3A_55 = arith.constant 6 : i32
      %scan3A_56 = arith.addi %scan3A_54, %scan3A_55 : i32
      %scan3A_57 = arith.constant 1 : i32
      %scan3A_58 = scf.for %scan3A_235 = %scan3A_54 to %scan3A_56 step %scan3A_57 iter_args(%scan3A_236 = %scan3A_53) -> (i32)  : i32 {
        %mul3A_237 = arith.constant 16 : i32
        %mul3A_238 = arith.muli %scan3A_235, %mul3A_237 : i32
        %add3A = arith.constant 20000 : i32
        %add3A_239 = arith.addi %add3A, %mul3A_238 : i32
        %add3A_240 = vector.broadcast %add3A_239 : i32 to vector<16xi32>
        %add3A_241 = arith.addi %add3A_240, %iota3A : vector<16xi32>
        %jit3A = arith.constant 128 : i32
        %div3A = vector.broadcast %jit3A : i32 to vector<16xi32>
        %div3A_242 = arith.divsi %add3A_241, %div3A : vector<16xi32>
        %sign3A = arith.constant 0 : i32
        %sign3A_243 = vector.broadcast %sign3A : i32 to vector<16xi32>
        %sign3A_244 = arith.cmpi sgt, %add3A_241, %sign3A_243 : vector<16xi32>
        %sign3A_245 = arith.extui %sign3A_244 : vector<16xi1> to vector<16xi32>
        %sign3A_246 = arith.constant 0 : i32
        %sign3A_247 = vector.broadcast %sign3A_246 : i32 to vector<16xi32>
        %sign3A_248 = arith.cmpi slt, %add3A_241, %sign3A_247 : vector<16xi32>
        %sign3A_249 = arith.extui %sign3A_248 : vector<16xi1> to vector<16xi32>
        %sign3A_250 = arith.subi %sign3A_245, %sign3A_249 : vector<16xi32>
        %sign3A_251 = arith.constant 0 : i32
        %sign3A_252 = arith.cmpi sgt, %jit3A, %sign3A_251 : i32
        %sign3A_253 = arith.extui %sign3A_252 : i1 to i32
        %sign3A_254 = arith.constant 0 : i32
        %sign3A_255 = arith.cmpi slt, %jit3A, %sign3A_254 : i32
        %sign3A_256 = arith.extui %sign3A_255 : i1 to i32
        %sign3A_257 = arith.subi %sign3A_253, %sign3A_256 : i32
        %ne3A = vector.broadcast %sign3A_257 : i32 to vector<16xi32>
        %ne3A_258 = arith.cmpi ne, %sign3A_250, %ne3A : vector<16xi32>
        %rem3A = vector.broadcast %jit3A : i32 to vector<16xi32>
        %rem3A_259 = arith.remsi %add3A_241, %rem3A : vector<16xi32>
        %ne3A_260 = arith.constant 0 : i32
        %ne3A_261 = vector.broadcast %ne3A_260 : i32 to vector<16xi32>
        %ne3A_262 = arith.cmpi ne, %rem3A_259, %ne3A_261 : vector<16xi32>
        %and3A = arith.andi %ne3A_258, %ne3A_262 : vector<16xi1>
        %sub3A = arith.constant 1 : i32
        %sub3A_263 = vector.broadcast %sub3A : i32 to vector<16xi32>
        %sub3A_264 = arith.subi %div3A_242, %sub3A_263 : vector<16xi32>
        %select_n3A = arith.select %and3A, %sub3A_264, %div3A_242 : vector<16xi1>, vector<16xi32>
        %jit3A_265 = arith.constant 128 : i32
        %eq3A_266 = arith.constant 0 : i32
        %eq3A_267 = arith.cmpi eq, %jit3A_265, %eq3A_266 : i32
        %jit3A_268 = arith.constant 1 : i32
        %select_n3A_269 = arith.select %eq3A_267, %jit3A_268, %jit3A_265 : i32
        %rem3A_270 = vector.broadcast %select_n3A_269 : i32 to vector<16xi32>
        %rem3A_271 = arith.remsi %add3A_241, %rem3A_270 : vector<16xi32>
        %ne3A_272 = arith.constant 0 : i32
        %ne3A_273 = vector.broadcast %ne3A_272 : i32 to vector<16xi32>
        %ne3A_274 = arith.cmpi ne, %rem3A_271, %ne3A_273 : vector<16xi32>
        %lt3A = arith.constant 0 : i32
        %lt3A_275 = vector.broadcast %lt3A : i32 to vector<16xi32>
        %lt3A_276 = arith.cmpi slt, %rem3A_271, %lt3A_275 : vector<16xi32>
        %lt3A_277 = arith.constant 0 : i32
        %lt3A_278 = arith.cmpi slt, %select_n3A_269, %lt3A_277 : i32
        %ne3A_279 = vector.broadcast %lt3A_278 : i1 to vector<16xi1>
        %ne3A_280 = vector.broadcast %ne3A_279 : vector<16xi1> to vector<16xi1>
        %ne3A_281 = arith.xori %lt3A_276, %ne3A_280 : vector<16xi1>
        %and3A_282 = arith.andi %ne3A_281, %ne3A_274 : vector<16xi1>
        %add3A_283 = vector.broadcast %select_n3A_269 : i32 to vector<16xi32>
        %add3A_284 = arith.addi %rem3A_271, %add3A_283 : vector<16xi32>
        %select_n3A_285 = arith.select %and3A_282, %add3A_284, %rem3A_271 : vector<16xi1>, vector<16xi32>
        %mul3A_286 = arith.constant 128 : i32
        %mul3A_287 = arith.muli %arg1, %mul3A_286 : i32
        %add3A_288 = arith.constant 320000 : i32
        %add3A_289 = arith.addi %add3A_288, %mul3A_287 : i32
        %mul3A_290 = arith.constant 16 : i32
        %mul3A_291 = arith.muli %scan3A_235, %mul3A_290 : i32
        %add3A_292 = arith.addi %add3A_289, %mul3A_291 : i32
        %add3A_293 = vector.broadcast %add3A_292 : i32 to vector<16xi32>
        %add3A_294 = arith.addi %add3A_293, %iota3A : vector<16xi32>
        tpu.vector_store_idx %arg12[%select_n3A, %select_n3A_285], %add3A_294 : memref<157x128xi32, #tpu.memory_space<vmem>>[vector<16xi32>, vector<16xi32>], vector<16xi32>,
        %scan3A_295 = arith.constant 0 : i32
        scf.yield %scan3A_295 : i32
      }
      %scan3A_59 = arith.constant 6 : i32
      %scan3A_60 = arith.constant 0 : i32
      %scan3A_61 = arith.constant 0 : i32
      %scan3A_62 = arith.constant 157 : i32
      %scan3A_63 = arith.addi %scan3A_61, %scan3A_62 : i32
      %scan3A_64 = arith.constant 1 : i32
      %scan3A_65 = scf.for %scan3A_235 = %scan3A_61 to %scan3A_63 step %scan3A_64 iter_args(%scan3A_236 = %scan3A_60) -> (i32)  : i32 {
        %mul3A_237 = arith.constant 128 : i32
        %mul3A_238 = arith.muli %scan3A_235, %mul3A_237 : i32
        %dma_start3A = tpu.memref_slice %arg10[%mul3A_238] : memref<20096xi32, #tpu.memory_space<vmem>> -> memref<128xi32, #tpu.memory_space<vmem>>
        %dma_start3A_239 = arith.constant 0 : i32
        %dma_start3A_240 = tpu.memref_slice %arg12[%scan3A_235, %dma_start3A_239] : memref<157x128xi32, #tpu.memory_space<vmem>> -> memref<1x128xi32, #tpu.memory_space<vmem>>
        %dma_start3A_241 = tpu.memref_squeeze %dma_start3A_240 : memref<1x128xi32, #tpu.memory_space<vmem>> -> memref<128xi32, #tpu.memory_space<vmem>>
        %dma_start3A_242 = arith.constant 0 : i32
        %dma_start3A_243 = tpu.memref_slice %arg7[%dma_start3A_242] : memref<324096xi32, #tpu.memory_space<vmem_shared>> -> memref<324096xi32, #tpu.memory_space<vmem_shared>>
        tpu.enqueue_indirect_dma source(%dma_start3A : memref<128xi32, #tpu.memory_space<vmem>>) target(%dma_start3A_243 : memref<324096xi32, #tpu.memory_space<vmem_shared>>) offsets(%dma_start3A_241 : memref<128xi32, #tpu.memory_space<vmem>>) semaphore(%arg18 : memref<!tpu.dma_semaphore, #tpu.memory_space<semaphore_mem>>)
        %mul3A_244 = arith.constant 128 : i32
        %mul3A_245 = arith.muli %scan3A_235, %mul3A_244 : i32
        %dma_start3A_246 = tpu.memref_slice %arg11[%mul3A_245] : memref<20096xi32, #tpu.memory_space<vmem>> -> memref<128xi32, #tpu.memory_space<vmem>>
        %dma_start3A_247 = arith.constant 0 : i32
        %dma_start3A_248 = tpu.memref_slice %arg12[%scan3A_235, %dma_start3A_247] : memref<157x128xi32, #tpu.memory_space<vmem>> -> memref<1x128xi32, #tpu.memory_space<vmem>>
        %dma_start3A_249 = tpu.memref_squeeze %dma_start3A_248 : memref<1x128xi32, #tpu.memory_space<vmem>> -> memref<128xi32, #tpu.memory_space<vmem>>
        %dma_start3A_250 = arith.constant 0 : i32
        %dma_start3A_251 = tpu.memref_slice %arg8[%dma_start3A_250] : memref<324096xi32, #tpu.memory_space<vmem_shared>> -> memref<324096xi32, #tpu.memory_space<vmem_shared>>
        tpu.enqueue_indirect_dma source(%dma_start3A_246 : memref<128xi32, #tpu.memory_space<vmem>>) target(%dma_start3A_251 : memref<324096xi32, #tpu.memory_space<vmem_shared>>) offsets(%dma_start3A_249 : memref<128xi32, #tpu.memory_space<vmem>>) semaphore(%arg19 : memref<!tpu.dma_semaphore, #tpu.memory_space<semaphore_mem>>)
        %dma_wait3A = tpu.memref_slice %arg10[%mul3A_238] : memref<20096xi32, #tpu.memory_space<vmem>> -> memref<128xi32, #tpu.memory_space<vmem>>
        %dma_wait3A_252 = arith.constant 0 : i32
        %dma_wait3A_253 = tpu.memref_slice %arg12[%scan3A_235, %dma_wait3A_252] : memref<157x128xi32, #tpu.memory_space<vmem>> -> memref<1x128xi32, #tpu.memory_space<vmem>>
        %dma_wait3A_254 = tpu.memref_squeeze %dma_wait3A_253 : memref<1x128xi32, #tpu.memory_space<vmem>> -> memref<128xi32, #tpu.memory_space<vmem>>
        %dma_wait3A_255 = arith.constant 0 : i32
        %dma_wait3A_256 = tpu.memref_slice %arg7[%dma_wait3A_255] : memref<324096xi32, #tpu.memory_space<vmem_shared>> -> memref<324096xi32, #tpu.memory_space<vmem_shared>>
        tpu.wait_indirect_dma semaphore(%arg18 : memref<!tpu.dma_semaphore, #tpu.memory_space<semaphore_mem>>) src(%dma_wait3A : memref<128xi32, #tpu.memory_space<vmem>>) dst(%dma_wait3A_256 : memref<324096xi32, #tpu.memory_space<vmem_shared>>)
        %dma_wait3A_257 = tpu.memref_slice %arg11[%mul3A_245] : memref<20096xi32, #tpu.memory_space<vmem>> -> memref<128xi32, #tpu.memory_space<vmem>>
        %dma_wait3A_258 = arith.constant 0 : i32
        %dma_wait3A_259 = tpu.memref_slice %arg12[%scan3A_235, %dma_wait3A_258] : memref<157x128xi32, #tpu.memory_space<vmem>> -> memref<1x128xi32, #tpu.memory_space<vmem>>
        %dma_wait3A_260 = tpu.memref_squeeze %dma_wait3A_259 : memref<1x128xi32, #tpu.memory_space<vmem>> -> memref<128xi32, #tpu.memory_space<vmem>>
        %dma_wait3A_261 = arith.constant 0 : i32
        %dma_wait3A_262 = tpu.memref_slice %arg8[%dma_wait3A_261] : memref<324096xi32, #tpu.memory_space<vmem_shared>> -> memref<324096xi32, #tpu.memory_space<vmem_shared>>
        tpu.wait_indirect_dma semaphore(%arg19 : memref<!tpu.dma_semaphore, #tpu.memory_space<semaphore_mem>>) src(%dma_wait3A_257 : memref<128xi32, #tpu.memory_space<vmem>>) dst(%dma_wait3A_262 : memref<324096xi32, #tpu.memory_space<vmem_shared>>)
        %scan3A_263 = arith.constant 0 : i32
        scf.yield %scan3A_263 : i32
      }
      %scan3A_66 = arith.constant 157 : i32
      %barrier3A_67 = arith.constant 0 : index
      tpu.barrier barrier_id(%barrier3A_67)
      "tpu.region"() ({
        %run_scoped3A = tpu.sem_alloc : memref<!tpu.dma_semaphore, #tpu.memory_space<semaphore_mem>>
        %dma_start3A = arith.constant 0 : i32
        %dma_start3A_235 = tpu.memref_slice %arg10[%dma_start3A] : memref<20096xi32, #tpu.memory_space<vmem>> -> memref<20000xi32, #tpu.memory_space<vmem>>
        %dma_start3A_236 = tpu.memref_slice %arg7[%mul3A_0] : memref<324096xi32, #tpu.memory_space<vmem_shared>> -> memref<20000xi32, #tpu.memory_space<vmem_shared>>
        %dma_start3A_237 = arith.constant 0 : i32
        %dma_start3A_238 = tpu.memref_slice %arg10[%dma_start3A_237] : memref<20096xi32, #tpu.memory_space<vmem>> -> memref<20000xi32, #tpu.memory_space<vmem>>
        %dma_start3A_239 = tpu.memref_slice %arg7[%mul3A_0] : memref<324096xi32, #tpu.memory_space<vmem_shared>> -> memref<20000xi32, #tpu.memory_space<vmem_shared>>
        tpu.enqueue_dma source(%dma_start3A_239 : memref<20000xi32, #tpu.memory_space<vmem_shared>>) target(%dma_start3A_238 : memref<20000xi32, #tpu.memory_space<vmem>>) target_semaphore(%run_scoped3A : memref<!tpu.dma_semaphore, #tpu.memory_space<semaphore_mem>>)
        %dma_wait3A = arith.constant 0 : i32
        %dma_wait3A_240 = tpu.memref_slice %arg10[%dma_wait3A] : memref<20096xi32, #tpu.memory_space<vmem>> -> memref<20000xi32, #tpu.memory_space<vmem>>
        %dma_wait3A_241 = tpu.memref_slice %arg7[%mul3A_0] : memref<324096xi32, #tpu.memory_space<vmem_shared>> -> memref<20000xi32, #tpu.memory_space<vmem_shared>>
        %dma_wait3A_242 = arith.constant 0 : i32
        %dma_wait3A_243 = tpu.memref_slice %arg10[%dma_wait3A_242] : memref<20096xi32, #tpu.memory_space<vmem>> -> memref<20000xi32, #tpu.memory_space<vmem>>
        %dma_wait3A_244 = tpu.memref_slice %arg7[%mul3A_0] : memref<324096xi32, #tpu.memory_space<vmem_shared>> -> memref<20000xi32, #tpu.memory_space<vmem_shared>>
        tpu.wait_dma2 semaphore(%run_scoped3A : memref<!tpu.dma_semaphore, #tpu.memory_space<semaphore_mem>>) src(%dma_wait3A_244 : memref<20000xi32, #tpu.memory_space<vmem_shared>>) dst(%dma_wait3A_243 : memref<20000xi32, #tpu.memory_space<vmem>>)
        tpu.yield
      }) : () -> ()
      "tpu.region"() ({
        %run_scoped3A = tpu.sem_alloc : memref<!tpu.dma_semaphore, #tpu.memory_space<semaphore_mem>>
        %dma_start3A = arith.constant 0 : i32
        %dma_start3A_235 = tpu.memref_slice %arg10[%dma_start3A] : memref<20096xi32, #tpu.memory_space<vmem>> -> memref<20000xi32, #tpu.memory_space<vmem>>
        %dma_start3A_236 = tpu.memref_slice %arg5[%mul3A_0] : memref<324096xi32, #tpu.memory_space<hbm>> -> memref<20000xi32, #tpu.memory_space<hbm>>
        %dma_start3A_237 = tpu.memref_slice %arg5[%mul3A_0] : memref<324096xi32, #tpu.memory_space<hbm>> -> memref<20000xi32, #tpu.memory_space<hbm>>
        %dma_start3A_238 = arith.constant 0 : i32
        %dma_start3A_239 = tpu.memref_slice %arg10[%dma_start3A_238] : memref<20096xi32, #tpu.memory_space<vmem>> -> memref<20000xi32, #tpu.memory_space<vmem>>
        tpu.enqueue_dma source(%dma_start3A_239 : memref<20000xi32, #tpu.memory_space<vmem>>) target(%dma_start3A_237 : memref<20000xi32, #tpu.memory_space<hbm>>) target_semaphore(%run_scoped3A : memref<!tpu.dma_semaphore, #tpu.memory_space<semaphore_mem>>)
        %dma_wait3A = arith.constant 0 : i32
        %dma_wait3A_240 = tpu.memref_slice %arg10[%dma_wait3A] : memref<20096xi32, #tpu.memory_space<vmem>> -> memref<20000xi32, #tpu.memory_space<vmem>>
        %dma_wait3A_241 = tpu.memref_slice %arg5[%mul3A_0] : memref<324096xi32, #tpu.memory_space<hbm>> -> memref<20000xi32, #tpu.memory_space<hbm>>
        %dma_wait3A_242 = tpu.memref_slice %arg5[%mul3A_0] : memref<324096xi32, #tpu.memory_space<hbm>> -> memref<20000xi32, #tpu.memory_space<hbm>>
        %dma_wait3A_243 = arith.constant 0 : i32
        %dma_wait3A_244 = tpu.memref_slice %arg10[%dma_wait3A_243] : memref<20096xi32, #tpu.memory_space<vmem>> -> memref<20000xi32, #tpu.memory_space<vmem>>
        tpu.wait_dma2 semaphore(%run_scoped3A : memref<!tpu.dma_semaphore, #tpu.memory_space<semaphore_mem>>) src(%dma_wait3A_244 : memref<20000xi32, #tpu.memory_space<vmem>>) dst(%dma_wait3A_242 : memref<20000xi32, #tpu.memory_space<hbm>>)
        tpu.yield
      }) : () -> ()
      "tpu.region"() ({
        %run_scoped3A = tpu.sem_alloc : memref<!tpu.dma_semaphore, #tpu.memory_space<semaphore_mem>>
        %dma_start3A = arith.constant 0 : i32
        %dma_start3A_235 = tpu.memref_slice %arg11[%dma_start3A] : memref<20096xi32, #tpu.memory_space<vmem>> -> memref<20000xi32, #tpu.memory_space<vmem>>
        %dma_start3A_236 = tpu.memref_slice %arg8[%mul3A_0] : memref<324096xi32, #tpu.memory_space<vmem_shared>> -> memref<20000xi32, #tpu.memory_space<vmem_shared>>
        %dma_start3A_237 = arith.constant 0 : i32
        %dma_start3A_238 = tpu.memref_slice %arg11[%dma_start3A_237] : memref<20096xi32, #tpu.memory_space<vmem>> -> memref<20000xi32, #tpu.memory_space<vmem>>
        %dma_start3A_239 = tpu.memref_slice %arg8[%mul3A_0] : memref<324096xi32, #tpu.memory_space<vmem_shared>> -> memref<20000xi32, #tpu.memory_space<vmem_shared>>
        tpu.enqueue_dma source(%dma_start3A_239 : memref<20000xi32, #tpu.memory_space<vmem_shared>>) target(%dma_start3A_238 : memref<20000xi32, #tpu.memory_space<vmem>>) target_semaphore(%run_scoped3A : memref<!tpu.dma_semaphore, #tpu.memory_space<semaphore_mem>>)
        %dma_wait3A = arith.constant 0 : i32
        %dma_wait3A_240 = tpu.memref_slice %arg11[%dma_wait3A] : memref<20096xi32, #tpu.memory_space<vmem>> -> memref<20000xi32, #tpu.memory_space<vmem>>
        %dma_wait3A_241 = tpu.memref_slice %arg8[%mul3A_0] : memref<324096xi32, #tpu.memory_space<vmem_shared>> -> memref<20000xi32, #tpu.memory_space<vmem_shared>>
        %dma_wait3A_242 = arith.constant 0 : i32
        %dma_wait3A_243 = tpu.memref_slice %arg11[%dma_wait3A_242] : memref<20096xi32, #tpu.memory_space<vmem>> -> memref<20000xi32, #tpu.memory_space<vmem>>
        %dma_wait3A_244 = tpu.memref_slice %arg8[%mul3A_0] : memref<324096xi32, #tpu.memory_space<vmem_shared>> -> memref<20000xi32, #tpu.memory_space<vmem_shared>>
        tpu.wait_dma2 semaphore(%run_scoped3A : memref<!tpu.dma_semaphore, #tpu.memory_space<semaphore_mem>>) src(%dma_wait3A_244 : memref<20000xi32, #tpu.memory_space<vmem_shared>>) dst(%dma_wait3A_243 : memref<20000xi32, #tpu.memory_space<vmem>>)
        tpu.yield
      }) : () -> ()
      "tpu.region"() ({
        %run_scoped3A = tpu.sem_alloc : memref<!tpu.dma_semaphore, #tpu.memory_space<semaphore_mem>>
        %dma_start3A = arith.constant 0 : i32
        %dma_start3A_235 = tpu.memref_slice %arg11[%dma_start3A] : memref<20096xi32, #tpu.memory_space<vmem>> -> memref<20000xi32, #tpu.memory_space<vmem>>
        %dma_start3A_236 = tpu.memref_slice %arg6[%mul3A_0] : memref<324096xi32, #tpu.memory_space<hbm>> -> memref<20000xi32, #tpu.memory_space<hbm>>
        %dma_start3A_237 = tpu.memref_slice %arg6[%mul3A_0] : memref<324096xi32, #tpu.memory_space<hbm>> -> memref<20000xi32, #tpu.memory_space<hbm>>
        %dma_start3A_238 = arith.constant 0 : i32
        %dma_start3A_239 = tpu.memref_slice %arg11[%dma_start3A_238] : memref<20096xi32, #tpu.memory_space<vmem>> -> memref<20000xi32, #tpu.memory_space<vmem>>
        tpu.enqueue_dma source(%dma_start3A_239 : memref<20000xi32, #tpu.memory_space<vmem>>) target(%dma_start3A_237 : memref<20000xi32, #tpu.memory_space<hbm>>) target_semaphore(%run_scoped3A : memref<!tpu.dma_semaphore, #tpu.memory_space<semaphore_mem>>)
        %dma_wait3A = arith.constant 0 : i32
        %dma_wait3A_240 = tpu.memref_slice %arg11[%dma_wait3A] : memref<20096xi32, #tpu.memory_space<vmem>> -> memref<20000xi32, #tpu.memory_space<vmem>>
        %dma_wait3A_241 = tpu.memref_slice %arg6[%mul3A_0] : memref<324096xi32, #tpu.memory_space<hbm>> -> memref<20000xi32, #tpu.memory_space<hbm>>
        %dma_wait3A_242 = tpu.memref_slice %arg6[%mul3A_0] : memref<324096xi32, #tpu.memory_space<hbm>> -> memref<20000xi32, #tpu.memory_space<hbm>>
        %dma_wait3A_243 = arith.constant 0 : i32
        %dma_wait3A_244 = tpu.memref_slice %arg11[%dma_wait3A_243] : memref<20096xi32, #tpu.memory_space<vmem>> -> memref<20000xi32, #tpu.memory_space<vmem>>
        tpu.wait_dma2 semaphore(%run_scoped3A : memref<!tpu.dma_semaphore, #tpu.memory_space<semaphore_mem>>) src(%dma_wait3A_244 : memref<20000xi32, #tpu.memory_space<vmem>>) dst(%dma_wait3A_242 : memref<20000xi32, #tpu.memory_space<hbm>>)
        tpu.yield
      }) : () -> ()
      %barrier3A_68 = arith.constant 0 : index
      tpu.barrier barrier_id(%barrier3A_68)
      "tpu.region"() ({
        %run_scoped3A = tpu.sem_alloc : memref<!tpu.dma_semaphore, #tpu.memory_space<semaphore_mem>>
        %dma_start3A = arith.constant 0 : i32
        %dma_start3A_235 = tpu.memref_slice %arg10[%dma_start3A] : memref<20096xi32, #tpu.memory_space<vmem>> -> memref<20000xi32, #tpu.memory_space<vmem>>
        %dma_start3A_236 = tpu.memref_slice %arg5[%mul3A_0] : memref<324096xi32, #tpu.memory_space<hbm>> -> memref<20000xi32, #tpu.memory_space<hbm>>
        %dma_start3A_237 = arith.constant 0 : i32
        %dma_start3A_238 = tpu.memref_slice %arg10[%dma_start3A_237] : memref<20096xi32, #tpu.memory_space<vmem>> -> memref<20000xi32, #tpu.memory_space<vmem>>
        %dma_start3A_239 = tpu.memref_slice %arg5[%mul3A_0] : memref<324096xi32, #tpu.memory_space<hbm>> -> memref<20000xi32, #tpu.memory_space<hbm>>
        tpu.enqueue_dma source(%dma_start3A_239 : memref<20000xi32, #tpu.memory_space<hbm>>) target(%dma_start3A_238 : memref<20000xi32, #tpu.memory_space<vmem>>) target_semaphore(%run_scoped3A : memref<!tpu.dma_semaphore, #tpu.memory_space<semaphore_mem>>)
        %dma_wait3A = arith.constant 0 : i32
        %dma_wait3A_240 = tpu.memref_slice %arg10[%dma_wait3A] : memref<20096xi32, #tpu.memory_space<vmem>> -> memref<20000xi32, #tpu.memory_space<vmem>>
        %dma_wait3A_241 = tpu.memref_slice %arg5[%mul3A_0] : memref<324096xi32, #tpu.memory_space<hbm>> -> memref<20000xi32, #tpu.memory_space<hbm>>
        %dma_wait3A_242 = arith.constant 0 : i32
        %dma_wait3A_243 = tpu.memref_slice %arg10[%dma_wait3A_242] : memref<20096xi32, #tpu.memory_space<vmem>> -> memref<20000xi32, #tpu.memory_space<vmem>>
        %dma_wait3A_244 = tpu.memref_slice %arg5[%mul3A_0] : memref<324096xi32, #tpu.memory_space<hbm>> -> memref<20000xi32, #tpu.memory_space<hbm>>
        tpu.wait_dma2 semaphore(%run_scoped3A : memref<!tpu.dma_semaphore, #tpu.memory_space<semaphore_mem>>) src(%dma_wait3A_244 : memref<20000xi32, #tpu.memory_space<hbm>>) dst(%dma_wait3A_243 : memref<20000xi32, #tpu.memory_space<vmem>>)
        tpu.yield
      }) : () -> ()
      "tpu.region"() ({
        %run_scoped3A = tpu.sem_alloc : memref<!tpu.dma_semaphore, #tpu.memory_space<semaphore_mem>>
        %dma_start3A = arith.constant 0 : i32
        %dma_start3A_235 = tpu.memref_slice %arg11[%dma_start3A] : memref<20096xi32, #tpu.memory_space<vmem>> -> memref<20000xi32, #tpu.memory_space<vmem>>
        %dma_start3A_236 = tpu.memref_slice %arg6[%mul3A_0] : memref<324096xi32, #tpu.memory_space<hbm>> -> memref<20000xi32, #tpu.memory_space<hbm>>
        %dma_start3A_237 = arith.constant 0 : i32
        %dma_start3A_238 = tpu.memref_slice %arg11[%dma_start3A_237] : memref<20096xi32, #tpu.memory_space<vmem>> -> memref<20000xi32, #tpu.memory_space<vmem>>
        %dma_start3A_239 = tpu.memref_slice %arg6[%mul3A_0] : memref<324096xi32, #tpu.memory_space<hbm>> -> memref<20000xi32, #tpu.memory_space<hbm>>
        tpu.enqueue_dma source(%dma_start3A_239 : memref<20000xi32, #tpu.memory_space<hbm>>) target(%dma_start3A_238 : memref<20000xi32, #tpu.memory_space<vmem>>) target_semaphore(%run_scoped3A : memref<!tpu.dma_semaphore, #tpu.memory_space<semaphore_mem>>)
        %dma_wait3A = arith.constant 0 : i32
        %dma_wait3A_240 = tpu.memref_slice %arg11[%dma_wait3A] : memref<20096xi32, #tpu.memory_space<vmem>> -> memref<20000xi32, #tpu.memory_space<vmem>>
        %dma_wait3A_241 = tpu.memref_slice %arg6[%mul3A_0] : memref<324096xi32, #tpu.memory_space<hbm>> -> memref<20000xi32, #tpu.memory_space<hbm>>
        %dma_wait3A_242 = arith.constant 0 : i32
        %dma_wait3A_243 = tpu.memref_slice %arg11[%dma_wait3A_242] : memref<20096xi32, #tpu.memory_space<vmem>> -> memref<20000xi32, #tpu.memory_space<vmem>>
        %dma_wait3A_244 = tpu.memref_slice %arg6[%mul3A_0] : memref<324096xi32, #tpu.memory_space<hbm>> -> memref<20000xi32, #tpu.memory_space<hbm>>
        tpu.wait_dma2 semaphore(%run_scoped3A : memref<!tpu.dma_semaphore, #tpu.memory_space<semaphore_mem>>) src(%dma_wait3A_244 : memref<20000xi32, #tpu.memory_space<hbm>>) dst(%dma_wait3A_243 : memref<20000xi32, #tpu.memory_space<vmem>>)
        tpu.yield
      }) : () -> ()
      %scan3A_69 = arith.constant 0 : i32
      %scan3A_70 = arith.constant 0 : i32
      %scan3A_71 = arith.constant 256 : i32
      %scan3A_72 = arith.addi %scan3A_70, %scan3A_71 : i32
      %scan3A_73 = arith.constant 1 : i32
      %scan3A_74 = scf.for %scan3A_235 = %scan3A_70 to %scan3A_72 step %scan3A_73 iter_args(%scan3A_236 = %scan3A_69) -> (i32)  : i32 {
        %broadcast_in_dim3A_237 = arith.constant 0 : i32
        %broadcast_in_dim3A_238 = vector.broadcast %broadcast_in_dim3A_237 : i32 to vector<16xi32>
        %mul3A_239 = arith.constant 16 : i32
        %mul3A_240 = arith.muli %scan3A_235, %mul3A_239 : i32
        %swap3A = arith.index_cast %mul3A_240 : i32 to index
        %swap3A_241 = tpu.vector_load %arg13[%swap3A] {strides = array<i32>} : memref<4096xi32, #tpu.memory_space<vmem>>, vector<16xi32>,
        tpu.vector_store %arg13[%swap3A], %broadcast_in_dim3A_238 {strides = array<i32>} : memref<4096xi32, #tpu.memory_space<vmem>>, vector<16xi32>,
        %scan3A_242 = arith.constant 0 : i32
        scf.yield %scan3A_242 : i32
      }
      %scan3A_75 = arith.constant 256 : i32
      %scan3A_76 = arith.constant 0 : i32
      %scan3A_77 = arith.constant 0 : i32
      %scan3A_78 = arith.constant 1250 : i32
      %scan3A_79 = arith.addi %scan3A_77, %scan3A_78 : i32
      %scan3A_80 = arith.constant 1 : i32
      %scan3A_81 = scf.for %scan3A_235 = %scan3A_77 to %scan3A_79 step %scan3A_80 iter_args(%scan3A_236 = %scan3A_76) -> (i32)  : i32 {
        %mul3A_237 = arith.constant 1250 : i32
        %mul3A_238 = vector.broadcast %mul3A_237 : i32 to vector<16xi32>
        %mul3A_239 = arith.muli %iota3A, %mul3A_238 : vector<16xi32>
        %add3A = vector.broadcast %scan3A_235 : i32 to vector<16xi32>
        %add3A_240 = arith.addi %mul3A_239, %add3A : vector<16xi32>
        %gather3A = tpu.vector_load_idx %arg10[%add3A_240] : memref<20096xi32, #tpu.memory_space<vmem>>[vector<16xi32>], vector<16xi32>,
        %shift_right_logical3A = arith.constant 8 : i32
        %shift_right_logical3A_241 = vector.broadcast %shift_right_logical3A : i32 to vector<16xi32>
        %shift_right_logical3A_242 = arith.shrui %gather3A, %shift_right_logical3A_241 : vector<16xi32>
        %and3A = arith.constant 255 : i32
        %and3A_243 = vector.broadcast %and3A : i32 to vector<16xi32>
        %and3A_244 = arith.andi %shift_right_logical3A_242, %and3A_243 : vector<16xi32>
        %mul3A_245 = arith.constant 256 : i32
        %mul3A_246 = vector.broadcast %mul3A_245 : i32 to vector<16xi32>
        %mul3A_247 = arith.muli %iota3A, %mul3A_246 : vector<16xi32>
        %add3A_248 = arith.addi %mul3A_247, %and3A_244 : vector<16xi32>
        %gather3A_249 = tpu.vector_load_idx %arg13[%add3A_248] : memref<4096xi32, #tpu.memory_space<vmem>>[vector<16xi32>], vector<16xi32>,
        %add3A_250 = arith.constant 1 : i32
        %add3A_251 = vector.broadcast %add3A_250 : i32 to vector<16xi32>
        %add3A_252 = arith.addi %gather3A_249, %add3A_251 : vector<16xi32>
        tpu.vector_store_idx %arg13[%add3A_248], %add3A_252 : memref<4096xi32, #tpu.memory_space<vmem>>[vector<16xi32>], vector<16xi32>,
        %scan3A_253 = arith.constant 0 : i32
        scf.yield %scan3A_253 : i32
      }
      %scan3A_82 = arith.constant 1250 : i32
      %scan3A_83 = arith.constant 0 : i32
      %scan3A_84 = arith.constant 0 : i32
      %scan3A_85 = arith.constant 16 : i32
      %scan3A_86 = arith.addi %scan3A_84, %scan3A_85 : i32
      %scan3A_87 = arith.constant 1 : i32
      %scan3A_88 = scf.for %scan3A_235 = %scan3A_84 to %scan3A_86 step %scan3A_87 iter_args(%scan3A_236 = %scan3A_83) -> (i32)  : i32 {
        %mul3A_237 = arith.constant 16 : i32
        %mul3A_238 = arith.muli %scan3A_235, %mul3A_237 : i32
        %add3A = vector.broadcast %mul3A_238 : i32 to vector<16xi32>
        %add3A_239 = arith.addi %add3A, %iota3A : vector<16xi32>
        %broadcast_in_dim3A_240 = arith.constant 0 : i32
        %broadcast_in_dim3A_241 = vector.broadcast %broadcast_in_dim3A_240 : i32 to vector<16xi32>
        %add3A_242 = arith.constant 0 : i32
        %add3A_243 = vector.broadcast %add3A_242 : i32 to vector<16xi32>
        %add3A_244 = arith.addi %add3A_243, %add3A_239 : vector<16xi32>
        %gather3A = tpu.vector_load_idx %arg13[%add3A_244] : memref<4096xi32, #tpu.memory_space<vmem>>[vector<16xi32>], vector<16xi32>,
        %add3A_245 = arith.addi %broadcast_in_dim3A_241, %gather3A : vector<16xi32>
        %add3A_246 = arith.constant 256 : i32
        %add3A_247 = vector.broadcast %add3A_246 : i32 to vector<16xi32>
        %add3A_248 = arith.addi %add3A_247, %add3A_239 : vector<16xi32>
        %gather3A_249 = tpu.vector_load_idx %arg13[%add3A_248] : memref<4096xi32, #tpu.memory_space<vmem>>[vector<16xi32>], vector<16xi32>,
        %add3A_250 = arith.addi %add3A_245, %gather3A_249 : vector<16xi32>
        %add3A_251 = arith.constant 512 : i32
        %add3A_252 = vector.broadcast %add3A_251 : i32 to vector<16xi32>
        %add3A_253 = arith.addi %add3A_252, %add3A_239 : vector<16xi32>
        %gather3A_254 = tpu.vector_load_idx %arg13[%add3A_253] : memref<4096xi32, #tpu.memory_space<vmem>>[vector<16xi32>], vector<16xi32>,
        %add3A_255 = arith.addi %add3A_250, %gather3A_254 : vector<16xi32>
        %add3A_256 = arith.constant 768 : i32
        %add3A_257 = vector.broadcast %add3A_256 : i32 to vector<16xi32>
        %add3A_258 = arith.addi %add3A_257, %add3A_239 : vector<16xi32>
        %gather3A_259 = tpu.vector_load_idx %arg13[%add3A_258] : memref<4096xi32, #tpu.memory_space<vmem>>[vector<16xi32>], vector<16xi32>,
        %add3A_260 = arith.addi %add3A_255, %gather3A_259 : vector<16xi32>
        %add3A_261 = arith.constant 1024 : i32
        %add3A_262 = vector.broadcast %add3A_261 : i32 to vector<16xi32>
        %add3A_263 = arith.addi %add3A_262, %add3A_239 : vector<16xi32>
        %gather3A_264 = tpu.vector_load_idx %arg13[%add3A_263] : memref<4096xi32, #tpu.memory_space<vmem>>[vector<16xi32>], vector<16xi32>,
        %add3A_265 = arith.addi %add3A_260, %gather3A_264 : vector<16xi32>
        %add3A_266 = arith.constant 1280 : i32
        %add3A_267 = vector.broadcast %add3A_266 : i32 to vector<16xi32>
        %add3A_268 = arith.addi %add3A_267, %add3A_239 : vector<16xi32>
        %gather3A_269 = tpu.vector_load_idx %arg13[%add3A_268] : memref<4096xi32, #tpu.memory_space<vmem>>[vector<16xi32>], vector<16xi32>,
        %add3A_270 = arith.addi %add3A_265, %gather3A_269 : vector<16xi32>
        %add3A_271 = arith.constant 1536 : i32
        %add3A_272 = vector.broadcast %add3A_271 : i32 to vector<16xi32>
        %add3A_273 = arith.addi %add3A_272, %add3A_239 : vector<16xi32>
        %gather3A_274 = tpu.vector_load_idx %arg13[%add3A_273] : memref<4096xi32, #tpu.memory_space<vmem>>[vector<16xi32>], vector<16xi32>,
        %add3A_275 = arith.addi %add3A_270, %gather3A_274 : vector<16xi32>
        %add3A_276 = arith.constant 1792 : i32
        %add3A_277 = vector.broadcast %add3A_276 : i32 to vector<16xi32>
        %add3A_278 = arith.addi %add3A_277, %add3A_239 : vector<16xi32>
        %gather3A_279 = tpu.vector_load_idx %arg13[%add3A_278] : memref<4096xi32, #tpu.memory_space<vmem>>[vector<16xi32>], vector<16xi32>,
        %add3A_280 = arith.addi %add3A_275, %gather3A_279 : vector<16xi32>
        %add3A_281 = arith.constant 2048 : i32
        %add3A_282 = vector.broadcast %add3A_281 : i32 to vector<16xi32>
        %add3A_283 = arith.addi %add3A_282, %add3A_239 : vector<16xi32>
        %gather3A_284 = tpu.vector_load_idx %arg13[%add3A_283] : memref<4096xi32, #tpu.memory_space<vmem>>[vector<16xi32>], vector<16xi32>,
        %add3A_285 = arith.addi %add3A_280, %gather3A_284 : vector<16xi32>
        %add3A_286 = arith.constant 2304 : i32
        %add3A_287 = vector.broadcast %add3A_286 : i32 to vector<16xi32>
        %add3A_288 = arith.addi %add3A_287, %add3A_239 : vector<16xi32>
        %gather3A_289 = tpu.vector_load_idx %arg13[%add3A_288] : memref<4096xi32, #tpu.memory_space<vmem>>[vector<16xi32>], vector<16xi32>,
        %add3A_290 = arith.addi %add3A_285, %gather3A_289 : vector<16xi32>
        %add3A_291 = arith.constant 2560 : i32
        %add3A_292 = vector.broadcast %add3A_291 : i32 to vector<16xi32>
        %add3A_293 = arith.addi %add3A_292, %add3A_239 : vector<16xi32>
        %gather3A_294 = tpu.vector_load_idx %arg13[%add3A_293] : memref<4096xi32, #tpu.memory_space<vmem>>[vector<16xi32>], vector<16xi32>,
        %add3A_295 = arith.addi %add3A_290, %gather3A_294 : vector<16xi32>
        %add3A_296 = arith.constant 2816 : i32
        %add3A_297 = vector.broadcast %add3A_296 : i32 to vector<16xi32>
        %add3A_298 = arith.addi %add3A_297, %add3A_239 : vector<16xi32>
        %gather3A_299 = tpu.vector_load_idx %arg13[%add3A_298] : memref<4096xi32, #tpu.memory_space<vmem>>[vector<16xi32>], vector<16xi32>,
        %add3A_300 = arith.addi %add3A_295, %gather3A_299 : vector<16xi32>
        %add3A_301 = arith.constant 3072 : i32
        %add3A_302 = vector.broadcast %add3A_301 : i32 to vector<16xi32>
        %add3A_303 = arith.addi %add3A_302, %add3A_239 : vector<16xi32>
        %gather3A_304 = tpu.vector_load_idx %arg13[%add3A_303] : memref<4096xi32, #tpu.memory_space<vmem>>[vector<16xi32>], vector<16xi32>,
        %add3A_305 = arith.addi %add3A_300, %gather3A_304 : vector<16xi32>
        %add3A_306 = arith.constant 3328 : i32
        %add3A_307 = vector.broadcast %add3A_306 : i32 to vector<16xi32>
        %add3A_308 = arith.addi %add3A_307, %add3A_239 : vector<16xi32>
        %gather3A_309 = tpu.vector_load_idx %arg13[%add3A_308] : memref<4096xi32, #tpu.memory_space<vmem>>[vector<16xi32>], vector<16xi32>,
        %add3A_310 = arith.addi %add3A_305, %gather3A_309 : vector<16xi32>
        %add3A_311 = arith.constant 3584 : i32
        %add3A_312 = vector.broadcast %add3A_311 : i32 to vector<16xi32>
        %add3A_313 = arith.addi %add3A_312, %add3A_239 : vector<16xi32>
        %gather3A_314 = tpu.vector_load_idx %arg13[%add3A_313] : memref<4096xi32, #tpu.memory_space<vmem>>[vector<16xi32>], vector<16xi32>,
        %add3A_315 = arith.addi %add3A_310, %gather3A_314 : vector<16xi32>
        %add3A_316 = arith.constant 3840 : i32
        %add3A_317 = vector.broadcast %add3A_316 : i32 to vector<16xi32>
        %add3A_318 = arith.addi %add3A_317, %add3A_239 : vector<16xi32>
        %gather3A_319 = tpu.vector_load_idx %arg13[%add3A_318] : memref<4096xi32, #tpu.memory_space<vmem>>[vector<16xi32>], vector<16xi32>,
        %add3A_320 = arith.addi %add3A_315, %gather3A_319 : vector<16xi32>
        %mul3A_321 = arith.constant 16 : i32
        %mul3A_322 = arith.muli %scan3A_235, %mul3A_321 : i32
        %swap3A = arith.index_cast %mul3A_322 : i32 to index
        %swap3A_323 = tpu.vector_load %arg16[%swap3A] {strides = array<i32>} : memref<256xi32, #tpu.memory_space<vmem>>, vector<16xi32>,
        tpu.vector_store %arg16[%swap3A], %add3A_320 {strides = array<i32>} : memref<256xi32, #tpu.memory_space<vmem>>, vector<16xi32>,
        %scan3A_324 = arith.constant 0 : i32
        scf.yield %scan3A_324 : i32
      }
      %scan3A_89 = arith.constant 16 : i32
      %mul3A_90 = arith.constant 256 : i32
      %mul3A_91 = arith.muli %arg1, %mul3A_90 : i32
      "tpu.region"() ({
        %run_scoped3A = tpu.sem_alloc : memref<!tpu.dma_semaphore, #tpu.memory_space<semaphore_mem>>
        %dma_start3A = tpu.memref_slice %arg9[%mul3A_91] : memref<4096xi32, #tpu.memory_space<vmem_shared>> -> memref<256xi32, #tpu.memory_space<vmem_shared>>
        %dma_start3A_235 = tpu.memref_slice %arg9[%mul3A_91] : memref<4096xi32, #tpu.memory_space<vmem_shared>> -> memref<256xi32, #tpu.memory_space<vmem_shared>>
        tpu.enqueue_dma source(%arg16 : memref<256xi32, #tpu.memory_space<vmem>>) target(%dma_start3A_235 : memref<256xi32, #tpu.memory_space<vmem_shared>>) target_semaphore(%run_scoped3A : memref<!tpu.dma_semaphore, #tpu.memory_space<semaphore_mem>>)
        %dma_wait3A = tpu.memref_slice %arg9[%mul3A_91] : memref<4096xi32, #tpu.memory_space<vmem_shared>> -> memref<256xi32, #tpu.memory_space<vmem_shared>>
        %dma_wait3A_236 = tpu.memref_slice %arg9[%mul3A_91] : memref<4096xi32, #tpu.memory_space<vmem_shared>> -> memref<256xi32, #tpu.memory_space<vmem_shared>>
        tpu.wait_dma2 semaphore(%run_scoped3A : memref<!tpu.dma_semaphore, #tpu.memory_space<semaphore_mem>>) src(%arg16 : memref<256xi32, #tpu.memory_space<vmem>>) dst(%dma_wait3A_236 : memref<256xi32, #tpu.memory_space<vmem_shared>>)
        tpu.yield
      }) : () -> ()
      %barrier3A_92 = arith.constant 0 : index
      tpu.barrier barrier_id(%barrier3A_92)
      "tpu.region"() ({
        %run_scoped3A = tpu.sem_alloc : memref<!tpu.dma_semaphore, #tpu.memory_space<semaphore_mem>>
        tpu.enqueue_dma source(%arg9 : memref<4096xi32, #tpu.memory_space<vmem_shared>>) target(%arg15 : memref<4096xi32, #tpu.memory_space<vmem>>) target_semaphore(%run_scoped3A : memref<!tpu.dma_semaphore, #tpu.memory_space<semaphore_mem>>)
        tpu.wait_dma2 semaphore(%run_scoped3A : memref<!tpu.dma_semaphore, #tpu.memory_space<semaphore_mem>>) src(%arg9 : memref<4096xi32, #tpu.memory_space<vmem_shared>>) dst(%arg15 : memref<4096xi32, #tpu.memory_space<vmem>>)
        tpu.yield
      }) : () -> ()
      %broadcast_in_dim3A_93 = arith.constant 0 : i32
      %broadcast_in_dim3A_94 = vector.broadcast %broadcast_in_dim3A_93 : i32 to vector<16xi32>
      %scan3A_95 = arith.constant 0 : i32
      %scan3A_96 = arith.constant 256 : i32
      %scan3A_97 = arith.addi %scan3A_95, %scan3A_96 : i32
      %scan3A_98 = arith.constant 1 : i32
      %scan3A_99 = scf.for %scan3A_235 = %scan3A_95 to %scan3A_97 step %scan3A_98 iter_args(%scan3A_236 = %broadcast_in_dim3A_94) -> (vector<16xi32>)  : i32 {
        %mul3A_237 = arith.constant 256 : i32
        %mul3A_238 = vector.broadcast %mul3A_237 : i32 to vector<16xi32>
        %mul3A_239 = arith.muli %iota3A, %mul3A_238 : vector<16xi32>
        %add3A = vector.broadcast %scan3A_235 : i32 to vector<16xi32>
        %add3A_240 = arith.addi %mul3A_239, %add3A : vector<16xi32>
        %gather3A = tpu.vector_load_idx %arg15[%add3A_240] : memref<4096xi32, #tpu.memory_space<vmem>>[vector<16xi32>], vector<16xi32>,
        %broadcast_in_dim3A_241 = arith.constant true
        %broadcast_in_dim3A_242 = vector.broadcast %broadcast_in_dim3A_241 : i1 to vector<16xi1>
        %masked_cumsum3A = tpu.scan <sum>, %gather3A masked %broadcast_in_dim3A_242 : vector<16xi32>, vector<16xi1> -> vector<16xi32>
        %sub3A = arith.subi %masked_cumsum3A, %gather3A : vector<16xi32>
        %add3A_243 = arith.addi %scan3A_236, %sub3A : vector<16xi32>
        %swap3A = arith.constant 0 : index
        %swap3A_244 = tpu.vector_load %arg17[%swap3A] {strides = array<i32>} : memref<16xi32, #tpu.memory_space<vmem>>, vector<16xi32>,
        tpu.vector_store %arg17[%swap3A], %add3A_243 {strides = array<i32>} : memref<16xi32, #tpu.memory_space<vmem>>, vector<16xi32>,
        %broadcast_in_dim3A_245 = vector.broadcast %arg1 : i32 to vector<16xi32>
        %gather3A_246 = tpu.vector_load_idx %arg17[%broadcast_in_dim3A_245] : memref<16xi32, #tpu.memory_space<vmem>>[vector<16xi32>], vector<16xi32>,
        %mul3A_247 = arith.constant 256 : i32
        %mul3A_248 = vector.broadcast %mul3A_247 : i32 to vector<16xi32>
        %mul3A_249 = arith.muli %iota3A, %mul3A_248 : vector<16xi32>
        %add3A_250 = vector.broadcast %scan3A_235 : i32 to vector<16xi32>
        %add3A_251 = arith.addi %mul3A_249, %add3A_250 : vector<16xi32>
        %gather3A_252 = tpu.vector_load_idx %arg13[%add3A_251] : memref<4096xi32, #tpu.memory_space<vmem>>[vector<16xi32>], vector<16xi32>,
        %broadcast_in_dim3A_253 = arith.constant true
        %broadcast_in_dim3A_254 = vector.broadcast %broadcast_in_dim3A_253 : i1 to vector<16xi1>
        %masked_cumsum3A_255 = tpu.scan <sum>, %gather3A_252 masked %broadcast_in_dim3A_254 : vector<16xi32>, vector<16xi1> -> vector<16xi32>
        %sub3A_256 = arith.subi %masked_cumsum3A_255, %gather3A_252 : vector<16xi32>
        %mul3A_257 = arith.constant 256 : i32
        %mul3A_258 = vector.broadcast %mul3A_257 : i32 to vector<16xi32>
        %mul3A_259 = arith.muli %iota3A, %mul3A_258 : vector<16xi32>
        %add3A_260 = vector.broadcast %scan3A_235 : i32 to vector<16xi32>
        %add3A_261 = arith.addi %mul3A_259, %add3A_260 : vector<16xi32>
        %add3A_262 = arith.addi %gather3A_246, %sub3A_256 : vector<16xi32>
        tpu.vector_store_idx %arg14[%add3A_261], %add3A_262 : memref<4096xi32, #tpu.memory_space<vmem>>[vector<16xi32>], vector<16xi32>,
        %swap3A_263 = arith.constant 0 : index
        %swap3A_264 = tpu.vector_load %arg17[%swap3A_263] {strides = array<i32>} : memref<16xi32, #tpu.memory_space<vmem>>, vector<16xi32>,
        tpu.vector_store %arg17[%swap3A_263], %masked_cumsum3A {strides = array<i32>} : memref<16xi32, #tpu.memory_space<vmem>>, vector<16xi32>,
        %broadcast_in_dim3A_265 = arith.constant 15 : i32
        %broadcast_in_dim3A_266 = vector.broadcast %broadcast_in_dim3A_265 : i32 to vector<16xi32>
        %gather3A_267 = tpu.vector_load_idx %arg17[%broadcast_in_dim3A_266] : memref<16xi32, #tpu.memory_space<vmem>>[vector<16xi32>], vector<16xi32>,
        %add3A_268 = arith.addi %scan3A_236, %gather3A_267 : vector<16xi32>
        scf.yield %add3A_268 : vector<16xi32>
      }
      %scan3A_100 = arith.constant 256 : i32
      %scan3A_101 = arith.constant 0 : i32
      %scan3A_102 = arith.constant 0 : i32
      %scan3A_103 = arith.constant 1250 : i32
      %scan3A_104 = arith.addi %scan3A_102, %scan3A_103 : i32
      %scan3A_105 = arith.constant 1 : i32
      %scan3A_106 = scf.for %scan3A_235 = %scan3A_102 to %scan3A_104 step %scan3A_105 iter_args(%scan3A_236 = %scan3A_101) -> (i32)  : i32 {
        %mul3A_237 = arith.constant 1250 : i32
        %mul3A_238 = vector.broadcast %mul3A_237 : i32 to vector<16xi32>
        %mul3A_239 = arith.muli %iota3A, %mul3A_238 : vector<16xi32>
        %add3A = vector.broadcast %scan3A_235 : i32 to vector<16xi32>
        %add3A_240 = arith.addi %mul3A_239, %add3A : vector<16xi32>
        %gather3A = tpu.vector_load_idx %arg10[%add3A_240] : memref<20096xi32, #tpu.memory_space<vmem>>[vector<16xi32>], vector<16xi32>,
        %shift_right_logical3A = arith.constant 8 : i32
        %shift_right_logical3A_241 = vector.broadcast %shift_right_logical3A : i32 to vector<16xi32>
        %shift_right_logical3A_242 = arith.shrui %gather3A, %shift_right_logical3A_241 : vector<16xi32>
        %and3A = arith.constant 255 : i32
        %and3A_243 = vector.broadcast %and3A : i32 to vector<16xi32>
        %and3A_244 = arith.andi %shift_right_logical3A_242, %and3A_243 : vector<16xi32>
        %mul3A_245 = arith.constant 256 : i32
        %mul3A_246 = vector.broadcast %mul3A_245 : i32 to vector<16xi32>
        %mul3A_247 = arith.muli %iota3A, %mul3A_246 : vector<16xi32>
        %add3A_248 = arith.addi %mul3A_247, %and3A_244 : vector<16xi32>
        %gather3A_249 = tpu.vector_load_idx %arg14[%add3A_248] : memref<4096xi32, #tpu.memory_space<vmem>>[vector<16xi32>], vector<16xi32>,
        %add3A_250 = arith.constant 1 : i32
        %add3A_251 = vector.broadcast %add3A_250 : i32 to vector<16xi32>
        %add3A_252 = arith.addi %gather3A_249, %add3A_251 : vector<16xi32>
        tpu.vector_store_idx %arg14[%add3A_248], %add3A_252 : memref<4096xi32, #tpu.memory_space<vmem>>[vector<16xi32>], vector<16xi32>,
        %jit3A = arith.constant 128 : i32
        %div3A = vector.broadcast %jit3A : i32 to vector<16xi32>
        %div3A_253 = arith.divsi %add3A_240, %div3A : vector<16xi32>
        %sign3A = arith.constant 0 : i32
        %sign3A_254 = vector.broadcast %sign3A : i32 to vector<16xi32>
        %sign3A_255 = arith.cmpi sgt, %add3A_240, %sign3A_254 : vector<16xi32>
        %sign3A_256 = arith.extui %sign3A_255 : vector<16xi1> to vector<16xi32>
        %sign3A_257 = arith.constant 0 : i32
        %sign3A_258 = vector.broadcast %sign3A_257 : i32 to vector<16xi32>
        %sign3A_259 = arith.cmpi slt, %add3A_240, %sign3A_258 : vector<16xi32>
        %sign3A_260 = arith.extui %sign3A_259 : vector<16xi1> to vector<16xi32>
        %sign3A_261 = arith.subi %sign3A_256, %sign3A_260 : vector<16xi32>
        %sign3A_262 = arith.constant 0 : i32
        %sign3A_263 = arith.cmpi sgt, %jit3A, %sign3A_262 : i32
        %sign3A_264 = arith.extui %sign3A_263 : i1 to i32
        %sign3A_265 = arith.constant 0 : i32
        %sign3A_266 = arith.cmpi slt, %jit3A, %sign3A_265 : i32
        %sign3A_267 = arith.extui %sign3A_266 : i1 to i32
        %sign3A_268 = arith.subi %sign3A_264, %sign3A_267 : i32
        %ne3A = vector.broadcast %sign3A_268 : i32 to vector<16xi32>
        %ne3A_269 = arith.cmpi ne, %sign3A_261, %ne3A : vector<16xi32>
        %rem3A = vector.broadcast %jit3A : i32 to vector<16xi32>
        %rem3A_270 = arith.remsi %add3A_240, %rem3A : vector<16xi32>
        %ne3A_271 = arith.constant 0 : i32
        %ne3A_272 = vector.broadcast %ne3A_271 : i32 to vector<16xi32>
        %ne3A_273 = arith.cmpi ne, %rem3A_270, %ne3A_272 : vector<16xi32>
        %and3A_274 = arith.andi %ne3A_269, %ne3A_273 : vector<16xi1>
        %sub3A = arith.constant 1 : i32
        %sub3A_275 = vector.broadcast %sub3A : i32 to vector<16xi32>
        %sub3A_276 = arith.subi %div3A_253, %sub3A_275 : vector<16xi32>
        %select_n3A = arith.select %and3A_274, %sub3A_276, %div3A_253 : vector<16xi1>, vector<16xi32>
        %jit3A_277 = arith.constant 128 : i32
        %eq3A_278 = arith.constant 0 : i32
        %eq3A_279 = arith.cmpi eq, %jit3A_277, %eq3A_278 : i32
        %jit3A_280 = arith.constant 1 : i32
        %select_n3A_281 = arith.select %eq3A_279, %jit3A_280, %jit3A_277 : i32
        %rem3A_282 = vector.broadcast %select_n3A_281 : i32 to vector<16xi32>
        %rem3A_283 = arith.remsi %add3A_240, %rem3A_282 : vector<16xi32>
        %ne3A_284 = arith.constant 0 : i32
        %ne3A_285 = vector.broadcast %ne3A_284 : i32 to vector<16xi32>
        %ne3A_286 = arith.cmpi ne, %rem3A_283, %ne3A_285 : vector<16xi32>
        %lt3A = arith.constant 0 : i32
        %lt3A_287 = vector.broadcast %lt3A : i32 to vector<16xi32>
        %lt3A_288 = arith.cmpi slt, %rem3A_283, %lt3A_287 : vector<16xi32>
        %lt3A_289 = arith.constant 0 : i32
        %lt3A_290 = arith.cmpi slt, %select_n3A_281, %lt3A_289 : i32
        %ne3A_291 = vector.broadcast %lt3A_290 : i1 to vector<16xi1>
        %ne3A_292 = vector.broadcast %ne3A_291 : vector<16xi1> to vector<16xi1>
        %ne3A_293 = arith.xori %lt3A_288, %ne3A_292 : vector<16xi1>
        %and3A_294 = arith.andi %ne3A_293, %ne3A_286 : vector<16xi1>
        %add3A_295 = vector.broadcast %select_n3A_281 : i32 to vector<16xi32>
        %add3A_296 = arith.addi %rem3A_283, %add3A_295 : vector<16xi32>
        %select_n3A_297 = arith.select %and3A_294, %add3A_296, %rem3A_283 : vector<16xi1>, vector<16xi32>
        tpu.vector_store_idx %arg12[%select_n3A, %select_n3A_297], %gather3A_249 : memref<157x128xi32, #tpu.memory_space<vmem>>[vector<16xi32>, vector<16xi32>], vector<16xi32>,
        %scan3A_298 = arith.constant 0 : i32
        scf.yield %scan3A_298 : i32
      }
      %scan3A_107 = arith.constant 1250 : i32
      %scan3A_108 = arith.constant 0 : i32
      %scan3A_109 = arith.constant 0 : i32
      %scan3A_110 = arith.constant 6 : i32
      %scan3A_111 = arith.addi %scan3A_109, %scan3A_110 : i32
      %scan3A_112 = arith.constant 1 : i32
      %scan3A_113 = scf.for %scan3A_235 = %scan3A_109 to %scan3A_111 step %scan3A_112 iter_args(%scan3A_236 = %scan3A_108) -> (i32)  : i32 {
        %mul3A_237 = arith.constant 16 : i32
        %mul3A_238 = arith.muli %scan3A_235, %mul3A_237 : i32
        %add3A = arith.constant 20000 : i32
        %add3A_239 = arith.addi %add3A, %mul3A_238 : i32
        %add3A_240 = vector.broadcast %add3A_239 : i32 to vector<16xi32>
        %add3A_241 = arith.addi %add3A_240, %iota3A : vector<16xi32>
        %jit3A = arith.constant 128 : i32
        %div3A = vector.broadcast %jit3A : i32 to vector<16xi32>
        %div3A_242 = arith.divsi %add3A_241, %div3A : vector<16xi32>
        %sign3A = arith.constant 0 : i32
        %sign3A_243 = vector.broadcast %sign3A : i32 to vector<16xi32>
        %sign3A_244 = arith.cmpi sgt, %add3A_241, %sign3A_243 : vector<16xi32>
        %sign3A_245 = arith.extui %sign3A_244 : vector<16xi1> to vector<16xi32>
        %sign3A_246 = arith.constant 0 : i32
        %sign3A_247 = vector.broadcast %sign3A_246 : i32 to vector<16xi32>
        %sign3A_248 = arith.cmpi slt, %add3A_241, %sign3A_247 : vector<16xi32>
        %sign3A_249 = arith.extui %sign3A_248 : vector<16xi1> to vector<16xi32>
        %sign3A_250 = arith.subi %sign3A_245, %sign3A_249 : vector<16xi32>
        %sign3A_251 = arith.constant 0 : i32
        %sign3A_252 = arith.cmpi sgt, %jit3A, %sign3A_251 : i32
        %sign3A_253 = arith.extui %sign3A_252 : i1 to i32
        %sign3A_254 = arith.constant 0 : i32
        %sign3A_255 = arith.cmpi slt, %jit3A, %sign3A_254 : i32
        %sign3A_256 = arith.extui %sign3A_255 : i1 to i32
        %sign3A_257 = arith.subi %sign3A_253, %sign3A_256 : i32
        %ne3A = vector.broadcast %sign3A_257 : i32 to vector<16xi32>
        %ne3A_258 = arith.cmpi ne, %sign3A_250, %ne3A : vector<16xi32>
        %rem3A = vector.broadcast %jit3A : i32 to vector<16xi32>
        %rem3A_259 = arith.remsi %add3A_241, %rem3A : vector<16xi32>
        %ne3A_260 = arith.constant 0 : i32
        %ne3A_261 = vector.broadcast %ne3A_260 : i32 to vector<16xi32>
        %ne3A_262 = arith.cmpi ne, %rem3A_259, %ne3A_261 : vector<16xi32>
        %and3A = arith.andi %ne3A_258, %ne3A_262 : vector<16xi1>
        %sub3A = arith.constant 1 : i32
        %sub3A_263 = vector.broadcast %sub3A : i32 to vector<16xi32>
        %sub3A_264 = arith.subi %div3A_242, %sub3A_263 : vector<16xi32>
        %select_n3A = arith.select %and3A, %sub3A_264, %div3A_242 : vector<16xi1>, vector<16xi32>
        %jit3A_265 = arith.constant 128 : i32
        %eq3A_266 = arith.constant 0 : i32
        %eq3A_267 = arith.cmpi eq, %jit3A_265, %eq3A_266 : i32
        %jit3A_268 = arith.constant 1 : i32
        %select_n3A_269 = arith.select %eq3A_267, %jit3A_268, %jit3A_265 : i32
        %rem3A_270 = vector.broadcast %select_n3A_269 : i32 to vector<16xi32>
        %rem3A_271 = arith.remsi %add3A_241, %rem3A_270 : vector<16xi32>
        %ne3A_272 = arith.constant 0 : i32
        %ne3A_273 = vector.broadcast %ne3A_272 : i32 to vector<16xi32>
        %ne3A_274 = arith.cmpi ne, %rem3A_271, %ne3A_273 : vector<16xi32>
        %lt3A = arith.constant 0 : i32
        %lt3A_275 = vector.broadcast %lt3A : i32 to vector<16xi32>
        %lt3A_276 = arith.cmpi slt, %rem3A_271, %lt3A_275 : vector<16xi32>
        %lt3A_277 = arith.constant 0 : i32
        %lt3A_278 = arith.cmpi slt, %select_n3A_269, %lt3A_277 : i32
        %ne3A_279 = vector.broadcast %lt3A_278 : i1 to vector<16xi1>
        %ne3A_280 = vector.broadcast %ne3A_279 : vector<16xi1> to vector<16xi1>
        %ne3A_281 = arith.xori %lt3A_276, %ne3A_280 : vector<16xi1>
        %and3A_282 = arith.andi %ne3A_281, %ne3A_274 : vector<16xi1>
        %add3A_283 = vector.broadcast %select_n3A_269 : i32 to vector<16xi32>
        %add3A_284 = arith.addi %rem3A_271, %add3A_283 : vector<16xi32>
        %select_n3A_285 = arith.select %and3A_282, %add3A_284, %rem3A_271 : vector<16xi1>, vector<16xi32>
        %mul3A_286 = arith.constant 128 : i32
        %mul3A_287 = arith.muli %arg1, %mul3A_286 : i32
        %add3A_288 = arith.constant 320000 : i32
        %add3A_289 = arith.addi %add3A_288, %mul3A_287 : i32
        %mul3A_290 = arith.constant 16 : i32
        %mul3A_291 = arith.muli %scan3A_235, %mul3A_290 : i32
        %add3A_292 = arith.addi %add3A_289, %mul3A_291 : i32
        %add3A_293 = vector.broadcast %add3A_292 : i32 to vector<16xi32>
        %add3A_294 = arith.addi %add3A_293, %iota3A : vector<16xi32>
        tpu.vector_store_idx %arg12[%select_n3A, %select_n3A_285], %add3A_294 : memref<157x128xi32, #tpu.memory_space<vmem>>[vector<16xi32>, vector<16xi32>], vector<16xi32>,
        %scan3A_295 = arith.constant 0 : i32
        scf.yield %scan3A_295 : i32
      }
      %scan3A_114 = arith.constant 6 : i32
      %scan3A_115 = arith.constant 0 : i32
      %scan3A_116 = arith.constant 0 : i32
      %scan3A_117 = arith.constant 157 : i32
      %scan3A_118 = arith.addi %scan3A_116, %scan3A_117 : i32
      %scan3A_119 = arith.constant 1 : i32
      %scan3A_120 = scf.for %scan3A_235 = %scan3A_116 to %scan3A_118 step %scan3A_119 iter_args(%scan3A_236 = %scan3A_115) -> (i32)  : i32 {
        %mul3A_237 = arith.constant 128 : i32
        %mul3A_238 = arith.muli %scan3A_235, %mul3A_237 : i32
        %dma_start3A = tpu.memref_slice %arg10[%mul3A_238] : memref<20096xi32, #tpu.memory_space<vmem>> -> memref<128xi32, #tpu.memory_space<vmem>>
        %dma_start3A_239 = arith.constant 0 : i32
        %dma_start3A_240 = tpu.memref_slice %arg12[%scan3A_235, %dma_start3A_239] : memref<157x128xi32, #tpu.memory_space<vmem>> -> memref<1x128xi32, #tpu.memory_space<vmem>>
        %dma_start3A_241 = tpu.memref_squeeze %dma_start3A_240 : memref<1x128xi32, #tpu.memory_space<vmem>> -> memref<128xi32, #tpu.memory_space<vmem>>
        %dma_start3A_242 = arith.constant 0 : i32
        %dma_start3A_243 = tpu.memref_slice %arg7[%dma_start3A_242] : memref<324096xi32, #tpu.memory_space<vmem_shared>> -> memref<324096xi32, #tpu.memory_space<vmem_shared>>
        tpu.enqueue_indirect_dma source(%dma_start3A : memref<128xi32, #tpu.memory_space<vmem>>) target(%dma_start3A_243 : memref<324096xi32, #tpu.memory_space<vmem_shared>>) offsets(%dma_start3A_241 : memref<128xi32, #tpu.memory_space<vmem>>) semaphore(%arg18 : memref<!tpu.dma_semaphore, #tpu.memory_space<semaphore_mem>>)
        %mul3A_244 = arith.constant 128 : i32
        %mul3A_245 = arith.muli %scan3A_235, %mul3A_244 : i32
        %dma_start3A_246 = tpu.memref_slice %arg11[%mul3A_245] : memref<20096xi32, #tpu.memory_space<vmem>> -> memref<128xi32, #tpu.memory_space<vmem>>
        %dma_start3A_247 = arith.constant 0 : i32
        %dma_start3A_248 = tpu.memref_slice %arg12[%scan3A_235, %dma_start3A_247] : memref<157x128xi32, #tpu.memory_space<vmem>> -> memref<1x128xi32, #tpu.memory_space<vmem>>
        %dma_start3A_249 = tpu.memref_squeeze %dma_start3A_248 : memref<1x128xi32, #tpu.memory_space<vmem>> -> memref<128xi32, #tpu.memory_space<vmem>>
        %dma_start3A_250 = arith.constant 0 : i32
        %dma_start3A_251 = tpu.memref_slice %arg8[%dma_start3A_250] : memref<324096xi32, #tpu.memory_space<vmem_shared>> -> memref<324096xi32, #tpu.memory_space<vmem_shared>>
        tpu.enqueue_indirect_dma source(%dma_start3A_246 : memref<128xi32, #tpu.memory_space<vmem>>) target(%dma_start3A_251 : memref<324096xi32, #tpu.memory_space<vmem_shared>>) offsets(%dma_start3A_249 : memref<128xi32, #tpu.memory_space<vmem>>) semaphore(%arg19 : memref<!tpu.dma_semaphore, #tpu.memory_space<semaphore_mem>>)
        %dma_wait3A = tpu.memref_slice %arg10[%mul3A_238] : memref<20096xi32, #tpu.memory_space<vmem>> -> memref<128xi32, #tpu.memory_space<vmem>>
        %dma_wait3A_252 = arith.constant 0 : i32
        %dma_wait3A_253 = tpu.memref_slice %arg12[%scan3A_235, %dma_wait3A_252] : memref<157x128xi32, #tpu.memory_space<vmem>> -> memref<1x128xi32, #tpu.memory_space<vmem>>
        %dma_wait3A_254 = tpu.memref_squeeze %dma_wait3A_253 : memref<1x128xi32, #tpu.memory_space<vmem>> -> memref<128xi32, #tpu.memory_space<vmem>>
        %dma_wait3A_255 = arith.constant 0 : i32
        %dma_wait3A_256 = tpu.memref_slice %arg7[%dma_wait3A_255] : memref<324096xi32, #tpu.memory_space<vmem_shared>> -> memref<324096xi32, #tpu.memory_space<vmem_shared>>
        tpu.wait_indirect_dma semaphore(%arg18 : memref<!tpu.dma_semaphore, #tpu.memory_space<semaphore_mem>>) src(%dma_wait3A : memref<128xi32, #tpu.memory_space<vmem>>) dst(%dma_wait3A_256 : memref<324096xi32, #tpu.memory_space<vmem_shared>>)
        %dma_wait3A_257 = tpu.memref_slice %arg11[%mul3A_245] : memref<20096xi32, #tpu.memory_space<vmem>> -> memref<128xi32, #tpu.memory_space<vmem>>
        %dma_wait3A_258 = arith.constant 0 : i32
        %dma_wait3A_259 = tpu.memref_slice %arg12[%scan3A_235, %dma_wait3A_258] : memref<157x128xi32, #tpu.memory_space<vmem>> -> memref<1x128xi32, #tpu.memory_space<vmem>>
        %dma_wait3A_260 = tpu.memref_squeeze %dma_wait3A_259 : memref<1x128xi32, #tpu.memory_space<vmem>> -> memref<128xi32, #tpu.memory_space<vmem>>
        %dma_wait3A_261 = arith.constant 0 : i32
        %dma_wait3A_262 = tpu.memref_slice %arg8[%dma_wait3A_261] : memref<324096xi32, #tpu.memory_space<vmem_shared>> -> memref<324096xi32, #tpu.memory_space<vmem_shared>>
        tpu.wait_indirect_dma semaphore(%arg19 : memref<!tpu.dma_semaphore, #tpu.memory_space<semaphore_mem>>) src(%dma_wait3A_257 : memref<128xi32, #tpu.memory_space<vmem>>) dst(%dma_wait3A_262 : memref<324096xi32, #tpu.memory_space<vmem_shared>>)
        %scan3A_263 = arith.constant 0 : i32
        scf.yield %scan3A_263 : i32
      }
      %scan3A_121 = arith.constant 157 : i32
      %barrier3A_122 = arith.constant 0 : index
      tpu.barrier barrier_id(%barrier3A_122)
      "tpu.region"() ({
        %run_scoped3A = tpu.sem_alloc : memref<!tpu.dma_semaphore, #tpu.memory_space<semaphore_mem>>
        %dma_start3A = arith.constant 0 : i32
        %dma_start3A_235 = tpu.memref_slice %arg10[%dma_start3A] : memref<20096xi32, #tpu.memory_space<vmem>> -> memref<20000xi32, #tpu.memory_space<vmem>>
        %dma_start3A_236 = tpu.memref_slice %arg7[%mul3A_0] : memref<324096xi32, #tpu.memory_space<vmem_shared>> -> memref<20000xi32, #tpu.memory_space<vmem_shared>>
        %dma_start3A_237 = arith.constant 0 : i32
        %dma_start3A_238 = tpu.memref_slice %arg10[%dma_start3A_237] : memref<20096xi32, #tpu.memory_space<vmem>> -> memref<20000xi32, #tpu.memory_space<vmem>>
        %dma_start3A_239 = tpu.memref_slice %arg7[%mul3A_0] : memref<324096xi32, #tpu.memory_space<vmem_shared>> -> memref<20000xi32, #tpu.memory_space<vmem_shared>>
        tpu.enqueue_dma source(%dma_start3A_239 : memref<20000xi32, #tpu.memory_space<vmem_shared>>) target(%dma_start3A_238 : memref<20000xi32, #tpu.memory_space<vmem>>) target_semaphore(%run_scoped3A : memref<!tpu.dma_semaphore, #tpu.memory_space<semaphore_mem>>)
        %dma_wait3A = arith.constant 0 : i32
        %dma_wait3A_240 = tpu.memref_slice %arg10[%dma_wait3A] : memref<20096xi32, #tpu.memory_space<vmem>> -> memref<20000xi32, #tpu.memory_space<vmem>>
        %dma_wait3A_241 = tpu.memref_slice %arg7[%mul3A_0] : memref<324096xi32, #tpu.memory_space<vmem_shared>> -> memref<20000xi32, #tpu.memory_space<vmem_shared>>
        %dma_wait3A_242 = arith.constant 0 : i32
        %dma_wait3A_243 = tpu.memref_slice %arg10[%dma_wait3A_242] : memref<20096xi32, #tpu.memory_space<vmem>> -> memref<20000xi32, #tpu.memory_space<vmem>>
        %dma_wait3A_244 = tpu.memref_slice %arg7[%mul3A_0] : memref<324096xi32, #tpu.memory_space<vmem_shared>> -> memref<20000xi32, #tpu.memory_space<vmem_shared>>
        tpu.wait_dma2 semaphore(%run_scoped3A : memref<!tpu.dma_semaphore, #tpu.memory_space<semaphore_mem>>) src(%dma_wait3A_244 : memref<20000xi32, #tpu.memory_space<vmem_shared>>) dst(%dma_wait3A_243 : memref<20000xi32, #tpu.memory_space<vmem>>)
        tpu.yield
      }) : () -> ()
      "tpu.region"() ({
        %run_scoped3A = tpu.sem_alloc : memref<!tpu.dma_semaphore, #tpu.memory_space<semaphore_mem>>
        %dma_start3A = arith.constant 0 : i32
        %dma_start3A_235 = tpu.memref_slice %arg10[%dma_start3A] : memref<20096xi32, #tpu.memory_space<vmem>> -> memref<20000xi32, #tpu.memory_space<vmem>>
        %dma_start3A_236 = tpu.memref_slice %arg5[%mul3A_0] : memref<324096xi32, #tpu.memory_space<hbm>> -> memref<20000xi32, #tpu.memory_space<hbm>>
        %dma_start3A_237 = tpu.memref_slice %arg5[%mul3A_0] : memref<324096xi32, #tpu.memory_space<hbm>> -> memref<20000xi32, #tpu.memory_space<hbm>>
        %dma_start3A_238 = arith.constant 0 : i32
        %dma_start3A_239 = tpu.memref_slice %arg10[%dma_start3A_238] : memref<20096xi32, #tpu.memory_space<vmem>> -> memref<20000xi32, #tpu.memory_space<vmem>>
        tpu.enqueue_dma source(%dma_start3A_239 : memref<20000xi32, #tpu.memory_space<vmem>>) target(%dma_start3A_237 : memref<20000xi32, #tpu.memory_space<hbm>>) target_semaphore(%run_scoped3A : memref<!tpu.dma_semaphore, #tpu.memory_space<semaphore_mem>>)
        %dma_wait3A = arith.constant 0 : i32
        %dma_wait3A_240 = tpu.memref_slice %arg10[%dma_wait3A] : memref<20096xi32, #tpu.memory_space<vmem>> -> memref<20000xi32, #tpu.memory_space<vmem>>
        %dma_wait3A_241 = tpu.memref_slice %arg5[%mul3A_0] : memref<324096xi32, #tpu.memory_space<hbm>> -> memref<20000xi32, #tpu.memory_space<hbm>>
        %dma_wait3A_242 = tpu.memref_slice %arg5[%mul3A_0] : memref<324096xi32, #tpu.memory_space<hbm>> -> memref<20000xi32, #tpu.memory_space<hbm>>
        %dma_wait3A_243 = arith.constant 0 : i32
        %dma_wait3A_244 = tpu.memref_slice %arg10[%dma_wait3A_243] : memref<20096xi32, #tpu.memory_space<vmem>> -> memref<20000xi32, #tpu.memory_space<vmem>>
        tpu.wait_dma2 semaphore(%run_scoped3A : memref<!tpu.dma_semaphore, #tpu.memory_space<semaphore_mem>>) src(%dma_wait3A_244 : memref<20000xi32, #tpu.memory_space<vmem>>) dst(%dma_wait3A_242 : memref<20000xi32, #tpu.memory_space<hbm>>)
        tpu.yield
      }) : () -> ()
      "tpu.region"() ({
        %run_scoped3A = tpu.sem_alloc : memref<!tpu.dma_semaphore, #tpu.memory_space<semaphore_mem>>
        %dma_start3A = arith.constant 0 : i32
        %dma_start3A_235 = tpu.memref_slice %arg11[%dma_start3A] : memref<20096xi32, #tpu.memory_space<vmem>> -> memref<20000xi32, #tpu.memory_space<vmem>>
        %dma_start3A_236 = tpu.memref_slice %arg8[%mul3A_0] : memref<324096xi32, #tpu.memory_space<vmem_shared>> -> memref<20000xi32, #tpu.memory_space<vmem_shared>>
        %dma_start3A_237 = arith.constant 0 : i32
        %dma_start3A_238 = tpu.memref_slice %arg11[%dma_start3A_237] : memref<20096xi32, #tpu.memory_space<vmem>> -> memref<20000xi32, #tpu.memory_space<vmem>>
        %dma_start3A_239 = tpu.memref_slice %arg8[%mul3A_0] : memref<324096xi32, #tpu.memory_space<vmem_shared>> -> memref<20000xi32, #tpu.memory_space<vmem_shared>>
        tpu.enqueue_dma source(%dma_start3A_239 : memref<20000xi32, #tpu.memory_space<vmem_shared>>) target(%dma_start3A_238 : memref<20000xi32, #tpu.memory_space<vmem>>) target_semaphore(%run_scoped3A : memref<!tpu.dma_semaphore, #tpu.memory_space<semaphore_mem>>)
        %dma_wait3A = arith.constant 0 : i32
        %dma_wait3A_240 = tpu.memref_slice %arg11[%dma_wait3A] : memref<20096xi32, #tpu.memory_space<vmem>> -> memref<20000xi32, #tpu.memory_space<vmem>>
        %dma_wait3A_241 = tpu.memref_slice %arg8[%mul3A_0] : memref<324096xi32, #tpu.memory_space<vmem_shared>> -> memref<20000xi32, #tpu.memory_space<vmem_shared>>
        %dma_wait3A_242 = arith.constant 0 : i32
        %dma_wait3A_243 = tpu.memref_slice %arg11[%dma_wait3A_242] : memref<20096xi32, #tpu.memory_space<vmem>> -> memref<20000xi32, #tpu.memory_space<vmem>>
        %dma_wait3A_244 = tpu.memref_slice %arg8[%mul3A_0] : memref<324096xi32, #tpu.memory_space<vmem_shared>> -> memref<20000xi32, #tpu.memory_space<vmem_shared>>
        tpu.wait_dma2 semaphore(%run_scoped3A : memref<!tpu.dma_semaphore, #tpu.memory_space<semaphore_mem>>) src(%dma_wait3A_244 : memref<20000xi32, #tpu.memory_space<vmem_shared>>) dst(%dma_wait3A_243 : memref<20000xi32, #tpu.memory_space<vmem>>)
        tpu.yield
      }) : () -> ()
      "tpu.region"() ({
        %run_scoped3A = tpu.sem_alloc : memref<!tpu.dma_semaphore, #tpu.memory_space<semaphore_mem>>
        %dma_start3A = arith.constant 0 : i32
        %dma_start3A_235 = tpu.memref_slice %arg11[%dma_start3A] : memref<20096xi32, #tpu.memory_space<vmem>> -> memref<20000xi32, #tpu.memory_space<vmem>>
        %dma_start3A_236 = tpu.memref_slice %arg6[%mul3A_0] : memref<324096xi32, #tpu.memory_space<hbm>> -> memref<20000xi32, #tpu.memory_space<hbm>>
        %dma_start3A_237 = tpu.memref_slice %arg6[%mul3A_0] : memref<324096xi32, #tpu.memory_space<hbm>> -> memref<20000xi32, #tpu.memory_space<hbm>>
        %dma_start3A_238 = arith.constant 0 : i32
        %dma_start3A_239 = tpu.memref_slice %arg11[%dma_start3A_238] : memref<20096xi32, #tpu.memory_space<vmem>> -> memref<20000xi32, #tpu.memory_space<vmem>>
        tpu.enqueue_dma source(%dma_start3A_239 : memref<20000xi32, #tpu.memory_space<vmem>>) target(%dma_start3A_237 : memref<20000xi32, #tpu.memory_space<hbm>>) target_semaphore(%run_scoped3A : memref<!tpu.dma_semaphore, #tpu.memory_space<semaphore_mem>>)
        %dma_wait3A = arith.constant 0 : i32
        %dma_wait3A_240 = tpu.memref_slice %arg11[%dma_wait3A] : memref<20096xi32, #tpu.memory_space<vmem>> -> memref<20000xi32, #tpu.memory_space<vmem>>
        %dma_wait3A_241 = tpu.memref_slice %arg6[%mul3A_0] : memref<324096xi32, #tpu.memory_space<hbm>> -> memref<20000xi32, #tpu.memory_space<hbm>>
        %dma_wait3A_242 = tpu.memref_slice %arg6[%mul3A_0] : memref<324096xi32, #tpu.memory_space<hbm>> -> memref<20000xi32, #tpu.memory_space<hbm>>
        %dma_wait3A_243 = arith.constant 0 : i32
        %dma_wait3A_244 = tpu.memref_slice %arg11[%dma_wait3A_243] : memref<20096xi32, #tpu.memory_space<vmem>> -> memref<20000xi32, #tpu.memory_space<vmem>>
        tpu.wait_dma2 semaphore(%run_scoped3A : memref<!tpu.dma_semaphore, #tpu.memory_space<semaphore_mem>>) src(%dma_wait3A_244 : memref<20000xi32, #tpu.memory_space<vmem>>) dst(%dma_wait3A_242 : memref<20000xi32, #tpu.memory_space<hbm>>)
        tpu.yield
      }) : () -> ()
      %barrier3A_123 = arith.constant 0 : index
      tpu.barrier barrier_id(%barrier3A_123)
      "tpu.region"() ({
        %run_scoped3A = tpu.sem_alloc : memref<!tpu.dma_semaphore, #tpu.memory_space<semaphore_mem>>
        %dma_start3A = arith.constant 0 : i32
        %dma_start3A_235 = tpu.memref_slice %arg10[%dma_start3A] : memref<20096xi32, #tpu.memory_space<vmem>> -> memref<20000xi32, #tpu.memory_space<vmem>>
        %dma_start3A_236 = tpu.memref_slice %arg5[%mul3A_0] : memref<324096xi32, #tpu.memory_space<hbm>> -> memref<20000xi32, #tpu.memory_space<hbm>>
        %dma_start3A_237 = arith.constant 0 : i32
        %dma_start3A_238 = tpu.memref_slice %arg10[%dma_start3A_237] : memref<20096xi32, #tpu.memory_space<vmem>> -> memref<20000xi32, #tpu.memory_space<vmem>>
        %dma_start3A_239 = tpu.memref_slice %arg5[%mul3A_0] : memref<324096xi32, #tpu.memory_space<hbm>> -> memref<20000xi32, #tpu.memory_space<hbm>>
        tpu.enqueue_dma source(%dma_start3A_239 : memref<20000xi32, #tpu.memory_space<hbm>>) target(%dma_start3A_238 : memref<20000xi32, #tpu.memory_space<vmem>>) target_semaphore(%run_scoped3A : memref<!tpu.dma_semaphore, #tpu.memory_space<semaphore_mem>>)
        %dma_wait3A = arith.constant 0 : i32
        %dma_wait3A_240 = tpu.memref_slice %arg10[%dma_wait3A] : memref<20096xi32, #tpu.memory_space<vmem>> -> memref<20000xi32, #tpu.memory_space<vmem>>
        %dma_wait3A_241 = tpu.memref_slice %arg5[%mul3A_0] : memref<324096xi32, #tpu.memory_space<hbm>> -> memref<20000xi32, #tpu.memory_space<hbm>>
        %dma_wait3A_242 = arith.constant 0 : i32
        %dma_wait3A_243 = tpu.memref_slice %arg10[%dma_wait3A_242] : memref<20096xi32, #tpu.memory_space<vmem>> -> memref<20000xi32, #tpu.memory_space<vmem>>
        %dma_wait3A_244 = tpu.memref_slice %arg5[%mul3A_0] : memref<324096xi32, #tpu.memory_space<hbm>> -> memref<20000xi32, #tpu.memory_space<hbm>>
        tpu.wait_dma2 semaphore(%run_scoped3A : memref<!tpu.dma_semaphore, #tpu.memory_space<semaphore_mem>>) src(%dma_wait3A_244 : memref<20000xi32, #tpu.memory_space<hbm>>) dst(%dma_wait3A_243 : memref<20000xi32, #tpu.memory_space<vmem>>)
        tpu.yield
      }) : () -> ()
      "tpu.region"() ({
        %run_scoped3A = tpu.sem_alloc : memref<!tpu.dma_semaphore, #tpu.memory_space<semaphore_mem>>
        %dma_start3A = arith.constant 0 : i32
        %dma_start3A_235 = tpu.memref_slice %arg11[%dma_start3A] : memref<20096xi32, #tpu.memory_space<vmem>> -> memref<20000xi32, #tpu.memory_space<vmem>>
        %dma_start3A_236 = tpu.memref_slice %arg6[%mul3A_0] : memref<324096xi32, #tpu.memory_space<hbm>> -> memref<20000xi32, #tpu.memory_space<hbm>>
        %dma_start3A_237 = arith.constant 0 : i32
        %dma_start3A_238 = tpu.memref_slice %arg11[%dma_start3A_237] : memref<20096xi32, #tpu.memory_space<vmem>> -> memref<20000xi32, #tpu.memory_space<vmem>>
        %dma_start3A_239 = tpu.memref_slice %arg6[%mul3A_0] : memref<324096xi32, #tpu.memory_space<hbm>> -> memref<20000xi32, #tpu.memory_space<hbm>>
        tpu.enqueue_dma source(%dma_start3A_239 : memref<20000xi32, #tpu.memory_space<hbm>>) target(%dma_start3A_238 : memref<20000xi32, #tpu.memory_space<vmem>>) target_semaphore(%run_scoped3A : memref<!tpu.dma_semaphore, #tpu.memory_space<semaphore_mem>>)
        %dma_wait3A = arith.constant 0 : i32
        %dma_wait3A_240 = tpu.memref_slice %arg11[%dma_wait3A] : memref<20096xi32, #tpu.memory_space<vmem>> -> memref<20000xi32, #tpu.memory_space<vmem>>
        %dma_wait3A_241 = tpu.memref_slice %arg6[%mul3A_0] : memref<324096xi32, #tpu.memory_space<hbm>> -> memref<20000xi32, #tpu.memory_space<hbm>>
        %dma_wait3A_242 = arith.constant 0 : i32
        %dma_wait3A_243 = tpu.memref_slice %arg11[%dma_wait3A_242] : memref<20096xi32, #tpu.memory_space<vmem>> -> memref<20000xi32, #tpu.memory_space<vmem>>
        %dma_wait3A_244 = tpu.memref_slice %arg6[%mul3A_0] : memref<324096xi32, #tpu.memory_space<hbm>> -> memref<20000xi32, #tpu.memory_space<hbm>>
        tpu.wait_dma2 semaphore(%run_scoped3A : memref<!tpu.dma_semaphore, #tpu.memory_space<semaphore_mem>>) src(%dma_wait3A_244 : memref<20000xi32, #tpu.memory_space<hbm>>) dst(%dma_wait3A_243 : memref<20000xi32, #tpu.memory_space<vmem>>)
        tpu.yield
      }) : () -> ()
      %scan3A_124 = arith.constant 0 : i32
      %scan3A_125 = arith.constant 0 : i32
      %scan3A_126 = arith.constant 256 : i32
      %scan3A_127 = arith.addi %scan3A_125, %scan3A_126 : i32
      %scan3A_128 = arith.constant 1 : i32
      %scan3A_129 = scf.for %scan3A_235 = %scan3A_125 to %scan3A_127 step %scan3A_128 iter_args(%scan3A_236 = %scan3A_124) -> (i32)  : i32 {
        %broadcast_in_dim3A_237 = arith.constant 0 : i32
        %broadcast_in_dim3A_238 = vector.broadcast %broadcast_in_dim3A_237 : i32 to vector<16xi32>
        %mul3A_239 = arith.constant 16 : i32
        %mul3A_240 = arith.muli %scan3A_235, %mul3A_239 : i32
        %swap3A = arith.index_cast %mul3A_240 : i32 to index
        %swap3A_241 = tpu.vector_load %arg13[%swap3A] {strides = array<i32>} : memref<4096xi32, #tpu.memory_space<vmem>>, vector<16xi32>,
        tpu.vector_store %arg13[%swap3A], %broadcast_in_dim3A_238 {strides = array<i32>} : memref<4096xi32, #tpu.memory_space<vmem>>, vector<16xi32>,
        %scan3A_242 = arith.constant 0 : i32
        scf.yield %scan3A_242 : i32
      }
      %scan3A_130 = arith.constant 256 : i32
      %scan3A_131 = arith.constant 0 : i32
      %scan3A_132 = arith.constant 0 : i32
      %scan3A_133 = arith.constant 1250 : i32
      %scan3A_134 = arith.addi %scan3A_132, %scan3A_133 : i32
      %scan3A_135 = arith.constant 1 : i32
      %scan3A_136 = scf.for %scan3A_235 = %scan3A_132 to %scan3A_134 step %scan3A_135 iter_args(%scan3A_236 = %scan3A_131) -> (i32)  : i32 {
        %mul3A_237 = arith.constant 1250 : i32
        %mul3A_238 = vector.broadcast %mul3A_237 : i32 to vector<16xi32>
        %mul3A_239 = arith.muli %iota3A, %mul3A_238 : vector<16xi32>
        %add3A = vector.broadcast %scan3A_235 : i32 to vector<16xi32>
        %add3A_240 = arith.addi %mul3A_239, %add3A : vector<16xi32>
        %gather3A = tpu.vector_load_idx %arg10[%add3A_240] : memref<20096xi32, #tpu.memory_space<vmem>>[vector<16xi32>], vector<16xi32>,
        %shift_right_logical3A = arith.constant 16 : i32
        %shift_right_logical3A_241 = vector.broadcast %shift_right_logical3A : i32 to vector<16xi32>
        %shift_right_logical3A_242 = arith.shrui %gather3A, %shift_right_logical3A_241 : vector<16xi32>
        %and3A = arith.constant 255 : i32
        %and3A_243 = vector.broadcast %and3A : i32 to vector<16xi32>
        %and3A_244 = arith.andi %shift_right_logical3A_242, %and3A_243 : vector<16xi32>
        %mul3A_245 = arith.constant 256 : i32
        %mul3A_246 = vector.broadcast %mul3A_245 : i32 to vector<16xi32>
        %mul3A_247 = arith.muli %iota3A, %mul3A_246 : vector<16xi32>
        %add3A_248 = arith.addi %mul3A_247, %and3A_244 : vector<16xi32>
        %gather3A_249 = tpu.vector_load_idx %arg13[%add3A_248] : memref<4096xi32, #tpu.memory_space<vmem>>[vector<16xi32>], vector<16xi32>,
        %add3A_250 = arith.constant 1 : i32
        %add3A_251 = vector.broadcast %add3A_250 : i32 to vector<16xi32>
        %add3A_252 = arith.addi %gather3A_249, %add3A_251 : vector<16xi32>
        tpu.vector_store_idx %arg13[%add3A_248], %add3A_252 : memref<4096xi32, #tpu.memory_space<vmem>>[vector<16xi32>], vector<16xi32>,
        %scan3A_253 = arith.constant 0 : i32
        scf.yield %scan3A_253 : i32
      }
      %scan3A_137 = arith.constant 1250 : i32
      %scan3A_138 = arith.constant 0 : i32
      %scan3A_139 = arith.constant 0 : i32
      %scan3A_140 = arith.constant 16 : i32
      %scan3A_141 = arith.addi %scan3A_139, %scan3A_140 : i32
      %scan3A_142 = arith.constant 1 : i32
      %scan3A_143 = scf.for %scan3A_235 = %scan3A_139 to %scan3A_141 step %scan3A_142 iter_args(%scan3A_236 = %scan3A_138) -> (i32)  : i32 {
        %mul3A_237 = arith.constant 16 : i32
        %mul3A_238 = arith.muli %scan3A_235, %mul3A_237 : i32
        %add3A = vector.broadcast %mul3A_238 : i32 to vector<16xi32>
        %add3A_239 = arith.addi %add3A, %iota3A : vector<16xi32>
        %broadcast_in_dim3A_240 = arith.constant 0 : i32
        %broadcast_in_dim3A_241 = vector.broadcast %broadcast_in_dim3A_240 : i32 to vector<16xi32>
        %add3A_242 = arith.constant 0 : i32
        %add3A_243 = vector.broadcast %add3A_242 : i32 to vector<16xi32>
        %add3A_244 = arith.addi %add3A_243, %add3A_239 : vector<16xi32>
        %gather3A = tpu.vector_load_idx %arg13[%add3A_244] : memref<4096xi32, #tpu.memory_space<vmem>>[vector<16xi32>], vector<16xi32>,
        %add3A_245 = arith.addi %broadcast_in_dim3A_241, %gather3A : vector<16xi32>
        %add3A_246 = arith.constant 256 : i32
        %add3A_247 = vector.broadcast %add3A_246 : i32 to vector<16xi32>
        %add3A_248 = arith.addi %add3A_247, %add3A_239 : vector<16xi32>
        %gather3A_249 = tpu.vector_load_idx %arg13[%add3A_248] : memref<4096xi32, #tpu.memory_space<vmem>>[vector<16xi32>], vector<16xi32>,
        %add3A_250 = arith.addi %add3A_245, %gather3A_249 : vector<16xi32>
        %add3A_251 = arith.constant 512 : i32
        %add3A_252 = vector.broadcast %add3A_251 : i32 to vector<16xi32>
        %add3A_253 = arith.addi %add3A_252, %add3A_239 : vector<16xi32>
        %gather3A_254 = tpu.vector_load_idx %arg13[%add3A_253] : memref<4096xi32, #tpu.memory_space<vmem>>[vector<16xi32>], vector<16xi32>,
        %add3A_255 = arith.addi %add3A_250, %gather3A_254 : vector<16xi32>
        %add3A_256 = arith.constant 768 : i32
        %add3A_257 = vector.broadcast %add3A_256 : i32 to vector<16xi32>
        %add3A_258 = arith.addi %add3A_257, %add3A_239 : vector<16xi32>
        %gather3A_259 = tpu.vector_load_idx %arg13[%add3A_258] : memref<4096xi32, #tpu.memory_space<vmem>>[vector<16xi32>], vector<16xi32>,
        %add3A_260 = arith.addi %add3A_255, %gather3A_259 : vector<16xi32>
        %add3A_261 = arith.constant 1024 : i32
        %add3A_262 = vector.broadcast %add3A_261 : i32 to vector<16xi32>
        %add3A_263 = arith.addi %add3A_262, %add3A_239 : vector<16xi32>
        %gather3A_264 = tpu.vector_load_idx %arg13[%add3A_263] : memref<4096xi32, #tpu.memory_space<vmem>>[vector<16xi32>], vector<16xi32>,
        %add3A_265 = arith.addi %add3A_260, %gather3A_264 : vector<16xi32>
        %add3A_266 = arith.constant 1280 : i32
        %add3A_267 = vector.broadcast %add3A_266 : i32 to vector<16xi32>
        %add3A_268 = arith.addi %add3A_267, %add3A_239 : vector<16xi32>
        %gather3A_269 = tpu.vector_load_idx %arg13[%add3A_268] : memref<4096xi32, #tpu.memory_space<vmem>>[vector<16xi32>], vector<16xi32>,
        %add3A_270 = arith.addi %add3A_265, %gather3A_269 : vector<16xi32>
        %add3A_271 = arith.constant 1536 : i32
        %add3A_272 = vector.broadcast %add3A_271 : i32 to vector<16xi32>
        %add3A_273 = arith.addi %add3A_272, %add3A_239 : vector<16xi32>
        %gather3A_274 = tpu.vector_load_idx %arg13[%add3A_273] : memref<4096xi32, #tpu.memory_space<vmem>>[vector<16xi32>], vector<16xi32>,
        %add3A_275 = arith.addi %add3A_270, %gather3A_274 : vector<16xi32>
        %add3A_276 = arith.constant 1792 : i32
        %add3A_277 = vector.broadcast %add3A_276 : i32 to vector<16xi32>
        %add3A_278 = arith.addi %add3A_277, %add3A_239 : vector<16xi32>
        %gather3A_279 = tpu.vector_load_idx %arg13[%add3A_278] : memref<4096xi32, #tpu.memory_space<vmem>>[vector<16xi32>], vector<16xi32>,
        %add3A_280 = arith.addi %add3A_275, %gather3A_279 : vector<16xi32>
        %add3A_281 = arith.constant 2048 : i32
        %add3A_282 = vector.broadcast %add3A_281 : i32 to vector<16xi32>
        %add3A_283 = arith.addi %add3A_282, %add3A_239 : vector<16xi32>
        %gather3A_284 = tpu.vector_load_idx %arg13[%add3A_283] : memref<4096xi32, #tpu.memory_space<vmem>>[vector<16xi32>], vector<16xi32>,
        %add3A_285 = arith.addi %add3A_280, %gather3A_284 : vector<16xi32>
        %add3A_286 = arith.constant 2304 : i32
        %add3A_287 = vector.broadcast %add3A_286 : i32 to vector<16xi32>
        %add3A_288 = arith.addi %add3A_287, %add3A_239 : vector<16xi32>
        %gather3A_289 = tpu.vector_load_idx %arg13[%add3A_288] : memref<4096xi32, #tpu.memory_space<vmem>>[vector<16xi32>], vector<16xi32>,
        %add3A_290 = arith.addi %add3A_285, %gather3A_289 : vector<16xi32>
        %add3A_291 = arith.constant 2560 : i32
        %add3A_292 = vector.broadcast %add3A_291 : i32 to vector<16xi32>
        %add3A_293 = arith.addi %add3A_292, %add3A_239 : vector<16xi32>
        %gather3A_294 = tpu.vector_load_idx %arg13[%add3A_293] : memref<4096xi32, #tpu.memory_space<vmem>>[vector<16xi32>], vector<16xi32>,
        %add3A_295 = arith.addi %add3A_290, %gather3A_294 : vector<16xi32>
        %add3A_296 = arith.constant 2816 : i32
        %add3A_297 = vector.broadcast %add3A_296 : i32 to vector<16xi32>
        %add3A_298 = arith.addi %add3A_297, %add3A_239 : vector<16xi32>
        %gather3A_299 = tpu.vector_load_idx %arg13[%add3A_298] : memref<4096xi32, #tpu.memory_space<vmem>>[vector<16xi32>], vector<16xi32>,
        %add3A_300 = arith.addi %add3A_295, %gather3A_299 : vector<16xi32>
        %add3A_301 = arith.constant 3072 : i32
        %add3A_302 = vector.broadcast %add3A_301 : i32 to vector<16xi32>
        %add3A_303 = arith.addi %add3A_302, %add3A_239 : vector<16xi32>
        %gather3A_304 = tpu.vector_load_idx %arg13[%add3A_303] : memref<4096xi32, #tpu.memory_space<vmem>>[vector<16xi32>], vector<16xi32>,
        %add3A_305 = arith.addi %add3A_300, %gather3A_304 : vector<16xi32>
        %add3A_306 = arith.constant 3328 : i32
        %add3A_307 = vector.broadcast %add3A_306 : i32 to vector<16xi32>
        %add3A_308 = arith.addi %add3A_307, %add3A_239 : vector<16xi32>
        %gather3A_309 = tpu.vector_load_idx %arg13[%add3A_308] : memref<4096xi32, #tpu.memory_space<vmem>>[vector<16xi32>], vector<16xi32>,
        %add3A_310 = arith.addi %add3A_305, %gather3A_309 : vector<16xi32>
        %add3A_311 = arith.constant 3584 : i32
        %add3A_312 = vector.broadcast %add3A_311 : i32 to vector<16xi32>
        %add3A_313 = arith.addi %add3A_312, %add3A_239 : vector<16xi32>
        %gather3A_314 = tpu.vector_load_idx %arg13[%add3A_313] : memref<4096xi32, #tpu.memory_space<vmem>>[vector<16xi32>], vector<16xi32>,
        %add3A_315 = arith.addi %add3A_310, %gather3A_314 : vector<16xi32>
        %add3A_316 = arith.constant 3840 : i32
        %add3A_317 = vector.broadcast %add3A_316 : i32 to vector<16xi32>
        %add3A_318 = arith.addi %add3A_317, %add3A_239 : vector<16xi32>
        %gather3A_319 = tpu.vector_load_idx %arg13[%add3A_318] : memref<4096xi32, #tpu.memory_space<vmem>>[vector<16xi32>], vector<16xi32>,
        %add3A_320 = arith.addi %add3A_315, %gather3A_319 : vector<16xi32>
        %mul3A_321 = arith.constant 16 : i32
        %mul3A_322 = arith.muli %scan3A_235, %mul3A_321 : i32
        %swap3A = arith.index_cast %mul3A_322 : i32 to index
        %swap3A_323 = tpu.vector_load %arg16[%swap3A] {strides = array<i32>} : memref<256xi32, #tpu.memory_space<vmem>>, vector<16xi32>,
        tpu.vector_store %arg16[%swap3A], %add3A_320 {strides = array<i32>} : memref<256xi32, #tpu.memory_space<vmem>>, vector<16xi32>,
        %scan3A_324 = arith.constant 0 : i32
        scf.yield %scan3A_324 : i32
      }
      %scan3A_144 = arith.constant 16 : i32
      %mul3A_145 = arith.constant 256 : i32
      %mul3A_146 = arith.muli %arg1, %mul3A_145 : i32
      "tpu.region"() ({
        %run_scoped3A = tpu.sem_alloc : memref<!tpu.dma_semaphore, #tpu.memory_space<semaphore_mem>>
        %dma_start3A = tpu.memref_slice %arg9[%mul3A_146] : memref<4096xi32, #tpu.memory_space<vmem_shared>> -> memref<256xi32, #tpu.memory_space<vmem_shared>>
        %dma_start3A_235 = tpu.memref_slice %arg9[%mul3A_146] : memref<4096xi32, #tpu.memory_space<vmem_shared>> -> memref<256xi32, #tpu.memory_space<vmem_shared>>
        tpu.enqueue_dma source(%arg16 : memref<256xi32, #tpu.memory_space<vmem>>) target(%dma_start3A_235 : memref<256xi32, #tpu.memory_space<vmem_shared>>) target_semaphore(%run_scoped3A : memref<!tpu.dma_semaphore, #tpu.memory_space<semaphore_mem>>)
        %dma_wait3A = tpu.memref_slice %arg9[%mul3A_146] : memref<4096xi32, #tpu.memory_space<vmem_shared>> -> memref<256xi32, #tpu.memory_space<vmem_shared>>
        %dma_wait3A_236 = tpu.memref_slice %arg9[%mul3A_146] : memref<4096xi32, #tpu.memory_space<vmem_shared>> -> memref<256xi32, #tpu.memory_space<vmem_shared>>
        tpu.wait_dma2 semaphore(%run_scoped3A : memref<!tpu.dma_semaphore, #tpu.memory_space<semaphore_mem>>) src(%arg16 : memref<256xi32, #tpu.memory_space<vmem>>) dst(%dma_wait3A_236 : memref<256xi32, #tpu.memory_space<vmem_shared>>)
        tpu.yield
      }) : () -> ()
      %barrier3A_147 = arith.constant 0 : index
      tpu.barrier barrier_id(%barrier3A_147)
      "tpu.region"() ({
        %run_scoped3A = tpu.sem_alloc : memref<!tpu.dma_semaphore, #tpu.memory_space<semaphore_mem>>
        tpu.enqueue_dma source(%arg9 : memref<4096xi32, #tpu.memory_space<vmem_shared>>) target(%arg15 : memref<4096xi32, #tpu.memory_space<vmem>>) target_semaphore(%run_scoped3A : memref<!tpu.dma_semaphore, #tpu.memory_space<semaphore_mem>>)
        tpu.wait_dma2 semaphore(%run_scoped3A : memref<!tpu.dma_semaphore, #tpu.memory_space<semaphore_mem>>) src(%arg9 : memref<4096xi32, #tpu.memory_space<vmem_shared>>) dst(%arg15 : memref<4096xi32, #tpu.memory_space<vmem>>)
        tpu.yield
      }) : () -> ()
      %broadcast_in_dim3A_148 = arith.constant 0 : i32
      %broadcast_in_dim3A_149 = vector.broadcast %broadcast_in_dim3A_148 : i32 to vector<16xi32>
      %scan3A_150 = arith.constant 0 : i32
      %scan3A_151 = arith.constant 256 : i32
      %scan3A_152 = arith.addi %scan3A_150, %scan3A_151 : i32
      %scan3A_153 = arith.constant 1 : i32
      %scan3A_154 = scf.for %scan3A_235 = %scan3A_150 to %scan3A_152 step %scan3A_153 iter_args(%scan3A_236 = %broadcast_in_dim3A_149) -> (vector<16xi32>)  : i32 {
        %mul3A_237 = arith.constant 256 : i32
        %mul3A_238 = vector.broadcast %mul3A_237 : i32 to vector<16xi32>
        %mul3A_239 = arith.muli %iota3A, %mul3A_238 : vector<16xi32>
        %add3A = vector.broadcast %scan3A_235 : i32 to vector<16xi32>
        %add3A_240 = arith.addi %mul3A_239, %add3A : vector<16xi32>
        %gather3A = tpu.vector_load_idx %arg15[%add3A_240] : memref<4096xi32, #tpu.memory_space<vmem>>[vector<16xi32>], vector<16xi32>,
        %broadcast_in_dim3A_241 = arith.constant true
        %broadcast_in_dim3A_242 = vector.broadcast %broadcast_in_dim3A_241 : i1 to vector<16xi1>
        %masked_cumsum3A = tpu.scan <sum>, %gather3A masked %broadcast_in_dim3A_242 : vector<16xi32>, vector<16xi1> -> vector<16xi32>
        %sub3A = arith.subi %masked_cumsum3A, %gather3A : vector<16xi32>
        %add3A_243 = arith.addi %scan3A_236, %sub3A : vector<16xi32>
        %swap3A = arith.constant 0 : index
        %swap3A_244 = tpu.vector_load %arg17[%swap3A] {strides = array<i32>} : memref<16xi32, #tpu.memory_space<vmem>>, vector<16xi32>,
        tpu.vector_store %arg17[%swap3A], %add3A_243 {strides = array<i32>} : memref<16xi32, #tpu.memory_space<vmem>>, vector<16xi32>,
        %broadcast_in_dim3A_245 = vector.broadcast %arg1 : i32 to vector<16xi32>
        %gather3A_246 = tpu.vector_load_idx %arg17[%broadcast_in_dim3A_245] : memref<16xi32, #tpu.memory_space<vmem>>[vector<16xi32>], vector<16xi32>,
        %mul3A_247 = arith.constant 256 : i32
        %mul3A_248 = vector.broadcast %mul3A_247 : i32 to vector<16xi32>
        %mul3A_249 = arith.muli %iota3A, %mul3A_248 : vector<16xi32>
        %add3A_250 = vector.broadcast %scan3A_235 : i32 to vector<16xi32>
        %add3A_251 = arith.addi %mul3A_249, %add3A_250 : vector<16xi32>
        %gather3A_252 = tpu.vector_load_idx %arg13[%add3A_251] : memref<4096xi32, #tpu.memory_space<vmem>>[vector<16xi32>], vector<16xi32>,
        %broadcast_in_dim3A_253 = arith.constant true
        %broadcast_in_dim3A_254 = vector.broadcast %broadcast_in_dim3A_253 : i1 to vector<16xi1>
        %masked_cumsum3A_255 = tpu.scan <sum>, %gather3A_252 masked %broadcast_in_dim3A_254 : vector<16xi32>, vector<16xi1> -> vector<16xi32>
        %sub3A_256 = arith.subi %masked_cumsum3A_255, %gather3A_252 : vector<16xi32>
        %mul3A_257 = arith.constant 256 : i32
        %mul3A_258 = vector.broadcast %mul3A_257 : i32 to vector<16xi32>
        %mul3A_259 = arith.muli %iota3A, %mul3A_258 : vector<16xi32>
        %add3A_260 = vector.broadcast %scan3A_235 : i32 to vector<16xi32>
        %add3A_261 = arith.addi %mul3A_259, %add3A_260 : vector<16xi32>
        %add3A_262 = arith.addi %gather3A_246, %sub3A_256 : vector<16xi32>
        tpu.vector_store_idx %arg14[%add3A_261], %add3A_262 : memref<4096xi32, #tpu.memory_space<vmem>>[vector<16xi32>], vector<16xi32>,
        %swap3A_263 = arith.constant 0 : index
        %swap3A_264 = tpu.vector_load %arg17[%swap3A_263] {strides = array<i32>} : memref<16xi32, #tpu.memory_space<vmem>>, vector<16xi32>,
        tpu.vector_store %arg17[%swap3A_263], %masked_cumsum3A {strides = array<i32>} : memref<16xi32, #tpu.memory_space<vmem>>, vector<16xi32>,
        %broadcast_in_dim3A_265 = arith.constant 15 : i32
        %broadcast_in_dim3A_266 = vector.broadcast %broadcast_in_dim3A_265 : i32 to vector<16xi32>
        %gather3A_267 = tpu.vector_load_idx %arg17[%broadcast_in_dim3A_266] : memref<16xi32, #tpu.memory_space<vmem>>[vector<16xi32>], vector<16xi32>,
        %add3A_268 = arith.addi %scan3A_236, %gather3A_267 : vector<16xi32>
        scf.yield %add3A_268 : vector<16xi32>
      }
      %scan3A_155 = arith.constant 256 : i32
      %scan3A_156 = arith.constant 0 : i32
      %scan3A_157 = arith.constant 0 : i32
      %scan3A_158 = arith.constant 1250 : i32
      %scan3A_159 = arith.addi %scan3A_157, %scan3A_158 : i32
      %scan3A_160 = arith.constant 1 : i32
      %scan3A_161 = scf.for %scan3A_235 = %scan3A_157 to %scan3A_159 step %scan3A_160 iter_args(%scan3A_236 = %scan3A_156) -> (i32)  : i32 {
        %mul3A_237 = arith.constant 1250 : i32
        %mul3A_238 = vector.broadcast %mul3A_237 : i32 to vector<16xi32>
        %mul3A_239 = arith.muli %iota3A, %mul3A_238 : vector<16xi32>
        %add3A = vector.broadcast %scan3A_235 : i32 to vector<16xi32>
        %add3A_240 = arith.addi %mul3A_239, %add3A : vector<16xi32>
        %gather3A = tpu.vector_load_idx %arg10[%add3A_240] : memref<20096xi32, #tpu.memory_space<vmem>>[vector<16xi32>], vector<16xi32>,
        %shift_right_logical3A = arith.constant 16 : i32
        %shift_right_logical3A_241 = vector.broadcast %shift_right_logical3A : i32 to vector<16xi32>
        %shift_right_logical3A_242 = arith.shrui %gather3A, %shift_right_logical3A_241 : vector<16xi32>
        %and3A = arith.constant 255 : i32
        %and3A_243 = vector.broadcast %and3A : i32 to vector<16xi32>
        %and3A_244 = arith.andi %shift_right_logical3A_242, %and3A_243 : vector<16xi32>
        %mul3A_245 = arith.constant 256 : i32
        %mul3A_246 = vector.broadcast %mul3A_245 : i32 to vector<16xi32>
        %mul3A_247 = arith.muli %iota3A, %mul3A_246 : vector<16xi32>
        %add3A_248 = arith.addi %mul3A_247, %and3A_244 : vector<16xi32>
        %gather3A_249 = tpu.vector_load_idx %arg14[%add3A_248] : memref<4096xi32, #tpu.memory_space<vmem>>[vector<16xi32>], vector<16xi32>,
        %add3A_250 = arith.constant 1 : i32
        %add3A_251 = vector.broadcast %add3A_250 : i32 to vector<16xi32>
        %add3A_252 = arith.addi %gather3A_249, %add3A_251 : vector<16xi32>
        tpu.vector_store_idx %arg14[%add3A_248], %add3A_252 : memref<4096xi32, #tpu.memory_space<vmem>>[vector<16xi32>], vector<16xi32>,
        %jit3A = arith.constant 128 : i32
        %div3A = vector.broadcast %jit3A : i32 to vector<16xi32>
        %div3A_253 = arith.divsi %add3A_240, %div3A : vector<16xi32>
        %sign3A = arith.constant 0 : i32
        %sign3A_254 = vector.broadcast %sign3A : i32 to vector<16xi32>
        %sign3A_255 = arith.cmpi sgt, %add3A_240, %sign3A_254 : vector<16xi32>
        %sign3A_256 = arith.extui %sign3A_255 : vector<16xi1> to vector<16xi32>
        %sign3A_257 = arith.constant 0 : i32
        %sign3A_258 = vector.broadcast %sign3A_257 : i32 to vector<16xi32>
        %sign3A_259 = arith.cmpi slt, %add3A_240, %sign3A_258 : vector<16xi32>
        %sign3A_260 = arith.extui %sign3A_259 : vector<16xi1> to vector<16xi32>
        %sign3A_261 = arith.subi %sign3A_256, %sign3A_260 : vector<16xi32>
        %sign3A_262 = arith.constant 0 : i32
        %sign3A_263 = arith.cmpi sgt, %jit3A, %sign3A_262 : i32
        %sign3A_264 = arith.extui %sign3A_263 : i1 to i32
        %sign3A_265 = arith.constant 0 : i32
        %sign3A_266 = arith.cmpi slt, %jit3A, %sign3A_265 : i32
        %sign3A_267 = arith.extui %sign3A_266 : i1 to i32
        %sign3A_268 = arith.subi %sign3A_264, %sign3A_267 : i32
        %ne3A = vector.broadcast %sign3A_268 : i32 to vector<16xi32>
        %ne3A_269 = arith.cmpi ne, %sign3A_261, %ne3A : vector<16xi32>
        %rem3A = vector.broadcast %jit3A : i32 to vector<16xi32>
        %rem3A_270 = arith.remsi %add3A_240, %rem3A : vector<16xi32>
        %ne3A_271 = arith.constant 0 : i32
        %ne3A_272 = vector.broadcast %ne3A_271 : i32 to vector<16xi32>
        %ne3A_273 = arith.cmpi ne, %rem3A_270, %ne3A_272 : vector<16xi32>
        %and3A_274 = arith.andi %ne3A_269, %ne3A_273 : vector<16xi1>
        %sub3A = arith.constant 1 : i32
        %sub3A_275 = vector.broadcast %sub3A : i32 to vector<16xi32>
        %sub3A_276 = arith.subi %div3A_253, %sub3A_275 : vector<16xi32>
        %select_n3A = arith.select %and3A_274, %sub3A_276, %div3A_253 : vector<16xi1>, vector<16xi32>
        %jit3A_277 = arith.constant 128 : i32
        %eq3A_278 = arith.constant 0 : i32
        %eq3A_279 = arith.cmpi eq, %jit3A_277, %eq3A_278 : i32
        %jit3A_280 = arith.constant 1 : i32
        %select_n3A_281 = arith.select %eq3A_279, %jit3A_280, %jit3A_277 : i32
        %rem3A_282 = vector.broadcast %select_n3A_281 : i32 to vector<16xi32>
        %rem3A_283 = arith.remsi %add3A_240, %rem3A_282 : vector<16xi32>
        %ne3A_284 = arith.constant 0 : i32
        %ne3A_285 = vector.broadcast %ne3A_284 : i32 to vector<16xi32>
        %ne3A_286 = arith.cmpi ne, %rem3A_283, %ne3A_285 : vector<16xi32>
        %lt3A = arith.constant 0 : i32
        %lt3A_287 = vector.broadcast %lt3A : i32 to vector<16xi32>
        %lt3A_288 = arith.cmpi slt, %rem3A_283, %lt3A_287 : vector<16xi32>
        %lt3A_289 = arith.constant 0 : i32
        %lt3A_290 = arith.cmpi slt, %select_n3A_281, %lt3A_289 : i32
        %ne3A_291 = vector.broadcast %lt3A_290 : i1 to vector<16xi1>
        %ne3A_292 = vector.broadcast %ne3A_291 : vector<16xi1> to vector<16xi1>
        %ne3A_293 = arith.xori %lt3A_288, %ne3A_292 : vector<16xi1>
        %and3A_294 = arith.andi %ne3A_293, %ne3A_286 : vector<16xi1>
        %add3A_295 = vector.broadcast %select_n3A_281 : i32 to vector<16xi32>
        %add3A_296 = arith.addi %rem3A_283, %add3A_295 : vector<16xi32>
        %select_n3A_297 = arith.select %and3A_294, %add3A_296, %rem3A_283 : vector<16xi1>, vector<16xi32>
        tpu.vector_store_idx %arg12[%select_n3A, %select_n3A_297], %gather3A_249 : memref<157x128xi32, #tpu.memory_space<vmem>>[vector<16xi32>, vector<16xi32>], vector<16xi32>,
        %scan3A_298 = arith.constant 0 : i32
        scf.yield %scan3A_298 : i32
      }
      %scan3A_162 = arith.constant 1250 : i32
      %scan3A_163 = arith.constant 0 : i32
      %scan3A_164 = arith.constant 0 : i32
      %scan3A_165 = arith.constant 6 : i32
      %scan3A_166 = arith.addi %scan3A_164, %scan3A_165 : i32
      %scan3A_167 = arith.constant 1 : i32
      %scan3A_168 = scf.for %scan3A_235 = %scan3A_164 to %scan3A_166 step %scan3A_167 iter_args(%scan3A_236 = %scan3A_163) -> (i32)  : i32 {
        %mul3A_237 = arith.constant 16 : i32
        %mul3A_238 = arith.muli %scan3A_235, %mul3A_237 : i32
        %add3A = arith.constant 20000 : i32
        %add3A_239 = arith.addi %add3A, %mul3A_238 : i32
        %add3A_240 = vector.broadcast %add3A_239 : i32 to vector<16xi32>
        %add3A_241 = arith.addi %add3A_240, %iota3A : vector<16xi32>
        %jit3A = arith.constant 128 : i32
        %div3A = vector.broadcast %jit3A : i32 to vector<16xi32>
        %div3A_242 = arith.divsi %add3A_241, %div3A : vector<16xi32>
        %sign3A = arith.constant 0 : i32
        %sign3A_243 = vector.broadcast %sign3A : i32 to vector<16xi32>
        %sign3A_244 = arith.cmpi sgt, %add3A_241, %sign3A_243 : vector<16xi32>
        %sign3A_245 = arith.extui %sign3A_244 : vector<16xi1> to vector<16xi32>
        %sign3A_246 = arith.constant 0 : i32
        %sign3A_247 = vector.broadcast %sign3A_246 : i32 to vector<16xi32>
        %sign3A_248 = arith.cmpi slt, %add3A_241, %sign3A_247 : vector<16xi32>
        %sign3A_249 = arith.extui %sign3A_248 : vector<16xi1> to vector<16xi32>
        %sign3A_250 = arith.subi %sign3A_245, %sign3A_249 : vector<16xi32>
        %sign3A_251 = arith.constant 0 : i32
        %sign3A_252 = arith.cmpi sgt, %jit3A, %sign3A_251 : i32
        %sign3A_253 = arith.extui %sign3A_252 : i1 to i32
        %sign3A_254 = arith.constant 0 : i32
        %sign3A_255 = arith.cmpi slt, %jit3A, %sign3A_254 : i32
        %sign3A_256 = arith.extui %sign3A_255 : i1 to i32
        %sign3A_257 = arith.subi %sign3A_253, %sign3A_256 : i32
        %ne3A = vector.broadcast %sign3A_257 : i32 to vector<16xi32>
        %ne3A_258 = arith.cmpi ne, %sign3A_250, %ne3A : vector<16xi32>
        %rem3A = vector.broadcast %jit3A : i32 to vector<16xi32>
        %rem3A_259 = arith.remsi %add3A_241, %rem3A : vector<16xi32>
        %ne3A_260 = arith.constant 0 : i32
        %ne3A_261 = vector.broadcast %ne3A_260 : i32 to vector<16xi32>
        %ne3A_262 = arith.cmpi ne, %rem3A_259, %ne3A_261 : vector<16xi32>
        %and3A = arith.andi %ne3A_258, %ne3A_262 : vector<16xi1>
        %sub3A = arith.constant 1 : i32
        %sub3A_263 = vector.broadcast %sub3A : i32 to vector<16xi32>
        %sub3A_264 = arith.subi %div3A_242, %sub3A_263 : vector<16xi32>
        %select_n3A = arith.select %and3A, %sub3A_264, %div3A_242 : vector<16xi1>, vector<16xi32>
        %jit3A_265 = arith.constant 128 : i32
        %eq3A_266 = arith.constant 0 : i32
        %eq3A_267 = arith.cmpi eq, %jit3A_265, %eq3A_266 : i32
        %jit3A_268 = arith.constant 1 : i32
        %select_n3A_269 = arith.select %eq3A_267, %jit3A_268, %jit3A_265 : i32
        %rem3A_270 = vector.broadcast %select_n3A_269 : i32 to vector<16xi32>
        %rem3A_271 = arith.remsi %add3A_241, %rem3A_270 : vector<16xi32>
        %ne3A_272 = arith.constant 0 : i32
        %ne3A_273 = vector.broadcast %ne3A_272 : i32 to vector<16xi32>
        %ne3A_274 = arith.cmpi ne, %rem3A_271, %ne3A_273 : vector<16xi32>
        %lt3A = arith.constant 0 : i32
        %lt3A_275 = vector.broadcast %lt3A : i32 to vector<16xi32>
        %lt3A_276 = arith.cmpi slt, %rem3A_271, %lt3A_275 : vector<16xi32>
        %lt3A_277 = arith.constant 0 : i32
        %lt3A_278 = arith.cmpi slt, %select_n3A_269, %lt3A_277 : i32
        %ne3A_279 = vector.broadcast %lt3A_278 : i1 to vector<16xi1>
        %ne3A_280 = vector.broadcast %ne3A_279 : vector<16xi1> to vector<16xi1>
        %ne3A_281 = arith.xori %lt3A_276, %ne3A_280 : vector<16xi1>
        %and3A_282 = arith.andi %ne3A_281, %ne3A_274 : vector<16xi1>
        %add3A_283 = vector.broadcast %select_n3A_269 : i32 to vector<16xi32>
        %add3A_284 = arith.addi %rem3A_271, %add3A_283 : vector<16xi32>
        %select_n3A_285 = arith.select %and3A_282, %add3A_284, %rem3A_271 : vector<16xi1>, vector<16xi32>
        %mul3A_286 = arith.constant 128 : i32
        %mul3A_287 = arith.muli %arg1, %mul3A_286 : i32
        %add3A_288 = arith.constant 320000 : i32
        %add3A_289 = arith.addi %add3A_288, %mul3A_287 : i32
        %mul3A_290 = arith.constant 16 : i32
        %mul3A_291 = arith.muli %scan3A_235, %mul3A_290 : i32
        %add3A_292 = arith.addi %add3A_289, %mul3A_291 : i32
        %add3A_293 = vector.broadcast %add3A_292 : i32 to vector<16xi32>
        %add3A_294 = arith.addi %add3A_293, %iota3A : vector<16xi32>
        tpu.vector_store_idx %arg12[%select_n3A, %select_n3A_285], %add3A_294 : memref<157x128xi32, #tpu.memory_space<vmem>>[vector<16xi32>, vector<16xi32>], vector<16xi32>,
        %scan3A_295 = arith.constant 0 : i32
        scf.yield %scan3A_295 : i32
      }
      %scan3A_169 = arith.constant 6 : i32
      %scan3A_170 = arith.constant 0 : i32
      %scan3A_171 = arith.constant 0 : i32
      %scan3A_172 = arith.constant 157 : i32
      %scan3A_173 = arith.addi %scan3A_171, %scan3A_172 : i32
      %scan3A_174 = arith.constant 1 : i32
      %scan3A_175 = scf.for %scan3A_235 = %scan3A_171 to %scan3A_173 step %scan3A_174 iter_args(%scan3A_236 = %scan3A_170) -> (i32)  : i32 {
        %mul3A_237 = arith.constant 128 : i32
        %mul3A_238 = arith.muli %scan3A_235, %mul3A_237 : i32
        %dma_start3A = tpu.memref_slice %arg10[%mul3A_238] : memref<20096xi32, #tpu.memory_space<vmem>> -> memref<128xi32, #tpu.memory_space<vmem>>
        %dma_start3A_239 = arith.constant 0 : i32
        %dma_start3A_240 = tpu.memref_slice %arg12[%scan3A_235, %dma_start3A_239] : memref<157x128xi32, #tpu.memory_space<vmem>> -> memref<1x128xi32, #tpu.memory_space<vmem>>
        %dma_start3A_241 = tpu.memref_squeeze %dma_start3A_240 : memref<1x128xi32, #tpu.memory_space<vmem>> -> memref<128xi32, #tpu.memory_space<vmem>>
        %dma_start3A_242 = arith.constant 0 : i32
        %dma_start3A_243 = tpu.memref_slice %arg7[%dma_start3A_242] : memref<324096xi32, #tpu.memory_space<vmem_shared>> -> memref<324096xi32, #tpu.memory_space<vmem_shared>>
        tpu.enqueue_indirect_dma source(%dma_start3A : memref<128xi32, #tpu.memory_space<vmem>>) target(%dma_start3A_243 : memref<324096xi32, #tpu.memory_space<vmem_shared>>) offsets(%dma_start3A_241 : memref<128xi32, #tpu.memory_space<vmem>>) semaphore(%arg18 : memref<!tpu.dma_semaphore, #tpu.memory_space<semaphore_mem>>)
        %mul3A_244 = arith.constant 128 : i32
        %mul3A_245 = arith.muli %scan3A_235, %mul3A_244 : i32
        %dma_start3A_246 = tpu.memref_slice %arg11[%mul3A_245] : memref<20096xi32, #tpu.memory_space<vmem>> -> memref<128xi32, #tpu.memory_space<vmem>>
        %dma_start3A_247 = arith.constant 0 : i32
        %dma_start3A_248 = tpu.memref_slice %arg12[%scan3A_235, %dma_start3A_247] : memref<157x128xi32, #tpu.memory_space<vmem>> -> memref<1x128xi32, #tpu.memory_space<vmem>>
        %dma_start3A_249 = tpu.memref_squeeze %dma_start3A_248 : memref<1x128xi32, #tpu.memory_space<vmem>> -> memref<128xi32, #tpu.memory_space<vmem>>
        %dma_start3A_250 = arith.constant 0 : i32
        %dma_start3A_251 = tpu.memref_slice %arg8[%dma_start3A_250] : memref<324096xi32, #tpu.memory_space<vmem_shared>> -> memref<324096xi32, #tpu.memory_space<vmem_shared>>
        tpu.enqueue_indirect_dma source(%dma_start3A_246 : memref<128xi32, #tpu.memory_space<vmem>>) target(%dma_start3A_251 : memref<324096xi32, #tpu.memory_space<vmem_shared>>) offsets(%dma_start3A_249 : memref<128xi32, #tpu.memory_space<vmem>>) semaphore(%arg19 : memref<!tpu.dma_semaphore, #tpu.memory_space<semaphore_mem>>)
        %dma_wait3A = tpu.memref_slice %arg10[%mul3A_238] : memref<20096xi32, #tpu.memory_space<vmem>> -> memref<128xi32, #tpu.memory_space<vmem>>
        %dma_wait3A_252 = arith.constant 0 : i32
        %dma_wait3A_253 = tpu.memref_slice %arg12[%scan3A_235, %dma_wait3A_252] : memref<157x128xi32, #tpu.memory_space<vmem>> -> memref<1x128xi32, #tpu.memory_space<vmem>>
        %dma_wait3A_254 = tpu.memref_squeeze %dma_wait3A_253 : memref<1x128xi32, #tpu.memory_space<vmem>> -> memref<128xi32, #tpu.memory_space<vmem>>
        %dma_wait3A_255 = arith.constant 0 : i32
        %dma_wait3A_256 = tpu.memref_slice %arg7[%dma_wait3A_255] : memref<324096xi32, #tpu.memory_space<vmem_shared>> -> memref<324096xi32, #tpu.memory_space<vmem_shared>>
        tpu.wait_indirect_dma semaphore(%arg18 : memref<!tpu.dma_semaphore, #tpu.memory_space<semaphore_mem>>) src(%dma_wait3A : memref<128xi32, #tpu.memory_space<vmem>>) dst(%dma_wait3A_256 : memref<324096xi32, #tpu.memory_space<vmem_shared>>)
        %dma_wait3A_257 = tpu.memref_slice %arg11[%mul3A_245] : memref<20096xi32, #tpu.memory_space<vmem>> -> memref<128xi32, #tpu.memory_space<vmem>>
        %dma_wait3A_258 = arith.constant 0 : i32
        %dma_wait3A_259 = tpu.memref_slice %arg12[%scan3A_235, %dma_wait3A_258] : memref<157x128xi32, #tpu.memory_space<vmem>> -> memref<1x128xi32, #tpu.memory_space<vmem>>
        %dma_wait3A_260 = tpu.memref_squeeze %dma_wait3A_259 : memref<1x128xi32, #tpu.memory_space<vmem>> -> memref<128xi32, #tpu.memory_space<vmem>>
        %dma_wait3A_261 = arith.constant 0 : i32
        %dma_wait3A_262 = tpu.memref_slice %arg8[%dma_wait3A_261] : memref<324096xi32, #tpu.memory_space<vmem_shared>> -> memref<324096xi32, #tpu.memory_space<vmem_shared>>
        tpu.wait_indirect_dma semaphore(%arg19 : memref<!tpu.dma_semaphore, #tpu.memory_space<semaphore_mem>>) src(%dma_wait3A_257 : memref<128xi32, #tpu.memory_space<vmem>>) dst(%dma_wait3A_262 : memref<324096xi32, #tpu.memory_space<vmem_shared>>)
        %scan3A_263 = arith.constant 0 : i32
        scf.yield %scan3A_263 : i32
      }
      %scan3A_176 = arith.constant 157 : i32
      %barrier3A_177 = arith.constant 0 : index
      tpu.barrier barrier_id(%barrier3A_177)
      "tpu.region"() ({
        %run_scoped3A = tpu.sem_alloc : memref<!tpu.dma_semaphore, #tpu.memory_space<semaphore_mem>>
        %dma_start3A = arith.constant 0 : i32
        %dma_start3A_235 = tpu.memref_slice %arg10[%dma_start3A] : memref<20096xi32, #tpu.memory_space<vmem>> -> memref<20000xi32, #tpu.memory_space<vmem>>
        %dma_start3A_236 = tpu.memref_slice %arg7[%mul3A_0] : memref<324096xi32, #tpu.memory_space<vmem_shared>> -> memref<20000xi32, #tpu.memory_space<vmem_shared>>
        %dma_start3A_237 = arith.constant 0 : i32
        %dma_start3A_238 = tpu.memref_slice %arg10[%dma_start3A_237] : memref<20096xi32, #tpu.memory_space<vmem>> -> memref<20000xi32, #tpu.memory_space<vmem>>
        %dma_start3A_239 = tpu.memref_slice %arg7[%mul3A_0] : memref<324096xi32, #tpu.memory_space<vmem_shared>> -> memref<20000xi32, #tpu.memory_space<vmem_shared>>
        tpu.enqueue_dma source(%dma_start3A_239 : memref<20000xi32, #tpu.memory_space<vmem_shared>>) target(%dma_start3A_238 : memref<20000xi32, #tpu.memory_space<vmem>>) target_semaphore(%run_scoped3A : memref<!tpu.dma_semaphore, #tpu.memory_space<semaphore_mem>>)
        %dma_wait3A = arith.constant 0 : i32
        %dma_wait3A_240 = tpu.memref_slice %arg10[%dma_wait3A] : memref<20096xi32, #tpu.memory_space<vmem>> -> memref<20000xi32, #tpu.memory_space<vmem>>
        %dma_wait3A_241 = tpu.memref_slice %arg7[%mul3A_0] : memref<324096xi32, #tpu.memory_space<vmem_shared>> -> memref<20000xi32, #tpu.memory_space<vmem_shared>>
        %dma_wait3A_242 = arith.constant 0 : i32
        %dma_wait3A_243 = tpu.memref_slice %arg10[%dma_wait3A_242] : memref<20096xi32, #tpu.memory_space<vmem>> -> memref<20000xi32, #tpu.memory_space<vmem>>
        %dma_wait3A_244 = tpu.memref_slice %arg7[%mul3A_0] : memref<324096xi32, #tpu.memory_space<vmem_shared>> -> memref<20000xi32, #tpu.memory_space<vmem_shared>>
        tpu.wait_dma2 semaphore(%run_scoped3A : memref<!tpu.dma_semaphore, #tpu.memory_space<semaphore_mem>>) src(%dma_wait3A_244 : memref<20000xi32, #tpu.memory_space<vmem_shared>>) dst(%dma_wait3A_243 : memref<20000xi32, #tpu.memory_space<vmem>>)
        tpu.yield
      }) : () -> ()
      "tpu.region"() ({
        %run_scoped3A = tpu.sem_alloc : memref<!tpu.dma_semaphore, #tpu.memory_space<semaphore_mem>>
        %dma_start3A = arith.constant 0 : i32
        %dma_start3A_235 = tpu.memref_slice %arg10[%dma_start3A] : memref<20096xi32, #tpu.memory_space<vmem>> -> memref<20000xi32, #tpu.memory_space<vmem>>
        %dma_start3A_236 = tpu.memref_slice %arg5[%mul3A_0] : memref<324096xi32, #tpu.memory_space<hbm>> -> memref<20000xi32, #tpu.memory_space<hbm>>
        %dma_start3A_237 = tpu.memref_slice %arg5[%mul3A_0] : memref<324096xi32, #tpu.memory_space<hbm>> -> memref<20000xi32, #tpu.memory_space<hbm>>
        %dma_start3A_238 = arith.constant 0 : i32
        %dma_start3A_239 = tpu.memref_slice %arg10[%dma_start3A_238] : memref<20096xi32, #tpu.memory_space<vmem>> -> memref<20000xi32, #tpu.memory_space<vmem>>
        tpu.enqueue_dma source(%dma_start3A_239 : memref<20000xi32, #tpu.memory_space<vmem>>) target(%dma_start3A_237 : memref<20000xi32, #tpu.memory_space<hbm>>) target_semaphore(%run_scoped3A : memref<!tpu.dma_semaphore, #tpu.memory_space<semaphore_mem>>)
        %dma_wait3A = arith.constant 0 : i32
        %dma_wait3A_240 = tpu.memref_slice %arg10[%dma_wait3A] : memref<20096xi32, #tpu.memory_space<vmem>> -> memref<20000xi32, #tpu.memory_space<vmem>>
        %dma_wait3A_241 = tpu.memref_slice %arg5[%mul3A_0] : memref<324096xi32, #tpu.memory_space<hbm>> -> memref<20000xi32, #tpu.memory_space<hbm>>
        %dma_wait3A_242 = tpu.memref_slice %arg5[%mul3A_0] : memref<324096xi32, #tpu.memory_space<hbm>> -> memref<20000xi32, #tpu.memory_space<hbm>>
        %dma_wait3A_243 = arith.constant 0 : i32
        %dma_wait3A_244 = tpu.memref_slice %arg10[%dma_wait3A_243] : memref<20096xi32, #tpu.memory_space<vmem>> -> memref<20000xi32, #tpu.memory_space<vmem>>
        tpu.wait_dma2 semaphore(%run_scoped3A : memref<!tpu.dma_semaphore, #tpu.memory_space<semaphore_mem>>) src(%dma_wait3A_244 : memref<20000xi32, #tpu.memory_space<vmem>>) dst(%dma_wait3A_242 : memref<20000xi32, #tpu.memory_space<hbm>>)
        tpu.yield
      }) : () -> ()
      "tpu.region"() ({
        %run_scoped3A = tpu.sem_alloc : memref<!tpu.dma_semaphore, #tpu.memory_space<semaphore_mem>>
        %dma_start3A = arith.constant 0 : i32
        %dma_start3A_235 = tpu.memref_slice %arg11[%dma_start3A] : memref<20096xi32, #tpu.memory_space<vmem>> -> memref<20000xi32, #tpu.memory_space<vmem>>
        %dma_start3A_236 = tpu.memref_slice %arg8[%mul3A_0] : memref<324096xi32, #tpu.memory_space<vmem_shared>> -> memref<20000xi32, #tpu.memory_space<vmem_shared>>
        %dma_start3A_237 = arith.constant 0 : i32
        %dma_start3A_238 = tpu.memref_slice %arg11[%dma_start3A_237] : memref<20096xi32, #tpu.memory_space<vmem>> -> memref<20000xi32, #tpu.memory_space<vmem>>
        %dma_start3A_239 = tpu.memref_slice %arg8[%mul3A_0] : memref<324096xi32, #tpu.memory_space<vmem_shared>> -> memref<20000xi32, #tpu.memory_space<vmem_shared>>
        tpu.enqueue_dma source(%dma_start3A_239 : memref<20000xi32, #tpu.memory_space<vmem_shared>>) target(%dma_start3A_238 : memref<20000xi32, #tpu.memory_space<vmem>>) target_semaphore(%run_scoped3A : memref<!tpu.dma_semaphore, #tpu.memory_space<semaphore_mem>>)
        %dma_wait3A = arith.constant 0 : i32
        %dma_wait3A_240 = tpu.memref_slice %arg11[%dma_wait3A] : memref<20096xi32, #tpu.memory_space<vmem>> -> memref<20000xi32, #tpu.memory_space<vmem>>
        %dma_wait3A_241 = tpu.memref_slice %arg8[%mul3A_0] : memref<324096xi32, #tpu.memory_space<vmem_shared>> -> memref<20000xi32, #tpu.memory_space<vmem_shared>>
        %dma_wait3A_242 = arith.constant 0 : i32
        %dma_wait3A_243 = tpu.memref_slice %arg11[%dma_wait3A_242] : memref<20096xi32, #tpu.memory_space<vmem>> -> memref<20000xi32, #tpu.memory_space<vmem>>
        %dma_wait3A_244 = tpu.memref_slice %arg8[%mul3A_0] : memref<324096xi32, #tpu.memory_space<vmem_shared>> -> memref<20000xi32, #tpu.memory_space<vmem_shared>>
        tpu.wait_dma2 semaphore(%run_scoped3A : memref<!tpu.dma_semaphore, #tpu.memory_space<semaphore_mem>>) src(%dma_wait3A_244 : memref<20000xi32, #tpu.memory_space<vmem_shared>>) dst(%dma_wait3A_243 : memref<20000xi32, #tpu.memory_space<vmem>>)
        tpu.yield
      }) : () -> ()
      "tpu.region"() ({
        %run_scoped3A = tpu.sem_alloc : memref<!tpu.dma_semaphore, #tpu.memory_space<semaphore_mem>>
        %dma_start3A = arith.constant 0 : i32
        %dma_start3A_235 = tpu.memref_slice %arg11[%dma_start3A] : memref<20096xi32, #tpu.memory_space<vmem>> -> memref<20000xi32, #tpu.memory_space<vmem>>
        %dma_start3A_236 = tpu.memref_slice %arg6[%mul3A_0] : memref<324096xi32, #tpu.memory_space<hbm>> -> memref<20000xi32, #tpu.memory_space<hbm>>
        %dma_start3A_237 = tpu.memref_slice %arg6[%mul3A_0] : memref<324096xi32, #tpu.memory_space<hbm>> -> memref<20000xi32, #tpu.memory_space<hbm>>
        %dma_start3A_238 = arith.constant 0 : i32
        %dma_start3A_239 = tpu.memref_slice %arg11[%dma_start3A_238] : memref<20096xi32, #tpu.memory_space<vmem>> -> memref<20000xi32, #tpu.memory_space<vmem>>
        tpu.enqueue_dma source(%dma_start3A_239 : memref<20000xi32, #tpu.memory_space<vmem>>) target(%dma_start3A_237 : memref<20000xi32, #tpu.memory_space<hbm>>) target_semaphore(%run_scoped3A : memref<!tpu.dma_semaphore, #tpu.memory_space<semaphore_mem>>)
        %dma_wait3A = arith.constant 0 : i32
        %dma_wait3A_240 = tpu.memref_slice %arg11[%dma_wait3A] : memref<20096xi32, #tpu.memory_space<vmem>> -> memref<20000xi32, #tpu.memory_space<vmem>>
        %dma_wait3A_241 = tpu.memref_slice %arg6[%mul3A_0] : memref<324096xi32, #tpu.memory_space<hbm>> -> memref<20000xi32, #tpu.memory_space<hbm>>
        %dma_wait3A_242 = tpu.memref_slice %arg6[%mul3A_0] : memref<324096xi32, #tpu.memory_space<hbm>> -> memref<20000xi32, #tpu.memory_space<hbm>>
        %dma_wait3A_243 = arith.constant 0 : i32
        %dma_wait3A_244 = tpu.memref_slice %arg11[%dma_wait3A_243] : memref<20096xi32, #tpu.memory_space<vmem>> -> memref<20000xi32, #tpu.memory_space<vmem>>
        tpu.wait_dma2 semaphore(%run_scoped3A : memref<!tpu.dma_semaphore, #tpu.memory_space<semaphore_mem>>) src(%dma_wait3A_244 : memref<20000xi32, #tpu.memory_space<vmem>>) dst(%dma_wait3A_242 : memref<20000xi32, #tpu.memory_space<hbm>>)
        tpu.yield
      }) : () -> ()
      %barrier3A_178 = arith.constant 0 : index
      tpu.barrier barrier_id(%barrier3A_178)
      "tpu.region"() ({
        %run_scoped3A = tpu.sem_alloc : memref<!tpu.dma_semaphore, #tpu.memory_space<semaphore_mem>>
        %dma_start3A = arith.constant 0 : i32
        %dma_start3A_235 = tpu.memref_slice %arg10[%dma_start3A] : memref<20096xi32, #tpu.memory_space<vmem>> -> memref<20000xi32, #tpu.memory_space<vmem>>
        %dma_start3A_236 = tpu.memref_slice %arg5[%mul3A_0] : memref<324096xi32, #tpu.memory_space<hbm>> -> memref<20000xi32, #tpu.memory_space<hbm>>
        %dma_start3A_237 = arith.constant 0 : i32
        %dma_start3A_238 = tpu.memref_slice %arg10[%dma_start3A_237] : memref<20096xi32, #tpu.memory_space<vmem>> -> memref<20000xi32, #tpu.memory_space<vmem>>
        %dma_start3A_239 = tpu.memref_slice %arg5[%mul3A_0] : memref<324096xi32, #tpu.memory_space<hbm>> -> memref<20000xi32, #tpu.memory_space<hbm>>
        tpu.enqueue_dma source(%dma_start3A_239 : memref<20000xi32, #tpu.memory_space<hbm>>) target(%dma_start3A_238 : memref<20000xi32, #tpu.memory_space<vmem>>) target_semaphore(%run_scoped3A : memref<!tpu.dma_semaphore, #tpu.memory_space<semaphore_mem>>)
        %dma_wait3A = arith.constant 0 : i32
        %dma_wait3A_240 = tpu.memref_slice %arg10[%dma_wait3A] : memref<20096xi32, #tpu.memory_space<vmem>> -> memref<20000xi32, #tpu.memory_space<vmem>>
        %dma_wait3A_241 = tpu.memref_slice %arg5[%mul3A_0] : memref<324096xi32, #tpu.memory_space<hbm>> -> memref<20000xi32, #tpu.memory_space<hbm>>
        %dma_wait3A_242 = arith.constant 0 : i32
        %dma_wait3A_243 = tpu.memref_slice %arg10[%dma_wait3A_242] : memref<20096xi32, #tpu.memory_space<vmem>> -> memref<20000xi32, #tpu.memory_space<vmem>>
        %dma_wait3A_244 = tpu.memref_slice %arg5[%mul3A_0] : memref<324096xi32, #tpu.memory_space<hbm>> -> memref<20000xi32, #tpu.memory_space<hbm>>
        tpu.wait_dma2 semaphore(%run_scoped3A : memref<!tpu.dma_semaphore, #tpu.memory_space<semaphore_mem>>) src(%dma_wait3A_244 : memref<20000xi32, #tpu.memory_space<hbm>>) dst(%dma_wait3A_243 : memref<20000xi32, #tpu.memory_space<vmem>>)
        tpu.yield
      }) : () -> ()
      "tpu.region"() ({
        %run_scoped3A = tpu.sem_alloc : memref<!tpu.dma_semaphore, #tpu.memory_space<semaphore_mem>>
        %dma_start3A = arith.constant 0 : i32
        %dma_start3A_235 = tpu.memref_slice %arg11[%dma_start3A] : memref<20096xi32, #tpu.memory_space<vmem>> -> memref<20000xi32, #tpu.memory_space<vmem>>
        %dma_start3A_236 = tpu.memref_slice %arg6[%mul3A_0] : memref<324096xi32, #tpu.memory_space<hbm>> -> memref<20000xi32, #tpu.memory_space<hbm>>
        %dma_start3A_237 = arith.constant 0 : i32
        %dma_start3A_238 = tpu.memref_slice %arg11[%dma_start3A_237] : memref<20096xi32, #tpu.memory_space<vmem>> -> memref<20000xi32, #tpu.memory_space<vmem>>
        %dma_start3A_239 = tpu.memref_slice %arg6[%mul3A_0] : memref<324096xi32, #tpu.memory_space<hbm>> -> memref<20000xi32, #tpu.memory_space<hbm>>
        tpu.enqueue_dma source(%dma_start3A_239 : memref<20000xi32, #tpu.memory_space<hbm>>) target(%dma_start3A_238 : memref<20000xi32, #tpu.memory_space<vmem>>) target_semaphore(%run_scoped3A : memref<!tpu.dma_semaphore, #tpu.memory_space<semaphore_mem>>)
        %dma_wait3A = arith.constant 0 : i32
        %dma_wait3A_240 = tpu.memref_slice %arg11[%dma_wait3A] : memref<20096xi32, #tpu.memory_space<vmem>> -> memref<20000xi32, #tpu.memory_space<vmem>>
        %dma_wait3A_241 = tpu.memref_slice %arg6[%mul3A_0] : memref<324096xi32, #tpu.memory_space<hbm>> -> memref<20000xi32, #tpu.memory_space<hbm>>
        %dma_wait3A_242 = arith.constant 0 : i32
        %dma_wait3A_243 = tpu.memref_slice %arg11[%dma_wait3A_242] : memref<20096xi32, #tpu.memory_space<vmem>> -> memref<20000xi32, #tpu.memory_space<vmem>>
        %dma_wait3A_244 = tpu.memref_slice %arg6[%mul3A_0] : memref<324096xi32, #tpu.memory_space<hbm>> -> memref<20000xi32, #tpu.memory_space<hbm>>
        tpu.wait_dma2 semaphore(%run_scoped3A : memref<!tpu.dma_semaphore, #tpu.memory_space<semaphore_mem>>) src(%dma_wait3A_244 : memref<20000xi32, #tpu.memory_space<hbm>>) dst(%dma_wait3A_243 : memref<20000xi32, #tpu.memory_space<vmem>>)
        tpu.yield
      }) : () -> ()
      %scan3A_179 = arith.constant 0 : i32
      %scan3A_180 = arith.constant 0 : i32
      %scan3A_181 = arith.constant 256 : i32
      %scan3A_182 = arith.addi %scan3A_180, %scan3A_181 : i32
      %scan3A_183 = arith.constant 1 : i32
      %scan3A_184 = scf.for %scan3A_235 = %scan3A_180 to %scan3A_182 step %scan3A_183 iter_args(%scan3A_236 = %scan3A_179) -> (i32)  : i32 {
        %broadcast_in_dim3A_237 = arith.constant 0 : i32
        %broadcast_in_dim3A_238 = vector.broadcast %broadcast_in_dim3A_237 : i32 to vector<16xi32>
        %mul3A_239 = arith.constant 16 : i32
        %mul3A_240 = arith.muli %scan3A_235, %mul3A_239 : i32
        %swap3A = arith.index_cast %mul3A_240 : i32 to index
        %swap3A_241 = tpu.vector_load %arg13[%swap3A] {strides = array<i32>} : memref<4096xi32, #tpu.memory_space<vmem>>, vector<16xi32>,
        tpu.vector_store %arg13[%swap3A], %broadcast_in_dim3A_238 {strides = array<i32>} : memref<4096xi32, #tpu.memory_space<vmem>>, vector<16xi32>,
        %scan3A_242 = arith.constant 0 : i32
        scf.yield %scan3A_242 : i32
      }
      %scan3A_185 = arith.constant 256 : i32
      %scan3A_186 = arith.constant 0 : i32
      %scan3A_187 = arith.constant 0 : i32
      %scan3A_188 = arith.constant 1250 : i32
      %scan3A_189 = arith.addi %scan3A_187, %scan3A_188 : i32
      %scan3A_190 = arith.constant 1 : i32
      %scan3A_191 = scf.for %scan3A_235 = %scan3A_187 to %scan3A_189 step %scan3A_190 iter_args(%scan3A_236 = %scan3A_186) -> (i32)  : i32 {
        %mul3A_237 = arith.constant 1250 : i32
        %mul3A_238 = vector.broadcast %mul3A_237 : i32 to vector<16xi32>
        %mul3A_239 = arith.muli %iota3A, %mul3A_238 : vector<16xi32>
        %add3A = vector.broadcast %scan3A_235 : i32 to vector<16xi32>
        %add3A_240 = arith.addi %mul3A_239, %add3A : vector<16xi32>
        %gather3A = tpu.vector_load_idx %arg10[%add3A_240] : memref<20096xi32, #tpu.memory_space<vmem>>[vector<16xi32>], vector<16xi32>,
        %shift_right_logical3A = arith.constant 24 : i32
        %shift_right_logical3A_241 = vector.broadcast %shift_right_logical3A : i32 to vector<16xi32>
        %shift_right_logical3A_242 = arith.shrui %gather3A, %shift_right_logical3A_241 : vector<16xi32>
        %and3A = arith.constant 255 : i32
        %and3A_243 = vector.broadcast %and3A : i32 to vector<16xi32>
        %and3A_244 = arith.andi %shift_right_logical3A_242, %and3A_243 : vector<16xi32>
        %mul3A_245 = arith.constant 256 : i32
        %mul3A_246 = vector.broadcast %mul3A_245 : i32 to vector<16xi32>
        %mul3A_247 = arith.muli %iota3A, %mul3A_246 : vector<16xi32>
        %add3A_248 = arith.addi %mul3A_247, %and3A_244 : vector<16xi32>
        %gather3A_249 = tpu.vector_load_idx %arg13[%add3A_248] : memref<4096xi32, #tpu.memory_space<vmem>>[vector<16xi32>], vector<16xi32>,
        %add3A_250 = arith.constant 1 : i32
        %add3A_251 = vector.broadcast %add3A_250 : i32 to vector<16xi32>
        %add3A_252 = arith.addi %gather3A_249, %add3A_251 : vector<16xi32>
        tpu.vector_store_idx %arg13[%add3A_248], %add3A_252 : memref<4096xi32, #tpu.memory_space<vmem>>[vector<16xi32>], vector<16xi32>,
        %scan3A_253 = arith.constant 0 : i32
        scf.yield %scan3A_253 : i32
      }
      %scan3A_192 = arith.constant 1250 : i32
      %scan3A_193 = arith.constant 0 : i32
      %scan3A_194 = arith.constant 0 : i32
      %scan3A_195 = arith.constant 16 : i32
      %scan3A_196 = arith.addi %scan3A_194, %scan3A_195 : i32
      %scan3A_197 = arith.constant 1 : i32
      %scan3A_198 = scf.for %scan3A_235 = %scan3A_194 to %scan3A_196 step %scan3A_197 iter_args(%scan3A_236 = %scan3A_193) -> (i32)  : i32 {
        %mul3A_237 = arith.constant 16 : i32
        %mul3A_238 = arith.muli %scan3A_235, %mul3A_237 : i32
        %add3A = vector.broadcast %mul3A_238 : i32 to vector<16xi32>
        %add3A_239 = arith.addi %add3A, %iota3A : vector<16xi32>
        %broadcast_in_dim3A_240 = arith.constant 0 : i32
        %broadcast_in_dim3A_241 = vector.broadcast %broadcast_in_dim3A_240 : i32 to vector<16xi32>
        %add3A_242 = arith.constant 0 : i32
        %add3A_243 = vector.broadcast %add3A_242 : i32 to vector<16xi32>
        %add3A_244 = arith.addi %add3A_243, %add3A_239 : vector<16xi32>
        %gather3A = tpu.vector_load_idx %arg13[%add3A_244] : memref<4096xi32, #tpu.memory_space<vmem>>[vector<16xi32>], vector<16xi32>,
        %add3A_245 = arith.addi %broadcast_in_dim3A_241, %gather3A : vector<16xi32>
        %add3A_246 = arith.constant 256 : i32
        %add3A_247 = vector.broadcast %add3A_246 : i32 to vector<16xi32>
        %add3A_248 = arith.addi %add3A_247, %add3A_239 : vector<16xi32>
        %gather3A_249 = tpu.vector_load_idx %arg13[%add3A_248] : memref<4096xi32, #tpu.memory_space<vmem>>[vector<16xi32>], vector<16xi32>,
        %add3A_250 = arith.addi %add3A_245, %gather3A_249 : vector<16xi32>
        %add3A_251 = arith.constant 512 : i32
        %add3A_252 = vector.broadcast %add3A_251 : i32 to vector<16xi32>
        %add3A_253 = arith.addi %add3A_252, %add3A_239 : vector<16xi32>
        %gather3A_254 = tpu.vector_load_idx %arg13[%add3A_253] : memref<4096xi32, #tpu.memory_space<vmem>>[vector<16xi32>], vector<16xi32>,
        %add3A_255 = arith.addi %add3A_250, %gather3A_254 : vector<16xi32>
        %add3A_256 = arith.constant 768 : i32
        %add3A_257 = vector.broadcast %add3A_256 : i32 to vector<16xi32>
        %add3A_258 = arith.addi %add3A_257, %add3A_239 : vector<16xi32>
        %gather3A_259 = tpu.vector_load_idx %arg13[%add3A_258] : memref<4096xi32, #tpu.memory_space<vmem>>[vector<16xi32>], vector<16xi32>,
        %add3A_260 = arith.addi %add3A_255, %gather3A_259 : vector<16xi32>
        %add3A_261 = arith.constant 1024 : i32
        %add3A_262 = vector.broadcast %add3A_261 : i32 to vector<16xi32>
        %add3A_263 = arith.addi %add3A_262, %add3A_239 : vector<16xi32>
        %gather3A_264 = tpu.vector_load_idx %arg13[%add3A_263] : memref<4096xi32, #tpu.memory_space<vmem>>[vector<16xi32>], vector<16xi32>,
        %add3A_265 = arith.addi %add3A_260, %gather3A_264 : vector<16xi32>
        %add3A_266 = arith.constant 1280 : i32
        %add3A_267 = vector.broadcast %add3A_266 : i32 to vector<16xi32>
        %add3A_268 = arith.addi %add3A_267, %add3A_239 : vector<16xi32>
        %gather3A_269 = tpu.vector_load_idx %arg13[%add3A_268] : memref<4096xi32, #tpu.memory_space<vmem>>[vector<16xi32>], vector<16xi32>,
        %add3A_270 = arith.addi %add3A_265, %gather3A_269 : vector<16xi32>
        %add3A_271 = arith.constant 1536 : i32
        %add3A_272 = vector.broadcast %add3A_271 : i32 to vector<16xi32>
        %add3A_273 = arith.addi %add3A_272, %add3A_239 : vector<16xi32>
        %gather3A_274 = tpu.vector_load_idx %arg13[%add3A_273] : memref<4096xi32, #tpu.memory_space<vmem>>[vector<16xi32>], vector<16xi32>,
        %add3A_275 = arith.addi %add3A_270, %gather3A_274 : vector<16xi32>
        %add3A_276 = arith.constant 1792 : i32
        %add3A_277 = vector.broadcast %add3A_276 : i32 to vector<16xi32>
        %add3A_278 = arith.addi %add3A_277, %add3A_239 : vector<16xi32>
        %gather3A_279 = tpu.vector_load_idx %arg13[%add3A_278] : memref<4096xi32, #tpu.memory_space<vmem>>[vector<16xi32>], vector<16xi32>,
        %add3A_280 = arith.addi %add3A_275, %gather3A_279 : vector<16xi32>
        %add3A_281 = arith.constant 2048 : i32
        %add3A_282 = vector.broadcast %add3A_281 : i32 to vector<16xi32>
        %add3A_283 = arith.addi %add3A_282, %add3A_239 : vector<16xi32>
        %gather3A_284 = tpu.vector_load_idx %arg13[%add3A_283] : memref<4096xi32, #tpu.memory_space<vmem>>[vector<16xi32>], vector<16xi32>,
        %add3A_285 = arith.addi %add3A_280, %gather3A_284 : vector<16xi32>
        %add3A_286 = arith.constant 2304 : i32
        %add3A_287 = vector.broadcast %add3A_286 : i32 to vector<16xi32>
        %add3A_288 = arith.addi %add3A_287, %add3A_239 : vector<16xi32>
        %gather3A_289 = tpu.vector_load_idx %arg13[%add3A_288] : memref<4096xi32, #tpu.memory_space<vmem>>[vector<16xi32>], vector<16xi32>,
        %add3A_290 = arith.addi %add3A_285, %gather3A_289 : vector<16xi32>
        %add3A_291 = arith.constant 2560 : i32
        %add3A_292 = vector.broadcast %add3A_291 : i32 to vector<16xi32>
        %add3A_293 = arith.addi %add3A_292, %add3A_239 : vector<16xi32>
        %gather3A_294 = tpu.vector_load_idx %arg13[%add3A_293] : memref<4096xi32, #tpu.memory_space<vmem>>[vector<16xi32>], vector<16xi32>,
        %add3A_295 = arith.addi %add3A_290, %gather3A_294 : vector<16xi32>
        %add3A_296 = arith.constant 2816 : i32
        %add3A_297 = vector.broadcast %add3A_296 : i32 to vector<16xi32>
        %add3A_298 = arith.addi %add3A_297, %add3A_239 : vector<16xi32>
        %gather3A_299 = tpu.vector_load_idx %arg13[%add3A_298] : memref<4096xi32, #tpu.memory_space<vmem>>[vector<16xi32>], vector<16xi32>,
        %add3A_300 = arith.addi %add3A_295, %gather3A_299 : vector<16xi32>
        %add3A_301 = arith.constant 3072 : i32
        %add3A_302 = vector.broadcast %add3A_301 : i32 to vector<16xi32>
        %add3A_303 = arith.addi %add3A_302, %add3A_239 : vector<16xi32>
        %gather3A_304 = tpu.vector_load_idx %arg13[%add3A_303] : memref<4096xi32, #tpu.memory_space<vmem>>[vector<16xi32>], vector<16xi32>,
        %add3A_305 = arith.addi %add3A_300, %gather3A_304 : vector<16xi32>
        %add3A_306 = arith.constant 3328 : i32
        %add3A_307 = vector.broadcast %add3A_306 : i32 to vector<16xi32>
        %add3A_308 = arith.addi %add3A_307, %add3A_239 : vector<16xi32>
        %gather3A_309 = tpu.vector_load_idx %arg13[%add3A_308] : memref<4096xi32, #tpu.memory_space<vmem>>[vector<16xi32>], vector<16xi32>,
        %add3A_310 = arith.addi %add3A_305, %gather3A_309 : vector<16xi32>
        %add3A_311 = arith.constant 3584 : i32
        %add3A_312 = vector.broadcast %add3A_311 : i32 to vector<16xi32>
        %add3A_313 = arith.addi %add3A_312, %add3A_239 : vector<16xi32>
        %gather3A_314 = tpu.vector_load_idx %arg13[%add3A_313] : memref<4096xi32, #tpu.memory_space<vmem>>[vector<16xi32>], vector<16xi32>,
        %add3A_315 = arith.addi %add3A_310, %gather3A_314 : vector<16xi32>
        %add3A_316 = arith.constant 3840 : i32
        %add3A_317 = vector.broadcast %add3A_316 : i32 to vector<16xi32>
        %add3A_318 = arith.addi %add3A_317, %add3A_239 : vector<16xi32>
        %gather3A_319 = tpu.vector_load_idx %arg13[%add3A_318] : memref<4096xi32, #tpu.memory_space<vmem>>[vector<16xi32>], vector<16xi32>,
        %add3A_320 = arith.addi %add3A_315, %gather3A_319 : vector<16xi32>
        %mul3A_321 = arith.constant 16 : i32
        %mul3A_322 = arith.muli %scan3A_235, %mul3A_321 : i32
        %swap3A = arith.index_cast %mul3A_322 : i32 to index
        %swap3A_323 = tpu.vector_load %arg16[%swap3A] {strides = array<i32>} : memref<256xi32, #tpu.memory_space<vmem>>, vector<16xi32>,
        tpu.vector_store %arg16[%swap3A], %add3A_320 {strides = array<i32>} : memref<256xi32, #tpu.memory_space<vmem>>, vector<16xi32>,
        %scan3A_324 = arith.constant 0 : i32
        scf.yield %scan3A_324 : i32
      }
      %scan3A_199 = arith.constant 16 : i32
      %mul3A_200 = arith.constant 256 : i32
      %mul3A_201 = arith.muli %arg1, %mul3A_200 : i32
      "tpu.region"() ({
        %run_scoped3A = tpu.sem_alloc : memref<!tpu.dma_semaphore, #tpu.memory_space<semaphore_mem>>
        %dma_start3A = tpu.memref_slice %arg9[%mul3A_201] : memref<4096xi32, #tpu.memory_space<vmem_shared>> -> memref<256xi32, #tpu.memory_space<vmem_shared>>
        %dma_start3A_235 = tpu.memref_slice %arg9[%mul3A_201] : memref<4096xi32, #tpu.memory_space<vmem_shared>> -> memref<256xi32, #tpu.memory_space<vmem_shared>>
        tpu.enqueue_dma source(%arg16 : memref<256xi32, #tpu.memory_space<vmem>>) target(%dma_start3A_235 : memref<256xi32, #tpu.memory_space<vmem_shared>>) target_semaphore(%run_scoped3A : memref<!tpu.dma_semaphore, #tpu.memory_space<semaphore_mem>>)
        %dma_wait3A = tpu.memref_slice %arg9[%mul3A_201] : memref<4096xi32, #tpu.memory_space<vmem_shared>> -> memref<256xi32, #tpu.memory_space<vmem_shared>>
        %dma_wait3A_236 = tpu.memref_slice %arg9[%mul3A_201] : memref<4096xi32, #tpu.memory_space<vmem_shared>> -> memref<256xi32, #tpu.memory_space<vmem_shared>>
        tpu.wait_dma2 semaphore(%run_scoped3A : memref<!tpu.dma_semaphore, #tpu.memory_space<semaphore_mem>>) src(%arg16 : memref<256xi32, #tpu.memory_space<vmem>>) dst(%dma_wait3A_236 : memref<256xi32, #tpu.memory_space<vmem_shared>>)
        tpu.yield
      }) : () -> ()
      %barrier3A_202 = arith.constant 0 : index
      tpu.barrier barrier_id(%barrier3A_202)
      "tpu.region"() ({
        %run_scoped3A = tpu.sem_alloc : memref<!tpu.dma_semaphore, #tpu.memory_space<semaphore_mem>>
        tpu.enqueue_dma source(%arg9 : memref<4096xi32, #tpu.memory_space<vmem_shared>>) target(%arg15 : memref<4096xi32, #tpu.memory_space<vmem>>) target_semaphore(%run_scoped3A : memref<!tpu.dma_semaphore, #tpu.memory_space<semaphore_mem>>)
        tpu.wait_dma2 semaphore(%run_scoped3A : memref<!tpu.dma_semaphore, #tpu.memory_space<semaphore_mem>>) src(%arg9 : memref<4096xi32, #tpu.memory_space<vmem_shared>>) dst(%arg15 : memref<4096xi32, #tpu.memory_space<vmem>>)
        tpu.yield
      }) : () -> ()
      %broadcast_in_dim3A_203 = arith.constant 0 : i32
      %broadcast_in_dim3A_204 = vector.broadcast %broadcast_in_dim3A_203 : i32 to vector<16xi32>
      %scan3A_205 = arith.constant 0 : i32
      %scan3A_206 = arith.constant 256 : i32
      %scan3A_207 = arith.addi %scan3A_205, %scan3A_206 : i32
      %scan3A_208 = arith.constant 1 : i32
      %scan3A_209 = scf.for %scan3A_235 = %scan3A_205 to %scan3A_207 step %scan3A_208 iter_args(%scan3A_236 = %broadcast_in_dim3A_204) -> (vector<16xi32>)  : i32 {
        %mul3A_237 = arith.constant 256 : i32
        %mul3A_238 = vector.broadcast %mul3A_237 : i32 to vector<16xi32>
        %mul3A_239 = arith.muli %iota3A, %mul3A_238 : vector<16xi32>
        %add3A = vector.broadcast %scan3A_235 : i32 to vector<16xi32>
        %add3A_240 = arith.addi %mul3A_239, %add3A : vector<16xi32>
        %gather3A = tpu.vector_load_idx %arg15[%add3A_240] : memref<4096xi32, #tpu.memory_space<vmem>>[vector<16xi32>], vector<16xi32>,
        %broadcast_in_dim3A_241 = arith.constant true
        %broadcast_in_dim3A_242 = vector.broadcast %broadcast_in_dim3A_241 : i1 to vector<16xi1>
        %masked_cumsum3A = tpu.scan <sum>, %gather3A masked %broadcast_in_dim3A_242 : vector<16xi32>, vector<16xi1> -> vector<16xi32>
        %sub3A = arith.subi %masked_cumsum3A, %gather3A : vector<16xi32>
        %add3A_243 = arith.addi %scan3A_236, %sub3A : vector<16xi32>
        %swap3A = arith.constant 0 : index
        %swap3A_244 = tpu.vector_load %arg17[%swap3A] {strides = array<i32>} : memref<16xi32, #tpu.memory_space<vmem>>, vector<16xi32>,
        tpu.vector_store %arg17[%swap3A], %add3A_243 {strides = array<i32>} : memref<16xi32, #tpu.memory_space<vmem>>, vector<16xi32>,
        %broadcast_in_dim3A_245 = vector.broadcast %arg1 : i32 to vector<16xi32>
        %gather3A_246 = tpu.vector_load_idx %arg17[%broadcast_in_dim3A_245] : memref<16xi32, #tpu.memory_space<vmem>>[vector<16xi32>], vector<16xi32>,
        %mul3A_247 = arith.constant 256 : i32
        %mul3A_248 = vector.broadcast %mul3A_247 : i32 to vector<16xi32>
        %mul3A_249 = arith.muli %iota3A, %mul3A_248 : vector<16xi32>
        %add3A_250 = vector.broadcast %scan3A_235 : i32 to vector<16xi32>
        %add3A_251 = arith.addi %mul3A_249, %add3A_250 : vector<16xi32>
        %gather3A_252 = tpu.vector_load_idx %arg13[%add3A_251] : memref<4096xi32, #tpu.memory_space<vmem>>[vector<16xi32>], vector<16xi32>,
        %broadcast_in_dim3A_253 = arith.constant true
        %broadcast_in_dim3A_254 = vector.broadcast %broadcast_in_dim3A_253 : i1 to vector<16xi1>
        %masked_cumsum3A_255 = tpu.scan <sum>, %gather3A_252 masked %broadcast_in_dim3A_254 : vector<16xi32>, vector<16xi1> -> vector<16xi32>
        %sub3A_256 = arith.subi %masked_cumsum3A_255, %gather3A_252 : vector<16xi32>
        %mul3A_257 = arith.constant 256 : i32
        %mul3A_258 = vector.broadcast %mul3A_257 : i32 to vector<16xi32>
        %mul3A_259 = arith.muli %iota3A, %mul3A_258 : vector<16xi32>
        %add3A_260 = vector.broadcast %scan3A_235 : i32 to vector<16xi32>
        %add3A_261 = arith.addi %mul3A_259, %add3A_260 : vector<16xi32>
        %add3A_262 = arith.addi %gather3A_246, %sub3A_256 : vector<16xi32>
        tpu.vector_store_idx %arg14[%add3A_261], %add3A_262 : memref<4096xi32, #tpu.memory_space<vmem>>[vector<16xi32>], vector<16xi32>,
        %swap3A_263 = arith.constant 0 : index
        %swap3A_264 = tpu.vector_load %arg17[%swap3A_263] {strides = array<i32>} : memref<16xi32, #tpu.memory_space<vmem>>, vector<16xi32>,
        tpu.vector_store %arg17[%swap3A_263], %masked_cumsum3A {strides = array<i32>} : memref<16xi32, #tpu.memory_space<vmem>>, vector<16xi32>,
        %broadcast_in_dim3A_265 = arith.constant 15 : i32
        %broadcast_in_dim3A_266 = vector.broadcast %broadcast_in_dim3A_265 : i32 to vector<16xi32>
        %gather3A_267 = tpu.vector_load_idx %arg17[%broadcast_in_dim3A_266] : memref<16xi32, #tpu.memory_space<vmem>>[vector<16xi32>], vector<16xi32>,
        %add3A_268 = arith.addi %scan3A_236, %gather3A_267 : vector<16xi32>
        scf.yield %add3A_268 : vector<16xi32>
      }
      %scan3A_210 = arith.constant 256 : i32
      %scan3A_211 = arith.constant 0 : i32
      %scan3A_212 = arith.constant 0 : i32
      %scan3A_213 = arith.constant 1250 : i32
      %scan3A_214 = arith.addi %scan3A_212, %scan3A_213 : i32
      %scan3A_215 = arith.constant 1 : i32
      %scan3A_216 = scf.for %scan3A_235 = %scan3A_212 to %scan3A_214 step %scan3A_215 iter_args(%scan3A_236 = %scan3A_211) -> (i32)  : i32 {
        %mul3A_237 = arith.constant 1250 : i32
        %mul3A_238 = vector.broadcast %mul3A_237 : i32 to vector<16xi32>
        %mul3A_239 = arith.muli %iota3A, %mul3A_238 : vector<16xi32>
        %add3A = vector.broadcast %scan3A_235 : i32 to vector<16xi32>
        %add3A_240 = arith.addi %mul3A_239, %add3A : vector<16xi32>
        %gather3A = tpu.vector_load_idx %arg10[%add3A_240] : memref<20096xi32, #tpu.memory_space<vmem>>[vector<16xi32>], vector<16xi32>,
        %shift_right_logical3A = arith.constant 24 : i32
        %shift_right_logical3A_241 = vector.broadcast %shift_right_logical3A : i32 to vector<16xi32>
        %shift_right_logical3A_242 = arith.shrui %gather3A, %shift_right_logical3A_241 : vector<16xi32>
        %and3A = arith.constant 255 : i32
        %and3A_243 = vector.broadcast %and3A : i32 to vector<16xi32>
        %and3A_244 = arith.andi %shift_right_logical3A_242, %and3A_243 : vector<16xi32>
        %mul3A_245 = arith.constant 256 : i32
        %mul3A_246 = vector.broadcast %mul3A_245 : i32 to vector<16xi32>
        %mul3A_247 = arith.muli %iota3A, %mul3A_246 : vector<16xi32>
        %add3A_248 = arith.addi %mul3A_247, %and3A_244 : vector<16xi32>
        %gather3A_249 = tpu.vector_load_idx %arg14[%add3A_248] : memref<4096xi32, #tpu.memory_space<vmem>>[vector<16xi32>], vector<16xi32>,
        %add3A_250 = arith.constant 1 : i32
        %add3A_251 = vector.broadcast %add3A_250 : i32 to vector<16xi32>
        %add3A_252 = arith.addi %gather3A_249, %add3A_251 : vector<16xi32>
        tpu.vector_store_idx %arg14[%add3A_248], %add3A_252 : memref<4096xi32, #tpu.memory_space<vmem>>[vector<16xi32>], vector<16xi32>,
        %jit3A = arith.constant 128 : i32
        %div3A = vector.broadcast %jit3A : i32 to vector<16xi32>
        %div3A_253 = arith.divsi %add3A_240, %div3A : vector<16xi32>
        %sign3A = arith.constant 0 : i32
        %sign3A_254 = vector.broadcast %sign3A : i32 to vector<16xi32>
        %sign3A_255 = arith.cmpi sgt, %add3A_240, %sign3A_254 : vector<16xi32>
        %sign3A_256 = arith.extui %sign3A_255 : vector<16xi1> to vector<16xi32>
        %sign3A_257 = arith.constant 0 : i32
        %sign3A_258 = vector.broadcast %sign3A_257 : i32 to vector<16xi32>
        %sign3A_259 = arith.cmpi slt, %add3A_240, %sign3A_258 : vector<16xi32>
        %sign3A_260 = arith.extui %sign3A_259 : vector<16xi1> to vector<16xi32>
        %sign3A_261 = arith.subi %sign3A_256, %sign3A_260 : vector<16xi32>
        %sign3A_262 = arith.constant 0 : i32
        %sign3A_263 = arith.cmpi sgt, %jit3A, %sign3A_262 : i32
        %sign3A_264 = arith.extui %sign3A_263 : i1 to i32
        %sign3A_265 = arith.constant 0 : i32
        %sign3A_266 = arith.cmpi slt, %jit3A, %sign3A_265 : i32
        %sign3A_267 = arith.extui %sign3A_266 : i1 to i32
        %sign3A_268 = arith.subi %sign3A_264, %sign3A_267 : i32
        %ne3A = vector.broadcast %sign3A_268 : i32 to vector<16xi32>
        %ne3A_269 = arith.cmpi ne, %sign3A_261, %ne3A : vector<16xi32>
        %rem3A = vector.broadcast %jit3A : i32 to vector<16xi32>
        %rem3A_270 = arith.remsi %add3A_240, %rem3A : vector<16xi32>
        %ne3A_271 = arith.constant 0 : i32
        %ne3A_272 = vector.broadcast %ne3A_271 : i32 to vector<16xi32>
        %ne3A_273 = arith.cmpi ne, %rem3A_270, %ne3A_272 : vector<16xi32>
        %and3A_274 = arith.andi %ne3A_269, %ne3A_273 : vector<16xi1>
        %sub3A = arith.constant 1 : i32
        %sub3A_275 = vector.broadcast %sub3A : i32 to vector<16xi32>
        %sub3A_276 = arith.subi %div3A_253, %sub3A_275 : vector<16xi32>
        %select_n3A = arith.select %and3A_274, %sub3A_276, %div3A_253 : vector<16xi1>, vector<16xi32>
        %jit3A_277 = arith.constant 128 : i32
        %eq3A_278 = arith.constant 0 : i32
        %eq3A_279 = arith.cmpi eq, %jit3A_277, %eq3A_278 : i32
        %jit3A_280 = arith.constant 1 : i32
        %select_n3A_281 = arith.select %eq3A_279, %jit3A_280, %jit3A_277 : i32
        %rem3A_282 = vector.broadcast %select_n3A_281 : i32 to vector<16xi32>
        %rem3A_283 = arith.remsi %add3A_240, %rem3A_282 : vector<16xi32>
        %ne3A_284 = arith.constant 0 : i32
        %ne3A_285 = vector.broadcast %ne3A_284 : i32 to vector<16xi32>
        %ne3A_286 = arith.cmpi ne, %rem3A_283, %ne3A_285 : vector<16xi32>
        %lt3A = arith.constant 0 : i32
        %lt3A_287 = vector.broadcast %lt3A : i32 to vector<16xi32>
        %lt3A_288 = arith.cmpi slt, %rem3A_283, %lt3A_287 : vector<16xi32>
        %lt3A_289 = arith.constant 0 : i32
        %lt3A_290 = arith.cmpi slt, %select_n3A_281, %lt3A_289 : i32
        %ne3A_291 = vector.broadcast %lt3A_290 : i1 to vector<16xi1>
        %ne3A_292 = vector.broadcast %ne3A_291 : vector<16xi1> to vector<16xi1>
        %ne3A_293 = arith.xori %lt3A_288, %ne3A_292 : vector<16xi1>
        %and3A_294 = arith.andi %ne3A_293, %ne3A_286 : vector<16xi1>
        %add3A_295 = vector.broadcast %select_n3A_281 : i32 to vector<16xi32>
        %add3A_296 = arith.addi %rem3A_283, %add3A_295 : vector<16xi32>
        %select_n3A_297 = arith.select %and3A_294, %add3A_296, %rem3A_283 : vector<16xi1>, vector<16xi32>
        tpu.vector_store_idx %arg12[%select_n3A, %select_n3A_297], %gather3A_249 : memref<157x128xi32, #tpu.memory_space<vmem>>[vector<16xi32>, vector<16xi32>], vector<16xi32>,
        %scan3A_298 = arith.constant 0 : i32
        scf.yield %scan3A_298 : i32
      }
      %scan3A_217 = arith.constant 1250 : i32
      %scan3A_218 = arith.constant 0 : i32
      %scan3A_219 = arith.constant 0 : i32
      %scan3A_220 = arith.constant 6 : i32
      %scan3A_221 = arith.addi %scan3A_219, %scan3A_220 : i32
      %scan3A_222 = arith.constant 1 : i32
      %scan3A_223 = scf.for %scan3A_235 = %scan3A_219 to %scan3A_221 step %scan3A_222 iter_args(%scan3A_236 = %scan3A_218) -> (i32)  : i32 {
        %mul3A_237 = arith.constant 16 : i32
        %mul3A_238 = arith.muli %scan3A_235, %mul3A_237 : i32
        %add3A = arith.constant 20000 : i32
        %add3A_239 = arith.addi %add3A, %mul3A_238 : i32
        %add3A_240 = vector.broadcast %add3A_239 : i32 to vector<16xi32>
        %add3A_241 = arith.addi %add3A_240, %iota3A : vector<16xi32>
        %jit3A = arith.constant 128 : i32
        %div3A = vector.broadcast %jit3A : i32 to vector<16xi32>
        %div3A_242 = arith.divsi %add3A_241, %div3A : vector<16xi32>
        %sign3A = arith.constant 0 : i32
        %sign3A_243 = vector.broadcast %sign3A : i32 to vector<16xi32>
        %sign3A_244 = arith.cmpi sgt, %add3A_241, %sign3A_243 : vector<16xi32>
        %sign3A_245 = arith.extui %sign3A_244 : vector<16xi1> to vector<16xi32>
        %sign3A_246 = arith.constant 0 : i32
        %sign3A_247 = vector.broadcast %sign3A_246 : i32 to vector<16xi32>
        %sign3A_248 = arith.cmpi slt, %add3A_241, %sign3A_247 : vector<16xi32>
        %sign3A_249 = arith.extui %sign3A_248 : vector<16xi1> to vector<16xi32>
        %sign3A_250 = arith.subi %sign3A_245, %sign3A_249 : vector<16xi32>
        %sign3A_251 = arith.constant 0 : i32
        %sign3A_252 = arith.cmpi sgt, %jit3A, %sign3A_251 : i32
        %sign3A_253 = arith.extui %sign3A_252 : i1 to i32
        %sign3A_254 = arith.constant 0 : i32
        %sign3A_255 = arith.cmpi slt, %jit3A, %sign3A_254 : i32
        %sign3A_256 = arith.extui %sign3A_255 : i1 to i32
        %sign3A_257 = arith.subi %sign3A_253, %sign3A_256 : i32
        %ne3A = vector.broadcast %sign3A_257 : i32 to vector<16xi32>
        %ne3A_258 = arith.cmpi ne, %sign3A_250, %ne3A : vector<16xi32>
        %rem3A = vector.broadcast %jit3A : i32 to vector<16xi32>
        %rem3A_259 = arith.remsi %add3A_241, %rem3A : vector<16xi32>
        %ne3A_260 = arith.constant 0 : i32
        %ne3A_261 = vector.broadcast %ne3A_260 : i32 to vector<16xi32>
        %ne3A_262 = arith.cmpi ne, %rem3A_259, %ne3A_261 : vector<16xi32>
        %and3A = arith.andi %ne3A_258, %ne3A_262 : vector<16xi1>
        %sub3A = arith.constant 1 : i32
        %sub3A_263 = vector.broadcast %sub3A : i32 to vector<16xi32>
        %sub3A_264 = arith.subi %div3A_242, %sub3A_263 : vector<16xi32>
        %select_n3A = arith.select %and3A, %sub3A_264, %div3A_242 : vector<16xi1>, vector<16xi32>
        %jit3A_265 = arith.constant 128 : i32
        %eq3A_266 = arith.constant 0 : i32
        %eq3A_267 = arith.cmpi eq, %jit3A_265, %eq3A_266 : i32
        %jit3A_268 = arith.constant 1 : i32
        %select_n3A_269 = arith.select %eq3A_267, %jit3A_268, %jit3A_265 : i32
        %rem3A_270 = vector.broadcast %select_n3A_269 : i32 to vector<16xi32>
        %rem3A_271 = arith.remsi %add3A_241, %rem3A_270 : vector<16xi32>
        %ne3A_272 = arith.constant 0 : i32
        %ne3A_273 = vector.broadcast %ne3A_272 : i32 to vector<16xi32>
        %ne3A_274 = arith.cmpi ne, %rem3A_271, %ne3A_273 : vector<16xi32>
        %lt3A = arith.constant 0 : i32
        %lt3A_275 = vector.broadcast %lt3A : i32 to vector<16xi32>
        %lt3A_276 = arith.cmpi slt, %rem3A_271, %lt3A_275 : vector<16xi32>
        %lt3A_277 = arith.constant 0 : i32
        %lt3A_278 = arith.cmpi slt, %select_n3A_269, %lt3A_277 : i32
        %ne3A_279 = vector.broadcast %lt3A_278 : i1 to vector<16xi1>
        %ne3A_280 = vector.broadcast %ne3A_279 : vector<16xi1> to vector<16xi1>
        %ne3A_281 = arith.xori %lt3A_276, %ne3A_280 : vector<16xi1>
        %and3A_282 = arith.andi %ne3A_281, %ne3A_274 : vector<16xi1>
        %add3A_283 = vector.broadcast %select_n3A_269 : i32 to vector<16xi32>
        %add3A_284 = arith.addi %rem3A_271, %add3A_283 : vector<16xi32>
        %select_n3A_285 = arith.select %and3A_282, %add3A_284, %rem3A_271 : vector<16xi1>, vector<16xi32>
        %mul3A_286 = arith.constant 128 : i32
        %mul3A_287 = arith.muli %arg1, %mul3A_286 : i32
        %add3A_288 = arith.constant 320000 : i32
        %add3A_289 = arith.addi %add3A_288, %mul3A_287 : i32
        %mul3A_290 = arith.constant 16 : i32
        %mul3A_291 = arith.muli %scan3A_235, %mul3A_290 : i32
        %add3A_292 = arith.addi %add3A_289, %mul3A_291 : i32
        %add3A_293 = vector.broadcast %add3A_292 : i32 to vector<16xi32>
        %add3A_294 = arith.addi %add3A_293, %iota3A : vector<16xi32>
        tpu.vector_store_idx %arg12[%select_n3A, %select_n3A_285], %add3A_294 : memref<157x128xi32, #tpu.memory_space<vmem>>[vector<16xi32>, vector<16xi32>], vector<16xi32>,
        %scan3A_295 = arith.constant 0 : i32
        scf.yield %scan3A_295 : i32
      }
      %scan3A_224 = arith.constant 6 : i32
      %scan3A_225 = arith.constant 0 : i32
      %scan3A_226 = arith.constant 0 : i32
      %scan3A_227 = arith.constant 157 : i32
      %scan3A_228 = arith.addi %scan3A_226, %scan3A_227 : i32
      %scan3A_229 = arith.constant 1 : i32
      %scan3A_230 = scf.for %scan3A_235 = %scan3A_226 to %scan3A_228 step %scan3A_229 iter_args(%scan3A_236 = %scan3A_225) -> (i32)  : i32 {
        %mul3A_237 = arith.constant 128 : i32
        %mul3A_238 = arith.muli %scan3A_235, %mul3A_237 : i32
        %dma_start3A = tpu.memref_slice %arg10[%mul3A_238] : memref<20096xi32, #tpu.memory_space<vmem>> -> memref<128xi32, #tpu.memory_space<vmem>>
        %dma_start3A_239 = arith.constant 0 : i32
        %dma_start3A_240 = tpu.memref_slice %arg12[%scan3A_235, %dma_start3A_239] : memref<157x128xi32, #tpu.memory_space<vmem>> -> memref<1x128xi32, #tpu.memory_space<vmem>>
        %dma_start3A_241 = tpu.memref_squeeze %dma_start3A_240 : memref<1x128xi32, #tpu.memory_space<vmem>> -> memref<128xi32, #tpu.memory_space<vmem>>
        %dma_start3A_242 = arith.constant 0 : i32
        %dma_start3A_243 = tpu.memref_slice %arg7[%dma_start3A_242] : memref<324096xi32, #tpu.memory_space<vmem_shared>> -> memref<324096xi32, #tpu.memory_space<vmem_shared>>
        tpu.enqueue_indirect_dma source(%dma_start3A : memref<128xi32, #tpu.memory_space<vmem>>) target(%dma_start3A_243 : memref<324096xi32, #tpu.memory_space<vmem_shared>>) offsets(%dma_start3A_241 : memref<128xi32, #tpu.memory_space<vmem>>) semaphore(%arg18 : memref<!tpu.dma_semaphore, #tpu.memory_space<semaphore_mem>>)
        %mul3A_244 = arith.constant 128 : i32
        %mul3A_245 = arith.muli %scan3A_235, %mul3A_244 : i32
        %dma_start3A_246 = tpu.memref_slice %arg11[%mul3A_245] : memref<20096xi32, #tpu.memory_space<vmem>> -> memref<128xi32, #tpu.memory_space<vmem>>
        %dma_start3A_247 = arith.constant 0 : i32
        %dma_start3A_248 = tpu.memref_slice %arg12[%scan3A_235, %dma_start3A_247] : memref<157x128xi32, #tpu.memory_space<vmem>> -> memref<1x128xi32, #tpu.memory_space<vmem>>
        %dma_start3A_249 = tpu.memref_squeeze %dma_start3A_248 : memref<1x128xi32, #tpu.memory_space<vmem>> -> memref<128xi32, #tpu.memory_space<vmem>>
        %dma_start3A_250 = arith.constant 0 : i32
        %dma_start3A_251 = tpu.memref_slice %arg8[%dma_start3A_250] : memref<324096xi32, #tpu.memory_space<vmem_shared>> -> memref<324096xi32, #tpu.memory_space<vmem_shared>>
        tpu.enqueue_indirect_dma source(%dma_start3A_246 : memref<128xi32, #tpu.memory_space<vmem>>) target(%dma_start3A_251 : memref<324096xi32, #tpu.memory_space<vmem_shared>>) offsets(%dma_start3A_249 : memref<128xi32, #tpu.memory_space<vmem>>) semaphore(%arg19 : memref<!tpu.dma_semaphore, #tpu.memory_space<semaphore_mem>>)
        %dma_wait3A = tpu.memref_slice %arg10[%mul3A_238] : memref<20096xi32, #tpu.memory_space<vmem>> -> memref<128xi32, #tpu.memory_space<vmem>>
        %dma_wait3A_252 = arith.constant 0 : i32
        %dma_wait3A_253 = tpu.memref_slice %arg12[%scan3A_235, %dma_wait3A_252] : memref<157x128xi32, #tpu.memory_space<vmem>> -> memref<1x128xi32, #tpu.memory_space<vmem>>
        %dma_wait3A_254 = tpu.memref_squeeze %dma_wait3A_253 : memref<1x128xi32, #tpu.memory_space<vmem>> -> memref<128xi32, #tpu.memory_space<vmem>>
        %dma_wait3A_255 = arith.constant 0 : i32
        %dma_wait3A_256 = tpu.memref_slice %arg7[%dma_wait3A_255] : memref<324096xi32, #tpu.memory_space<vmem_shared>> -> memref<324096xi32, #tpu.memory_space<vmem_shared>>
        tpu.wait_indirect_dma semaphore(%arg18 : memref<!tpu.dma_semaphore, #tpu.memory_space<semaphore_mem>>) src(%dma_wait3A : memref<128xi32, #tpu.memory_space<vmem>>) dst(%dma_wait3A_256 : memref<324096xi32, #tpu.memory_space<vmem_shared>>)
        %dma_wait3A_257 = tpu.memref_slice %arg11[%mul3A_245] : memref<20096xi32, #tpu.memory_space<vmem>> -> memref<128xi32, #tpu.memory_space<vmem>>
        %dma_wait3A_258 = arith.constant 0 : i32
        %dma_wait3A_259 = tpu.memref_slice %arg12[%scan3A_235, %dma_wait3A_258] : memref<157x128xi32, #tpu.memory_space<vmem>> -> memref<1x128xi32, #tpu.memory_space<vmem>>
        %dma_wait3A_260 = tpu.memref_squeeze %dma_wait3A_259 : memref<1x128xi32, #tpu.memory_space<vmem>> -> memref<128xi32, #tpu.memory_space<vmem>>
        %dma_wait3A_261 = arith.constant 0 : i32
        %dma_wait3A_262 = tpu.memref_slice %arg8[%dma_wait3A_261] : memref<324096xi32, #tpu.memory_space<vmem_shared>> -> memref<324096xi32, #tpu.memory_space<vmem_shared>>
        tpu.wait_indirect_dma semaphore(%arg19 : memref<!tpu.dma_semaphore, #tpu.memory_space<semaphore_mem>>) src(%dma_wait3A_257 : memref<128xi32, #tpu.memory_space<vmem>>) dst(%dma_wait3A_262 : memref<324096xi32, #tpu.memory_space<vmem_shared>>)
        %scan3A_263 = arith.constant 0 : i32
        scf.yield %scan3A_263 : i32
      }
      %scan3A_231 = arith.constant 157 : i32
      %barrier3A_232 = arith.constant 0 : index
      tpu.barrier barrier_id(%barrier3A_232)
      %mul3A_233 = arith.constant 10000 : i32
      %mul3A_234 = arith.muli %arg1, %mul3A_233 : i32
      "tpu.region"() ({
        %run_scoped3A = tpu.sem_alloc : memref<!tpu.dma_semaphore, #tpu.memory_space<semaphore_mem>>
        %dma_start3A = arith.constant 0 : i32
        %dma_start3A_235 = tpu.memref_slice %arg10[%dma_start3A] : memref<20096xi32, #tpu.memory_space<vmem>> -> memref<10000xi32, #tpu.memory_space<vmem>>
        %dma_start3A_236 = tpu.memref_slice %arg7[%mul3A_234] : memref<324096xi32, #tpu.memory_space<vmem_shared>> -> memref<10000xi32, #tpu.memory_space<vmem_shared>>
        %dma_start3A_237 = arith.constant 0 : i32
        %dma_start3A_238 = tpu.memref_slice %arg10[%dma_start3A_237] : memref<20096xi32, #tpu.memory_space<vmem>> -> memref<10000xi32, #tpu.memory_space<vmem>>
        %dma_start3A_239 = tpu.memref_slice %arg7[%mul3A_234] : memref<324096xi32, #tpu.memory_space<vmem_shared>> -> memref<10000xi32, #tpu.memory_space<vmem_shared>>
        tpu.enqueue_dma source(%dma_start3A_239 : memref<10000xi32, #tpu.memory_space<vmem_shared>>) target(%dma_start3A_238 : memref<10000xi32, #tpu.memory_space<vmem>>) target_semaphore(%run_scoped3A : memref<!tpu.dma_semaphore, #tpu.memory_space<semaphore_mem>>)
        %dma_wait3A = arith.constant 0 : i32
        %dma_wait3A_240 = tpu.memref_slice %arg10[%dma_wait3A] : memref<20096xi32, #tpu.memory_space<vmem>> -> memref<10000xi32, #tpu.memory_space<vmem>>
        %dma_wait3A_241 = tpu.memref_slice %arg7[%mul3A_234] : memref<324096xi32, #tpu.memory_space<vmem_shared>> -> memref<10000xi32, #tpu.memory_space<vmem_shared>>
        %dma_wait3A_242 = arith.constant 0 : i32
        %dma_wait3A_243 = tpu.memref_slice %arg10[%dma_wait3A_242] : memref<20096xi32, #tpu.memory_space<vmem>> -> memref<10000xi32, #tpu.memory_space<vmem>>
        %dma_wait3A_244 = tpu.memref_slice %arg7[%mul3A_234] : memref<324096xi32, #tpu.memory_space<vmem_shared>> -> memref<10000xi32, #tpu.memory_space<vmem_shared>>
        tpu.wait_dma2 semaphore(%run_scoped3A : memref<!tpu.dma_semaphore, #tpu.memory_space<semaphore_mem>>) src(%dma_wait3A_244 : memref<10000xi32, #tpu.memory_space<vmem_shared>>) dst(%dma_wait3A_243 : memref<10000xi32, #tpu.memory_space<vmem>>)
        tpu.yield
      }) : () -> ()
      "tpu.region"() ({
        %run_scoped3A = tpu.sem_alloc : memref<!tpu.dma_semaphore, #tpu.memory_space<semaphore_mem>>
        %dma_start3A = arith.constant 0 : i32
        %dma_start3A_235 = tpu.memref_slice %arg11[%dma_start3A] : memref<20096xi32, #tpu.memory_space<vmem>> -> memref<10000xi32, #tpu.memory_space<vmem>>
        %dma_start3A_236 = tpu.memref_slice %arg8[%mul3A_234] : memref<324096xi32, #tpu.memory_space<vmem_shared>> -> memref<10000xi32, #tpu.memory_space<vmem_shared>>
        %dma_start3A_237 = arith.constant 0 : i32
        %dma_start3A_238 = tpu.memref_slice %arg11[%dma_start3A_237] : memref<20096xi32, #tpu.memory_space<vmem>> -> memref<10000xi32, #tpu.memory_space<vmem>>
        %dma_start3A_239 = tpu.memref_slice %arg8[%mul3A_234] : memref<324096xi32, #tpu.memory_space<vmem_shared>> -> memref<10000xi32, #tpu.memory_space<vmem_shared>>
        tpu.enqueue_dma source(%dma_start3A_239 : memref<10000xi32, #tpu.memory_space<vmem_shared>>) target(%dma_start3A_238 : memref<10000xi32, #tpu.memory_space<vmem>>) target_semaphore(%run_scoped3A : memref<!tpu.dma_semaphore, #tpu.memory_space<semaphore_mem>>)
        %dma_wait3A = arith.constant 0 : i32
        %dma_wait3A_240 = tpu.memref_slice %arg11[%dma_wait3A] : memref<20096xi32, #tpu.memory_space<vmem>> -> memref<10000xi32, #tpu.memory_space<vmem>>
        %dma_wait3A_241 = tpu.memref_slice %arg8[%mul3A_234] : memref<324096xi32, #tpu.memory_space<vmem_shared>> -> memref<10000xi32, #tpu.memory_space<vmem_shared>>
        %dma_wait3A_242 = arith.constant 0 : i32
        %dma_wait3A_243 = tpu.memref_slice %arg11[%dma_wait3A_242] : memref<20096xi32, #tpu.memory_space<vmem>> -> memref<10000xi32, #tpu.memory_space<vmem>>
        %dma_wait3A_244 = tpu.memref_slice %arg8[%mul3A_234] : memref<324096xi32, #tpu.memory_space<vmem_shared>> -> memref<10000xi32, #tpu.memory_space<vmem_shared>>
        tpu.wait_dma2 semaphore(%run_scoped3A : memref<!tpu.dma_semaphore, #tpu.memory_space<semaphore_mem>>) src(%dma_wait3A_244 : memref<10000xi32, #tpu.memory_space<vmem_shared>>) dst(%dma_wait3A_243 : memref<10000xi32, #tpu.memory_space<vmem>>)
        tpu.yield
      }) : () -> ()
      "tpu.region"() ({
        %run_scoped3A = tpu.sem_alloc : memref<!tpu.dma_semaphore, #tpu.memory_space<semaphore_mem>>
        %dma_start3A = arith.constant 0 : i32
        %dma_start3A_235 = tpu.memref_slice %arg10[%dma_start3A] : memref<20096xi32, #tpu.memory_space<vmem>> -> memref<10000xi32, #tpu.memory_space<vmem>>
        %dma_start3A_236 = tpu.memref_slice %arg3[%mul3A_234] : memref<160000xi32, #tpu.memory_space<hbm>> -> memref<10000xi32, #tpu.memory_space<hbm>>
        %dma_start3A_237 = tpu.memref_slice %arg3[%mul3A_234] : memref<160000xi32, #tpu.memory_space<hbm>> -> memref<10000xi32, #tpu.memory_space<hbm>>
        %dma_start3A_238 = arith.constant 0 : i32
        %dma_start3A_239 = tpu.memref_slice %arg10[%dma_start3A_238] : memref<20096xi32, #tpu.memory_space<vmem>> -> memref<10000xi32, #tpu.memory_space<vmem>>
        tpu.enqueue_dma source(%dma_start3A_239 : memref<10000xi32, #tpu.memory_space<vmem>>) target(%dma_start3A_237 : memref<10000xi32, #tpu.memory_space<hbm>>) target_semaphore(%run_scoped3A : memref<!tpu.dma_semaphore, #tpu.memory_space<semaphore_mem>>)
        %dma_wait3A = arith.constant 0 : i32
        %dma_wait3A_240 = tpu.memref_slice %arg10[%dma_wait3A] : memref<20096xi32, #tpu.memory_space<vmem>> -> memref<10000xi32, #tpu.memory_space<vmem>>
        %dma_wait3A_241 = tpu.memref_slice %arg3[%mul3A_234] : memref<160000xi32, #tpu.memory_space<hbm>> -> memref<10000xi32, #tpu.memory_space<hbm>>
        %dma_wait3A_242 = tpu.memref_slice %arg3[%mul3A_234] : memref<160000xi32, #tpu.memory_space<hbm>> -> memref<10000xi32, #tpu.memory_space<hbm>>
        %dma_wait3A_243 = arith.constant 0 : i32
        %dma_wait3A_244 = tpu.memref_slice %arg10[%dma_wait3A_243] : memref<20096xi32, #tpu.memory_space<vmem>> -> memref<10000xi32, #tpu.memory_space<vmem>>
        tpu.wait_dma2 semaphore(%run_scoped3A : memref<!tpu.dma_semaphore, #tpu.memory_space<semaphore_mem>>) src(%dma_wait3A_244 : memref<10000xi32, #tpu.memory_space<vmem>>) dst(%dma_wait3A_242 : memref<10000xi32, #tpu.memory_space<hbm>>)
        tpu.yield
      }) : () -> ()
      "tpu.region"() ({
        %run_scoped3A = tpu.sem_alloc : memref<!tpu.dma_semaphore, #tpu.memory_space<semaphore_mem>>
        %dma_start3A = arith.constant 0 : i32
        %dma_start3A_235 = tpu.memref_slice %arg11[%dma_start3A] : memref<20096xi32, #tpu.memory_space<vmem>> -> memref<10000xi32, #tpu.memory_space<vmem>>
        %dma_start3A_236 = tpu.memref_slice %arg4[%mul3A_234] : memref<160000xi32, #tpu.memory_space<hbm>> -> memref<10000xi32, #tpu.memory_space<hbm>>
        %dma_start3A_237 = tpu.memref_slice %arg4[%mul3A_234] : memref<160000xi32, #tpu.memory_space<hbm>> -> memref<10000xi32, #tpu.memory_space<hbm>>
        %dma_start3A_238 = arith.constant 0 : i32
        %dma_start3A_239 = tpu.memref_slice %arg11[%dma_start3A_238] : memref<20096xi32, #tpu.memory_space<vmem>> -> memref<10000xi32, #tpu.memory_space<vmem>>
        tpu.enqueue_dma source(%dma_start3A_239 : memref<10000xi32, #tpu.memory_space<vmem>>) target(%dma_start3A_237 : memref<10000xi32, #tpu.memory_space<hbm>>) target_semaphore(%run_scoped3A : memref<!tpu.dma_semaphore, #tpu.memory_space<semaphore_mem>>)
        %dma_wait3A = arith.constant 0 : i32
        %dma_wait3A_240 = tpu.memref_slice %arg11[%dma_wait3A] : memref<20096xi32, #tpu.memory_space<vmem>> -> memref<10000xi32, #tpu.memory_space<vmem>>
        %dma_wait3A_241 = tpu.memref_slice %arg4[%mul3A_234] : memref<160000xi32, #tpu.memory_space<hbm>> -> memref<10000xi32, #tpu.memory_space<hbm>>
        %dma_wait3A_242 = tpu.memref_slice %arg4[%mul3A_234] : memref<160000xi32, #tpu.memory_space<hbm>> -> memref<10000xi32, #tpu.memory_space<hbm>>
        %dma_wait3A_243 = arith.constant 0 : i32
        %dma_wait3A_244 = tpu.memref_slice %arg11[%dma_wait3A_243] : memref<20096xi32, #tpu.memory_space<vmem>> -> memref<10000xi32, #tpu.memory_space<vmem>>
        tpu.wait_dma2 semaphore(%run_scoped3A : memref<!tpu.dma_semaphore, #tpu.memory_space<semaphore_mem>>) src(%dma_wait3A_244 : memref<10000xi32, #tpu.memory_space<vmem>>) dst(%dma_wait3A_242 : memref<10000xi32, #tpu.memory_space<hbm>>)
        tpu.yield
      }) : () -> ()
    } else {
    }
    return
  }
}

#map = affine_map<(d0, d1) -> (0)>
module attributes {stable_mosaic.version = 14 : i64} {
  func.func @k(%arg0: i32, %arg1: i32, %arg2: memref<160000xi32, #tpu.memory_space<hbm>>, %arg3: memref<160000xi32, #tpu.memory_space<hbm>>, %arg4: memref<320000xi32, #tpu.memory_space<hbm>>, %arg5: memref<320000xi32, #tpu.memory_space<hbm>>, %arg6: memref<160000xf32, #tpu.memory_space<hbm>>, %arg7: memref<160000xi32, #tpu.memory_space<hbm>>, %arg8: memref<160000xi32, #tpu.memory_space<hbm>>, %arg9: memref<5000xi32, #tpu.memory_space<vmem>>, %arg10: memref<5000xf32, #tpu.memory_space<vmem>>, %arg11: memref<40x128xi32, #tpu.memory_space<vmem>>, %arg12: memref<5120xi32, #tpu.memory_space<vmem>>, %arg13: memref<5120xi32, #tpu.memory_space<vmem>>, %arg14: memref<!tpu.dma_semaphore, #tpu.memory_space<semaphore_mem>>, %arg15: memref<!tpu.dma_semaphore, #tpu.memory_space<semaphore_mem>>) attributes {dimension_semantics = [#tpu.dimension_semantics<core_parallel>, #tpu.dimension_semantics<subcore_parallel>], iteration_bounds = array<i64: 2, 16>, scalar_prefetch = 0 : i64, scratch_operands = 7 : i64, tpu.core_type = #tpu.core_type<sc_vector_subcore>, window_params = [{transform_indices = #map}, {transform_indices = #map}, {transform_indices = #map}, {transform_indices = #map}, {transform_indices = #map}, {transform_indices = #map}, {transform_indices = #map}]} {
    %mul3A = arith.constant 2 : i32
    %mul3A_0 = arith.muli %arg1, %mul3A : i32
    %add3A = arith.addi %mul3A_0, %arg0 : i32
    %mul3A_1 = arith.constant 5000 : i32
    %mul3A_2 = arith.muli %add3A, %mul3A_1 : i32
    %iota3A = tpu.iota {dimensions = array<i32: 0>} : vector<16xi32>
    "tpu.region"() ({
      %run_scoped3A = tpu.sem_alloc : memref<!tpu.dma_semaphore, #tpu.memory_space<semaphore_mem>>
      %dma_start3A = tpu.memref_slice %arg2[%mul3A_2] : memref<160000xi32, #tpu.memory_space<hbm>> -> memref<5000xi32, #tpu.memory_space<hbm>>
      %dma_start3A_30 = tpu.memref_slice %arg2[%mul3A_2] : memref<160000xi32, #tpu.memory_space<hbm>> -> memref<5000xi32, #tpu.memory_space<hbm>>
      tpu.enqueue_dma source(%dma_start3A_30 : memref<5000xi32, #tpu.memory_space<hbm>>) target(%arg9 : memref<5000xi32, #tpu.memory_space<vmem>>) target_semaphore(%run_scoped3A : memref<!tpu.dma_semaphore, #tpu.memory_space<semaphore_mem>>)
      %dma_wait3A = tpu.memref_slice %arg2[%mul3A_2] : memref<160000xi32, #tpu.memory_space<hbm>> -> memref<5000xi32, #tpu.memory_space<hbm>>
      %dma_wait3A_31 = tpu.memref_slice %arg2[%mul3A_2] : memref<160000xi32, #tpu.memory_space<hbm>> -> memref<5000xi32, #tpu.memory_space<hbm>>
      tpu.wait_dma2 semaphore(%run_scoped3A : memref<!tpu.dma_semaphore, #tpu.memory_space<semaphore_mem>>) src(%dma_wait3A_31 : memref<5000xi32, #tpu.memory_space<hbm>>) dst(%arg9 : memref<5000xi32, #tpu.memory_space<vmem>>)
      tpu.yield
    }) : () -> ()
    %scan3A = arith.constant 0 : i32
    %scan3A_3 = arith.constant 0 : i32
    %scan3A_4 = arith.constant 312 : i32
    %scan3A_5 = arith.addi %scan3A_3, %scan3A_4 : i32
    %scan3A_6 = arith.constant 1 : i32
    %scan3A_7 = scf.for %scan3A_30 = %scan3A_3 to %scan3A_5 step %scan3A_6 iter_args(%scan3A_31 = %scan3A) -> (i32)  : i32 {
      %mul3A_32 = arith.constant 16 : i32
      %mul3A_33 = arith.muli %scan3A_30, %mul3A_32 : i32
      %get3A_34 = arith.index_cast %mul3A_33 : i32 to index
      %get3A_35 = tpu.vector_load %arg9[%get3A_34] {strides = array<i32>} : memref<5000xi32, #tpu.memory_space<vmem>>, vector<16xi32>,
      %lt3A_36 = arith.constant 0 : i32
      %lt3A_37 = vector.broadcast %lt3A_36 : i32 to vector<16xi32>
      %lt3A_38 = arith.cmpi slt, %get3A_35, %lt3A_37 : vector<16xi32>
      %not3A_39 = arith.constant dense<-1> : vector<16xi32>
      %not3A_40 = arith.xori %get3A_35, %not3A_39 : vector<16xi32>
      %xor3A_41 = arith.constant -2147483648 : i32
      %xor3A_42 = vector.broadcast %xor3A_41 : i32 to vector<16xi32>
      %xor3A_43 = arith.xori %not3A_40, %xor3A_42 : vector<16xi32>
      %select_n3A_44 = arith.select %lt3A_38, %get3A_35, %xor3A_43 : vector<16xi1>, vector<16xi32>
      %bitcast3A_45 = vector.bitcast %select_n3A_44 : vector<16xi32> to vector<16xf32>
      %swap3A_46 = arith.index_cast %mul3A_33 : i32 to index
      %swap3A_47 = tpu.vector_load %arg10[%swap3A_46] {strides = array<i32>} : memref<5000xf32, #tpu.memory_space<vmem>>, vector<16xf32>,
      tpu.vector_store %arg10[%swap3A_46], %bitcast3A_45 {strides = array<i32>} : memref<5000xf32, #tpu.memory_space<vmem>>, vector<16xf32>,
      %scan3A_48 = arith.constant 0 : i32
      scf.yield %scan3A_48 : i32
    }
    %scan3A_8 = arith.constant 312 : i32
    %get3A = arith.constant 4984 : index
    %get3A_9 = tpu.vector_load %arg9[%get3A] {strides = array<i32>} : memref<5000xi32, #tpu.memory_space<vmem>>, vector<16xi32>,
    %lt3A = arith.constant 0 : i32
    %lt3A_10 = vector.broadcast %lt3A : i32 to vector<16xi32>
    %lt3A_11 = arith.cmpi slt, %get3A_9, %lt3A_10 : vector<16xi32>
    %not3A = arith.constant dense<-1> : vector<16xi32>
    %not3A_12 = arith.xori %get3A_9, %not3A : vector<16xi32>
    %xor3A = arith.constant -2147483648 : i32
    %xor3A_13 = vector.broadcast %xor3A : i32 to vector<16xi32>
    %xor3A_14 = arith.xori %not3A_12, %xor3A_13 : vector<16xi32>
    %select_n3A = arith.select %lt3A_11, %get3A_9, %xor3A_14 : vector<16xi1>, vector<16xi32>
    %bitcast3A = vector.bitcast %select_n3A : vector<16xi32> to vector<16xf32>
    %swap3A = arith.constant 4984 : index
    %swap3A_15 = tpu.vector_load %arg10[%swap3A] {strides = array<i32>} : memref<5000xf32, #tpu.memory_space<vmem>>, vector<16xf32>,
    tpu.vector_store %arg10[%swap3A], %bitcast3A {strides = array<i32>} : memref<5000xf32, #tpu.memory_space<vmem>>, vector<16xf32>,
    "tpu.region"() ({
      %run_scoped3A = tpu.sem_alloc : memref<!tpu.dma_semaphore, #tpu.memory_space<semaphore_mem>>
      %dma_start3A = tpu.memref_slice %arg6[%mul3A_2] : memref<160000xf32, #tpu.memory_space<hbm>> -> memref<5000xf32, #tpu.memory_space<hbm>>
      %dma_start3A_30 = tpu.memref_slice %arg6[%mul3A_2] : memref<160000xf32, #tpu.memory_space<hbm>> -> memref<5000xf32, #tpu.memory_space<hbm>>
      tpu.enqueue_dma source(%arg10 : memref<5000xf32, #tpu.memory_space<vmem>>) target(%dma_start3A_30 : memref<5000xf32, #tpu.memory_space<hbm>>) target_semaphore(%run_scoped3A : memref<!tpu.dma_semaphore, #tpu.memory_space<semaphore_mem>>)
      %dma_wait3A = tpu.memref_slice %arg6[%mul3A_2] : memref<160000xf32, #tpu.memory_space<hbm>> -> memref<5000xf32, #tpu.memory_space<hbm>>
      %dma_wait3A_31 = tpu.memref_slice %arg6[%mul3A_2] : memref<160000xf32, #tpu.memory_space<hbm>> -> memref<5000xf32, #tpu.memory_space<hbm>>
      tpu.wait_dma2 semaphore(%run_scoped3A : memref<!tpu.dma_semaphore, #tpu.memory_space<semaphore_mem>>) src(%arg10 : memref<5000xf32, #tpu.memory_space<vmem>>) dst(%dma_wait3A_31 : memref<5000xf32, #tpu.memory_space<hbm>>)
      tpu.yield
    }) : () -> ()
    "tpu.region"() ({
      %run_scoped3A = tpu.sem_alloc : memref<!tpu.dma_semaphore, #tpu.memory_space<semaphore_mem>>
      %dma_start3A = tpu.memref_slice %arg3[%mul3A_2] : memref<160000xi32, #tpu.memory_space<hbm>> -> memref<5000xi32, #tpu.memory_space<hbm>>
      %dma_start3A_30 = tpu.memref_slice %arg3[%mul3A_2] : memref<160000xi32, #tpu.memory_space<hbm>> -> memref<5000xi32, #tpu.memory_space<hbm>>
      tpu.enqueue_dma source(%dma_start3A_30 : memref<5000xi32, #tpu.memory_space<hbm>>) target(%arg9 : memref<5000xi32, #tpu.memory_space<vmem>>) target_semaphore(%run_scoped3A : memref<!tpu.dma_semaphore, #tpu.memory_space<semaphore_mem>>)
      %dma_wait3A = tpu.memref_slice %arg3[%mul3A_2] : memref<160000xi32, #tpu.memory_space<hbm>> -> memref<5000xi32, #tpu.memory_space<hbm>>
      %dma_wait3A_31 = tpu.memref_slice %arg3[%mul3A_2] : memref<160000xi32, #tpu.memory_space<hbm>> -> memref<5000xi32, #tpu.memory_space<hbm>>
      tpu.wait_dma2 semaphore(%run_scoped3A : memref<!tpu.dma_semaphore, #tpu.memory_space<semaphore_mem>>) src(%dma_wait3A_31 : memref<5000xi32, #tpu.memory_space<hbm>>) dst(%arg9 : memref<5000xi32, #tpu.memory_space<vmem>>)
      tpu.yield
    }) : () -> ()
    %scan3A_16 = arith.constant 0 : i32
    %scan3A_17 = arith.constant 0 : i32
    %scan3A_18 = arith.constant 320 : i32
    %scan3A_19 = arith.addi %scan3A_17, %scan3A_18 : i32
    %scan3A_20 = arith.constant 1 : i32
    %scan3A_21 = scf.for %scan3A_30 = %scan3A_17 to %scan3A_19 step %scan3A_20 iter_args(%scan3A_31 = %scan3A_16) -> (i32)  : i32 {
      %mul3A_32 = arith.constant 16 : i32
      %mul3A_33 = arith.muli %scan3A_30, %mul3A_32 : i32
      %add3A_34 = vector.broadcast %mul3A_33 : i32 to vector<16xi32>
      %add3A_35 = arith.addi %add3A_34, %iota3A : vector<16xi32>
      %lt3A_36 = arith.constant 5000 : i32
      %lt3A_37 = vector.broadcast %lt3A_36 : i32 to vector<16xi32>
      %lt3A_38 = arith.cmpi slt, %add3A_35, %lt3A_37 : vector<16xi32>
      %min3A = arith.constant 4999 : i32
      %min3A_39 = vector.broadcast %min3A : i32 to vector<16xi32>
      %min3A_40 = arith.minsi %add3A_35, %min3A_39 : vector<16xi32>
      %gather3A = tpu.vector_load_idx %arg9[%min3A_40] : memref<5000xi32, #tpu.memory_space<vmem>>[vector<16xi32>], vector<16xi32>,
      %jit3A = arith.constant 0 : i32
      %broadcast_in_dim3A = vector.broadcast %jit3A : i32 to vector<16xi32>
      %select_n3A_41 = arith.select %lt3A_38, %gather3A, %broadcast_in_dim3A : vector<16xi1>, vector<16xi32>
      %jit3A_42 = arith.constant 128 : i32
      %div3A = vector.broadcast %jit3A_42 : i32 to vector<16xi32>
      %div3A_43 = arith.divsi %add3A_35, %div3A : vector<16xi32>
      %sign3A = arith.constant 0 : i32
      %sign3A_44 = vector.broadcast %sign3A : i32 to vector<16xi32>
      %sign3A_45 = arith.cmpi sgt, %add3A_35, %sign3A_44 : vector<16xi32>
      %sign3A_46 = arith.extui %sign3A_45 : vector<16xi1> to vector<16xi32>
      %sign3A_47 = arith.constant 0 : i32
      %sign3A_48 = vector.broadcast %sign3A_47 : i32 to vector<16xi32>
      %sign3A_49 = arith.cmpi slt, %add3A_35, %sign3A_48 : vector<16xi32>
      %sign3A_50 = arith.extui %sign3A_49 : vector<16xi1> to vector<16xi32>
      %sign3A_51 = arith.subi %sign3A_46, %sign3A_50 : vector<16xi32>
      %sign3A_52 = arith.constant 0 : i32
      %sign3A_53 = arith.cmpi sgt, %jit3A_42, %sign3A_52 : i32
      %sign3A_54 = arith.extui %sign3A_53 : i1 to i32
      %sign3A_55 = arith.constant 0 : i32
      %sign3A_56 = arith.cmpi slt, %jit3A_42, %sign3A_55 : i32
      %sign3A_57 = arith.extui %sign3A_56 : i1 to i32
      %sign3A_58 = arith.subi %sign3A_54, %sign3A_57 : i32
      %ne3A = vector.broadcast %sign3A_58 : i32 to vector<16xi32>
      %ne3A_59 = arith.cmpi ne, %sign3A_51, %ne3A : vector<16xi32>
      %rem3A = vector.broadcast %jit3A_42 : i32 to vector<16xi32>
      %rem3A_60 = arith.remsi %add3A_35, %rem3A : vector<16xi32>
      %ne3A_61 = arith.constant 0 : i32
      %ne3A_62 = vector.broadcast %ne3A_61 : i32 to vector<16xi32>
      %ne3A_63 = arith.cmpi ne, %rem3A_60, %ne3A_62 : vector<16xi32>
      %and3A = arith.andi %ne3A_59, %ne3A_63 : vector<16xi1>
      %sub3A = arith.constant 1 : i32
      %sub3A_64 = vector.broadcast %sub3A : i32 to vector<16xi32>
      %sub3A_65 = arith.subi %div3A_43, %sub3A_64 : vector<16xi32>
      %select_n3A_66 = arith.select %and3A, %sub3A_65, %div3A_43 : vector<16xi1>, vector<16xi32>
      %jit3A_67 = arith.constant 128 : i32
      %eq3A = arith.constant 0 : i32
      %eq3A_68 = arith.cmpi eq, %jit3A_67, %eq3A : i32
      %jit3A_69 = arith.constant 1 : i32
      %select_n3A_70 = arith.select %eq3A_68, %jit3A_69, %jit3A_67 : i32
      %rem3A_71 = vector.broadcast %select_n3A_70 : i32 to vector<16xi32>
      %rem3A_72 = arith.remsi %add3A_35, %rem3A_71 : vector<16xi32>
      %ne3A_73 = arith.constant 0 : i32
      %ne3A_74 = vector.broadcast %ne3A_73 : i32 to vector<16xi32>
      %ne3A_75 = arith.cmpi ne, %rem3A_72, %ne3A_74 : vector<16xi32>
      %lt3A_76 = arith.constant 0 : i32
      %lt3A_77 = vector.broadcast %lt3A_76 : i32 to vector<16xi32>
      %lt3A_78 = arith.cmpi slt, %rem3A_72, %lt3A_77 : vector<16xi32>
      %lt3A_79 = arith.constant 0 : i32
      %lt3A_80 = arith.cmpi slt, %select_n3A_70, %lt3A_79 : i32
      %ne3A_81 = vector.broadcast %lt3A_80 : i1 to vector<16xi1>
      %ne3A_82 = vector.broadcast %ne3A_81 : vector<16xi1> to vector<16xi1>
      %ne3A_83 = arith.xori %lt3A_78, %ne3A_82 : vector<16xi1>
      %and3A_84 = arith.andi %ne3A_83, %ne3A_75 : vector<16xi1>
      %add3A_85 = vector.broadcast %select_n3A_70 : i32 to vector<16xi32>
      %add3A_86 = arith.addi %rem3A_72, %add3A_85 : vector<16xi32>
      %select_n3A_87 = arith.select %and3A_84, %add3A_86, %rem3A_72 : vector<16xi1>, vector<16xi32>
      tpu.vector_store_idx %arg11[%select_n3A_66, %select_n3A_87], %select_n3A_41 : memref<40x128xi32, #tpu.memory_space<vmem>>[vector<16xi32>, vector<16xi32>], vector<16xi32>,
      %scan3A_88 = arith.constant 0 : i32
      scf.yield %scan3A_88 : i32
    }
    %scan3A_22 = arith.constant 320 : i32
    %scan3A_23 = arith.constant 0 : i32
    %scan3A_24 = arith.constant 0 : i32
    %scan3A_25 = arith.constant 40 : i32
    %scan3A_26 = arith.addi %scan3A_24, %scan3A_25 : i32
    %scan3A_27 = arith.constant 1 : i32
    %scan3A_28 = scf.for %scan3A_30 = %scan3A_24 to %scan3A_26 step %scan3A_27 iter_args(%scan3A_31 = %scan3A_23) -> (i32)  : i32 {
      %mul3A_32 = arith.constant 128 : i32
      %mul3A_33 = arith.muli %scan3A_30, %mul3A_32 : i32
      %dma_start3A = tpu.memref_slice %arg12[%mul3A_33] : memref<5120xi32, #tpu.memory_space<vmem>> -> memref<128xi32, #tpu.memory_space<vmem>>
      %dma_start3A_34 = arith.constant 0 : i32
      %dma_start3A_35 = tpu.memref_slice %arg11[%scan3A_30, %dma_start3A_34] : memref<40x128xi32, #tpu.memory_space<vmem>> -> memref<1x128xi32, #tpu.memory_space<vmem>>
      %dma_start3A_36 = tpu.memref_squeeze %dma_start3A_35 : memref<1x128xi32, #tpu.memory_space<vmem>> -> memref<128xi32, #tpu.memory_space<vmem>>
      %dma_start3A_37 = arith.constant 0 : i32
      %dma_start3A_38 = tpu.memref_slice %arg4[%dma_start3A_37] : memref<320000xi32, #tpu.memory_space<hbm>> -> memref<320000xi32, #tpu.memory_space<hbm>>
      tpu.enqueue_indirect_dma source(%dma_start3A_38 : memref<320000xi32, #tpu.memory_space<hbm>>) target(%dma_start3A : memref<128xi32, #tpu.memory_space<vmem>>) offsets(%dma_start3A_36 : memref<128xi32, #tpu.memory_space<vmem>>) semaphore(%arg14 : memref<!tpu.dma_semaphore, #tpu.memory_space<semaphore_mem>>)
      %mul3A_39 = arith.constant 128 : i32
      %mul3A_40 = arith.muli %scan3A_30, %mul3A_39 : i32
      %dma_start3A_41 = tpu.memref_slice %arg13[%mul3A_40] : memref<5120xi32, #tpu.memory_space<vmem>> -> memref<128xi32, #tpu.memory_space<vmem>>
      %dma_start3A_42 = arith.constant 0 : i32
      %dma_start3A_43 = tpu.memref_slice %arg11[%scan3A_30, %dma_start3A_42] : memref<40x128xi32, #tpu.memory_space<vmem>> -> memref<1x128xi32, #tpu.memory_space<vmem>>
      %dma_start3A_44 = tpu.memref_squeeze %dma_start3A_43 : memref<1x128xi32, #tpu.memory_space<vmem>> -> memref<128xi32, #tpu.memory_space<vmem>>
      %dma_start3A_45 = arith.constant 0 : i32
      %dma_start3A_46 = tpu.memref_slice %arg5[%dma_start3A_45] : memref<320000xi32, #tpu.memory_space<hbm>> -> memref<320000xi32, #tpu.memory_space<hbm>>
      tpu.enqueue_indirect_dma source(%dma_start3A_46 : memref<320000xi32, #tpu.memory_space<hbm>>) target(%dma_start3A_41 : memref<128xi32, #tpu.memory_space<vmem>>) offsets(%dma_start3A_44 : memref<128xi32, #tpu.memory_space<vmem>>) semaphore(%arg15 : memref<!tpu.dma_semaphore, #tpu.memory_space<semaphore_mem>>)
      %dma_wait3A = tpu.memref_slice %arg12[%mul3A_33] : memref<5120xi32, #tpu.memory_space<vmem>> -> memref<128xi32, #tpu.memory_space<vmem>>
      %dma_wait3A_47 = arith.constant 0 : i32
      %dma_wait3A_48 = tpu.memref_slice %arg11[%scan3A_30, %dma_wait3A_47] : memref<40x128xi32, #tpu.memory_space<vmem>> -> memref<1x128xi32, #tpu.memory_space<vmem>>
      %dma_wait3A_49 = tpu.memref_squeeze %dma_wait3A_48 : memref<1x128xi32, #tpu.memory_space<vmem>> -> memref<128xi32, #tpu.memory_space<vmem>>
      %dma_wait3A_50 = arith.constant 0 : i32
      %dma_wait3A_51 = tpu.memref_slice %arg4[%dma_wait3A_50] : memref<320000xi32, #tpu.memory_space<hbm>> -> memref<320000xi32, #tpu.memory_space<hbm>>
      tpu.wait_indirect_dma semaphore(%arg14 : memref<!tpu.dma_semaphore, #tpu.memory_space<semaphore_mem>>) src(%dma_wait3A_51 : memref<320000xi32, #tpu.memory_space<hbm>>) dst(%dma_wait3A : memref<128xi32, #tpu.memory_space<vmem>>)
      %dma_wait3A_52 = tpu.memref_slice %arg13[%mul3A_40] : memref<5120xi32, #tpu.memory_space<vmem>> -> memref<128xi32, #tpu.memory_space<vmem>>
      %dma_wait3A_53 = arith.constant 0 : i32
      %dma_wait3A_54 = tpu.memref_slice %arg11[%scan3A_30, %dma_wait3A_53] : memref<40x128xi32, #tpu.memory_space<vmem>> -> memref<1x128xi32, #tpu.memory_space<vmem>>
      %dma_wait3A_55 = tpu.memref_squeeze %dma_wait3A_54 : memref<1x128xi32, #tpu.memory_space<vmem>> -> memref<128xi32, #tpu.memory_space<vmem>>
      %dma_wait3A_56 = arith.constant 0 : i32
      %dma_wait3A_57 = tpu.memref_slice %arg5[%dma_wait3A_56] : memref<320000xi32, #tpu.memory_space<hbm>> -> memref<320000xi32, #tpu.memory_space<hbm>>
      tpu.wait_indirect_dma semaphore(%arg15 : memref<!tpu.dma_semaphore, #tpu.memory_space<semaphore_mem>>) src(%dma_wait3A_57 : memref<320000xi32, #tpu.memory_space<hbm>>) dst(%dma_wait3A_52 : memref<128xi32, #tpu.memory_space<vmem>>)
      %scan3A_58 = arith.constant 0 : i32
      scf.yield %scan3A_58 : i32
    }
    %scan3A_29 = arith.constant 40 : i32
    "tpu.region"() ({
      %run_scoped3A = tpu.sem_alloc : memref<!tpu.dma_semaphore, #tpu.memory_space<semaphore_mem>>
      %dma_start3A = arith.constant 0 : i32
      %dma_start3A_30 = tpu.memref_slice %arg12[%dma_start3A] : memref<5120xi32, #tpu.memory_space<vmem>> -> memref<5000xi32, #tpu.memory_space<vmem>>
      %dma_start3A_31 = tpu.memref_slice %arg7[%mul3A_2] : memref<160000xi32, #tpu.memory_space<hbm>> -> memref<5000xi32, #tpu.memory_space<hbm>>
      %dma_start3A_32 = tpu.memref_slice %arg7[%mul3A_2] : memref<160000xi32, #tpu.memory_space<hbm>> -> memref<5000xi32, #tpu.memory_space<hbm>>
      %dma_start3A_33 = arith.constant 0 : i32
      %dma_start3A_34 = tpu.memref_slice %arg12[%dma_start3A_33] : memref<5120xi32, #tpu.memory_space<vmem>> -> memref<5000xi32, #tpu.memory_space<vmem>>
      tpu.enqueue_dma source(%dma_start3A_34 : memref<5000xi32, #tpu.memory_space<vmem>>) target(%dma_start3A_32 : memref<5000xi32, #tpu.memory_space<hbm>>) target_semaphore(%run_scoped3A : memref<!tpu.dma_semaphore, #tpu.memory_space<semaphore_mem>>)
      %dma_wait3A = arith.constant 0 : i32
      %dma_wait3A_35 = tpu.memref_slice %arg12[%dma_wait3A] : memref<5120xi32, #tpu.memory_space<vmem>> -> memref<5000xi32, #tpu.memory_space<vmem>>
      %dma_wait3A_36 = tpu.memref_slice %arg7[%mul3A_2] : memref<160000xi32, #tpu.memory_space<hbm>> -> memref<5000xi32, #tpu.memory_space<hbm>>
      %dma_wait3A_37 = tpu.memref_slice %arg7[%mul3A_2] : memref<160000xi32, #tpu.memory_space<hbm>> -> memref<5000xi32, #tpu.memory_space<hbm>>
      %dma_wait3A_38 = arith.constant 0 : i32
      %dma_wait3A_39 = tpu.memref_slice %arg12[%dma_wait3A_38] : memref<5120xi32, #tpu.memory_space<vmem>> -> memref<5000xi32, #tpu.memory_space<vmem>>
      tpu.wait_dma2 semaphore(%run_scoped3A : memref<!tpu.dma_semaphore, #tpu.memory_space<semaphore_mem>>) src(%dma_wait3A_39 : memref<5000xi32, #tpu.memory_space<vmem>>) dst(%dma_wait3A_37 : memref<5000xi32, #tpu.memory_space<hbm>>)
      tpu.yield
    }) : () -> ()
    "tpu.region"() ({
      %run_scoped3A = tpu.sem_alloc : memref<!tpu.dma_semaphore, #tpu.memory_space<semaphore_mem>>
      %dma_start3A = arith.constant 0 : i32
      %dma_start3A_30 = tpu.memref_slice %arg13[%dma_start3A] : memref<5120xi32, #tpu.memory_space<vmem>> -> memref<5000xi32, #tpu.memory_space<vmem>>
      %dma_start3A_31 = tpu.memref_slice %arg8[%mul3A_2] : memref<160000xi32, #tpu.memory_space<hbm>> -> memref<5000xi32, #tpu.memory_space<hbm>>
      %dma_start3A_32 = tpu.memref_slice %arg8[%mul3A_2] : memref<160000xi32, #tpu.memory_space<hbm>> -> memref<5000xi32, #tpu.memory_space<hbm>>
      %dma_start3A_33 = arith.constant 0 : i32
      %dma_start3A_34 = tpu.memref_slice %arg13[%dma_start3A_33] : memref<5120xi32, #tpu.memory_space<vmem>> -> memref<5000xi32, #tpu.memory_space<vmem>>
      tpu.enqueue_dma source(%dma_start3A_34 : memref<5000xi32, #tpu.memory_space<vmem>>) target(%dma_start3A_32 : memref<5000xi32, #tpu.memory_space<hbm>>) target_semaphore(%run_scoped3A : memref<!tpu.dma_semaphore, #tpu.memory_space<semaphore_mem>>)
      %dma_wait3A = arith.constant 0 : i32
      %dma_wait3A_35 = tpu.memref_slice %arg13[%dma_wait3A] : memref<5120xi32, #tpu.memory_space<vmem>> -> memref<5000xi32, #tpu.memory_space<vmem>>
      %dma_wait3A_36 = tpu.memref_slice %arg8[%mul3A_2] : memref<160000xi32, #tpu.memory_space<hbm>> -> memref<5000xi32, #tpu.memory_space<hbm>>
      %dma_wait3A_37 = tpu.memref_slice %arg8[%mul3A_2] : memref<160000xi32, #tpu.memory_space<hbm>> -> memref<5000xi32, #tpu.memory_space<hbm>>
      %dma_wait3A_38 = arith.constant 0 : i32
      %dma_wait3A_39 = tpu.memref_slice %arg13[%dma_wait3A_38] : memref<5120xi32, #tpu.memory_space<vmem>> -> memref<5000xi32, #tpu.memory_space<vmem>>
      tpu.wait_dma2 semaphore(%run_scoped3A : memref<!tpu.dma_semaphore, #tpu.memory_space<semaphore_mem>>) src(%dma_wait3A_39 : memref<5000xi32, #tpu.memory_space<vmem>>) dst(%dma_wait3A_37 : memref<5000xi32, #tpu.memory_space<hbm>>)
      tpu.yield
    }) : () -> ()
    return
  }
}

module attributes {stable_mosaic.version = 14 : i64} {
  func.func @_dot_body(%arg0: i32, %arg1: memref<1xf32, #tpu.memory_space<smem>>, %arg2: memref<2000x128xf32, #tpu.memory_space<vmem>>, %arg3: memref<2000x128xf32, #tpu.memory_space<vmem>>, %arg4: memref<256x1xf32, #tpu.memory_space<vmem>>, %arg5: memref<2000x1xf32, #tpu.memory_space<vmem>>) attributes {dimension_semantics = [#tpu.dimension_semantics<arbitrary>], iteration_bounds = array<i64: 160>, scalar_prefetch = 0 : i64, scratch_operands = 0 : i64, tpu.core_type = #tpu.core_type<tc>, window_params = [{transform_indices = @transform_0, window_bounds = array<i64: 1>}, {transform_indices = @transform_1, window_bounds = array<i64: 2000, 128>}, {transform_indices = @transform_2, window_bounds = array<i64: 2000, 128>}, {pipeline_mode = #tpu.pipeline_mode<synchronous>, transform_indices = @transform_3, window_bounds = array<i64: 256, 1>}, {transform_indices = @transform_4, window_bounds = array<i64: 2000, 1>}]} {
    %get3A = arith.constant 0 : index
    %get3A_0 = arith.constant 0 : index
    %get3A_1 = vector.load %arg2[%get3A, %get3A_0] : memref<2000x128xf32, #tpu.memory_space<vmem>>, vector<2000x128xf32>
    %get3A_2 = arith.constant 0 : index
    %get3A_3 = arith.constant 0 : index
    %get3A_4 = vector.load %arg3[%get3A_2, %get3A_3] : memref<2000x128xf32, #tpu.memory_space<vmem>>, vector<2000x128xf32>
    %concatenate3A = tpu.concatenate %get3A_1, %get3A_4 in 1 : vector<2000x128xf32>, vector<2000x128xf32> -> vector<2000x256xf32>
    %convert_element_type3A = arith.truncf %concatenate3A : vector<2000x256xf32> to vector<2000x256xbf16>
    %get3A_5 = arith.constant 0 : index
    %get3A_6 = arith.constant 0 : index
    %get3A_7 = vector.load %arg4[%get3A_5, %get3A_6] : memref<256x1xf32, #tpu.memory_space<vmem>>, vector<256x1xf32>
    %dot_general3A = arith.constant dense<0.000000e+00> : vector<2000x1xf32>
    %dot_general3A_8 = tpu.matmul %convert_element_type3A, %get3A_7, %dot_general3A {dimension_numbers = #tpu.dot_dimension_numbers<[1], [0], [0], [1], [0, 0, 1, 1], [], []>, transpose_lhs_hint = false} : vector<2000x256xbf16>, vector<256x1xf32>, vector<2000x1xf32> -> vector<2000x1xf32>
    %get3A_9 = arith.constant 0 : index
    %get3A_10 = memref.load %arg1[%get3A_9] : memref<1xf32, #tpu.memory_space<smem>>
    %add3A = vector.broadcast %get3A_10 : f32 to vector<2000x1xf32>
    %add3A_11 = arith.addf %dot_general3A_8, %add3A : vector<2000x1xf32>
    %swap3A = arith.constant 0 : index
    %swap3A_12 = arith.constant 0 : index
    %swap3A_13 = vector.load %arg5[%swap3A, %swap3A_12] : memref<2000x1xf32, #tpu.memory_space<vmem>>, vector<2000x1xf32>
    tpu.vector_store %arg5[%swap3A, %swap3A_12], %add3A_11 {strides = array<i32>} : memref<2000x1xf32, #tpu.memory_space<vmem>>, vector<2000x1xf32>,
    return
  }
  func.func @transform_0(%arg0: i32) -> i32 {
    %c0_i32 = arith.constant 0 : i32
    %c0_i32_0 = arith.constant 0 : i32
    return %c0_i32 : i32
  }
  func.func @transform_1(%arg0: i32) -> (i32, i32) {
    %c0_i32 = arith.constant 0 : i32
    %c0_i32_0 = arith.constant 0 : i32
    return %arg0, %c0_i32 : i32, i32
  }
  func.func @transform_2(%arg0: i32) -> (i32, i32) {
    %c0_i32 = arith.constant 0 : i32
    %c0_i32_0 = arith.constant 0 : i32
    return %arg0, %c0_i32 : i32, i32
  }
  func.func @transform_3(%arg0: i32) -> (i32, i32) {
    %c0_i32 = arith.constant 0 : i32
    %c0_i32_0 = arith.constant 0 : i32
    %c0_i32_1 = arith.constant 0 : i32
    return %c0_i32, %c0_i32_0 : i32, i32
  }
  func.func @transform_4(%arg0: i32) -> (i32, i32) {
    %c0_i32 = arith.constant 0 : i32
    %c0_i32_0 = arith.constant 0 : i32
    return %arg0, %c0_i32 : i32, i32
  }
}

</mosaic_0001>

<sc_bundles>
// kernel: kernel.12.cloned.1.call-start
scs
__scs_entry_jumppad:
0x0: {  	(pc) =	sbr.rel $0x88, $3  }
0x1: {  	(tag) =	ssettag $0x0;
	lr =	simm.s32 $0x1  }
0x2: {  	[smem:$0x3F9C] =	sst lr;
	_ =	strace $0xD0000000  }
0x3: {  	_ = 	snop  }
0x4: {  	_ = 	snop  }
0x5: {  	_ = 	snop  }
0x6: {  	_ = 	snop  }
0x7: {  	_ = 	snop  }
__scs_overlays_trampoline_lowered:
0x8: {  	[smem:$0x3FAB] =	sst s0  }
0x9: {  	[smem:$0x3FAC] =	sst s1  }
0xa: {  	[smem:$0x3FAD] =	sst s2  }
0xb: {  	[smem:$0x3FAE] =	sst s3  }
0xc: {  	[smem:$0x3FAF] =	sst s4  }
0xd: {  	[smem:$0x3FB0] =	sst s5  }
0xe: {  	[smem:$0x3FB1] =	sst s6  }
0xf: {  	[smem:$0x3FB2] =	sst s7  }
0x10: {  	[smem:$0x3FB3] =	sst s8  }
0x11: {  	[smem:$0x3FB4] =	sst s9;
	s0 =	simm.s32 @!p0 $0x0  }
0x12: {  	s1 =	sld [smem:$0x3F9A];
	s0 =	simm.s32 @p0 $0x1  }
0x13: {  	[smem:$0x3FB5] =	sst s0;
	s0 =	simm.s32 @!p1 $0x0  }
0x14: {  	s2 =	sld [smem:$0x3F99];
	s0 =	simm.s32 @p1 $0x1  }
0x15: {  	[smem:$0x3FB6] =	sst s0;
	s0 =	simm.s32 @!p2 $0x0  }
0x16: {  	s3 =	sld [smem:$0x3FDB];
	s0 =	simm.s32 @p2 $0x1  }
0x17: {  	s4 =	simm.s32 $0x1BF5;
	[smem:$0x3FB8] =	sst s0  }
0x18: {  	s0 =	sld [smem:$0x3F9B];
	_ =	swait.ge [sflag:s4], $0x0  }
0x19: {  	s7 =	sld [smem:$0x3F9C]  }
0x1a: {  	s8 =	sadd.s32 $0xFFFFE003, lr  }
0x1b: {  	s9 =	sadd.s32 $0xFFFFFEF7, lr;
	s5 =	simm.s32 $0xFFFFFFFF;
	p2 =	slt.u32 s8, $0xFFFFF086  }
0x1c: {  	p1 =	slt.u32 s9, $0xF7A;
	s5 =	simm.s32 @!p2 $0x0  }
0x1d: {  	s5 =	simm.s32 @p1 $0x1;
	p0 =	seq.s32 s7, s2  }
0x1e: {  	s7 =	smul.u32 @!p0 $0xF7A, s2;
	p2 =	seq.s32 @!p0 s5, $0x0  }
0x1f: {  	s9 =	smul.u32 $0xF7A, s1;
	s8 =	simm.s32 @!p0 $0x1BF5;
	p2 =	por !p2, p0  }
0x20: {  	[sflag:s8] =	ssyncset.s32 @!p0 $0xFFFFF086;
	s6 =	sadd.s32 @!p0 s3, s7;
	s7 =	simm.s32 @!p0 $0x108  }
0x21: {  	s3 =	sadd.s32 s3, s9;
	s6 =	sadd.s32 @!p0 $0x88, s6;
	s7 =	simm.s32 @p2 $0x1082  }
0x22: {  	[simem:s7], [sflag:s8] =	dma.local @!p0 [hbm:s6], $0xF7A  }
0x23: {  	s9 =	sor.u32 $0xD0000000, s2;
	s6 =	simm.s32 $0x108;
	_ =	swait.ge @!p0 [sflag:s8], $0x0  }
0x24: {  	s3 =	sadd.s32 $0x88, s3;
	s6 =	simm.s32 @!p1 $0x1082;
	[sflag:s4] =	ssyncset.s32 $0xFFFFF086  }
0x25: {  	[simem:s6], [sflag:s4] =	dma.local [hbm:s3], $0xF7A  }
0x26: {  	[smem:$0x3F9C] =	sst s1;
	(tag) =	ssettag s2;
	_ =	strace s9  }
0x27: {  	s1 =	sld [smem:$0x3FAC]  }
0x28: {  	s2 =	sld [smem:$0x3FAD]  }
0x29: {  	s4 =	sld [smem:$0x3FAF]  }
0x2a: {  	p0 =	seq.s32 s5, $0x0;
	s5 =	sld [smem:$0x3FB0]  }
0x2b: {  	s6 =	sld [smem:$0x3FB1]  }
0x2c: {  	s7 =	sld [smem:$0x3FB2]  }
0x2d: {  	s3 =	simm.s32 $0x108;
	s8 =	sld [smem:$0x3FB3]  }
0x2e: {  	s3 =	simm.s32 @!p0 $0x1082;
	s9 =	sld [smem:$0x3FB4]  }
0x2f: {  	lr =	sadd.s32 s0, s3;
	s0 =	sld [smem:$0x3FAB]  }
0x30: {  	s3 =	sld [smem:$0x3FAE]  }
0x31: {  	[smem:$0x3FB7] =	sst s10  }
0x32: {  	s10 =	sld [smem:$0x3FB5];
	_ =	sdelay $0x3  }
0x33: {  	p0 =	seq.s32 s10, $0x1;
	s10 =	sld [smem:$0x3FB7];
	_ =	sdelay $0x3  }
0x34: {  	[smem:$0x3FB7] =	sst s10  }
0x35: {  	s10 =	sld [smem:$0x3FB6];
	_ =	sdelay $0x3  }
0x36: {  	p1 =	seq.s32 s10, $0x1;
	s10 =	sld [smem:$0x3FB7];
	_ =	sdelay $0x3  }
0x37: {  	[smem:$0x3FB7] =	sst s10  }
0x38: {  	s10 =	sld [smem:$0x3FB8]  }
0x39: {  	_ = 	snop;
	(pc) =	sbr.ind lr, $3  }
0x3a: {  	_ = 	snop  }
0x3b: {  	_ = 	snop  }
0x3c: {  	p2 =	seq.s32 s10, $0x1;
	s10 =	sld [smem:$0x3FB7]  }
0x3d: {  	_ =	shalt  }
0x3e: {  	_ =	shalt  }
0x3f: {  	_ =	shalt  }
0x40: {  	_ =	shalt  }
0x41: {  	_ =	shalt  }
0x42: {  	_ =	shalt  }
0x43: {  	_ =	shalt  }
0x44: {  	_ =	shalt  }
0x45: {  	_ =	shalt  }
0x46: {  	_ =	shalt  }
0x47: {  	_ =	shalt  }
0x48: {  	_ =	shalt  }
0x49: {  	_ =	shalt  }
0x4a: {  	_ =	shalt  }
0x4b: {  	_ =	shalt  }
0x4c: {  	_ =	shalt  }
0x4d: {  	_ =	shalt  }
0x4e: {  	_ =	shalt  }
0x4f: {  	_ =	shalt  }
0x50: {  	_ =	shalt  }
0x51: {  	_ =	shalt  }
0x52: {  	_ =	shalt  }
0x53: {  	_ =	shalt  }
0x54: {  	_ =	shalt  }
0x55: {  	_ =	shalt  }
0x56: {  	_ =	shalt  }
0x57: {  	_ =	shalt  }
0x58: {  	_ =	shalt  }
0x59: {  	_ =	shalt  }
0x5a: {  	_ =	shalt  }
0x5b: {  	_ =	shalt  }
0x5c: {  	_ =	shalt  }
0x5d: {  	_ =	shalt  }
0x5e: {  	_ =	shalt  }
0x5f: {  	_ =	shalt  }
0x60: {  	_ =	shalt  }
0x61: {  	_ =	shalt  }
0x62: {  	_ =	shalt  }
0x63: {  	_ =	shalt  }
0x64: {  	_ =	shalt  }
0x65: {  	_ =	shalt  }
0x66: {  	_ =	shalt  }
0x67: {  	_ =	shalt  }
0x68: {  	_ =	shalt  }
0x69: {  	_ =	shalt  }
0x6a: {  	_ =	shalt  }
0x6b: {  	_ =	shalt  }
0x6c: {  	_ =	shalt  }
0x6d: {  	_ =	shalt  }
0x6e: {  	_ =	shalt  }
0x6f: {  	_ =	shalt  }
0x70: {  	_ =	shalt  }
0x71: {  	_ =	shalt  }
0x72: {  	_ =	shalt  }
0x73: {  	_ =	shalt  }
0x74: {  	_ =	shalt  }
0x75: {  	_ =	shalt  }
0x76: {  	_ =	shalt  }
0x77: {  	_ =	shalt  }
0x78: {  	_ =	shalt  }
0x79: {  	_ =	shalt  }
0x7a: {  	_ =	shalt  }
0x7b: {  	_ =	shalt  }
0x7c: {  	_ =	shalt  }
0x7d: {  	_ =	shalt  }
0x7e: {  	_ =	shalt  }
0x7f: {  	_ =	shalt  }
0x80: {  	_ =	shalt  }
0x81: {  	_ =	shalt  }
0x82: {  	_ =	shalt  }
0x83: {  	_ =	shalt  }
0x84: {  	_ =	shalt  }
0x85: {  	_ =	shalt  }
0x86: {  	_ =	shalt  }
0x87: {  	_ =	shalt  }
.Lfunc_end0:
.L_simem_size_0:
called_computation.2_lowered:
.L_overlay_start_0:
0x88: {  	s2 =	sld [smem:$0x3FD9]  }
0x89: {  	s3 =	sld [smem:$0x3FFE];
	_ =	sdelay $0x1  }
0x8a: {  	s1 =	srdreg.scid  }
0x8b: {  	s0 =	sand.u32 $0x1, s1  }
0x8c: {  	s14 =	sshll.u32 s0, $0xA;
	s2 =	sadd.s32 s3, s2  }
0x8d: {  	s2 =	sadd.s32 s2, s14  }
0x8e: {  	[smem:$0x3FC3] =	sst s2  }
0x8f: {  	_ = 	snop  }
0x90: {  	s2 =	sld [smem:$0x3FD0];
	_ =	sdelay $0x2  }
0x91: {  	s15 =	simm.s32 $0xA;
	s4 =	simm.s32 $0x10  }
0x92: {  	[smem:s4], [sflag:s15] =	dma.local [hbm:s2], $0x1  }
0x93: {  	_ =	swait.eq [sflag:s15], $0x1  }
0x94: {  	s16 =	sld [smem:$0x10];
	[sflag:s15] =	ssyncset.done $0x0  }
0x95: {  	s17 =	sld [smem:$0x11];
	[sflag:s15] =	ssyncadd.s32 $0xFFFFFFFF  }
0x96: {  	s18 =	sld [smem:$0x12];
	(tm) =	ssettm $0x1  }
0x97: {  	s5 =	sld [smem:$0x3FFB];
	_ =	sdelay $0x3  }
0x98: {  	_ =	strace s5  }
0x99: {  	s5 =	sld [smem:$0x3FFC];
	_ =	sdelay $0x3  }
0x9a: {  	_ =	strace s5  }
0x9b: {  	s5 =	sld [smem:$0x3FFD];
	_ =	sdelay $0x3  }
0x9c: {  	_ =	strace s5  }
0x9d: {  	_ =	strace $0x8FFFFFFF  }
0x9e: {  	s19 =	sld [smem:$0x3FDB];
	_ =	sdelay $0x1  }
0x9f: {  	s6 =	simm.s32 $_scs_section_size  }
0xa0: {  	s7 =	simm.s32 $_size__tile_overlayer_lowered;
	s8 =	simm.s32 $_tile_overlayer_lowered  }
0xa1: {  	s22 =	simm.s32 $0x1BFF;
	s21 =	sshll.u32 s8, $0x1;
	s5 =	sadd.s32 s6, s19  }
0xa2: {  	s9 =	simm.s32 $0x0;
	s20 =	sshll.u32 s7, $0x1;
	s7 =	sadd.s32 s21, s5  }
0xa3: {  	[timem:s9], [sflag:s22] =	dma.local [hbm:s7], s20  }
0xa4: {  	_ =	swait.ge [sflag:s22], s20  }
0xa5: {  	s6 =	ssub.s32 $0x0, s20;
	[sflag:s22] =	ssyncset.done $0x0  }
0xa6: {  	[sflag:s22] =	ssyncadd.s32 s6;
	_ =	sdelay $0x1  }
0xa7: {  	s23 =	simm.s32 $0x1B8B  }
0xa8: {  	_ =	swait.ge [sflag:s23], $0x1  }
0xa9: {  	[sflag:s23] =	ssyncset.done $0x0  }
0xaa: {  	s25 =	simm.s32 $0x1B8E;
	s24 =	sld [smem:$0x3FFE];
	[sflag:s23] =	ssyncadd.s32 $0xFFFFFFFF  }
0xab: {  	s26 =	simm.s32 $execute0_lowered;
	[smem:$0x3FD2] =	sst s25  }
0xac: {  	s7 =	sshll.u32 s26, $0x1;
	_ =	strace $0x8000004C;
	[dreg:$0x1] =	wrdreg $0xFFFFFFFF  }
0xad: {  	s28 =	simm.s32 $_size_execute0_lowered;
	s5 =	sadd.s32 s5, s7;
	[dreg:$0x0] =	wrdreg $0x0  }
0xae: {  	s7 =	sshll.u32 s28, $0x1;
	[dreg:$0x2] =	wrdreg s5  }
0xaf: {  	[dreg:$0x3] =	wrdreg s7  }
0xb0: {  	[dreg:$0x4] =	wrdreg $0xC0  }
0xb1: {  	_ =	task [dreg:s9], $0x5FFFF  }
0xb2: {  	[dreg:$0x1] =	wrdreg $0xFFFFFFFF  }
0xb3: {  	[dreg:$0x0] =	wrdreg $0x60  }
0xb4: {  	[dreg:$0x2] =	wrdreg s24  }
0xb5: {  	[dreg:$0x3] =	wrdreg s17  }
0xb6: {  	[dreg:$0x4] =	wrdreg s16  }
0xb7: {  	[dreg:$0x5] =	wrdreg s18  }
0xb8: {  	[dreg:$0x6] =	wrdreg $0x9  }
0xb9: {  	_ =	task.clear_ibuf [dreg:s9], $0x7FFFF;
	_ =	strace $0x9000004C  }
0xba: {  	s29 =	simm.s32 $0x9;
	_ =	strace $0x8000004E  }
0xbb: {  	_ =	swait.ge [sflag:s29], $0x1  }
0xbc: {  	[sflag:s29] =	ssyncadd.s32 $0xFFFFFFFF  }
0xbd: {  	_ =	strace $0x9000004E  }
0xbe: {  	_ =	sfence  }
0xbf: {  	s30 =	sld [smem:$0x0];
	_ =	sdelay $0x2  }
0xc0: {  	s31 =	sshll.u32 s1, $0xD;
	s1 =	sshrl.u32 s1, $0x2  }
0xc1: {  	s3 =	sand.u32 $0x4000, s31;
	s1 =	sadd.s32 s1, s30  }
0xc2: {  	s0 =	sor.u32 s3, s0;
	s1 =	sshll.u32 s1, $0x11  }
0xc3: {  	s0 =	sor.u32 s1, s0  }
0xc4: {  	s0 =	sadd.s32 $0x8F2B, s0  }
0xc5: {  	[sflag:s0] =	ssyncadd.remote.s32 $0x1  }
0xc6: {  	_ =	sfence.sel $0xFFFF  }
0xc7: {  	[dreg:$0x0] =	wrdreg $0xFFFFFFFF;
	(pc) =	sbr.abs _section_cstart, $3  }
0xc8: {  	[dreg:$0x1] =	wrdreg $0xFFFFFFFF  }
0xc9: {  	_ =	task.clear_ibuf [dreg:s9], $0x2FFFF;
	_ =	strace $0x9FFFFFFF  }
0xca: {  	(tm) =	ssettm $0x7FFFFFFF  }
0xcb: {  	_ =	shalt  }
tec
execute0_lowered:
.L_overlay_start_1:
0x0: {  	(tag) =	ssettag $0x1  }
0x1: {  	s5 =	rddreg [dreg:$0x0]  }
0x2: {  	s7 =	rddreg [dreg:$0x1]  }
0x3: {  	s6 =	rddreg [dreg:$0x2]  }
0x4: {  	s1 =	srdreg.scid;
	s0 =	stileid.u32  }
0x5: {  	s8 =	rddreg [dreg:$0x3];
	s2 =	simm.s32 $0x0;
	s13 =	simm.s32 $0x2800  }
0x6: {  	s14 =	simm.s32 $0x80;
	s15 =	simm.s32 $0x1;
	s16 =	simm.s32 $0x2  }
0x7: {  	s17 =	simm.s32 $0x3C00;
	s18 =	simm.s32 $0x5000;
	s19 =	simm.s32 $0x0  }
0x8: {  	s3 =	sand.u32 $0x1, s1;
	s4 =	sshll.u32 s0, $0x1;
	s1 =	rddreg [dreg:$0x4]  }
0x9: {  	[smem:$0x7FF] =	sst s2;
	s4 =	sor.u32 s3, s4;
	s10 =	ssub.s32 $0x2, s3  }
0xa: {  	_ =	strace $0x8000004D;
	s9 =	smul.u32 $0x271, s4;
	s11 =	sshrl.u32 s10, $0x1  }
0xb: {  	s3 =	sadd.s32 $0xAE00, s5;
	s4 =	sadd.s32 $0x1000, s5;
	s10 =	ssub.s32 s10, s11  }
0xc: {  	s11 =	simm.s32 $0x3;
	s12 =	sadd.s32 s9, s5;
	s6 =	sadd.s32 s6, s9  }
0xd: {  	s7 =	sadd.s32 s7, s9;
	s8 =	sadd.s32 s8, s9;
	s10 =	smax.u32 s10, $0x1  }
0xe: {  	v0 =	vlaneseq.u32;
	v1 =	vimm.s32 $0x0;
	s5 =	sadd.s32 $0x32A00, s12;
	s9 =	sadd.s32 $0x14C00, s12;
	s12 =	simm.s32 $0x1400  }
.LBB2_1:
0xf: {  	[tilespmem:s2], [sflag:$0x3] =	stream.linear.gather [hbm4b:s5+s2], $0x1388, $0x38;
	[tilespmem:$0x6400] =	vst v63  }
0x10: {  	_ =	swait.ge [sflag:s11], $0x1388  }
0x11: {  	[sflag:s11] =	ssyncset.done $0x0  }
0x12: {  	s20 =	simm.s32 $0x0;
	[sflag:s11] =	ssyncadd.s32 $0xFFFFEC78  }
0x13: {  	v2 =	vld [tilespmem:s20+$0x0]  }
0x14: {  	s21 =	simm.s32 $0x40  }
.LBB2_2:
0x15: {  	p0 =	sne.s32 s21, $0x4DC0  }
.Ltmp0:
0x16: {  	_ = 	snop;
	(pc) =	sbr.rel @p0 .LBB2_2-.Ltmp0, $4  }
0x17: {  	_ = 	snop  }
0x18: {  	s22 =	sshra.s32 s21, $0x2;
	s21 =	sadd.s32 $0x40, s21;
	vm0 =	vlt.s32 v2, $0x0;
	v3 =	vxor.u32 $0x7FFFFFFF, v2  }
0x19: {  	v3 =	vsel vm0, v2, v3;
	v2 =	vld [tilespmem:s22+$0x0]  }
0x1a: {  	[tilespmem:s20+$0x1400] =	vst v3;
	s20 =	smov.u32 s22  }
0x1b: {  	_ =	sdelay $0x2  }
0x1c: {  	vm0 =	vlt.s32 v2, $0x0;
	v3 =	vxor.u32 $0x7FFFFFFF, v2  }
0x1d: {  	v2 =	vsel vm0, v2, v3  }
0x1e: {  	[tilespmem:s20+$0x1400] =	vst v2  }
0x1f: {  	v2 =	vld [tilespmem:$0x1378];
	_ =	sdelay $0x4  }
0x20: {  	vm13 =	vlt.s32 v2, $0x0;
	v3 =	vxor.u32 $0x7FFFFFFF, v2  }
0x21: {  	v2 =	vsel vm13, v2, v3  }
0x22: {  	s20 =	simm.s32 $0x0;
	[tilespmem:$0x2778] =	vst v2  }
0x23: {  	[hbm4b:s6+s20] =	stream.linear.scatter [tilespmem:s12], [sflag:$0x3], $0x1388, $0x38;
	[tilespmem:$0x6400] =	vst v63  }
0x24: {  	v2 =	vor.u32 s20, v0;
	_ =	swait.ge [sflag:s11], $0x1388  }
0x25: {  	v4 =	vmov s20;
	vm14 =	vlt.s32 v2, $0x1387;
	v3 =	vand.u32 $0x7F, v2;
	[sflag:s11] =	ssyncset.done $0x0  }
0x26: {  	vm15 =	veq.s32 v4, v0;
	v5 =	vnsel vm14, $0x1387, v2;
	vm1 =	vne.s32 v3, $0x0;
	[sflag:s11] =	ssyncadd.s32 $0xFFFFEC78  }
0x27: {  	vm0 =	vmand vm15, vm1;
	[tilespmem:s20], [sflag:$0x3] =	stream.linear.gather [hbm4b:s7+s20], $0x1388, $0x38;
	[tilespmem:$0x6400] =	vst v63  }
0x28: {  	v4 =	vsel vm0, $0xFFFFFFFF, v1;
	_ =	swait.ge [sflag:s11], $0x1388  }
0x29: {  	v4 =	vshll.u32 v4, $0x7;
	[sflag:s11] =	ssyncset.done $0x0  }
0x2a: {  	s21 =	simm.s32 $0x10;
	v6 =	vadd.s32 s20, v4;
	[sflag:s11] =	ssyncadd.s32 $0xFFFFEC78  }
0x2b: {  	s22 =	simm.s32 $0x20;
	v6 =	vand.u32 $0xFFFFFF80, v6;
	v4 =	vld.idx.msk [tilespmem:v5+s20+$0x0], $0xffff;
	v5 =	vor.u32 s21, v0  }
.LBB2_4:
0x2c: {  	p0 =	sne.s32 s22, $0x13F0;
	vm0 =	vlt.s32 v5, $0x1387;
	v6 =	vor.u32 v3, v6  }
0x2d: {  	v7 =	vmov s21;
	v3 =	vand.u32 $0x7F, v5;
	v8 =	vnsel vm0, $0x1387, v5  }
0x2e: {  	vm0 =	veq.s32 v7, v0;
	vm1 =	vne.s32 v3, $0x0  }
.Ltmp1:
0x2f: {  	vm0 =	vmand vm0, vm1;
	vm1 =	vlt.u32 v2, $0x1388;
	v2 =	vmov v5;
	(pc) =	sbr.rel @p0 .LBB2_4-.Ltmp1, $4  }
0x30: {  	v5 =	vsel vm0, $0xFFFFFFFF, v1;
	v4 =	vnsel vm1, $0x0, v4  }
0x31: {  	v5 =	vshll.u32 v5, $0x7;
	[tilespmem:v6+s13+$0x0] =	vst.idx.msk $0xffff, v4  }
0x32: {  	v6 =	vadd.s32 s21, v5;
	s21 =	smov.u32 s22;
	v4 =	vld.idx.msk [tilespmem:v8+s20+$0x0], $0xffff  }
0x33: {  	s22 =	sadd.s32 $0x10, s22;
	v5 =	vor.u32 s21, v0;
	v6 =	vand.u32 $0xFFFFFF80, v6  }
0x34: {  	vm0 =	vlt.s32 v5, $0x1387  }
0x35: {  	v3 =	vor.u32 v3, v6;
	v63 =	vmov s21;
	v7 =	vand.u32 $0x7F, v5  }
0x36: {  	v8 =	vnsel vm0, $0x1387, v5;
	vm13 =	veq.s32 v63, v0;
	vm1 =	vne.s32 v7, $0x0  }
0x37: {  	vm0 =	vmand vm13, vm1  }
0x38: {  	vm14 =	vlt.u32 v2, $0x1388;
	v2 =	vsel vm0, $0xFFFFFFFF, v1  }
0x39: {  	v4 =	vnsel vm14, $0x0, v4;
	v2 =	vshll.u32 v2, $0x7  }
0x3a: {  	[tilespmem:v3+s13+$0x0] =	vst.idx.msk $0xffff, v4;
	v2 =	vadd.s32 s21, v2  }
0x3b: {  	v3 =	vld.idx.msk [tilespmem:v8+s20+$0x0], $0xffff;
	v2 =	vand.u32 $0xFFFFFF80, v2  }
0x3c: {  	v2 =	vor.u32 v7, v2;
	_ =	sdelay $0x2  }
0x3d: {  	vm15 =	vlt.u32 v5, $0x1388  }
0x3e: {  	v3 =	vnsel vm15, $0x0, v3  }
0x3f: {  	s29 =	simm.s32 $0x3C00;
	s30 =	simm.s32 $0x2800;
	[tilespmem:v2+s13+$0x0] =	vst.idx.msk $0xffff, v3  }
0x40: {  	[tilespmem:s29], [sflag:$0x1] =	stream.indirect.gather [hbm4b:s3+s14], $0x1, s30, s14, $0xb8;
	[tilespmem:$0x6400] =	vst v63  }
0x41: {  	s31 =	simm.s32 $0x5000  }
0x42: {  	[tilespmem:s31], [sflag:$0x2] =	stream.indirect.gather [hbm4b:s4+s14], $0x1, s30, s14, $0xb8;
	[tilespmem:$0x6400] =	vst v63  }
0x43: {  	_ =	swait.ge [sflag:s15], $0x80  }
0x44: {  	[sflag:s15] =	ssyncset.done $0x0  }
0x45: {  	[sflag:s15] =	ssyncadd.s32 $0xFFFFFF80  }
0x46: {  	_ =	swait.ge [sflag:s16], $0x80  }
0x47: {  	s21 =	simm.s32 $0x80;
	s20 =	simm.s32 $0x400;
	[sflag:s16] =	ssyncset.done $0x0  }
.LBB2_6:
0x48: {  	s22 =	sadd.s32 $0x3C00, s21  }
0x49: {  	s23 =	sadd.s32 $0x2800, s21;
	[sflag:s16] =	ssyncadd.s32 $0xFFFFFF80;
	s24 =	smov.u32 s20  }
0x4a: {  	[tilespmem:s22], [sflag:$0x1] =	stream.indirect.gather [hbm4b:s3+s14], $0x1, s23, s14, $0xb8;
	[tilespmem:$0x6400] =	vst v63  }
0x4b: {  	p0 =	sne.s32 s20, $0x4E00;
	s20 =	sadd.s32 $0x200, s20;
	s21 =	sadd.s32 $0x5000, s21  }
0x4c: {  	[tilespmem:s21], [sflag:$0x2] =	stream.indirect.gather [hbm4b:s4+s14], $0x1, s23, s14, $0xb8;
	[tilespmem:$0x6400] =	vst v63  }
.Ltmp2:
0x4d: {  	_ =	swait.ge [sflag:s15], $0x80;
	(pc) =	sbr.rel @p0 .LBB2_6-.Ltmp2, $4  }
0x4e: {  	[sflag:s15] =	ssyncset.done $0x0  }
0x4f: {  	[sflag:s15] =	ssyncadd.s32 $0xFFFFFF80  }
0x50: {  	_ =	swait.ge [sflag:s16], $0x80  }
0x51: {  	s21 =	sshra.s32 s24, $0x2;
	[sflag:s16] =	ssyncset.done $0x0  }
0x52: {  	s20 =	sadd.s32 $0x3C00, s21;
	s22 =	sadd.s32 $0x2800, s21;
	[sflag:s16] =	ssyncadd.s32 $0xFFFFFF80  }
0x53: {  	[tilespmem:s20], [sflag:$0x1] =	stream.indirect.gather [hbm4b:s3+s14], $0x1, s22, s14, $0xb8;
	[tilespmem:$0x6400] =	vst v63  }
0x54: {  	s31 =	sadd.s32 $0x5000, s21  }
0x55: {  	[tilespmem:s31], [sflag:$0x2] =	stream.indirect.gather [hbm4b:s4+s14], $0x1, s22, s14, $0xb8;
	[tilespmem:$0x6400] =	vst v63  }
0x56: {  	_ =	swait.ge [sflag:s15], $0x80  }
0x57: {  	[sflag:s15] =	ssyncset.done $0x0  }
0x58: {  	[sflag:s15] =	ssyncadd.s32 $0xFFFFFF80  }
0x59: {  	_ =	swait.ge [sflag:s16], $0x80  }
0x5a: {  	[sflag:s16] =	ssyncset.done $0x0  }
0x5b: {  	[sflag:s16] =	ssyncadd.s32 $0xFFFFFF80  }
0x5c: {  	[hbm4b:s8+s2] =	stream.linear.scatter [tilespmem:s17], [sflag:$0x3], $0x1388, $0x38;
	[tilespmem:$0x6400] =	vst v63  }
0x5d: {  	s19 =	sadd.s32 $0x1, s19;
	_ =	swait.ge [sflag:s11], $0x1388  }
0x5e: {  	p0 =	sne.s32 s19, s10;
	[sflag:s11] =	ssyncset.done $0x0  }
.Ltmp3:
0x5f: {  	[sflag:s11] =	ssyncadd.s32 $0xFFFFEC78;
	(pc) =	sbr.rel @p0 .LBB2_1-.Ltmp3, $4  }
0x60: {  	[hbm4b:s9+s2] =	stream.linear.scatter [tilespmem:s18], [sflag:$0x3], $0x1388, $0x38;
	[tilespmem:$0x6400] =	vst v63  }
0x61: {  	_ =	swait.ge [sflag:s11], $0x1388  }
0x62: {  	[sflag:s11] =	ssyncset.done $0x0  }
0x63: {  	[sflag:s11] =	ssyncadd.s32 $0xFFFFEC78  }
0x64: {  	_ =	sfence.sel $0x180000  }
0x65: {  	[bflag:$0x0] =	sbarrier.arrive $0xFFFF  }
0x66: {  	p0 =	sne.s32 s0, $0x0;
	_ =	strace $0x9000004D  }
0x67: {  	s0 =	sadd.s32 @!p0 $0x100000, s1;
	[bflag:$0x2] =	sbarrier.arrive $0xFFFF  }
0x68: {  	[sflag:s0] =	ssyncadd.tile.s32 @!p0 $0x1;
	_ =	shalt  }
.Lfunc_end2:
_tile_overlayer_lowered:
.L_overlay_start_2:
0x69: {  	(tag) =	ssettag $0x2  }
0x6a: {  	s0 =	rddreg [dreg:$0x0];
	s2 =	stileid.u32  }
0x6b: {  	s1 =	rddreg [dreg:$0x1];
	p0 =	sne.s32 s2, $0x0  }
0x6c: {  	s3 =	rddreg [dreg:$0x2];
	[bflag:$0x3] =	sbarrier.arrive $0xFFFF;
	s2 =	simm.s32 @!p0 $0x1C03  }
0x6d: {  	[timem:s3], [sflag:s2] =	dma.local @!p0 [hbm:s0], s1  }
0x6e: {  	s0 =	simm.s32 @!p0 $0x3  }
0x6f: {  	_ =	swait.ge @!p0 [sflag:s0], s1  }
0x70: {  	s1 =	ssub.s32 @!p0 $0x0, s1;
	[sflag:s0] =	ssyncset.done @!p0 $0x0  }
0x71: {  	[sflag:s0] =	ssyncadd.s32 @!p0 s1  }
0x72: {  	[bflag:$0x3] =	sbarrier.arrive $0xFFFF  }
0x73: {  	_ =	shalt  }

// kernel: kernel.6.cloned.1.call-start
scs
__scs_entry_jumppad:
0x0: {  	(pc) =	sbr.rel $0x88, $3  }
0x1: {  	(tag) =	ssettag $0x0;
	lr =	simm.s32 $0x1  }
0x2: {  	[smem:$0x3F9C] =	sst lr;
	_ =	strace $0xD0000000  }
0x3: {  	_ = 	snop  }
0x4: {  	_ = 	snop  }
0x5: {  	_ = 	snop  }
0x6: {  	_ = 	snop  }
0x7: {  	_ = 	snop  }
__scs_overlays_trampoline_lowered:
0x8: {  	[smem:$0x3FAB] =	sst s0  }
0x9: {  	[smem:$0x3FAC] =	sst s1  }
0xa: {  	[smem:$0x3FAD] =	sst s2  }
0xb: {  	[smem:$0x3FAE] =	sst s3  }
0xc: {  	[smem:$0x3FAF] =	sst s4  }
0xd: {  	[smem:$0x3FB0] =	sst s5  }
0xe: {  	[smem:$0x3FB1] =	sst s6  }
0xf: {  	[smem:$0x3FB2] =	sst s7  }
0x10: {  	[smem:$0x3FB3] =	sst s8  }
0x11: {  	[smem:$0x3FB4] =	sst s9;
	s0 =	simm.s32 @!p0 $0x0  }
0x12: {  	s1 =	sld [smem:$0x3F9A];
	s0 =	simm.s32 @p0 $0x1  }
0x13: {  	[smem:$0x3FB5] =	sst s0;
	s0 =	simm.s32 @!p1 $0x0  }
0x14: {  	s2 =	sld [smem:$0x3F99];
	s0 =	simm.s32 @p1 $0x1  }
0x15: {  	[smem:$0x3FB6] =	sst s0;
	s0 =	simm.s32 @!p2 $0x0  }
0x16: {  	s3 =	sld [smem:$0x3FDB];
	s0 =	simm.s32 @p2 $0x1  }
0x17: {  	s4 =	simm.s32 $0x1BF5;
	[smem:$0x3FB8] =	sst s0  }
0x18: {  	s0 =	sld [smem:$0x3F9B];
	_ =	swait.ge [sflag:s4], $0x0  }
0x19: {  	s7 =	sld [smem:$0x3F9C]  }
0x1a: {  	s8 =	sadd.s32 $0xFFFFE003, lr  }
0x1b: {  	s9 =	sadd.s32 $0xFFFFFEF7, lr;
	s5 =	simm.s32 $0xFFFFFFFF;
	p2 =	slt.u32 s8, $0xFFFFF086  }
0x1c: {  	p1 =	slt.u32 s9, $0xF7A;
	s5 =	simm.s32 @!p2 $0x0  }
0x1d: {  	s5 =	simm.s32 @p1 $0x1;
	p0 =	seq.s32 s7, s2  }
0x1e: {  	s7 =	smul.u32 @!p0 $0xF7A, s2;
	p2 =	seq.s32 @!p0 s5, $0x0  }
0x1f: {  	s9 =	smul.u32 $0xF7A, s1;
	s8 =	simm.s32 @!p0 $0x1BF5;
	p2 =	por !p2, p0  }
0x20: {  	[sflag:s8] =	ssyncset.s32 @!p0 $0xFFFFF086;
	s6 =	sadd.s32 @!p0 s3, s7;
	s7 =	simm.s32 @!p0 $0x108  }
0x21: {  	s3 =	sadd.s32 s3, s9;
	s6 =	sadd.s32 @!p0 $0x88, s6;
	s7 =	simm.s32 @p2 $0x1082  }
0x22: {  	[simem:s7], [sflag:s8] =	dma.local @!p0 [hbm:s6], $0xF7A  }
0x23: {  	s9 =	sor.u32 $0xD0000000, s2;
	s6 =	simm.s32 $0x108;
	_ =	swait.ge @!p0 [sflag:s8], $0x0  }
0x24: {  	s3 =	sadd.s32 $0x88, s3;
	s6 =	simm.s32 @!p1 $0x1082;
	[sflag:s4] =	ssyncset.s32 $0xFFFFF086  }
0x25: {  	[simem:s6], [sflag:s4] =	dma.local [hbm:s3], $0xF7A  }
0x26: {  	[smem:$0x3F9C] =	sst s1;
	(tag) =	ssettag s2;
	_ =	strace s9  }
0x27: {  	s1 =	sld [smem:$0x3FAC]  }
0x28: {  	s2 =	sld [smem:$0x3FAD]  }
0x29: {  	s4 =	sld [smem:$0x3FAF]  }
0x2a: {  	p0 =	seq.s32 s5, $0x0;
	s5 =	sld [smem:$0x3FB0]  }
0x2b: {  	s6 =	sld [smem:$0x3FB1]  }
0x2c: {  	s7 =	sld [smem:$0x3FB2]  }
0x2d: {  	s3 =	simm.s32 $0x108;
	s8 =	sld [smem:$0x3FB3]  }
0x2e: {  	s3 =	simm.s32 @!p0 $0x1082;
	s9 =	sld [smem:$0x3FB4]  }
0x2f: {  	lr =	sadd.s32 s0, s3;
	s0 =	sld [smem:$0x3FAB]  }
0x30: {  	s3 =	sld [smem:$0x3FAE]  }
0x31: {  	[smem:$0x3FB7] =	sst s10  }
0x32: {  	s10 =	sld [smem:$0x3FB5];
	_ =	sdelay $0x3  }
0x33: {  	p0 =	seq.s32 s10, $0x1;
	s10 =	sld [smem:$0x3FB7];
	_ =	sdelay $0x3  }
0x34: {  	[smem:$0x3FB7] =	sst s10  }
0x35: {  	s10 =	sld [smem:$0x3FB6];
	_ =	sdelay $0x3  }
0x36: {  	p1 =	seq.s32 s10, $0x1;
	s10 =	sld [smem:$0x3FB7];
	_ =	sdelay $0x3  }
0x37: {  	[smem:$0x3FB7] =	sst s10  }
0x38: {  	s10 =	sld [smem:$0x3FB8]  }
0x39: {  	_ = 	snop;
	(pc) =	sbr.ind lr, $3  }
0x3a: {  	_ = 	snop  }
0x3b: {  	_ = 	snop  }
0x3c: {  	p2 =	seq.s32 s10, $0x1;
	s10 =	sld [smem:$0x3FB7]  }
0x3d: {  	_ =	shalt  }
0x3e: {  	_ =	shalt  }
0x3f: {  	_ =	shalt  }
0x40: {  	_ =	shalt  }
0x41: {  	_ =	shalt  }
0x42: {  	_ =	shalt  }
0x43: {  	_ =	shalt  }
0x44: {  	_ =	shalt  }
0x45: {  	_ =	shalt  }
0x46: {  	_ =	shalt  }
0x47: {  	_ =	shalt  }
0x48: {  	_ =	shalt  }
0x49: {  	_ =	shalt  }
0x4a: {  	_ =	shalt  }
0x4b: {  	_ =	shalt  }
0x4c: {  	_ =	shalt  }
0x4d: {  	_ =	shalt  }
0x4e: {  	_ =	shalt  }
0x4f: {  	_ =	shalt  }
0x50: {  	_ =	shalt  }
0x51: {  	_ =	shalt  }
0x52: {  	_ =	shalt  }
0x53: {  	_ =	shalt  }
0x54: {  	_ =	shalt  }
0x55: {  	_ =	shalt  }
0x56: {  	_ =	shalt  }
0x57: {  	_ =	shalt  }
0x58: {  	_ =	shalt  }
0x59: {  	_ =	shalt  }
0x5a: {  	_ =	shalt  }
0x5b: {  	_ =	shalt  }
0x5c: {  	_ =	shalt  }
0x5d: {  	_ =	shalt  }
0x5e: {  	_ =	shalt  }
0x5f: {  	_ =	shalt  }
0x60: {  	_ =	shalt  }
0x61: {  	_ =	shalt  }
0x62: {  	_ =	shalt  }
0x63: {  	_ =	shalt  }
0x64: {  	_ =	shalt  }
0x65: {  	_ =	shalt  }
0x66: {  	_ =	shalt  }
0x67: {  	_ =	shalt  }
0x68: {  	_ =	shalt  }
0x69: {  	_ =	shalt  }
0x6a: {  	_ =	shalt  }
0x6b: {  	_ =	shalt  }
0x6c: {  	_ =	shalt  }
0x6d: {  	_ =	shalt  }
0x6e: {  	_ =	shalt  }
0x6f: {  	_ =	shalt  }
0x70: {  	_ =	shalt  }
0x71: {  	_ =	shalt  }
0x72: {  	_ =	shalt  }
0x73: {  	_ =	shalt  }
0x74: {  	_ =	shalt  }
0x75: {  	_ =	shalt  }
0x76: {  	_ =	shalt  }
0x77: {  	_ =	shalt  }
0x78: {  	_ =	shalt  }
0x79: {  	_ =	shalt  }
0x7a: {  	_ =	shalt  }
0x7b: {  	_ =	shalt  }
0x7c: {  	_ =	shalt  }
0x7d: {  	_ =	shalt  }
0x7e: {  	_ =	shalt  }
0x7f: {  	_ =	shalt  }
0x80: {  	_ =	shalt  }
0x81: {  	_ =	shalt  }
0x82: {  	_ =	shalt  }
0x83: {  	_ =	shalt  }
0x84: {  	_ =	shalt  }
0x85: {  	_ =	shalt  }
0x86: {  	_ =	shalt  }
0x87: {  	_ =	shalt  }
.Lfunc_end0:
.L_simem_size_0:
called_computation_lowered:
.L_overlay_start_0:
0x88: {  	s2 =	sld [smem:$0x3FD9]  }
0x89: {  	s3 =	sld [smem:$0x3FFE];
	_ =	sdelay $0x1  }
0x8a: {  	s1 =	srdreg.scid  }
0x8b: {  	s0 =	sand.u32 $0x1, s1  }
0x8c: {  	s16 =	sshll.u32 s0, $0xA;
	s2 =	sadd.s32 s3, s2  }
0x8d: {  	s2 =	sadd.s32 s2, s16  }
0x8e: {  	[smem:$0x3FC3] =	sst s2  }
0x8f: {  	_ = 	snop  }
0x90: {  	(tm) =	ssettm $0x1  }
0x91: {  	s17 =	sld [smem:$0x3FFB];
	_ =	sdelay $0x3  }
0x92: {  	_ =	strace s17  }
0x93: {  	s2 =	sld [smem:$0x3FFC];
	_ =	sdelay $0x3  }
0x94: {  	_ =	strace s2  }
0x95: {  	s2 =	sld [smem:$0x3FFD];
	_ =	sdelay $0x3  }
0x96: {  	_ =	strace s2  }
0x97: {  	_ =	strace $0x8FFFFFFF  }
0x98: {  	s18 =	sld [smem:$0x3FDB];
	_ =	sdelay $0x1  }
0x99: {  	s19 =	simm.s32 $_scs_section_size  }
0x9a: {  	s4 =	simm.s32 $_size__tile_overlayer_lowered;
	s5 =	simm.s32 $_tile_overlayer_lowered  }
0x9b: {  	s22 =	simm.s32 $0x1BFF;
	s21 =	sshll.u32 s5, $0x1;
	s2 =	sadd.s32 s19, s18  }
0x9c: {  	s6 =	simm.s32 $0x0;
	s20 =	sshll.u32 s4, $0x1;
	s4 =	sadd.s32 s21, s2  }
0x9d: {  	[timem:s6], [sflag:s22] =	dma.local [hbm:s4], s20  }
0x9e: {  	_ =	swait.ge [sflag:s22], s20  }
0x9f: {  	s3 =	ssub.s32 $0x0, s20;
	[sflag:s22] =	ssyncset.done $0x0  }
0xa0: {  	[sflag:s22] =	ssyncadd.s32 s3;
	_ =	sdelay $0x1  }
0xa1: {  	s23 =	simm.s32 $0x1B8B  }
0xa2: {  	_ =	swait.ge [sflag:s23], $0x1  }
0xa3: {  	[sflag:s23] =	ssyncset.done $0x0  }
0xa4: {  	s25 =	simm.s32 $0x1B8E;
	s24 =	sld [smem:$0x3FFE];
	[sflag:s23] =	ssyncadd.s32 $0xFFFFFFFF  }
0xa5: {  	s26 =	simm.s32 $execute0_lowered;
	[smem:$0x3FD2] =	sst s25  }
0xa6: {  	s4 =	sshll.u32 s26, $0x1;
	_ =	strace $0x80000046;
	[dreg:$0x1] =	wrdreg $0xFFFFFFFF  }
0xa7: {  	s28 =	simm.s32 $_size_execute0_lowered;
	s2 =	sadd.s32 s2, s4;
	[dreg:$0x0] =	wrdreg $0x0  }
0xa8: {  	s4 =	sshll.u32 s28, $0x1;
	[dreg:$0x2] =	wrdreg s2  }
0xa9: {  	[dreg:$0x3] =	wrdreg s4  }
0xaa: {  	[dreg:$0x4] =	wrdreg $0xC0  }
0xab: {  	_ =	task [dreg:s6], $0x5FFFF  }
0xac: {  	[dreg:$0x1] =	wrdreg $0xFFFFFFFF  }
0xad: {  	[dreg:$0x0] =	wrdreg $0x60  }
0xae: {  	[dreg:$0x2] =	wrdreg s24  }
0xaf: {  	[dreg:$0x3] =	wrdreg $0x9  }
0xb0: {  	_ =	task.clear_ibuf [dreg:s6], $0x4FFFF;
	_ =	strace $0x90000046  }
0xb1: {  	s29 =	simm.s32 $0x9;
	_ =	strace $0x80000048  }
0xb2: {  	_ =	swait.ge [sflag:s29], $0x1  }
0xb3: {  	[sflag:s29] =	ssyncadd.s32 $0xFFFFFFFF  }
0xb4: {  	_ =	strace $0x90000048  }
0xb5: {  	_ =	sfence  }
0xb6: {  	s30 =	sld [smem:$0x0];
	_ =	sdelay $0x2  }
0xb7: {  	s31 =	sshll.u32 s1, $0xD;
	s1 =	sshrl.u32 s1, $0x2  }
0xb8: {  	s3 =	sand.u32 $0x4000, s31;
	s1 =	sadd.s32 s1, s30  }
0xb9: {  	s0 =	sor.u32 s3, s0;
	s1 =	sshll.u32 s1, $0x11  }
0xba: {  	s0 =	sor.u32 s1, s0  }
0xbb: {  	s0 =	sadd.s32 $0x8F2B, s0  }
0xbc: {  	[sflag:s0] =	ssyncadd.remote.s32 $0x1  }
0xbd: {  	_ =	sfence.sel $0xFFFF  }
0xbe: {  	[dreg:$0x0] =	wrdreg $0xFFFFFFFF;
	(pc) =	sbr.abs _section_cstart, $3  }
0xbf: {  	[dreg:$0x1] =	wrdreg $0xFFFFFFFF  }
0xc0: {  	_ =	task.clear_ibuf [dreg:s6], $0x2FFFF;
	_ =	strace $0x9FFFFFFF  }
0xc1: {  	(tm) =	ssettm $0x7FFFFFFF  }
tec
execute0_lowered:
.L_overlay_start_1:
0x0: {  	(tag) =	ssettag $0x1  }
0x1: {  	s4 =	rddreg [dreg:$0x0]  }
0x2: {  	s0 =	rddreg [dreg:$0x1];
	s2 =	simm.s32 $0x0;
	s3 =	srdreg.scid  }
0x3: {  	s1 =	stileid.u32;
	s10 =	simm.s32 $0x200;
	s11 =	simm.s32 $0x190  }
0x4: {  	s12 =	simm.s32 $0x400;
	s13 =	simm.s32 $0xCC00;
	s14 =	simm.s32 $0x1  }
0x5: {  	s15 =	simm.s32 $0x2;
	s16 =	simm.s32 $0x0;
	s6 =	smul.u32 $0x4E20, s1  }
0x6: {  	[smem:$0x7FF] =	sst s2;
	s5 =	sand.u32 $0x1, s3;
	s8 =	smul.u32 $0x4E200, s1  }
0x7: {  	s3 =	sadd.s32 $0x14C00, s4;
	s7 =	smul.u32 $0x2710, s5;
	s9 =	ssub.s32 $0x2, s5  }
0x8: {  	_ =	strace $0x80000047;
	s5 =	smul.u32 $0x27100, s5;
	s29 =	sshrl.u32 s9, $0x1  }
0x9: {  	s8 =	sadd.s32 s8, s4;
	s6 =	sadd.s32 s7, s6;
	s7 =	ssub.s32 s9, s29  }
0xa: {  	s31 =	sadd.s32 s5, s8;
	s9 =	simm.s32 $0x3;
	s6 =	sshrl.u32 s6, $0x3  }
0xb: {  	s5 =	sadd.s32 $0x3BE00, s31;
	s30 =	sadd.s32 s6, s4;
	s4 =	smax.u32 s7, $0x1  }
0xc: {  	s6 =	sadd.s32 $0x51DE00, s31;
	s7 =	sadd.s32 $0x1000, s30;
	s8 =	sadd.s32 $0xAE00, s30  }
.LBB2_1:
0xd: {  	s17 =	sadd.s32 $0x0, s8  }
0xe: {  	[tilespmem:s2], [sflag:$0x3] =	stream.linear.gather [hbm4b:s17+s2], $0x190, $0x38;
	[tilespmem:$0x19400] =	vst v63  }
0xf: {  	_ =	swait.ge [sflag:s9], $0x190  }
0x10: {  	[sflag:s9] =	ssyncset.done $0x0  }
0x11: {  	s31 =	sadd.s32 $0x0, s7;
	[sflag:s9] =	ssyncadd.s32 $0xFFFFFE70  }
0x12: {  	[tilespmem:s10], [sflag:$0x3] =	stream.linear.gather [hbm4b:s31+s2], $0x190, $0x38;
	[tilespmem:$0x19400] =	vst v63  }
0x13: {  	_ =	swait.ge [sflag:s9], $0x190  }
0x14: {  	[sflag:s9] =	ssyncset.done $0x0  }
0x15: {  	[sflag:s9] =	ssyncadd.s32 $0xFFFFFE70  }
0x16: {  	[tilespmem:s12], [sflag:$0x1] =	stream.indirect.gather [hbm4b:s3+s11], $0x80, s2, s11, $0xb8;
	[tilespmem:$0x19400] =	vst v63  }
0x17: {  	_ = 	snop  }
0x18: {  	[tilespmem:s13], [sflag:$0x2] =	stream.indirect.gather [hbm4b:s3+s11], $0x80, s10, s11, $0xb8;
	[tilespmem:$0x19400] =	vst v63  }
0x19: {  	_ =	swait.ge [sflag:s14], $0xC800  }
0x1a: {  	[sflag:s14] =	ssyncset.done $0x0  }
0x1b: {  	[sflag:s14] =	ssyncadd.s32 $0xFFFF3800  }
0x1c: {  	[hbm4b:s5+s2] =	stream.linear.scatter [tilespmem:s12], [sflag:$0x3], $0xC800, $0x38;
	[tilespmem:$0x19400] =	vst v63  }
0x1d: {  	_ =	swait.ge [sflag:s9], $0xC800  }
0x1e: {  	[sflag:s9] =	ssyncset.done $0x0  }
0x1f: {  	[sflag:s9] =	ssyncadd.s32 $0xFFFF3800  }
0x20: {  	_ =	swait.ge [sflag:s15], $0xC800  }
0x21: {  	[sflag:s15] =	ssyncset.done $0x0  }
0x22: {  	[sflag:s15] =	ssyncadd.s32 $0xFFFF3800  }
0x23: {  	[hbm4b:s6+s2] =	stream.linear.scatter [tilespmem:s13], [sflag:$0x3], $0xC800, $0x38;
	[tilespmem:$0x19400] =	vst v63  }
0x24: {  	s19 =	simm.s32 $0x32;
	s20 =	simm.s32 $0x64;
	_ =	swait.ge [sflag:s9], $0xC800  }
0x25: {  	s18 =	sadd.s32 $0x1900, s5;
	s17 =	sadd.s32 $0x1900, s6;
	[sflag:s9] =	ssyncset.done $0x0  }
.LBB2_2:
0x26: {  	s21 =	sadd.s32 s19, s8  }
0x27: {  	[sflag:s9] =	ssyncadd.s32 $0xFFFF3800;
	s22 =	smov.u32 s20;
	s23 =	sadd.s32 $0x32, s20  }
0x28: {  	[tilespmem:s2], [sflag:$0x3] =	stream.linear.gather [hbm4b:s21+s2], $0x190, $0x38;
	[tilespmem:$0x19400] =	vst v63  }
0x29: {  	p0 =	sne.s32 s20, $0x4B0;
	_ =	swait.ge [sflag:s9], $0x190  }
0x2a: {  	[sflag:s9] =	ssyncset.done $0x0  }
0x2b: {  	s20 =	sadd.s32 s19, s7;
	s19 =	smov.u32 s22;
	[sflag:s9] =	ssyncadd.s32 $0xFFFFFE70  }
0x2c: {  	[tilespmem:s10], [sflag:$0x3] =	stream.linear.gather [hbm4b:s20+s2], $0x190, $0x38;
	[tilespmem:$0x19400] =	vst v63  }
0x2d: {  	_ =	swait.ge [sflag:s9], $0x190  }
0x2e: {  	[sflag:s9] =	ssyncset.done $0x0  }
0x2f: {  	[sflag:s9] =	ssyncadd.s32 $0xFFFFFE70  }
0x30: {  	[tilespmem:s12], [sflag:$0x1] =	stream.indirect.gather [hbm4b:s3+s11], $0x80, s2, s11, $0xb8;
	[tilespmem:$0x19400] =	vst v63  }
0x31: {  	_ = 	snop  }
0x32: {  	[tilespmem:s13], [sflag:$0x2] =	stream.indirect.gather [hbm4b:s3+s11], $0x80, s10, s11, $0xb8;
	[tilespmem:$0x19400] =	vst v63  }
0x33: {  	_ =	swait.ge [sflag:s14], $0xC800  }
0x34: {  	[sflag:s14] =	ssyncset.done $0x0  }
0x35: {  	[sflag:s14] =	ssyncadd.s32 $0xFFFF3800  }
0x36: {  	[hbm4b:s18+s2] =	stream.linear.scatter [tilespmem:s12], [sflag:$0x3], $0xC800, $0x38;
	[tilespmem:$0x19400] =	vst v63  }
0x37: {  	_ =	swait.ge [sflag:s9], $0xC800  }
0x38: {  	[sflag:s9] =	ssyncset.done $0x0  }
0x39: {  	[sflag:s9] =	ssyncadd.s32 $0xFFFF3800  }
0x3a: {  	_ =	swait.ge [sflag:s15], $0xC800  }
.Ltmp0:
0x3b: {  	[sflag:s15] =	ssyncset.done $0x0;
	(pc) =	sbr.rel @p0 .LBB2_2-.Ltmp0, $4  }
0x3c: {  	[sflag:s15] =	ssyncadd.s32 $0xFFFF3800  }
0x3d: {  	[hbm4b:s17+s2] =	stream.linear.scatter [tilespmem:s13], [sflag:$0x3], $0xC800, $0x38;
	[tilespmem:$0x19400] =	vst v63  }
0x3e: {  	s20 =	smov.u32 s23;
	_ =	swait.ge [sflag:s9], $0xC800  }
0x3f: {  	s18 =	sadd.s32 $0x1900, s18;
	s17 =	sadd.s32 $0x1900, s17;
	[sflag:s9] =	ssyncset.done $0x0  }
0x40: {  	s20 =	sadd.s32 s19, s8;
	[sflag:s9] =	ssyncadd.s32 $0xFFFF3800  }
0x41: {  	[tilespmem:s2], [sflag:$0x3] =	stream.linear.gather [hbm4b:s20+s2], $0x190, $0x38;
	[tilespmem:$0x19400] =	vst v63  }
0x42: {  	_ =	swait.ge [sflag:s9], $0x190  }
0x43: {  	[sflag:s9] =	ssyncset.done $0x0  }
0x44: {  	s31 =	sadd.s32 s19, s7;
	[sflag:s9] =	ssyncadd.s32 $0xFFFFFE70  }
0x45: {  	[tilespmem:s10], [sflag:$0x3] =	stream.linear.gather [hbm4b:s31+s2], $0x190, $0x38;
	[tilespmem:$0x19400] =	vst v63  }
0x46: {  	_ =	swait.ge [sflag:s9], $0x190  }
0x47: {  	[sflag:s9] =	ssyncset.done $0x0  }
0x48: {  	[sflag:s9] =	ssyncadd.s32 $0xFFFFFE70  }
0x49: {  	[tilespmem:s12], [sflag:$0x1] =	stream.indirect.gather [hbm4b:s3+s11], $0x80, s2, s11, $0xb8;
	[tilespmem:$0x19400] =	vst v63  }
0x4a: {  	_ = 	snop  }
0x4b: {  	[tilespmem:s13], [sflag:$0x2] =	stream.indirect.gather [hbm4b:s3+s11], $0x80, s10, s11, $0xb8;
	[tilespmem:$0x19400] =	vst v63  }
0x4c: {  	_ =	swait.ge [sflag:s14], $0xC800  }
0x4d: {  	[sflag:s14] =	ssyncset.done $0x0  }
0x4e: {  	[sflag:s14] =	ssyncadd.s32 $0xFFFF3800  }
0x4f: {  	[hbm4b:s18+s2] =	stream.linear.scatter [tilespmem:s12], [sflag:$0x3], $0xC800, $0x38;
	[tilespmem:$0x19400] =	vst v63  }
0x50: {  	_ =	swait.ge [sflag:s9], $0xC800  }
0x51: {  	[sflag:s9] =	ssyncset.done $0x0  }
0x52: {  	[sflag:s9] =	ssyncadd.s32 $0xFFFF3800  }
0x53: {  	s16 =	sadd.s32 $0x1, s16;
	_ =	swait.ge [sflag:s15], $0xC800  }
0x54: {  	p0 =	sne.s32 s16, s4;
	[sflag:s15] =	ssyncset.done $0x0  }
.Ltmp1:
0x55: {  	[sflag:s15] =	ssyncadd.s32 $0xFFFF3800;
	(pc) =	sbr.rel @p0 .LBB2_1-.Ltmp1, $4  }
0x56: {  	[hbm4b:s17+s2] =	stream.linear.scatter [tilespmem:s13], [sflag:$0x3], $0xC800, $0x38;
	[tilespmem:$0x19400] =	vst v63  }
0x57: {  	_ =	swait.ge [sflag:s9], $0xC800  }
0x58: {  	[sflag:s9] =	ssyncset.done $0x0  }
0x59: {  	[sflag:s9] =	ssyncadd.s32 $0xFFFF3800  }
0x5a: {  	_ =	sfence.sel $0x180000  }
0x5b: {  	[bflag:$0x0] =	sbarrier.arrive $0xFFFF  }
0x5c: {  	p0 =	sne.s32 s1, $0x0;
	_ =	strace $0x90000047  }
0x5d: {  	s0 =	sadd.s32 @!p0 $0x100000, s0;
	[bflag:$0x2] =	sbarrier.arrive $0xFFFF  }
0x5e: {  	[sflag:s0] =	ssyncadd.tile.s32 @!p0 $0x1;
	_ =	shalt  }
.Lfunc_end2:
_tile_overlayer_lowered:
.L_overlay_start_2:
0x5f: {  	(tag) =	ssettag $0x2  }
0x60: {  	s0 =	rddreg [dreg:$0x0];
	s2 =	stileid.u32  }
0x61: {  	s1 =	rddreg [dreg:$0x1];
	p0 =	sne.s32 s2, $0x0  }
0x62: {  	s3 =	rddreg [dreg:$0x2];
	[bflag:$0x3] =	sbarrier.arrive $0xFFFF;
	s2 =	simm.s32 @!p0 $0x1C03  }
0x63: {  	[timem:s3], [sflag:s2] =	dma.local @!p0 [hbm:s0], s1  }
0x64: {  	s0 =	simm.s32 @!p0 $0x3  }
0x65: {  	_ =	swait.ge @!p0 [sflag:s0], s1  }
0x66: {  	s1 =	ssub.s32 @!p0 $0x0, s1;
	[sflag:s0] =	ssyncset.done @!p0 $0x0  }
0x67: {  	[sflag:s0] =	ssyncadd.s32 @!p0 s1  }
0x68: {  	[bflag:$0x3] =	sbarrier.arrive $0xFFFF  }
0x69: {  	_ =	shalt  }

// kernel: kernel.9.cloned.1.call-start
scs
__scs_entry_jumppad:
0x0: {  	(pc) =	sbr.rel $0x88, $3  }
0x1: {  	(tag) =	ssettag $0x0;
	lr =	simm.s32 $0x1  }
0x2: {  	[smem:$0x3F9C] =	sst lr;
	_ =	strace $0xD0000000  }
0x3: {  	_ = 	snop  }
0x4: {  	_ = 	snop  }
0x5: {  	_ = 	snop  }
0x6: {  	_ = 	snop  }
0x7: {  	_ = 	snop  }
__scs_overlays_trampoline_lowered:
0x8: {  	[smem:$0x3FAB] =	sst s0  }
0x9: {  	[smem:$0x3FAC] =	sst s1  }
0xa: {  	[smem:$0x3FAD] =	sst s2  }
0xb: {  	[smem:$0x3FAE] =	sst s3  }
0xc: {  	[smem:$0x3FAF] =	sst s4  }
0xd: {  	[smem:$0x3FB0] =	sst s5  }
0xe: {  	[smem:$0x3FB1] =	sst s6  }
0xf: {  	[smem:$0x3FB2] =	sst s7  }
0x10: {  	[smem:$0x3FB3] =	sst s8  }
0x11: {  	[smem:$0x3FB4] =	sst s9;
	s0 =	simm.s32 @!p0 $0x0  }
0x12: {  	s1 =	sld [smem:$0x3F9A];
	s0 =	simm.s32 @p0 $0x1  }
0x13: {  	[smem:$0x3FB5] =	sst s0;
	s0 =	simm.s32 @!p1 $0x0  }
0x14: {  	s2 =	sld [smem:$0x3F99];
	s0 =	simm.s32 @p1 $0x1  }
0x15: {  	[smem:$0x3FB6] =	sst s0;
	s0 =	simm.s32 @!p2 $0x0  }
0x16: {  	s3 =	sld [smem:$0x3FDB];
	s0 =	simm.s32 @p2 $0x1  }
0x17: {  	s4 =	simm.s32 $0x1BF5;
	[smem:$0x3FB8] =	sst s0  }
0x18: {  	s0 =	sld [smem:$0x3F9B];
	_ =	swait.ge [sflag:s4], $0x0  }
0x19: {  	s7 =	sld [smem:$0x3F9C]  }
0x1a: {  	s8 =	sadd.s32 $0xFFFFE003, lr  }
0x1b: {  	s9 =	sadd.s32 $0xFFFFFEF7, lr;
	s5 =	simm.s32 $0xFFFFFFFF;
	p2 =	slt.u32 s8, $0xFFFFF086  }
0x1c: {  	p1 =	slt.u32 s9, $0xF7A;
	s5 =	simm.s32 @!p2 $0x0  }
0x1d: {  	s5 =	simm.s32 @p1 $0x1;
	p0 =	seq.s32 s7, s2  }
0x1e: {  	s7 =	smul.u32 @!p0 $0xF7A, s2;
	p2 =	seq.s32 @!p0 s5, $0x0  }
0x1f: {  	s9 =	smul.u32 $0xF7A, s1;
	s8 =	simm.s32 @!p0 $0x1BF5;
	p2 =	por !p2, p0  }
0x20: {  	[sflag:s8] =	ssyncset.s32 @!p0 $0xFFFFF086;
	s6 =	sadd.s32 @!p0 s3, s7;
	s7 =	simm.s32 @!p0 $0x108  }
0x21: {  	s3 =	sadd.s32 s3, s9;
	s6 =	sadd.s32 @!p0 $0x88, s6;
	s7 =	simm.s32 @p2 $0x1082  }
0x22: {  	[simem:s7], [sflag:s8] =	dma.local @!p0 [hbm:s6], $0xF7A  }
0x23: {  	s9 =	sor.u32 $0xD0000000, s2;
	s6 =	simm.s32 $0x108;
	_ =	swait.ge @!p0 [sflag:s8], $0x0  }
0x24: {  	s3 =	sadd.s32 $0x88, s3;
	s6 =	simm.s32 @!p1 $0x1082;
	[sflag:s4] =	ssyncset.s32 $0xFFFFF086  }
0x25: {  	[simem:s6], [sflag:s4] =	dma.local [hbm:s3], $0xF7A  }
0x26: {  	[smem:$0x3F9C] =	sst s1;
	(tag) =	ssettag s2;
	_ =	strace s9  }
0x27: {  	s1 =	sld [smem:$0x3FAC]  }
0x28: {  	s2 =	sld [smem:$0x3FAD]  }
0x29: {  	s4 =	sld [smem:$0x3FAF]  }
0x2a: {  	p0 =	seq.s32 s5, $0x0;
	s5 =	sld [smem:$0x3FB0]  }
0x2b: {  	s6 =	sld [smem:$0x3FB1]  }
0x2c: {  	s7 =	sld [smem:$0x3FB2]  }
0x2d: {  	s3 =	simm.s32 $0x108;
	s8 =	sld [smem:$0x3FB3]  }
0x2e: {  	s3 =	simm.s32 @!p0 $0x1082;
	s9 =	sld [smem:$0x3FB4]  }
0x2f: {  	lr =	sadd.s32 s0, s3;
	s0 =	sld [smem:$0x3FAB]  }
0x30: {  	s3 =	sld [smem:$0x3FAE]  }
0x31: {  	[smem:$0x3FB7] =	sst s10  }
0x32: {  	s10 =	sld [smem:$0x3FB5];
	_ =	sdelay $0x3  }
0x33: {  	p0 =	seq.s32 s10, $0x1;
	s10 =	sld [smem:$0x3FB7];
	_ =	sdelay $0x3  }
0x34: {  	[smem:$0x3FB7] =	sst s10  }
0x35: {  	s10 =	sld [smem:$0x3FB6];
	_ =	sdelay $0x3  }
0x36: {  	p1 =	seq.s32 s10, $0x1;
	s10 =	sld [smem:$0x3FB7];
	_ =	sdelay $0x3  }
0x37: {  	[smem:$0x3FB7] =	sst s10  }
0x38: {  	s10 =	sld [smem:$0x3FB8]  }
0x39: {  	_ = 	snop;
	(pc) =	sbr.ind lr, $3  }
0x3a: {  	_ = 	snop  }
0x3b: {  	_ = 	snop  }
0x3c: {  	p2 =	seq.s32 s10, $0x1;
	s10 =	sld [smem:$0x3FB7]  }
0x3d: {  	_ =	shalt  }
0x3e: {  	_ =	shalt  }
0x3f: {  	_ =	shalt  }
0x40: {  	_ =	shalt  }
0x41: {  	_ =	shalt  }
0x42: {  	_ =	shalt  }
0x43: {  	_ =	shalt  }
0x44: {  	_ =	shalt  }
0x45: {  	_ =	shalt  }
0x46: {  	_ =	shalt  }
0x47: {  	_ =	shalt  }
0x48: {  	_ =	shalt  }
0x49: {  	_ =	shalt  }
0x4a: {  	_ =	shalt  }
0x4b: {  	_ =	shalt  }
0x4c: {  	_ =	shalt  }
0x4d: {  	_ =	shalt  }
0x4e: {  	_ =	shalt  }
0x4f: {  	_ =	shalt  }
0x50: {  	_ =	shalt  }
0x51: {  	_ =	shalt  }
0x52: {  	_ =	shalt  }
0x53: {  	_ =	shalt  }
0x54: {  	_ =	shalt  }
0x55: {  	_ =	shalt  }
0x56: {  	_ =	shalt  }
0x57: {  	_ =	shalt  }
0x58: {  	_ =	shalt  }
0x59: {  	_ =	shalt  }
0x5a: {  	_ =	shalt  }
0x5b: {  	_ =	shalt  }
0x5c: {  	_ =	shalt  }
0x5d: {  	_ =	shalt  }
0x5e: {  	_ =	shalt  }
0x5f: {  	_ =	shalt  }
0x60: {  	_ =	shalt  }
0x61: {  	_ =	shalt  }
0x62: {  	_ =	shalt  }
0x63: {  	_ =	shalt  }
0x64: {  	_ =	shalt  }
0x65: {  	_ =	shalt  }
0x66: {  	_ =	shalt  }
0x67: {  	_ =	shalt  }
0x68: {  	_ =	shalt  }
0x69: {  	_ =	shalt  }
0x6a: {  	_ =	shalt  }
0x6b: {  	_ =	shalt  }
0x6c: {  	_ =	shalt  }
0x6d: {  	_ =	shalt  }
0x6e: {  	_ =	shalt  }
0x6f: {  	_ =	shalt  }
0x70: {  	_ =	shalt  }
0x71: {  	_ =	shalt  }
0x72: {  	_ =	shalt  }
0x73: {  	_ =	shalt  }
0x74: {  	_ =	shalt  }
0x75: {  	_ =	shalt  }
0x76: {  	_ =	shalt  }
0x77: {  	_ =	shalt  }
0x78: {  	_ =	shalt  }
0x79: {  	_ =	shalt  }
0x7a: {  	_ =	shalt  }
0x7b: {  	_ =	shalt  }
0x7c: {  	_ =	shalt  }
0x7d: {  	_ =	shalt  }
0x7e: {  	_ =	shalt  }
0x7f: {  	_ =	shalt  }
0x80: {  	_ =	shalt  }
0x81: {  	_ =	shalt  }
0x82: {  	_ =	shalt  }
0x83: {  	_ =	shalt  }
0x84: {  	_ =	shalt  }
0x85: {  	_ =	shalt  }
0x86: {  	_ =	shalt  }
0x87: {  	_ =	shalt  }
.Lfunc_end0:
.L_simem_size_0:
called_computation.1_lowered:
.L_overlay_start_0:
0x88: {  	s0 =	sld [smem:$0x3FD9]  }
0x89: {  	s1 =	sld [smem:$0x3FFE];
	_ =	sdelay $0x3  }
0x8a: {  	s0 =	sadd.s32 s1, s0  }
0x8b: {  	[smem:$0x3FC3] =	sst s0  }
0x8c: {  	_ = 	snop  }
0x8d: {  	s0 =	sld [smem:$0x3FD0];
	_ =	sdelay $0x2  }
0x8e: {  	s13 =	simm.s32 $0xA;
	s2 =	simm.s32 $0x10  }
0x8f: {  	[smem:s2], [sflag:s13] =	dma.local [hbm:s0], $0x1  }
0x90: {  	_ =	swait.eq [sflag:s13], $0x1  }
0x91: {  	[sflag:s13] =	ssyncset.done $0x0  }
0x92: {  	[sflag:s13] =	ssyncadd.s32 $0xFFFFFFFF  }
0x93: {  	s14 =	sld [smem:$0x11];
	(tm) =	ssettm $0x1  }
0x94: {  	s15 =	sld [smem:$0x3FFB];
	_ =	sdelay $0x3  }
0x95: {  	_ =	strace s15  }
0x96: {  	s1 =	sld [smem:$0x3FFC];
	_ =	sdelay $0x3  }
0x97: {  	_ =	strace s1  }
0x98: {  	s1 =	sld [smem:$0x3FFD];
	_ =	sdelay $0x3  }
0x99: {  	_ =	strace s1  }
0x9a: {  	_ =	strace $0x8FFFFFFF  }
0x9b: {  	s16 =	sld [smem:$0x3FDB];
	_ =	sdelay $0x1  }
0x9c: {  	s17 =	simm.s32 $_scs_section_size  }
0x9d: {  	s3 =	simm.s32 $_size__tile_overlayer_lowered;
	s4 =	simm.s32 $_tile_overlayer_lowered  }
0x9e: {  	s20 =	simm.s32 $0x1BFF;
	s19 =	sshll.u32 s4, $0x1;
	s1 =	sadd.s32 s17, s16  }
0x9f: {  	s5 =	simm.s32 $0x0;
	s18 =	sshll.u32 s3, $0x1;
	s3 =	sadd.s32 s19, s1  }
0xa0: {  	[timem:s5], [sflag:s20] =	dma.local [hbm:s3], s18  }
0xa1: {  	_ =	swait.ge [sflag:s20], s18  }
0xa2: {  	s2 =	ssub.s32 $0x0, s18;
	[sflag:s20] =	ssyncset.done $0x0  }
0xa3: {  	[sflag:s20] =	ssyncadd.s32 s2;
	_ =	sdelay $0x1  }
0xa4: {  	s21 =	simm.s32 $0x1B8B  }
0xa5: {  	_ =	swait.ge [sflag:s21], $0x1  }
0xa6: {  	[sflag:s21] =	ssyncset.done $0x0  }
0xa7: {  	s23 =	simm.s32 $0x1B8E;
	s22 =	sld [smem:$0x3FFE];
	[sflag:s21] =	ssyncadd.s32 $0xFFFFFFFF  }
0xa8: {  	s24 =	simm.s32 $execute0_lowered;
	[smem:$0x3FD2] =	sst s23  }
0xa9: {  	s3 =	sshll.u32 s24, $0x1;
	_ =	strace $0x80000049;
	[dreg:$0x1] =	wrdreg $0xFFFFFFFF  }
0xaa: {  	s25 =	simm.s32 $_size_execute0_lowered;
	s1 =	sadd.s32 s1, s3;
	[dreg:$0x0] =	wrdreg $0x0  }
0xab: {  	s3 =	sshll.u32 s25, $0x1;
	[dreg:$0x2] =	wrdreg s1  }
0xac: {  	[dreg:$0x3] =	wrdreg s3  }
0xad: {  	[dreg:$0x4] =	wrdreg $0xC0  }
0xae: {  	_ =	task [dreg:s5], $0x5FFFF  }
0xaf: {  	[dreg:$0x1] =	wrdreg $0xFFFFFFFF  }
0xb0: {  	[dreg:$0x0] =	wrdreg $0x60  }
0xb1: {  	[dreg:$0x2] =	wrdreg s22  }
0xb2: {  	[dreg:$0x3] =	wrdreg s14  }
0xb3: {  	[dreg:$0x4] =	wrdreg $0x9E400  }
0xb4: {  	[dreg:$0x5] =	wrdreg $0x0  }
0xb5: {  	[dreg:$0x6] =	wrdreg $0x4F200  }
0xb6: {  	[dreg:$0x7] =	wrdreg $0x9  }
0xb7: {  	_ =	task.clear_ibuf [dreg:s5], $0x8FFFF;
	_ =	strace $0x90000049  }
0xb8: {  	s26 =	simm.s32 $0x9;
	_ =	strace $0x8000004B  }
0xb9: {  	_ =	swait.ge [sflag:s26], $0x1  }
0xba: {  	[sflag:s26] =	ssyncadd.s32 $0xFFFFFFFF  }
0xbb: {  	_ =	strace $0x9000004B  }
0xbc: {  	_ =	sfence  }
0xbd: {  	s28 =	sld [smem:$0x0];
	_ =	sdelay $0x1  }
0xbe: {  	s29 =	srdreg.scid  }
0xbf: {  	s30 =	sshll.u32 s29, $0xD;
	s31 =	sshrl.u32 s29, $0x2  }
0xc0: {  	s2 =	sand.u32 $0x4000, s30;
	s1 =	sand.u32 $0x1, s29;
	s0 =	sadd.s32 s31, s28  }
0xc1: {  	s1 =	sor.u32 s2, s1;
	s0 =	sshll.u32 s0, $0x11  }
0xc2: {  	s0 =	sor.u32 s0, s1  }
0xc3: {  	s0 =	sadd.s32 $0x8F2B, s0  }
0xc4: {  	[sflag:s0] =	ssyncadd.remote.s32 $0x1  }
0xc5: {  	_ =	sfence.sel $0xFFFF  }
0xc6: {  	[dreg:$0x0] =	wrdreg $0xFFFFFFFF;
	(pc) =	sbr.abs _section_cstart, $3  }
0xc7: {  	[dreg:$0x1] =	wrdreg $0xFFFFFFFF  }
0xc8: {  	_ =	task.clear_ibuf [dreg:s5], $0x2FFFF;
	_ =	strace $0x9FFFFFFF  }
0xc9: {  	(tm) =	ssettm $0x7FFFFFFF  }
tec
execute0_lowered:
.L_overlay_start_1:
0x0: {  	(tag) =	ssettag $0x1  }
0x1: {  	s7 =	rddreg [dreg:$0x0]  }
0x2: {  	s2 =	rddreg [dreg:$0x1]  }
0x3: {  	s6 =	rddreg [dreg:$0x2]  }
0x4: {  	s5 =	rddreg [dreg:$0x3]  }
0x5: {  	s0 =	stileid.u32;
	s3 =	rddreg [dreg:$0x4]  }
0x6: {  	s1 =	rddreg [dreg:$0x5];
	s4 =	simm.s32 $0x0;
	s12 =	smul.u32 $0x4E20, s0  }
0x7: {  	s14 =	simm.s32 $0x0;
	[smem:$0x7FF] =	sst s4  }
0x8: {  	s4 =	sadd.s32 $0x32A00, s7;
	s9 =	sadd.s32 $0x1EA00, s7;
	s10 =	sshrl.u32 s12, $0x3  }
0x9: {  	v0 =	vlaneseq.u32;
	s13 =	sadd.s32 $0x28A00, s7;
	_ =	strace $0x8000004A;
	s8 =	sadd.s32 s10, s7  }
0xa: {  	v1 =	vor.u32 s12, v0;
	s11 =	smov.u32 s12;
	s7 =	simm.s32 $0x40;
	s8 =	sadd.s32 $0x14C00, s8  }
.LBB2_1:
0xb: {  	p0 =	sne.s32 s7, $0x13840  }
0xc: {  	[tilespmem:s14+$0xEDC0] =	vst v1;
	s11 =	sadd.s32 $0x10, s11;
	s14 =	smov.u32 s7;
	s7 =	sadd.s32 $0x40, s7  }
.Ltmp0:
0xd: {  	(pc) =	sbr.rel @p0 .LBB2_1-.Ltmp0, $2  }
0xe: {  	_ =	sdelay $0x2  }
0xf: {  	v1 =	vor.u32 s11, v0;
	s14 =	sshra.s32 s14, $0x2  }
0x10: {  	[tilespmem:s14+$0xEDC0] =	vst v1;
	s7 =	simm.s32 $0x0;
	s11 =	simm.s32 $0x9F40;
	s31 =	simm.s32 $0x3  }
0x11: {  	[tilespmem:s11], [sflag:$0x3] =	stream.linear.gather [hbm4b:s8+s7], $0x4E20, $0x38;
	[tilespmem:$0x1BDC0] =	vst v63  }
0x12: {  	_ =	swait.ge [sflag:s31], $0x4E20  }
0x13: {  	[sflag:s31] =	ssyncset.done $0x0  }
0x14: {  	s8 =	simm.s32 $0x0;
	s11 =	simm.s32 $0x40;
	[sflag:s31] =	ssyncadd.s32 $0xFFFFB1E0  }
.LBB2_3:
0x15: {  	p0 =	sne.s32 s11, $0x13840;
	v0 =	vld [tilespmem:s8+$0x9F40];
	_ =	sdelay $0x2  }
.Ltmp1:
0x16: {  	(pc) =	sbr.rel @p0 .LBB2_3-.Ltmp1, $4  }
0x17: {  	_ = 	snop  }
0x18: {  	vm0 =	vlt.s32 v0, $0x0;
	v1 =	vxor.u32 $0x7FFFFFFF, v0  }
0x19: {  	v0 =	vsel vm0, v0, v1  }
0x1a: {  	[tilespmem:s8+$0x9F40] =	vst v0;
	s8 =	sshra.s32 s11, $0x2;
	s11 =	sadd.s32 $0x40, s11  }
0x1b: {  	v0 =	vld [tilespmem:s8+$0x9F40];
	_ =	sdelay $0x4  }
0x1c: {  	vm0 =	vlt.s32 v0, $0x0;
	v1 =	vxor.u32 $0x7FFFFFFF, v0  }
0x1d: {  	v0 =	vsel vm0, v0, v1  }
0x1e: {  	[tilespmem:s8+$0x9F40] =	vst v0;
	v0 =	vimm.s32 $0x0  }
.LBB2_5:
0x1f: {  	p0 =	sne.s32 s7, $0x3FC0  }
.Ltmp2:
0x20: {  	_ = 	snop;
	(pc) =	sbr.rel @p0 .LBB2_5-.Ltmp2, $3  }
0x21: {  	_ =	sdelay $0x1  }
0x22: {  	s8 =	sshra.s32 s7, $0x2  }
0x23: {  	s7 =	sadd.s32 $0x40, s7;
	[tilespmem:s8+$0x18C40] =	vst v0  }
0x24: {  	v1 =	vlaneseq.u32  }
0x25: {  	v0 =	vmul.u32 $0x4E2, v1  }
0x26: {  	s7 =	simm.s32 $0x0;
	s8 =	simm.s32 $0x9F40;
	s11 =	simm.s32 $0x18C40;
	v1 =	vmul.u32 $0x100, v1  }
.LBB2_7:
0x27: {  	v2 =	vadd.s32 s7, v0;
	_ =	sdelay $0x4  }
0x28: {  	v2 =	vld.idx.msk [tilespmem:v2+s8+$0x0], $0xffff;
	_ =	sdelay $0x4  }
0x29: {  	v2 =	vand.u32 $0xFF, v2  }
0x2a: {  	v2 =	vor.u32 v1, v2;
	_ =	sdelay $0x4  }
0x2b: {  	v3 =	vld.idx.msk [tilespmem:v2+s11+$0x0], $0xffff  }
0x2c: {  	p0 =	sne.s32 s7, $0x4E1  }
.Ltmp3:
0x2d: {  	_ = 	snop;
	(pc) =	sbr.rel @p0 .LBB2_7-.Ltmp3, $3  }
0x2e: {  	_ =	sdelay $0x1  }
0x2f: {  	v3 =	vadd.s32 $0x1, v3  }
0x30: {  	s7 =	sadd.s32 $0x1, s7;
	[tilespmem:v2+s11+$0x0] =	vst.idx.msk $0xffff, v3  }
0x31: {  	v0 =	vlaneseq.u32;
	s8 =	simm.s32 $0x0  }
0x32: {  	v4 =	vor.u32 $0x100, v0;
	v8 =	vor.u32 s8, v0  }
0x33: {  	v5 =	vor.u32 $0x200, v0;
	v7 =	vor.u32 s8, v4  }
0x34: {  	v6 =	vor.u32 $0x300, v0;
	v9 =	vor.u32 s8, v5  }
0x35: {  	v1 =	vor.u32 $0x400, v0;
	v10 =	vor.u32 s8, v6  }
0x36: {  	s7 =	simm.s32 $0x18C40;
	v2 =	vor.u32 $0x500, v0;
	v11 =	vor.u32 s8, v1  }
0x37: {  	v3 =	vor.u32 $0x600, v0;
	v12 =	vor.u32 s8, v2;
	v14 =	vld.idx.msk [tilespmem:v8+s7+$0x0], $0xffff  }
0x38: {  	v15 =	vor.u32 s8, v3;
	v13 =	vld.idx.msk [tilespmem:v7+s7+$0x0], $0xffff;
	v7 =	vor.u32 $0x700, v0  }
0x39: {  	v8 =	vor.u32 $0x800, v0;
	v16 =	vld.idx.msk [tilespmem:v9+s7+$0x0], $0xffff;
	v17 =	vor.u32 s8, v7  }
0x3a: {  	v9 =	vor.u32 $0x900, v0;
	v18 =	vld.idx.msk [tilespmem:v10+s7+$0x0], $0xffff;
	v19 =	vor.u32 s8, v8  }
0x3b: {  	v10 =	vor.u32 $0xA00, v0;
	v20 =	vld.idx.msk [tilespmem:v11+s7+$0x0], $0xffff;
	v21 =	vor.u32 s8, v9  }
0x3c: {  	v11 =	vor.u32 $0xB00, v0;
	v22 =	vld.idx.msk [tilespmem:v12+s7+$0x0], $0xffff;
	v23 =	vor.u32 s8, v10  }
0x3d: {  	v12 =	vor.u32 $0xC00, v0;
	v24 =	vld.idx.msk [tilespmem:v15+s7+$0x0], $0xffff;
	v25 =	vor.u32 s8, v11;
	v14 =	vadd.s32 v14, v13  }
0x3e: {  	v26 =	vor.u32 s8, v12;
	v13 =	vor.u32 $0xD00, v0;
	v17 =	vld.idx.msk [tilespmem:v17+s7+$0x0], $0xffff;
	v15 =	vadd.s32 v16, v14  }
0x3f: {  	v14 =	vor.u32 $0xE00, v0;
	v16 =	vld.idx.msk [tilespmem:v19+s7+$0x0], $0xffff;
	v19 =	vor.u32 s8, v13;
	v18 =	vadd.s32 v18, v15  }
0x40: {  	v21 =	vld.idx.msk [tilespmem:v21+s7+$0x0], $0xffff;
	v15 =	vor.u32 $0xF00, v0;
	v27 =	vor.u32 s8, v14;
	v18 =	vadd.s32 v20, v18  }
0x41: {  	v20 =	vld.idx.msk [tilespmem:v23+s7+$0x0], $0xffff;
	v23 =	vor.u32 s8, v15;
	v18 =	vadd.s32 v22, v18  }
0x42: {  	v22 =	vld.idx.msk [tilespmem:v25+s7+$0x0], $0xffff;
	v18 =	vadd.s32 v24, v18  }
0x43: {  	v58 =	vld.idx.msk [tilespmem:v26+s7+$0x0], $0xffff;
	v17 =	vadd.s32 v17, v18  }
0x44: {  	v18 =	vld.idx.msk [tilespmem:v19+s7+$0x0], $0xffff;
	v16 =	vadd.s32 v16, v17  }
0x45: {  	v17 =	vld.idx.msk [tilespmem:v27+s7+$0x0], $0xffff;
	v16 =	vadd.s32 v21, v16  }
0x46: {  	v19 =	vld.idx.msk [tilespmem:v23+s7+$0x0], $0xffff;
	v16 =	vadd.s32 v20, v16  }
0x47: {  	s11 =	simm.s32 $0x10;
	v16 =	vadd.s32 v22, v16  }
0x48: {  	v20 =	vor.u32 s11, v4;
	v16 =	vadd.s32 v58, v16  }
0x49: {  	v21 =	vor.u32 s11, v0;
	v16 =	vadd.s32 v18, v16  }
0x4a: {  	v18 =	vor.u32 s11, v5;
	v16 =	vadd.s32 v17, v16  }
0x4b: {  	s8 =	simm.s32 $0x1BC40;
	v17 =	vor.u32 s11, v6;
	v16 =	vadd.s32 v19, v16  }
0x4c: {  	v19 =	vor.u32 s11, v1;
	[tilespmem:s8+$0x0] =	vst v16  }
0x4d: {  	v16 =	vld.idx.msk [tilespmem:v20+s7+$0x0], $0xffff;
	v20 =	vor.u32 s11, v2  }
0x4e: {  	v22 =	vor.u32 s11, v3;
	v21 =	vld.idx.msk [tilespmem:v21+s7+$0x0], $0xffff  }
0x4f: {  	v23 =	vor.u32 s11, v7;
	v18 =	vld.idx.msk [tilespmem:v18+s7+$0x0], $0xffff  }
0x50: {  	v17 =	vld.idx.msk [tilespmem:v17+s7+$0x0], $0xffff  }
0x51: {  	v19 =	vld.idx.msk [tilespmem:v19+s7+$0x0], $0xffff  }
0x52: {  	v59 =	vor.u32 s11, v8;
	v20 =	vld.idx.msk [tilespmem:v20+s7+$0x0], $0xffff  }
0x53: {  	v60 =	vor.u32 s11, v9;
	v22 =	vld.idx.msk [tilespmem:v22+s7+$0x0], $0xffff;
	v16 =	vadd.s32 v21, v16  }
0x54: {  	v61 =	vor.u32 s11, v10;
	v21 =	vld.idx.msk [tilespmem:v23+s7+$0x0], $0xffff;
	v16 =	vadd.s32 v18, v16  }
0x55: {  	v62 =	vor.u32 s11, v11;
	v16 =	vadd.s32 v17, v16  }
0x56: {  	v23 =	vor.u32 s11, v12;
	v16 =	vadd.s32 v19, v16  }
0x57: {  	v63 =	vor.u32 s11, v13;
	v18 =	vld.idx.msk [tilespmem:v59+s7+$0x0], $0xffff;
	v16 =	vadd.s32 v20, v16  }
0x58: {  	v17 =	vld.idx.msk [tilespmem:v60+s7+$0x0], $0xffff;
	v16 =	vadd.s32 v22, v16;
	v22 =	vor.u32 s11, v14  }
0x59: {  	v19 =	vld.idx.msk [tilespmem:v61+s7+$0x0], $0xffff;
	v16 =	vadd.s32 v21, v16;
	v21 =	vor.u32 s11, v15  }
0x5a: {  	v20 =	vld.idx.msk [tilespmem:v62+s7+$0x0], $0xffff  }
0x5b: {  	v23 =	vld.idx.msk [tilespmem:v23+s7+$0x0], $0xffff  }
0x5c: {  	v24 =	vld.idx.msk [tilespmem:v63+s7+$0x0], $0xffff;
	v16 =	vadd.s32 v18, v16  }
0x5d: {  	v16 =	vadd.s32 v17, v16;
	v18 =	vld.idx.msk [tilespmem:v22+s7+$0x0], $0xffff  }
0x5e: {  	v16 =	vadd.s32 v19, v16;
	v19 =	vld.idx.msk [tilespmem:v21+s7+$0x0], $0xffff  }
0x5f: {  	s11 =	simm.s32 $0x20;
	v16 =	vadd.s32 v20, v16  }
0x60: {  	v17 =	vor.u32 s11, v4;
	v20 =	vadd.s32 v23, v16  }
0x61: {  	s14 =	simm.s32 $0x30;
	v16 =	vor.u32 s11, v0;
	v20 =	vadd.s32 v24, v20  }
.LBB2_9:
0x62: {  	p0 =	sne.s32 s14, $0xF0;
	v21 =	vor.u32 s11, v5;
	v18 =	vadd.s32 v18, v20  }
0x63: {  	v20 =	vor.u32 s11, v6;
	s8 =	sadd.s32 $0x10, s8;
	v18 =	vadd.s32 v19, v18  }
0x64: {  	v19 =	vor.u32 s11, v1;
	[tilespmem:s8+$0x0] =	vst v18  }
0x65: {  	v18 =	vor.u32 s11, v2;
	v17 =	vld.idx.msk [tilespmem:v17+s7+$0x0], $0xffff  }
0x66: {  	v22 =	vor.u32 s11, v3;
	v16 =	vld.idx.msk [tilespmem:v16+s7+$0x0], $0xffff  }
0x67: {  	v23 =	vor.u32 s11, v7;
	v21 =	vld.idx.msk [tilespmem:v21+s7+$0x0], $0xffff  }
0x68: {  	v24 =	vor.u32 s11, v8;
	v20 =	vld.idx.msk [tilespmem:v20+s7+$0x0], $0xffff  }
0x69: {  	v25 =	vor.u32 s11, v9;
	v19 =	vld.idx.msk [tilespmem:v19+s7+$0x0], $0xffff  }
0x6a: {  	v26 =	vor.u32 s11, v10;
	v18 =	vld.idx.msk [tilespmem:v18+s7+$0x0], $0xffff  }
0x6b: {  	v27 =	vor.u32 s11, v11;
	v22 =	vld.idx.msk [tilespmem:v22+s7+$0x0], $0xffff  }
0x6c: {  	v16 =	vadd.s32 v16, v17;
	v17 =	vld.idx.msk [tilespmem:v23+s7+$0x0], $0xffff;
	v23 =	vor.u32 s11, v12  }
0x6d: {  	v16 =	vadd.s32 v21, v16;
	v21 =	vld.idx.msk [tilespmem:v24+s7+$0x0], $0xffff;
	v24 =	vor.u32 s11, v13  }
0x6e: {  	v16 =	vadd.s32 v20, v16;
	v20 =	vld.idx.msk [tilespmem:v25+s7+$0x0], $0xffff;
	v25 =	vor.u32 s11, v14  }
0x6f: {  	v16 =	vadd.s32 v19, v16;
	v19 =	vor.u32 s11, v15;
	s11 =	smov.u32 s14;
	v26 =	vld.idx.msk [tilespmem:v26+s7+$0x0], $0xffff  }
0x70: {  	v16 =	vadd.s32 v18, v16;
	v27 =	vld.idx.msk [tilespmem:v27+s7+$0x0], $0xffff  }
0x71: {  	v16 =	vadd.s32 v22, v16;
	v22 =	vld.idx.msk [tilespmem:v23+s7+$0x0], $0xffff  }
0x72: {  	v16 =	vadd.s32 v17, v16;
	v23 =	vld.idx.msk [tilespmem:v24+s7+$0x0], $0xffff  }
0x73: {  	v16 =	vadd.s32 v21, v16;
	v18 =	vld.idx.msk [tilespmem:v25+s7+$0x0], $0xffff  }
.Ltmp4:
0x74: {  	v16 =	vadd.s32 v20, v16;
	v19 =	vld.idx.msk [tilespmem:v19+s7+$0x0], $0xffff;
	(pc) =	sbr.rel @p0 .LBB2_9-.Ltmp4, $4  }
0x75: {  	v16 =	vadd.s32 v26, v16  }
0x76: {  	v16 =	vadd.s32 v27, v16  }
0x77: {  	v17 =	vor.u32 s14, v4;
	v20 =	vadd.s32 v22, v16  }
0x78: {  	s14 =	sadd.s32 $0x10, s14;
	v16 =	vor.u32 s11, v0;
	v20 =	vadd.s32 v23, v20  }
0x79: {  	_ = 	snop  }
0x7a: {  	v0 =	vor.u32 s11, v5;
	v4 =	vadd.s32 v18, v20  }
0x7b: {  	v5 =	vor.u32 s11, v6;
	s8 =	sadd.s32 $0x10, s8;
	v4 =	vadd.s32 v19, v4  }
0x7c: {  	v1 =	vor.u32 s11, v1;
	[tilespmem:s8+$0x0] =	vst v4  }
0x7d: {  	v2 =	vor.u32 s11, v2;
	v4 =	vld.idx.msk [tilespmem:v17+s7+$0x0], $0xffff  }
0x7e: {  	v3 =	vor.u32 s11, v3;
	v6 =	vld.idx.msk [tilespmem:v16+s7+$0x0], $0xffff  }
0x7f: {  	v7 =	vor.u32 s11, v7;
	v0 =	vld.idx.msk [tilespmem:v0+s7+$0x0], $0xffff  }
0x80: {  	v8 =	vor.u32 s11, v8;
	v5 =	vld.idx.msk [tilespmem:v5+s7+$0x0], $0xffff  }
0x81: {  	v9 =	vor.u32 s11, v9;
	v1 =	vld.idx.msk [tilespmem:v1+s7+$0x0], $0xffff  }
0x82: {  	v10 =	vor.u32 s11, v10;
	v2 =	vld.idx.msk [tilespmem:v2+s7+$0x0], $0xffff  }
0x83: {  	v11 =	vor.u32 s11, v11;
	v3 =	vld.idx.msk [tilespmem:v3+s7+$0x0], $0xffff;
	v4 =	vadd.s32 v6, v4  }
0x84: {  	v6 =	vld.idx.msk [tilespmem:v7+s7+$0x0], $0xffff;
	v7 =	vor.u32 s11, v12;
	v0 =	vadd.s32 v0, v4  }
0x85: {  	v4 =	vld.idx.msk [tilespmem:v8+s7+$0x0], $0xffff;
	v8 =	vor.u32 s11, v13;
	v0 =	vadd.s32 v5, v0  }
0x86: {  	v62 =	vor.u32 s11, v14;
	v5 =	vld.idx.msk [tilespmem:v9+s7+$0x0], $0xffff;
	v0 =	vadd.s32 v1, v0  }
0x87: {  	v63 =	vor.u32 s11, v15;
	v1 =	vld.idx.msk [tilespmem:v10+s7+$0x0], $0xffff;
	v0 =	vadd.s32 v2, v0  }
0x88: {  	v2 =	vld.idx.msk [tilespmem:v11+s7+$0x0], $0xffff;
	v0 =	vadd.s32 v3, v0  }
0x89: {  	v3 =	vld.idx.msk [tilespmem:v7+s7+$0x0], $0xffff;
	v0 =	vadd.s32 v6, v0  }
0x8a: {  	v6 =	vld.idx.msk [tilespmem:v8+s7+$0x0], $0xffff;
	v0 =	vadd.s32 v4, v0  }
0x8b: {  	v4 =	vld.idx.msk [tilespmem:v62+s7+$0x0], $0xffff;
	v0 =	vadd.s32 v5, v0  }
0x8c: {  	v5 =	vld.idx.msk [tilespmem:v63+s7+$0x0], $0xffff;
	v0 =	vadd.s32 v1, v0  }
0x8d: {  	v0 =	vadd.s32 v2, v0  }
0x8e: {  	v0 =	vadd.s32 v3, v0  }
0x8f: {  	v0 =	vadd.s32 v6, v0  }
0x90: {  	v0 =	vadd.s32 v4, v0  }
0x91: {  	s29 =	sshll.u32 s0, $0x8;
	s28 =	sadd.s32 $0x10, s8;
	v0 =	vadd.s32 v5, v0  }
0x92: {  	s30 =	simm.s32 $0x1BC40;
	s31 =	simm.s32 $0x3;
	s7 =	sadd.s32 s29, s6;
	[tilespmem:s28+$0x0] =	vst v0  }
0x93: {  	[spmem:s7] =	stream.linear.scatter [tilespmem:s30], [sflag:$0x3], $0x100, $0x38;
	[tilespmem:$0x1BDC0] =	vst v63  }
0x94: {  	v0 =	vlaneseq.u32;
	_ =	swait.ge [sflag:s31], $0x100  }
0x95: {  	v1 =	vmul.u32 $0x100, v0;
	[sflag:s31] =	ssyncset.done $0x0  }
0x96: {  	s8 =	simm.s32 $0x0;
	[sflag:s31] =	ssyncadd.s32 $0xFFFFFF00  }
0x97: {  	s14 =	simm.s32 $0x1AC40;
	v5 =	vor.u32 s8, v1;
	[bflag:$0x0] =	sbarrier.arrive $0xFFFF  }
0x98: {  	[tilespmem:s14], [sflag:$0x3] =	stream.linear.gather [spmem:s6], $0x1000, $0x38;
	[tilespmem:$0x1BDC0] =	vst v63  }
0x99: {  	_ =	swait.ge [sflag:s31], $0x1000  }
0x9a: {  	[sflag:s31] =	ssyncset.done $0x0  }
0x9b: {  	[sflag:s31] =	ssyncadd.s32 $0xFFFFF000  }
0x9c: {  	v0 =	vld.idx.msk [tilespmem:v5+s14+$0x0], $0xffff;
	_ =	sdelay $0x4  }
0x9d: {  	(xrf0) =	vadd.scan.msk.s32 $0xffff, v0;
	_ =	sdelay $0x4  }
0x9e: {  	v3 =	vimm.s32 $0x0  }
0x9f: {  	v0 =	vsub.s32 v3, v0;
	v6, _, _ =	vpop (xrf0)  }
0xa0: {  	v0 =	vadd.s32 v6, v0  }
0xa1: {  	s15 =	simm.s32 $0x18C40;
	[tilespmem:$0x1BD40] =	vst v0  }
0xa2: {  	v7 =	vld.idx.msk [tilespmem:v5+s15+$0x0], $0xffff  }
0xa3: {  	v0 =	vmov s0;
	_ =	sdelay $0x3  }
0xa4: {  	s16 =	simm.s32 $0x1BD40;
	(xrf0) =	vadd.scan.msk.s32 $0xffff, v7  }
0xa5: {  	v8 =	vld.idx.msk [tilespmem:v0+s16+$0x0], $0xffff;
	_ =	sdelay $0x2  }
0xa6: {  	s11 =	simm.s32 $0x1  }
0xa7: {  	v2 =	vor.u32 s11, v1  }
0xa8: {  	v4 =	vimm.s32 $0xF;
	v7 =	vsub.s32 v8, v7;
	v8, _, _ =	vpop (xrf0)  }
0xa9: {  	s17 =	simm.s32 $0x19C40;
	v7 =	vadd.s32 v8, v7  }
0xaa: {  	[tilespmem:v5+s17+$0x0] =	vst.idx.msk $0xffff, v7  }
0xab: {  	[tilespmem:$0x1BD40] =	vst v6  }
0xac: {  	v5 =	vld.idx.msk [tilespmem:v2+s14+$0x0], $0xffff  }
0xad: {  	s18 =	simm.s32 $0x2;
	v6 =	vld.idx.msk [tilespmem:v4+s16+$0x0], $0xffff  }
.LBB2_11:
0xae: {  	_ =	sdelay $0x2  }
0xaf: {  	p0 =	sne.s32 s18, $0xFF;
	s19 =	smov.u32 s18;
	s18 =	sadd.s32 $0x1, s18;
	(xrf0) =	vadd.scan.msk.s32 $0xffff, v5  }
0xb0: {  	v3 =	vadd.s32 v3, v6;
	_ =	sdelay $0x4  }
0xb1: {  	v5 =	vsub.s32 v3, v5;
	v6, _, _ =	vpop (xrf0)  }
0xb2: {  	v5 =	vadd.s32 v6, v5  }
0xb3: {  	[tilespmem:$0x1BD40] =	vst v5  }
0xb4: {  	v5 =	vld.idx.msk [tilespmem:v2+s15+$0x0], $0xffff;
	_ =	sdelay $0x5  }
0xb5: {  	v7 =	vld.idx.msk [tilespmem:v0+s16+$0x0], $0xffff;
	(xrf0) =	vadd.scan.msk.s32 $0xffff, v5;
	_ =	sdelay $0x4  }
0xb6: {  	v8 =	vor.u32 s19, v1  }
0xb7: {  	v5 =	vsub.s32 v7, v5;
	v7, _, _ =	vpop (xrf0)  }
.Ltmp5:
0xb8: {  	v5 =	vadd.s32 v7, v5;
	(pc) =	sbr.rel @p0 .LBB2_11-.Ltmp5, $4  }
0xb9: {  	[tilespmem:v2+s17+$0x0] =	vst.idx.msk $0xffff, v5;
	v2 =	vmov v8  }
0xba: {  	[tilespmem:$0x1BD40] =	vst v6  }
0xbb: {  	v5 =	vld.idx.msk [tilespmem:v8+s14+$0x0], $0xffff  }
0xbc: {  	v6 =	vld.idx.msk [tilespmem:v4+s16+$0x0], $0xffff  }
0xbd: {  	_ =	sdelay $0x2  }
0xbe: {  	(xrf0) =	vadd.scan.msk.s32 $0xffff, v5;
	_ =	sdelay $0x4  }
0xbf: {  	v1 =	vadd.s32 v3, v6  }
0xc0: {  	v1 =	vsub.s32 v1, v5;
	v4, _, _ =	vpop (xrf0)  }
0xc1: {  	v1 =	vadd.s32 v4, v1  }
0xc2: {  	[tilespmem:$0x1BD40] =	vst v1  }
0xc3: {  	v5 =	vld.idx.msk [tilespmem:v2+s15+$0x0], $0xffff;
	_ =	sdelay $0x4  }
0xc4: {  	(xrf0) =	vadd.scan.msk.s32 $0xffff, v5  }
0xc5: {  	v6 =	vld.idx.msk [tilespmem:v0+s16+$0x0], $0xffff  }
0xc6: {  	v7 =	vlaneseq.u32  }
0xc7: {  	v3 =	vmul.u32 $0x4E2, v7;
	_ =	sdelay $0x1  }
0xc8: {  	v1 =	vadd.s32 s8, v3  }
0xc9: {  	v5 =	vsub.s32 v6, v5;
	v6, _, _ =	vpop (xrf0)  }
0xca: {  	v5 =	vadd.s32 v6, v5  }
0xcb: {  	[tilespmem:v2+s17+$0x0] =	vst.idx.msk $0xffff, v5  }
0xcc: {  	s14 =	simm.s32 $0x9F40;
	[tilespmem:$0x1BD40] =	vst v4  }
0xcd: {  	v4 =	vld.idx.msk [tilespmem:v1+s14+$0x0], $0xffff;
	_ =	sdelay $0x3  }
0xce: {  	v2 =	vmul.u32 $0x100, v7  }
0xcf: {  	v4 =	vand.u32 $0xFF, v4  }
0xd0: {  	v4 =	vor.u32 v2, v4;
	_ =	sdelay $0x3  }
0xd1: {  	s15 =	simm.s32 $0x19C40  }
0xd2: {  	v6 =	vld.idx.msk [tilespmem:v4+s15+$0x0], $0xffff;
	_ =	sdelay $0x3  }
0xd3: {  	s8 =	simm.s32 $0x13C40;
	v5 =	vadd.s32 s11, v3;
	s11 =	simm.s32 $0x2  }
.LBB2_13:
0xd4: {  	p0 =	sne.s32 s11, $0x4E1;
	v7 =	vadd.s32 $0x1, v6  }
0xd5: {  	[tilespmem:v4+s15+$0x0] =	vst.idx.msk $0xffff, v7  }
0xd6: {  	[tilespmem:v1+s8+$0x0] =	vst.idx.msk $0xffff, v6;
	v1 =	vmov v5  }
0xd7: {  	v4 =	vld.idx.msk [tilespmem:v5+s14+$0x0], $0xffff;
	_ =	sdelay $0x5  }
0xd8: {  	v4 =	vand.u32 $0xFF, v4  }
0xd9: {  	v4 =	vor.u32 v2, v4;
	_ =	sdelay $0x4  }
0xda: {  	v6 =	vld.idx.msk [tilespmem:v4+s15+$0x0], $0xffff  }
.Ltmp6:
0xdb: {  	(pc) =	sbr.rel @p0 .LBB2_13-.Ltmp6, $3  }
0xdc: {  	_ =	sdelay $0x1  }
0xdd: {  	v5 =	vadd.s32 s11, v3  }
0xde: {  	s11 =	sadd.s32 $0x1, s11  }
0xdf: {  	_ =	sdelay $0x2  }
0xe0: {  	v3 =	vadd.s32 $0x1, v6  }
0xe1: {  	[tilespmem:v4+s15+$0x0] =	vst.idx.msk $0xffff, v3  }
0xe2: {  	[tilespmem:v1+s8+$0x0] =	vst.idx.msk $0xffff, v6  }
0xe3: {  	v1 =	vld.idx.msk [tilespmem:v5+s14+$0x0], $0xffff;
	_ =	sdelay $0x4  }
0xe4: {  	v1 =	vand.u32 $0xFF, v1  }
0xe5: {  	v1 =	vor.u32 v2, v1;
	_ =	sdelay $0x4  }
0xe6: {  	v2 =	vld.idx.msk [tilespmem:v1+s15+$0x0], $0xffff;
	_ =	sdelay $0x4  }
0xe7: {  	v3 =	vadd.s32 $0x1, v2  }
0xe8: {  	s11 =	sshll.u32 s0, $0x7;
	[tilespmem:v1+s15+$0x0] =	vst.idx.msk $0xffff, v3  }
0xe9: {  	s14 =	simm.s32 $0x13C40;
	v1 =	vlaneseq.u32;
	[tilespmem:v5+s8+$0x0] =	vst.idx.msk $0xffff, v2;
	s8 =	sadd.s32 $0x4E200, s11;
	s11 =	simm.s32 $0x0  }
.LBB2_15:
0xea: {  	s15 =	sadd.s32 $0x4E20, s11  }
0xeb: {  	p0 =	sne.s32 s11, $0x50;
	v2 =	vor.u32 s15, v1  }
.Ltmp7:
0xec: {  	_ = 	snop;
	(pc) =	sbr.rel @p0 .LBB2_15-.Ltmp7, $4  }
0xed: {  	_ = 	snop  }
0xee: {  	s31 =	sadd.s32 s11, s8  }
0xef: {  	v3 =	vor.u32 s31, v1  }
0xf0: {  	s11 =	sadd.s32 $0x10, s11;
	[tilespmem:v2+s14+$0x0] =	vst.idx.msk $0xffff, v3  }
0xf1: {  	s11 =	simm.s32 $0x80;
	s14 =	simm.s32 $0x9F40;
	s15 =	simm.s32 $0x13C40  }
0xf2: {  	[spmem:s5] =	stream.indirect.scatter [tilespmem:s14], [sflag:$0x1], $0x1, s15, s11, $0xb8;
	[tilespmem:$0x1BDC0] =	vst v63  }
0xf3: {  	s16 =	simm.s32 $0xEDC0;
	s14 =	simm.s32 $0x1  }
0xf4: {  	[spmem:s3] =	stream.indirect.scatter [tilespmem:s16], [sflag:$0x2], $0x1, s15, s11, $0xb8;
	[tilespmem:$0x1BDC0] =	vst v63  }
0xf5: {  	_ =	swait.ge [sflag:s14], $0x80  }
0xf6: {  	[sflag:s14] =	ssyncset.done $0x0  }
0xf7: {  	s15 =	simm.s32 $0x2;
	[sflag:s14] =	ssyncadd.s32 $0xFFFFFF80  }
0xf8: {  	_ =	swait.ge [sflag:s15], $0x80  }
0xf9: {  	s17 =	simm.s32 $0x80;
	s16 =	simm.s32 $0x400;
	[sflag:s15] =	ssyncset.done $0x0  }
.LBB2_17:
0xfa: {  	s18 =	sadd.s32 $0x9F40, s17  }
0xfb: {  	s19 =	sadd.s32 $0x13C40, s17;
	[sflag:s15] =	ssyncadd.s32 $0xFFFFFF80;
	s20 =	smov.u32 s16  }
0xfc: {  	[spmem:s5] =	stream.indirect.scatter [tilespmem:s18], [sflag:$0x1], $0x1, s19, s11, $0xb8;
	[tilespmem:$0x1BDC0] =	vst v63  }
0xfd: {  	p0 =	sne.s32 s16, $0x13800;
	s16 =	sadd.s32 $0x200, s16;
	s17 =	sadd.s32 $0xEDC0, s17  }
0xfe: {  	[spmem:s3] =	stream.indirect.scatter [tilespmem:s17], [sflag:$0x2], $0x1, s19, s11, $0xb8;
	[tilespmem:$0x1BDC0] =	vst v63  }
.Ltmp8:
0xff: {  	_ =	swait.ge [sflag:s14], $0x80;
	(pc) =	sbr.rel @p0 .LBB2_17-.Ltmp8, $4  }
0x100: {  	[sflag:s14] =	ssyncset.done $0x0  }
0x101: {  	[sflag:s14] =	ssyncadd.s32 $0xFFFFFF80  }
0x102: {  	_ =	swait.ge [sflag:s15], $0x80  }
0x103: {  	s17 =	sshra.s32 s20, $0x2;
	[sflag:s15] =	ssyncset.done $0x0  }
0x104: {  	s16 =	sadd.s32 $0x9F40, s17;
	s18 =	sadd.s32 $0x13C40, s17;
	[sflag:s15] =	ssyncadd.s32 $0xFFFFFF80  }
0x105: {  	[spmem:s5] =	stream.indirect.scatter [tilespmem:s16], [sflag:$0x1], $0x1, s18, s11, $0xb8;
	[tilespmem:$0x1BDC0] =	vst v63  }
0x106: {  	s28 =	sadd.s32 $0xEDC0, s17  }
0x107: {  	[spmem:s3] =	stream.indirect.scatter [tilespmem:s28], [sflag:$0x2], $0x1, s18, s11, $0xb8;
	[tilespmem:$0x1BDC0] =	vst v63  }
0x108: {  	_ =	swait.ge [sflag:s14], $0x80  }
0x109: {  	[sflag:s14] =	ssyncset.done $0x0  }
0x10a: {  	[sflag:s14] =	ssyncadd.s32 $0xFFFFFF80  }
0x10b: {  	_ =	swait.ge [sflag:s15], $0x80  }
0x10c: {  	[sflag:s15] =	ssyncset.done $0x0  }
0x10d: {  	s29 =	simm.s32 $0x9F40;
	[sflag:s15] =	ssyncadd.s32 $0xFFFFFF80  }
0x10e: {  	s30 =	simm.s32 $0x3;
	s11 =	sadd.s32 s12, s5;
	[bflag:$0x0] =	sbarrier.arrive $0xFFFF  }
0x10f: {  	[tilespmem:s29], [sflag:$0x3] =	stream.linear.gather [spmem:s11], $0x4E20, $0x38;
	[tilespmem:$0x1BDC0] =	vst v63  }
0x110: {  	_ =	swait.ge [sflag:s30], $0x4E20  }
0x111: {  	[sflag:s30] =	ssyncset.done $0x0  }
0x112: {  	s9 =	sadd.s32 s9, s10;
	s14 =	simm.s32 $0x0;
	[sflag:s30] =	ssyncadd.s32 $0xFFFFB1E0  }
0x113: {  	[hbm4b:s9+s14] =	stream.linear.scatter [tilespmem:s29], [sflag:$0x3], $0x4E20, $0x38;
	[tilespmem:$0x1BDC0] =	vst v63  }
0x114: {  	_ =	swait.ge [sflag:s30], $0x4E20  }
0x115: {  	[sflag:s30] =	ssyncset.done $0x0  }
0x116: {  	s31 =	simm.s32 $0xEDC0;
	s12 =	sadd.s32 s12, s3;
	[sflag:s30] =	ssyncadd.s32 $0xFFFFB1E0  }
0x117: {  	[tilespmem:s31], [sflag:$0x3] =	stream.linear.gather [spmem:s12], $0x4E20, $0x38;
	[tilespmem:$0x1BDC0] =	vst v63  }
0x118: {  	_ =	swait.ge [sflag:s30], $0x4E20  }
0x119: {  	[sflag:s30] =	ssyncset.done $0x0  }
0x11a: {  	s10 =	sadd.s32 s13, s10;
	[sflag:s30] =	ssyncadd.s32 $0xFFFFB1E0  }
0x11b: {  	[hbm4b:s10+s14] =	stream.linear.scatter [tilespmem:s31], [sflag:$0x3], $0x4E20, $0x38;
	[tilespmem:$0x1BDC0] =	vst v63  }
0x11c: {  	_ =	swait.ge [sflag:s30], $0x4E20  }
0x11d: {  	[sflag:s30] =	ssyncset.done $0x0  }
0x11e: {  	[sflag:s30] =	ssyncadd.s32 $0xFFFFB1E0  }
0x11f: {  	[bflag:$0x0] =	sbarrier.arrive $0xFFFF  }
0x120: {  	[tilespmem:s29], [sflag:$0x3] =	stream.linear.gather [hbm4b:s9+s14], $0x4E20, $0x38;
	[tilespmem:$0x1BDC0] =	vst v63  }
0x121: {  	_ =	swait.ge [sflag:s30], $0x4E20  }
0x122: {  	[sflag:s30] =	ssyncset.done $0x0  }
0x123: {  	[sflag:s30] =	ssyncadd.s32 $0xFFFFB1E0  }
0x124: {  	[tilespmem:s31], [sflag:$0x3] =	stream.linear.gather [hbm4b:s10+s14], $0x4E20, $0x38;
	[tilespmem:$0x1BDC0] =	vst v63  }
0x125: {  	_ =	swait.ge [sflag:s30], $0x4E20  }
0x126: {  	[sflag:s30] =	ssyncset.done $0x0  }
0x127: {  	v1 =	vimm.s32 $0x0;
	s13 =	simm.s32 $0x0;
	[sflag:s30] =	ssyncadd.s32 $0xFFFFB1E0  }
.LBB2_19:
0x128: {  	p0 =	sne.s32 s13, $0x3FC0  }
.Ltmp9:
0x129: {  	_ = 	snop;
	(pc) =	sbr.rel @p0 .LBB2_19-.Ltmp9, $3  }
0x12a: {  	_ =	sdelay $0x1  }
0x12b: {  	s15 =	sshra.s32 s13, $0x2  }
0x12c: {  	s13 =	sadd.s32 $0x40, s13;
	[tilespmem:s15+$0x18C40] =	vst v1  }
0x12d: {  	v2 =	vlaneseq.u32  }
0x12e: {  	v1 =	vmul.u32 $0x4E2, v2  }
0x12f: {  	s13 =	simm.s32 $0x9F40;
	s15 =	simm.s32 $0x18C40;
	v2 =	vmul.u32 $0x100, v2  }
.LBB2_21:
0x130: {  	v3 =	vadd.s32 s14, v1;
	_ =	sdelay $0x4  }
0x131: {  	v3 =	vld.idx.msk [tilespmem:v3+s13+$0x0], $0xffff;
	_ =	sdelay $0x4  }
0x132: {  	v3 =	vshrl.u32 v3, $0x8  }
0x133: {  	v3 =	vand.u32 $0xFF, v3  }
0x134: {  	v3 =	vor.u32 v2, v3;
	_ =	sdelay $0x4  }
0x135: {  	v4 =	vld.idx.msk [tilespmem:v3+s15+$0x0], $0xffff  }
0x136: {  	p0 =	sne.s32 s14, $0x4E1  }
.Ltmp10:
0x137: {  	_ = 	snop;
	(pc) =	sbr.rel @p0 .LBB2_21-.Ltmp10, $3  }
0x138: {  	_ =	sdelay $0x1  }
0x139: {  	v4 =	vadd.s32 $0x1, v4  }
0x13a: {  	s14 =	sadd.s32 $0x1, s14;
	[tilespmem:v3+s15+$0x0] =	vst.idx.msk $0xffff, v4  }
0x13b: {  	v1 =	vlaneseq.u32;
	s14 =	simm.s32 $0x0  }
0x13c: {  	v5 =	vor.u32 $0x100, v1;
	v9 =	vor.u32 s14, v1  }
0x13d: {  	v6 =	vor.u32 $0x200, v1;
	v8 =	vor.u32 s14, v5  }
0x13e: {  	v7 =	vor.u32 $0x300, v1;
	v10 =	vor.u32 s14, v6  }
0x13f: {  	v2 =	vor.u32 $0x400, v1;
	v11 =	vor.u32 s14, v7  }
0x140: {  	s13 =	simm.s32 $0x18C40;
	v3 =	vor.u32 $0x500, v1;
	v12 =	vor.u32 s14, v2  }
0x141: {  	v4 =	vor.u32 $0x600, v1;
	v13 =	vor.u32 s14, v3;
	v15 =	vld.idx.msk [tilespmem:v9+s13+$0x0], $0xffff  }
0x142: {  	v16 =	vor.u32 s14, v4;
	v14 =	vld.idx.msk [tilespmem:v8+s13+$0x0], $0xffff;
	v8 =	vor.u32 $0x700, v1  }
0x143: {  	v9 =	vor.u32 $0x800, v1;
	v17 =	vld.idx.msk [tilespmem:v10+s13+$0x0], $0xffff;
	v18 =	vor.u32 s14, v8  }
0x144: {  	v10 =	vor.u32 $0x900, v1;
	v19 =	vld.idx.msk [tilespmem:v11+s13+$0x0], $0xffff;
	v20 =	vor.u32 s14, v9  }
0x145: {  	v11 =	vor.u32 $0xA00, v1;
	v21 =	vld.idx.msk [tilespmem:v12+s13+$0x0], $0xffff;
	v22 =	vor.u32 s14, v10  }
0x146: {  	v12 =	vor.u32 $0xB00, v1;
	v23 =	vld.idx.msk [tilespmem:v13+s13+$0x0], $0xffff;
	v24 =	vor.u32 s14, v11  }
0x147: {  	v13 =	vor.u32 $0xC00, v1;
	v25 =	vld.idx.msk [tilespmem:v16+s13+$0x0], $0xffff;
	v26 =	vor.u32 s14, v12;
	v15 =	vadd.s32 v15, v14  }
0x148: {  	v27 =	vor.u32 s14, v13;
	v14 =	vor.u32 $0xD00, v1;
	v18 =	vld.idx.msk [tilespmem:v18+s13+$0x0], $0xffff;
	v16 =	vadd.s32 v17, v15  }
0x149: {  	v15 =	vor.u32 $0xE00, v1;
	v17 =	vld.idx.msk [tilespmem:v20+s13+$0x0], $0xffff;
	v20 =	vor.u32 s14, v14;
	v19 =	vadd.s32 v19, v16  }
0x14a: {  	v22 =	vld.idx.msk [tilespmem:v22+s13+$0x0], $0xffff;
	v16 =	vor.u32 $0xF00, v1;
	v28 =	vor.u32 s14, v15;
	v19 =	vadd.s32 v21, v19  }
0x14b: {  	v21 =	vld.idx.msk [tilespmem:v24+s13+$0x0], $0xffff;
	v55 =	vor.u32 s14, v16;
	v19 =	vadd.s32 v23, v19  }
0x14c: {  	v23 =	vld.idx.msk [tilespmem:v26+s13+$0x0], $0xffff;
	v19 =	vadd.s32 v25, v19  }
0x14d: {  	v56 =	vld.idx.msk [tilespmem:v27+s13+$0x0], $0xffff;
	v18 =	vadd.s32 v18, v19  }
0x14e: {  	v19 =	vld.idx.msk [tilespmem:v20+s13+$0x0], $0xffff;
	v17 =	vadd.s32 v17, v18  }
0x14f: {  	v18 =	vld.idx.msk [tilespmem:v28+s13+$0x0], $0xffff;
	v17 =	vadd.s32 v22, v17  }
0x150: {  	v20 =	vld.idx.msk [tilespmem:v55+s13+$0x0], $0xffff;
	v17 =	vadd.s32 v21, v17  }
0x151: {  	s15 =	simm.s32 $0x10;
	v17 =	vadd.s32 v23, v17  }
0x152: {  	v21 =	vor.u32 s15, v5;
	v17 =	vadd.s32 v56, v17  }
0x153: {  	v22 =	vor.u32 s15, v1;
	v17 =	vadd.s32 v19, v17  }
0x154: {  	v19 =	vor.u32 s15, v6;
	v17 =	vadd.s32 v18, v17  }
0x155: {  	s14 =	simm.s32 $0x1BC40;
	v18 =	vor.u32 s15, v7;
	v17 =	vadd.s32 v20, v17  }
0x156: {  	v20 =	vor.u32 s15, v2;
	[tilespmem:s14+$0x0] =	vst v17  }
0x157: {  	v17 =	vld.idx.msk [tilespmem:v21+s13+$0x0], $0xffff;
	v21 =	vor.u32 s15, v3  }
0x158: {  	v23 =	vor.u32 s15, v4;
	v22 =	vld.idx.msk [tilespmem:v22+s13+$0x0], $0xffff  }
0x159: {  	v57 =	vor.u32 s15, v8;
	v19 =	vld.idx.msk [tilespmem:v19+s13+$0x0], $0xffff  }
0x15a: {  	v18 =	vld.idx.msk [tilespmem:v18+s13+$0x0], $0xffff  }
0x15b: {  	v20 =	vld.idx.msk [tilespmem:v20+s13+$0x0], $0xffff  }
0x15c: {  	v58 =	vor.u32 s15, v9;
	v21 =	vld.idx.msk [tilespmem:v21+s13+$0x0], $0xffff  }
0x15d: {  	v59 =	vor.u32 s15, v10;
	v23 =	vld.idx.msk [tilespmem:v23+s13+$0x0], $0xffff;
	v17 =	vadd.s32 v22, v17  }
0x15e: {  	v60 =	vor.u32 s15, v11;
	v22 =	vld.idx.msk [tilespmem:v57+s13+$0x0], $0xffff;
	v17 =	vadd.s32 v19, v17  }
0x15f: {  	v61 =	vor.u32 s15, v12;
	v17 =	vadd.s32 v18, v17  }
0x160: {  	v62 =	vor.u32 s15, v13;
	v17 =	vadd.s32 v20, v17  }
0x161: {  	v63 =	vor.u32 s15, v14;
	v19 =	vld.idx.msk [tilespmem:v58+s13+$0x0], $0xffff;
	v17 =	vadd.s32 v21, v17  }
0x162: {  	v18 =	vld.idx.msk [tilespmem:v59+s13+$0x0], $0xffff;
	v17 =	vadd.s32 v23, v17;
	v23 =	vor.u32 s15, v15  }
0x163: {  	v20 =	vld.idx.msk [tilespmem:v60+s13+$0x0], $0xffff;
	v17 =	vadd.s32 v22, v17;
	v22 =	vor.u32 s15, v16  }
0x164: {  	v21 =	vld.idx.msk [tilespmem:v61+s13+$0x0], $0xffff  }
0x165: {  	v24 =	vld.idx.msk [tilespmem:v62+s13+$0x0], $0xffff  }
0x166: {  	v25 =	vld.idx.msk [tilespmem:v63+s13+$0x0], $0xffff;
	v17 =	vadd.s32 v19, v17  }
0x167: {  	v17 =	vadd.s32 v18, v17;
	v19 =	vld.idx.msk [tilespmem:v23+s13+$0x0], $0xffff  }
0x168: {  	v17 =	vadd.s32 v20, v17;
	v20 =	vld.idx.msk [tilespmem:v22+s13+$0x0], $0xffff  }
0x169: {  	s15 =	simm.s32 $0x20;
	v17 =	vadd.s32 v21, v17  }
0x16a: {  	v18 =	vor.u32 s15, v5;
	v21 =	vadd.s32 v24, v17  }
0x16b: {  	s16 =	simm.s32 $0x30;
	v17 =	vor.u32 s15, v1;
	v21 =	vadd.s32 v25, v21  }
.LBB2_23:
0x16c: {  	p0 =	sne.s32 s16, $0xF0;
	v22 =	vor.u32 s15, v6;
	v19 =	vadd.s32 v19, v21  }
0x16d: {  	v21 =	vor.u32 s15, v7;
	s14 =	sadd.s32 $0x10, s14;
	v19 =	vadd.s32 v20, v19  }
0x16e: {  	v20 =	vor.u32 s15, v2;
	[tilespmem:s14+$0x0] =	vst v19  }
0x16f: {  	v19 =	vor.u32 s15, v3;
	v18 =	vld.idx.msk [tilespmem:v18+s13+$0x0], $0xffff  }
0x170: {  	v23 =	vor.u32 s15, v4;
	v17 =	vld.idx.msk [tilespmem:v17+s13+$0x0], $0xffff  }
0x171: {  	v24 =	vor.u32 s15, v8;
	v22 =	vld.idx.msk [tilespmem:v22+s13+$0x0], $0xffff  }
0x172: {  	v25 =	vor.u32 s15, v9;
	v21 =	vld.idx.msk [tilespmem:v21+s13+$0x0], $0xffff  }
0x173: {  	v26 =	vor.u32 s15, v10;
	v20 =	vld.idx.msk [tilespmem:v20+s13+$0x0], $0xffff  }
0x174: {  	v27 =	vor.u32 s15, v11;
	v19 =	vld.idx.msk [tilespmem:v19+s13+$0x0], $0xffff  }
0x175: {  	v28 =	vor.u32 s15, v12;
	v23 =	vld.idx.msk [tilespmem:v23+s13+$0x0], $0xffff  }
0x176: {  	v17 =	vadd.s32 v17, v18;
	v18 =	vld.idx.msk [tilespmem:v24+s13+$0x0], $0xffff;
	v24 =	vor.u32 s15, v13  }
0x177: {  	v17 =	vadd.s32 v22, v17;
	v22 =	vld.idx.msk [tilespmem:v25+s13+$0x0], $0xffff;
	v25 =	vor.u32 s15, v14  }
0x178: {  	v17 =	vadd.s32 v21, v17;
	v21 =	vld.idx.msk [tilespmem:v26+s13+$0x0], $0xffff;
	v26 =	vor.u32 s15, v15  }
0x179: {  	v17 =	vadd.s32 v20, v17;
	v20 =	vor.u32 s15, v16;
	s15 =	smov.u32 s16;
	v27 =	vld.idx.msk [tilespmem:v27+s13+$0x0], $0xffff  }
0x17a: {  	v17 =	vadd.s32 v19, v17;
	v28 =	vld.idx.msk [tilespmem:v28+s13+$0x0], $0xffff  }
0x17b: {  	v17 =	vadd.s32 v23, v17;
	v23 =	vld.idx.msk [tilespmem:v24+s13+$0x0], $0xffff  }
0x17c: {  	v17 =	vadd.s32 v18, v17;
	v24 =	vld.idx.msk [tilespmem:v25+s13+$0x0], $0xffff  }
0x17d: {  	v17 =	vadd.s32 v22, v17;
	v19 =	vld.idx.msk [tilespmem:v26+s13+$0x0], $0xffff  }
.Ltmp11:
0x17e: {  	v17 =	vadd.s32 v21, v17;
	v20 =	vld.idx.msk [tilespmem:v20+s13+$0x0], $0xffff;
	(pc) =	sbr.rel @p0 .LBB2_23-.Ltmp11, $4  }
0x17f: {  	v17 =	vadd.s32 v27, v17  }
0x180: {  	v17 =	vadd.s32 v28, v17  }
0x181: {  	v18 =	vor.u32 s16, v5;
	v21 =	vadd.s32 v23, v17  }
0x182: {  	s16 =	sadd.s32 $0x10, s16;
	v17 =	vor.u32 s15, v1;
	v21 =	vadd.s32 v24, v21  }
0x183: {  	_ = 	snop  }
0x184: {  	v1 =	vor.u32 s15, v6;
	v5 =	vadd.s32 v19, v21  }
0x185: {  	v6 =	vor.u32 s15, v7;
	s14 =	sadd.s32 $0x10, s14;
	v5 =	vadd.s32 v20, v5  }
0x186: {  	v2 =	vor.u32 s15, v2;
	[tilespmem:s14+$0x0] =	vst v5  }
0x187: {  	v3 =	vor.u32 s15, v3;
	v5 =	vld.idx.msk [tilespmem:v18+s13+$0x0], $0xffff  }
0x188: {  	v4 =	vor.u32 s15, v4;
	v7 =	vld.idx.msk [tilespmem:v17+s13+$0x0], $0xffff  }
0x189: {  	v8 =	vor.u32 s15, v8;
	v1 =	vld.idx.msk [tilespmem:v1+s13+$0x0], $0xffff  }
0x18a: {  	v9 =	vor.u32 s15, v9;
	v6 =	vld.idx.msk [tilespmem:v6+s13+$0x0], $0xffff  }
0x18b: {  	v10 =	vor.u32 s15, v10;
	v2 =	vld.idx.msk [tilespmem:v2+s13+$0x0], $0xffff  }
0x18c: {  	v11 =	vor.u32 s15, v11;
	v3 =	vld.idx.msk [tilespmem:v3+s13+$0x0], $0xffff  }
0x18d: {  	v12 =	vor.u32 s15, v12;
	v4 =	vld.idx.msk [tilespmem:v4+s13+$0x0], $0xffff;
	v5 =	vadd.s32 v7, v5  }
0x18e: {  	v7 =	vld.idx.msk [tilespmem:v8+s13+$0x0], $0xffff;
	v8 =	vor.u32 s15, v13;
	v1 =	vadd.s32 v1, v5  }
0x18f: {  	v61 =	vor.u32 s15, v14;
	v5 =	vld.idx.msk [tilespmem:v9+s13+$0x0], $0xffff;
	v1 =	vadd.s32 v6, v1  }
0x190: {  	v62 =	vor.u32 s15, v15;
	v6 =	vld.idx.msk [tilespmem:v10+s13+$0x0], $0xffff;
	v1 =	vadd.s32 v2, v1  }
0x191: {  	v63 =	vor.u32 s15, v16;
	v2 =	vld.idx.msk [tilespmem:v11+s13+$0x0], $0xffff;
	v1 =	vadd.s32 v3, v1  }
0x192: {  	v3 =	vld.idx.msk [tilespmem:v12+s13+$0x0], $0xffff;
	v1 =	vadd.s32 v4, v1  }
0x193: {  	v4 =	vld.idx.msk [tilespmem:v8+s13+$0x0], $0xffff;
	v1 =	vadd.s32 v7, v1  }
0x194: {  	v7 =	vld.idx.msk [tilespmem:v61+s13+$0x0], $0xffff;
	v1 =	vadd.s32 v5, v1  }
0x195: {  	v5 =	vld.idx.msk [tilespmem:v62+s13+$0x0], $0xffff;
	v1 =	vadd.s32 v6, v1  }
0x196: {  	v6 =	vld.idx.msk [tilespmem:v63+s13+$0x0], $0xffff;
	v1 =	vadd.s32 v2, v1  }
0x197: {  	v1 =	vadd.s32 v3, v1  }
0x198: {  	v1 =	vadd.s32 v4, v1  }
0x199: {  	v1 =	vadd.s32 v7, v1  }
0x19a: {  	v1 =	vadd.s32 v5, v1  }
0x19b: {  	s29 =	sadd.s32 $0x10, s14;
	v1 =	vadd.s32 v6, v1  }
0x19c: {  	s30 =	simm.s32 $0x1BC40;
	s31 =	simm.s32 $0x3;
	[tilespmem:s29+$0x0] =	vst v1  }
0x19d: {  	[spmem:s7] =	stream.linear.scatter [tilespmem:s30], [sflag:$0x3], $0x100, $0x38;
	[tilespmem:$0x1BDC0] =	vst v63  }
0x19e: {  	v1 =	vlaneseq.u32;
	_ =	swait.ge [sflag:s31], $0x100  }
0x19f: {  	v1 =	vmul.u32 $0x100, v1;
	[sflag:s31] =	ssyncset.done $0x0  }
0x1a0: {  	s13 =	simm.s32 $0x0;
	[sflag:s31] =	ssyncadd.s32 $0xFFFFFF00  }
0x1a1: {  	s14 =	simm.s32 $0x1AC40;
	v5 =	vor.u32 s13, v1;
	[bflag:$0x0] =	sbarrier.arrive $0xFFFF  }
0x1a2: {  	[tilespmem:s14], [sflag:$0x3] =	stream.linear.gather [spmem:s6], $0x1000, $0x38;
	[tilespmem:$0x1BDC0] =	vst v63  }
0x1a3: {  	_ =	swait.ge [sflag:s31], $0x1000  }
0x1a4: {  	[sflag:s31] =	ssyncset.done $0x0  }
0x1a5: {  	[sflag:s31] =	ssyncadd.s32 $0xFFFFF000  }
0x1a6: {  	v3 =	vld.idx.msk [tilespmem:v5+s14+$0x0], $0xffff;
	_ =	sdelay $0x4  }
0x1a7: {  	(xrf0) =	vadd.scan.msk.s32 $0xffff, v3;
	_ =	sdelay $0x4  }
0x1a8: {  	v2 =	vimm.s32 $0x0  }
0x1a9: {  	v3 =	vsub.s32 v2, v3;
	v6, _, _ =	vpop (xrf0)  }
0x1aa: {  	v3 =	vadd.s32 v6, v3  }
0x1ab: {  	s15 =	simm.s32 $0x18C40;
	[tilespmem:$0x1BD40] =	vst v3  }
0x1ac: {  	v7 =	vld.idx.msk [tilespmem:v5+s15+$0x0], $0xffff;
	_ =	sdelay $0x4  }
0x1ad: {  	s16 =	simm.s32 $0x1BD40;
	(xrf0) =	vadd.scan.msk.s32 $0xffff, v7  }
0x1ae: {  	v8 =	vld.idx.msk [tilespmem:v0+s16+$0x0], $0xffff;
	_ =	sdelay $0x2  }
0x1af: {  	s17 =	simm.s32 $0x1  }
0x1b0: {  	v3 =	vor.u32 s17, v1  }
0x1b1: {  	v4 =	vimm.s32 $0xF;
	v7 =	vsub.s32 v8, v7;
	v8, _, _ =	vpop (xrf0)  }
0x1b2: {  	s17 =	simm.s32 $0x19C40;
	v7 =	vadd.s32 v8, v7  }
0x1b3: {  	[tilespmem:v5+s17+$0x0] =	vst.idx.msk $0xffff, v7  }
0x1b4: {  	[tilespmem:$0x1BD40] =	vst v6  }
0x1b5: {  	v5 =	vld.idx.msk [tilespmem:v3+s14+$0x0], $0xffff  }
0x1b6: {  	s18 =	simm.s32 $0x2;
	v6 =	vld.idx.msk [tilespmem:v4+s16+$0x0], $0xffff  }
.LBB2_25:
0x1b7: {  	_ =	sdelay $0x2  }
0x1b8: {  	p0 =	sne.s32 s18, $0xFF;
	s19 =	smov.u32 s18;
	s18 =	sadd.s32 $0x1, s18;
	(xrf0) =	vadd.scan.msk.s32 $0xffff, v5  }
0x1b9: {  	v2 =	vadd.s32 v2, v6;
	_ =	sdelay $0x4  }
0x1ba: {  	v5 =	vsub.s32 v2, v5;
	v6, _, _ =	vpop (xrf0)  }
0x1bb: {  	v5 =	vadd.s32 v6, v5  }
0x1bc: {  	[tilespmem:$0x1BD40] =	vst v5  }
0x1bd: {  	v5 =	vld.idx.msk [tilespmem:v3+s15+$0x0], $0xffff;
	_ =	sdelay $0x5  }
0x1be: {  	v7 =	vld.idx.msk [tilespmem:v0+s16+$0x0], $0xffff;
	(xrf0) =	vadd.scan.msk.s32 $0xffff, v5;
	_ =	sdelay $0x4  }
0x1bf: {  	v8 =	vor.u32 s19, v1  }
0x1c0: {  	v5 =	vsub.s32 v7, v5;
	v7, _, _ =	vpop (xrf0)  }
.Ltmp12:
0x1c1: {  	v5 =	vadd.s32 v7, v5;
	(pc) =	sbr.rel @p0 .LBB2_25-.Ltmp12, $4  }
0x1c2: {  	[tilespmem:v3+s17+$0x0] =	vst.idx.msk $0xffff, v5;
	v3 =	vmov v8  }
0x1c3: {  	[tilespmem:$0x1BD40] =	vst v6  }
0x1c4: {  	v5 =	vld.idx.msk [tilespmem:v8+s14+$0x0], $0xffff  }
0x1c5: {  	v6 =	vld.idx.msk [tilespmem:v4+s16+$0x0], $0xffff  }
0x1c6: {  	_ =	sdelay $0x2  }
0x1c7: {  	(xrf0) =	vadd.scan.msk.s32 $0xffff, v5;
	_ =	sdelay $0x4  }
0x1c8: {  	v1 =	vadd.s32 v2, v6  }
0x1c9: {  	v1 =	vsub.s32 v1, v5;
	v2, _, _ =	vpop (xrf0)  }
0x1ca: {  	v1 =	vadd.s32 v2, v1  }
0x1cb: {  	[tilespmem:$0x1BD40] =	vst v1  }
0x1cc: {  	v1 =	vld.idx.msk [tilespmem:v3+s15+$0x0], $0xffff;
	_ =	sdelay $0x4  }
0x1cd: {  	(xrf0) =	vadd.scan.msk.s32 $0xffff, v1  }
0x1ce: {  	v4 =	vld.idx.msk [tilespmem:v0+s16+$0x0], $0xffff;
	_ =	sdelay $0x4  }
0x1cf: {  	v1 =	vsub.s32 v4, v1;
	v63, _, _ =	vpop (xrf0)  }
0x1d0: {  	v1 =	vadd.s32 v63, v1  }
0x1d1: {  	[tilespmem:v3+s17+$0x0] =	vst.idx.msk $0xffff, v1;
	v3 =	vlaneseq.u32  }
0x1d2: {  	v1 =	vmul.u32 $0x4E2, v3  }
0x1d3: {  	s14 =	simm.s32 $0x9F40;
	s15 =	simm.s32 $0x19C40;
	s16 =	simm.s32 $0x13C40;
	[tilespmem:$0x1BD40] =	vst v2;
	v2 =	vmul.u32 $0x100, v3  }
.LBB2_27:
0x1d4: {  	v3 =	vadd.s32 s13, v1;
	_ =	sdelay $0x4  }
0x1d5: {  	v4 =	vld.idx.msk [tilespmem:v3+s14+$0x0], $0xffff;
	_ =	sdelay $0x4  }
0x1d6: {  	v4 =	vshrl.u32 v4, $0x8  }
0x1d7: {  	v4 =	vand.u32 $0xFF, v4  }
0x1d8: {  	v4 =	vor.u32 v2, v4;
	_ =	sdelay $0x4  }
0x1d9: {  	v5 =	vld.idx.msk [tilespmem:v4+s15+$0x0], $0xffff;
	_ =	sdelay $0x1  }
0x1da: {  	p0 =	sne.s32 s13, $0x4E1  }
.Ltmp13:
0x1db: {  	_ = 	snop;
	(pc) =	sbr.rel @p0 .LBB2_27-.Ltmp13, $4  }
0x1dc: {  	_ = 	snop  }
0x1dd: {  	v6 =	vadd.s32 $0x1, v5  }
0x1de: {  	[tilespmem:v4+s15+$0x0] =	vst.idx.msk $0xffff, v6  }
0x1df: {  	s13 =	sadd.s32 $0x1, s13;
	[tilespmem:v3+s16+$0x0] =	vst.idx.msk $0xffff, v5  }
0x1e0: {  	s13 =	simm.s32 $0x0;
	v1 =	vlaneseq.u32;
	s14 =	simm.s32 $0x13C40  }
.LBB2_29:
0x1e1: {  	s15 =	sadd.s32 $0x4E20, s13  }
0x1e2: {  	p0 =	sne.s32 s13, $0x50;
	v2 =	vor.u32 s15, v1  }
.Ltmp14:
0x1e3: {  	_ = 	snop;
	(pc) =	sbr.rel @p0 .LBB2_29-.Ltmp14, $4  }
0x1e4: {  	_ = 	snop  }
0x1e5: {  	s31 =	sadd.s32 s13, s8  }
0x1e6: {  	v3 =	vor.u32 s31, v1  }
0x1e7: {  	s13 =	sadd.s32 $0x10, s13;
	[tilespmem:v2+s14+$0x0] =	vst.idx.msk $0xffff, v3  }
0x1e8: {  	s13 =	simm.s32 $0x80;
	s14 =	simm.s32 $0x9F40;
	s15 =	simm.s32 $0x13C40  }
0x1e9: {  	[spmem:s5] =	stream.indirect.scatter [tilespmem:s14], [sflag:$0x1], $0x1, s15, s13, $0xb8;
	[tilespmem:$0x1BDC0] =	vst v63  }
0x1ea: {  	s16 =	simm.s32 $0xEDC0;
	s14 =	simm.s32 $0x1  }
0x1eb: {  	[spmem:s3] =	stream.indirect.scatter [tilespmem:s16], [sflag:$0x2], $0x1, s15, s13, $0xb8;
	[tilespmem:$0x1BDC0] =	vst v63  }
0x1ec: {  	_ =	swait.ge [sflag:s14], $0x80  }
0x1ed: {  	[sflag:s14] =	ssyncset.done $0x0  }
0x1ee: {  	s15 =	simm.s32 $0x2;
	[sflag:s14] =	ssyncadd.s32 $0xFFFFFF80  }
0x1ef: {  	_ =	swait.ge [sflag:s15], $0x80  }
0x1f0: {  	s17 =	simm.s32 $0x80;
	s16 =	simm.s32 $0x400;
	[sflag:s15] =	ssyncset.done $0x0  }
.LBB2_31:
0x1f1: {  	s18 =	sadd.s32 $0x9F40, s17  }
0x1f2: {  	s19 =	sadd.s32 $0x13C40, s17;
	[sflag:s15] =	ssyncadd.s32 $0xFFFFFF80;
	s20 =	smov.u32 s16  }
0x1f3: {  	[spmem:s5] =	stream.indirect.scatter [tilespmem:s18], [sflag:$0x1], $0x1, s19, s13, $0xb8;
	[tilespmem:$0x1BDC0] =	vst v63  }
0x1f4: {  	p0 =	sne.s32 s16, $0x13800;
	s16 =	sadd.s32 $0x200, s16;
	s17 =	sadd.s32 $0xEDC0, s17  }
0x1f5: {  	[spmem:s3] =	stream.indirect.scatter [tilespmem:s17], [sflag:$0x2], $0x1, s19, s13, $0xb8;
	[tilespmem:$0x1BDC0] =	vst v63  }
.Ltmp15:
0x1f6: {  	_ =	swait.ge [sflag:s14], $0x80;
	(pc) =	sbr.rel @p0 .LBB2_31-.Ltmp15, $4  }
0x1f7: {  	[sflag:s14] =	ssyncset.done $0x0  }
0x1f8: {  	[sflag:s14] =	ssyncadd.s32 $0xFFFFFF80  }
0x1f9: {  	_ =	swait.ge [sflag:s15], $0x80  }
0x1fa: {  	s17 =	sshra.s32 s20, $0x2;
	[sflag:s15] =	ssyncset.done $0x0  }
0x1fb: {  	s16 =	sadd.s32 $0x9F40, s17;
	s18 =	sadd.s32 $0x13C40, s17;
	[sflag:s15] =	ssyncadd.s32 $0xFFFFFF80  }
0x1fc: {  	[spmem:s5] =	stream.indirect.scatter [tilespmem:s16], [sflag:$0x1], $0x1, s18, s13, $0xb8;
	[tilespmem:$0x1BDC0] =	vst v63  }
0x1fd: {  	s28 =	sadd.s32 $0xEDC0, s17  }
0x1fe: {  	[spmem:s3] =	stream.indirect.scatter [tilespmem:s28], [sflag:$0x2], $0x1, s18, s13, $0xb8;
	[tilespmem:$0x1BDC0] =	vst v63  }
0x1ff: {  	_ =	swait.ge [sflag:s14], $0x80  }
0x200: {  	[sflag:s14] =	ssyncset.done $0x0  }
0x201: {  	[sflag:s14] =	ssyncadd.s32 $0xFFFFFF80  }
0x202: {  	_ =	swait.ge [sflag:s15], $0x80  }
0x203: {  	[sflag:s15] =	ssyncset.done $0x0  }
0x204: {  	[sflag:s15] =	ssyncadd.s32 $0xFFFFFF80  }
0x205: {  	s29 =	simm.s32 $0x9F40;
	s30 =	simm.s32 $0x3;
	[bflag:$0x0] =	sbarrier.arrive $0xFFFF  }
0x206: {  	[tilespmem:s29], [sflag:$0x3] =	stream.linear.gather [spmem:s11], $0x4E20, $0x38;
	[tilespmem:$0x1BDC0] =	vst v63  }
0x207: {  	_ =	swait.ge [sflag:s30], $0x4E20  }
0x208: {  	[sflag:s30] =	ssyncset.done $0x0  }
0x209: {  	s13 =	simm.s32 $0x0;
	[sflag:s30] =	ssyncadd.s32 $0xFFFFB1E0  }
0x20a: {  	[hbm4b:s9+s13] =	stream.linear.scatter [tilespmem:s29], [sflag:$0x3], $0x4E20, $0x38;
	[tilespmem:$0x1BDC0] =	vst v63  }
0x20b: {  	_ =	swait.ge [sflag:s30], $0x4E20  }
0x20c: {  	[sflag:s30] =	ssyncset.done $0x0  }
0x20d: {  	s31 =	simm.s32 $0xEDC0;
	[sflag:s30] =	ssyncadd.s32 $0xFFFFB1E0  }
0x20e: {  	[tilespmem:s31], [sflag:$0x3] =	stream.linear.gather [spmem:s12], $0x4E20, $0x38;
	[tilespmem:$0x1BDC0] =	vst v63  }
0x20f: {  	_ =	swait.ge [sflag:s30], $0x4E20  }
0x210: {  	[sflag:s30] =	ssyncset.done $0x0  }
0x211: {  	[sflag:s30] =	ssyncadd.s32 $0xFFFFB1E0  }
0x212: {  	[hbm4b:s10+s13] =	stream.linear.scatter [tilespmem:s31], [sflag:$0x3], $0x4E20, $0x38;
	[tilespmem:$0x1BDC0] =	vst v63  }
0x213: {  	_ =	swait.ge [sflag:s30], $0x4E20  }
0x214: {  	[sflag:s30] =	ssyncset.done $0x0  }
0x215: {  	[sflag:s30] =	ssyncadd.s32 $0xFFFFB1E0  }
0x216: {  	[bflag:$0x0] =	sbarrier.arrive $0xFFFF  }
0x217: {  	[tilespmem:s29], [sflag:$0x3] =	stream.linear.gather [hbm4b:s9+s13], $0x4E20, $0x38;
	[tilespmem:$0x1BDC0] =	vst v63  }
0x218: {  	_ =	swait.ge [sflag:s30], $0x4E20  }
0x219: {  	[sflag:s30] =	ssyncset.done $0x0  }
0x21a: {  	[sflag:s30] =	ssyncadd.s32 $0xFFFFB1E0  }
0x21b: {  	[tilespmem:s31], [sflag:$0x3] =	stream.linear.gather [hbm4b:s10+s13], $0x4E20, $0x38;
	[tilespmem:$0x1BDC0] =	vst v63  }
0x21c: {  	_ =	swait.ge [sflag:s30], $0x4E20  }
0x21d: {  	[sflag:s30] =	ssyncset.done $0x0  }
0x21e: {  	v1 =	vimm.s32 $0x0;
	s14 =	simm.s32 $0x0;
	[sflag:s30] =	ssyncadd.s32 $0xFFFFB1E0  }
.LBB2_33:
0x21f: {  	p0 =	sne.s32 s14, $0x3FC0  }
.Ltmp16:
0x220: {  	_ = 	snop;
	(pc) =	sbr.rel @p0 .LBB2_33-.Ltmp16, $3  }
0x221: {  	_ =	sdelay $0x1  }
0x222: {  	s15 =	sshra.s32 s14, $0x2  }
0x223: {  	s14 =	sadd.s32 $0x40, s14;
	[tilespmem:s15+$0x18C40] =	vst v1  }
0x224: {  	v2 =	vlaneseq.u32  }
0x225: {  	v1 =	vmul.u32 $0x4E2, v2  }
0x226: {  	s14 =	simm.s32 $0x9F40;
	s15 =	simm.s32 $0x18C40;
	v2 =	vmul.u32 $0x100, v2  }
.LBB2_35:
0x227: {  	v3 =	vadd.s32 s13, v1;
	_ =	sdelay $0x4  }
0x228: {  	v3 =	vld.idx.msk [tilespmem:v3+s14+$0x0], $0xffff;
	_ =	sdelay $0x4  }
0x229: {  	v3 =	vshrl.u32 v3, $0x10  }
0x22a: {  	v3 =	vand.u32 $0xFF, v3  }
0x22b: {  	v3 =	vor.u32 v2, v3;
	_ =	sdelay $0x4  }
0x22c: {  	v4 =	vld.idx.msk [tilespmem:v3+s15+$0x0], $0xffff  }
0x22d: {  	p0 =	sne.s32 s13, $0x4E1  }
.Ltmp17:
0x22e: {  	_ = 	snop;
	(pc) =	sbr.rel @p0 .LBB2_35-.Ltmp17, $3  }
0x22f: {  	_ =	sdelay $0x1  }
0x230: {  	v4 =	vadd.s32 $0x1, v4  }
0x231: {  	s13 =	sadd.s32 $0x1, s13;
	[tilespmem:v3+s15+$0x0] =	vst.idx.msk $0xffff, v4  }
0x232: {  	v1 =	vlaneseq.u32;
	s14 =	simm.s32 $0x0  }
0x233: {  	v5 =	vor.u32 $0x100, v1;
	v9 =	vor.u32 s14, v1  }
0x234: {  	v6 =	vor.u32 $0x200, v1;
	v8 =	vor.u32 s14, v5  }
0x235: {  	v7 =	vor.u32 $0x300, v1;
	v10 =	vor.u32 s14, v6  }
0x236: {  	v2 =	vor.u32 $0x400, v1;
	v11 =	vor.u32 s14, v7  }
0x237: {  	s13 =	simm.s32 $0x18C40;
	v3 =	vor.u32 $0x500, v1;
	v12 =	vor.u32 s14, v2  }
0x238: {  	v4 =	vor.u32 $0x600, v1;
	v13 =	vor.u32 s14, v3;
	v15 =	vld.idx.msk [tilespmem:v9+s13+$0x0], $0xffff  }
0x239: {  	v16 =	vor.u32 s14, v4;
	v14 =	vld.idx.msk [tilespmem:v8+s13+$0x0], $0xffff;
	v8 =	vor.u32 $0x700, v1  }
0x23a: {  	v9 =	vor.u32 $0x800, v1;
	v17 =	vld.idx.msk [tilespmem:v10+s13+$0x0], $0xffff;
	v18 =	vor.u32 s14, v8  }
0x23b: {  	v10 =	vor.u32 $0x900, v1;
	v19 =	vld.idx.msk [tilespmem:v11+s13+$0x0], $0xffff;
	v20 =	vor.u32 s14, v9  }
0x23c: {  	v11 =	vor.u32 $0xA00, v1;
	v21 =	vld.idx.msk [tilespmem:v12+s13+$0x0], $0xffff;
	v22 =	vor.u32 s14, v10  }
0x23d: {  	v12 =	vor.u32 $0xB00, v1;
	v23 =	vld.idx.msk [tilespmem:v13+s13+$0x0], $0xffff;
	v24 =	vor.u32 s14, v11  }
0x23e: {  	v13 =	vor.u32 $0xC00, v1;
	v25 =	vld.idx.msk [tilespmem:v16+s13+$0x0], $0xffff;
	v26 =	vor.u32 s14, v12;
	v15 =	vadd.s32 v15, v14  }
0x23f: {  	v27 =	vor.u32 s14, v13;
	v14 =	vor.u32 $0xD00, v1;
	v18 =	vld.idx.msk [tilespmem:v18+s13+$0x0], $0xffff;
	v16 =	vadd.s32 v17, v15  }
0x240: {  	v15 =	vor.u32 $0xE00, v1;
	v17 =	vld.idx.msk [tilespmem:v20+s13+$0x0], $0xffff;
	v20 =	vor.u32 s14, v14;
	v19 =	vadd.s32 v19, v16  }
0x241: {  	v22 =	vld.idx.msk [tilespmem:v22+s13+$0x0], $0xffff;
	v16 =	vor.u32 $0xF00, v1;
	v28 =	vor.u32 s14, v15;
	v19 =	vadd.s32 v21, v19  }
0x242: {  	v21 =	vld.idx.msk [tilespmem:v24+s13+$0x0], $0xffff;
	v55 =	vor.u32 s14, v16;
	v19 =	vadd.s32 v23, v19  }
0x243: {  	v23 =	vld.idx.msk [tilespmem:v26+s13+$0x0], $0xffff;
	v19 =	vadd.s32 v25, v19  }
0x244: {  	v56 =	vld.idx.msk [tilespmem:v27+s13+$0x0], $0xffff;
	v18 =	vadd.s32 v18, v19  }
0x245: {  	v19 =	vld.idx.msk [tilespmem:v20+s13+$0x0], $0xffff;
	v17 =	vadd.s32 v17, v18  }
0x246: {  	v18 =	vld.idx.msk [tilespmem:v28+s13+$0x0], $0xffff;
	v17 =	vadd.s32 v22, v17  }
0x247: {  	v20 =	vld.idx.msk [tilespmem:v55+s13+$0x0], $0xffff;
	v17 =	vadd.s32 v21, v17  }
0x248: {  	s15 =	simm.s32 $0x10;
	v17 =	vadd.s32 v23, v17  }
0x249: {  	v21 =	vor.u32 s15, v5;
	v17 =	vadd.s32 v56, v17  }
0x24a: {  	v22 =	vor.u32 s15, v1;
	v17 =	vadd.s32 v19, v17  }
0x24b: {  	v19 =	vor.u32 s15, v6;
	v17 =	vadd.s32 v18, v17  }
0x24c: {  	s14 =	simm.s32 $0x1BC40;
	v18 =	vor.u32 s15, v7;
	v17 =	vadd.s32 v20, v17  }
0x24d: {  	v20 =	vor.u32 s15, v2;
	[tilespmem:s14+$0x0] =	vst v17  }
0x24e: {  	v17 =	vld.idx.msk [tilespmem:v21+s13+$0x0], $0xffff;
	v21 =	vor.u32 s15, v3  }
0x24f: {  	v23 =	vor.u32 s15, v4;
	v22 =	vld.idx.msk [tilespmem:v22+s13+$0x0], $0xffff  }
0x250: {  	v57 =	vor.u32 s15, v8;
	v19 =	vld.idx.msk [tilespmem:v19+s13+$0x0], $0xffff  }
0x251: {  	v18 =	vld.idx.msk [tilespmem:v18+s13+$0x0], $0xffff  }
0x252: {  	v20 =	vld.idx.msk [tilespmem:v20+s13+$0x0], $0xffff  }
0x253: {  	v58 =	vor.u32 s15, v9;
	v21 =	vld.idx.msk [tilespmem:v21+s13+$0x0], $0xffff  }
0x254: {  	v59 =	vor.u32 s15, v10;
	v23 =	vld.idx.msk [tilespmem:v23+s13+$0x0], $0xffff;
	v17 =	vadd.s32 v22, v17  }
0x255: {  	v60 =	vor.u32 s15, v11;
	v22 =	vld.idx.msk [tilespmem:v57+s13+$0x0], $0xffff;
	v17 =	vadd.s32 v19, v17  }
0x256: {  	v61 =	vor.u32 s15, v12;
	v17 =	vadd.s32 v18, v17  }
0x257: {  	v62 =	vor.u32 s15, v13;
	v17 =	vadd.s32 v20, v17  }
0x258: {  	v63 =	vor.u32 s15, v14;
	v19 =	vld.idx.msk [tilespmem:v58+s13+$0x0], $0xffff;
	v17 =	vadd.s32 v21, v17  }
0x259: {  	v18 =	vld.idx.msk [tilespmem:v59+s13+$0x0], $0xffff;
	v17 =	vadd.s32 v23, v17;
	v23 =	vor.u32 s15, v15  }
0x25a: {  	v20 =	vld.idx.msk [tilespmem:v60+s13+$0x0], $0xffff;
	v17 =	vadd.s32 v22, v17;
	v22 =	vor.u32 s15, v16  }
0x25b: {  	v21 =	vld.idx.msk [tilespmem:v61+s13+$0x0], $0xffff  }
0x25c: {  	v24 =	vld.idx.msk [tilespmem:v62+s13+$0x0], $0xffff  }
0x25d: {  	v25 =	vld.idx.msk [tilespmem:v63+s13+$0x0], $0xffff;
	v17 =	vadd.s32 v19, v17  }
0x25e: {  	v17 =	vadd.s32 v18, v17;
	v19 =	vld.idx.msk [tilespmem:v23+s13+$0x0], $0xffff  }
0x25f: {  	v17 =	vadd.s32 v20, v17;
	v20 =	vld.idx.msk [tilespmem:v22+s13+$0x0], $0xffff  }
0x260: {  	s15 =	simm.s32 $0x20;
	v17 =	vadd.s32 v21, v17  }
0x261: {  	v18 =	vor.u32 s15, v5;
	v21 =	vadd.s32 v24, v17  }
0x262: {  	s16 =	simm.s32 $0x30;
	v17 =	vor.u32 s15, v1;
	v21 =	vadd.s32 v25, v21  }
.LBB2_37:
0x263: {  	p0 =	sne.s32 s16, $0xF0;
	v22 =	vor.u32 s15, v6;
	v19 =	vadd.s32 v19, v21  }
0x264: {  	v21 =	vor.u32 s15, v7;
	s14 =	sadd.s32 $0x10, s14;
	v19 =	vadd.s32 v20, v19  }
0x265: {  	v20 =	vor.u32 s15, v2;
	[tilespmem:s14+$0x0] =	vst v19  }
0x266: {  	v19 =	vor.u32 s15, v3;
	v18 =	vld.idx.msk [tilespmem:v18+s13+$0x0], $0xffff  }
0x267: {  	v23 =	vor.u32 s15, v4;
	v17 =	vld.idx.msk [tilespmem:v17+s13+$0x0], $0xffff  }
0x268: {  	v24 =	vor.u32 s15, v8;
	v22 =	vld.idx.msk [tilespmem:v22+s13+$0x0], $0xffff  }
0x269: {  	v25 =	vor.u32 s15, v9;
	v21 =	vld.idx.msk [tilespmem:v21+s13+$0x0], $0xffff  }
0x26a: {  	v26 =	vor.u32 s15, v10;
	v20 =	vld.idx.msk [tilespmem:v20+s13+$0x0], $0xffff  }
0x26b: {  	v27 =	vor.u32 s15, v11;
	v19 =	vld.idx.msk [tilespmem:v19+s13+$0x0], $0xffff  }
0x26c: {  	v28 =	vor.u32 s15, v12;
	v23 =	vld.idx.msk [tilespmem:v23+s13+$0x0], $0xffff  }
0x26d: {  	v17 =	vadd.s32 v17, v18;
	v18 =	vld.idx.msk [tilespmem:v24+s13+$0x0], $0xffff;
	v24 =	vor.u32 s15, v13  }
0x26e: {  	v17 =	vadd.s32 v22, v17;
	v22 =	vld.idx.msk [tilespmem:v25+s13+$0x0], $0xffff;
	v25 =	vor.u32 s15, v14  }
0x26f: {  	v17 =	vadd.s32 v21, v17;
	v21 =	vld.idx.msk [tilespmem:v26+s13+$0x0], $0xffff;
	v26 =	vor.u32 s15, v15  }
0x270: {  	v17 =	vadd.s32 v20, v17;
	v20 =	vor.u32 s15, v16;
	s15 =	smov.u32 s16;
	v27 =	vld.idx.msk [tilespmem:v27+s13+$0x0], $0xffff  }
0x271: {  	v17 =	vadd.s32 v19, v17;
	v28 =	vld.idx.msk [tilespmem:v28+s13+$0x0], $0xffff  }
0x272: {  	v17 =	vadd.s32 v23, v17;
	v23 =	vld.idx.msk [tilespmem:v24+s13+$0x0], $0xffff  }
0x273: {  	v17 =	vadd.s32 v18, v17;
	v24 =	vld.idx.msk [tilespmem:v25+s13+$0x0], $0xffff  }
0x274: {  	v17 =	vadd.s32 v22, v17;
	v19 =	vld.idx.msk [tilespmem:v26+s13+$0x0], $0xffff  }
.Ltmp18:
0x275: {  	v17 =	vadd.s32 v21, v17;
	v20 =	vld.idx.msk [tilespmem:v20+s13+$0x0], $0xffff;
	(pc) =	sbr.rel @p0 .LBB2_37-.Ltmp18, $4  }
0x276: {  	v17 =	vadd.s32 v27, v17  }
0x277: {  	v17 =	vadd.s32 v28, v17  }
0x278: {  	v18 =	vor.u32 s16, v5;
	v21 =	vadd.s32 v23, v17  }
0x279: {  	s16 =	sadd.s32 $0x10, s16;
	v17 =	vor.u32 s15, v1;
	v21 =	vadd.s32 v24, v21  }
0x27a: {  	_ = 	snop  }
0x27b: {  	v1 =	vor.u32 s15, v6;
	v5 =	vadd.s32 v19, v21  }
0x27c: {  	v6 =	vor.u32 s15, v7;
	s14 =	sadd.s32 $0x10, s14;
	v5 =	vadd.s32 v20, v5  }
0x27d: {  	v2 =	vor.u32 s15, v2;
	[tilespmem:s14+$0x0] =	vst v5  }
0x27e: {  	v3 =	vor.u32 s15, v3;
	v5 =	vld.idx.msk [tilespmem:v18+s13+$0x0], $0xffff  }
0x27f: {  	v4 =	vor.u32 s15, v4;
	v7 =	vld.idx.msk [tilespmem:v17+s13+$0x0], $0xffff  }
0x280: {  	v8 =	vor.u32 s15, v8;
	v1 =	vld.idx.msk [tilespmem:v1+s13+$0x0], $0xffff  }
0x281: {  	v9 =	vor.u32 s15, v9;
	v6 =	vld.idx.msk [tilespmem:v6+s13+$0x0], $0xffff  }
0x282: {  	v10 =	vor.u32 s15, v10;
	v2 =	vld.idx.msk [tilespmem:v2+s13+$0x0], $0xffff  }
0x283: {  	v11 =	vor.u32 s15, v11;
	v3 =	vld.idx.msk [tilespmem:v3+s13+$0x0], $0xffff  }
0x284: {  	v12 =	vor.u32 s15, v12;
	v4 =	vld.idx.msk [tilespmem:v4+s13+$0x0], $0xffff;
	v5 =	vadd.s32 v7, v5  }
0x285: {  	v7 =	vld.idx.msk [tilespmem:v8+s13+$0x0], $0xffff;
	v8 =	vor.u32 s15, v13;
	v1 =	vadd.s32 v1, v5  }
0x286: {  	v61 =	vor.u32 s15, v14;
	v5 =	vld.idx.msk [tilespmem:v9+s13+$0x0], $0xffff;
	v1 =	vadd.s32 v6, v1  }
0x287: {  	v62 =	vor.u32 s15, v15;
	v6 =	vld.idx.msk [tilespmem:v10+s13+$0x0], $0xffff;
	v1 =	vadd.s32 v2, v1  }
0x288: {  	v63 =	vor.u32 s15, v16;
	v2 =	vld.idx.msk [tilespmem:v11+s13+$0x0], $0xffff;
	v1 =	vadd.s32 v3, v1  }
0x289: {  	v3 =	vld.idx.msk [tilespmem:v12+s13+$0x0], $0xffff;
	v1 =	vadd.s32 v4, v1  }
0x28a: {  	v4 =	vld.idx.msk [tilespmem:v8+s13+$0x0], $0xffff;
	v1 =	vadd.s32 v7, v1  }
0x28b: {  	v7 =	vld.idx.msk [tilespmem:v61+s13+$0x0], $0xffff;
	v1 =	vadd.s32 v5, v1  }
0x28c: {  	v5 =	vld.idx.msk [tilespmem:v62+s13+$0x0], $0xffff;
	v1 =	vadd.s32 v6, v1  }
0x28d: {  	v6 =	vld.idx.msk [tilespmem:v63+s13+$0x0], $0xffff;
	v1 =	vadd.s32 v2, v1  }
0x28e: {  	v1 =	vadd.s32 v3, v1  }
0x28f: {  	v1 =	vadd.s32 v4, v1  }
0x290: {  	v1 =	vadd.s32 v7, v1  }
0x291: {  	v1 =	vadd.s32 v5, v1  }
0x292: {  	s29 =	sadd.s32 $0x10, s14;
	v1 =	vadd.s32 v6, v1  }
0x293: {  	s30 =	simm.s32 $0x1BC40;
	s31 =	simm.s32 $0x3;
	[tilespmem:s29+$0x0] =	vst v1  }
0x294: {  	[spmem:s7] =	stream.linear.scatter [tilespmem:s30], [sflag:$0x3], $0x100, $0x38;
	[tilespmem:$0x1BDC0] =	vst v63  }
0x295: {  	v1 =	vlaneseq.u32;
	_ =	swait.ge [sflag:s31], $0x100  }
0x296: {  	v1 =	vmul.u32 $0x100, v1;
	[sflag:s31] =	ssyncset.done $0x0  }
0x297: {  	s13 =	simm.s32 $0x0;
	[sflag:s31] =	ssyncadd.s32 $0xFFFFFF00  }
0x298: {  	s14 =	simm.s32 $0x1AC40;
	v5 =	vor.u32 s13, v1;
	[bflag:$0x0] =	sbarrier.arrive $0xFFFF  }
0x299: {  	[tilespmem:s14], [sflag:$0x3] =	stream.linear.gather [spmem:s6], $0x1000, $0x38;
	[tilespmem:$0x1BDC0] =	vst v63  }
0x29a: {  	_ =	swait.ge [sflag:s31], $0x1000  }
0x29b: {  	[sflag:s31] =	ssyncset.done $0x0  }
0x29c: {  	[sflag:s31] =	ssyncadd.s32 $0xFFFFF000  }
0x29d: {  	v3 =	vld.idx.msk [tilespmem:v5+s14+$0x0], $0xffff;
	_ =	sdelay $0x4  }
0x29e: {  	(xrf0) =	vadd.scan.msk.s32 $0xffff, v3;
	_ =	sdelay $0x4  }
0x29f: {  	v2 =	vimm.s32 $0x0  }
0x2a0: {  	v3 =	vsub.s32 v2, v3;
	v6, _, _ =	vpop (xrf0)  }
0x2a1: {  	v3 =	vadd.s32 v6, v3  }
0x2a2: {  	s15 =	simm.s32 $0x18C40;
	[tilespmem:$0x1BD40] =	vst v3  }
0x2a3: {  	v7 =	vld.idx.msk [tilespmem:v5+s15+$0x0], $0xffff;
	_ =	sdelay $0x4  }
0x2a4: {  	s16 =	simm.s32 $0x1BD40;
	(xrf0) =	vadd.scan.msk.s32 $0xffff, v7  }
0x2a5: {  	v8 =	vld.idx.msk [tilespmem:v0+s16+$0x0], $0xffff;
	_ =	sdelay $0x2  }
0x2a6: {  	s17 =	simm.s32 $0x1  }
0x2a7: {  	v3 =	vor.u32 s17, v1  }
0x2a8: {  	v4 =	vimm.s32 $0xF;
	v7 =	vsub.s32 v8, v7;
	v8, _, _ =	vpop (xrf0)  }
0x2a9: {  	s17 =	simm.s32 $0x19C40;
	v7 =	vadd.s32 v8, v7  }
0x2aa: {  	[tilespmem:v5+s17+$0x0] =	vst.idx.msk $0xffff, v7  }
0x2ab: {  	[tilespmem:$0x1BD40] =	vst v6  }
0x2ac: {  	v5 =	vld.idx.msk [tilespmem:v3+s14+$0x0], $0xffff  }
0x2ad: {  	s18 =	simm.s32 $0x2;
	v6 =	vld.idx.msk [tilespmem:v4+s16+$0x0], $0xffff  }
.LBB2_39:
0x2ae: {  	_ =	sdelay $0x2  }
0x2af: {  	p0 =	sne.s32 s18, $0xFF;
	s19 =	smov.u32 s18;
	s18 =	sadd.s32 $0x1, s18;
	(xrf0) =	vadd.scan.msk.s32 $0xffff, v5  }
0x2b0: {  	v2 =	vadd.s32 v2, v6;
	_ =	sdelay $0x4  }
0x2b1: {  	v5 =	vsub.s32 v2, v5;
	v6, _, _ =	vpop (xrf0)  }
0x2b2: {  	v5 =	vadd.s32 v6, v5  }
0x2b3: {  	[tilespmem:$0x1BD40] =	vst v5  }
0x2b4: {  	v5 =	vld.idx.msk [tilespmem:v3+s15+$0x0], $0xffff;
	_ =	sdelay $0x5  }
0x2b5: {  	v7 =	vld.idx.msk [tilespmem:v0+s16+$0x0], $0xffff;
	(xrf0) =	vadd.scan.msk.s32 $0xffff, v5;
	_ =	sdelay $0x4  }
0x2b6: {  	v8 =	vor.u32 s19, v1  }
0x2b7: {  	v5 =	vsub.s32 v7, v5;
	v7, _, _ =	vpop (xrf0)  }
.Ltmp19:
0x2b8: {  	v5 =	vadd.s32 v7, v5;
	(pc) =	sbr.rel @p0 .LBB2_39-.Ltmp19, $4  }
0x2b9: {  	[tilespmem:v3+s17+$0x0] =	vst.idx.msk $0xffff, v5;
	v3 =	vmov v8  }
0x2ba: {  	[tilespmem:$0x1BD40] =	vst v6  }
0x2bb: {  	v5 =	vld.idx.msk [tilespmem:v8+s14+$0x0], $0xffff  }
0x2bc: {  	v6 =	vld.idx.msk [tilespmem:v4+s16+$0x0], $0xffff  }
0x2bd: {  	_ =	sdelay $0x2  }
0x2be: {  	(xrf0) =	vadd.scan.msk.s32 $0xffff, v5;
	_ =	sdelay $0x4  }
0x2bf: {  	v1 =	vadd.s32 v2, v6  }
0x2c0: {  	v1 =	vsub.s32 v1, v5;
	v2, _, _ =	vpop (xrf0)  }
0x2c1: {  	v1 =	vadd.s32 v2, v1  }
0x2c2: {  	[tilespmem:$0x1BD40] =	vst v1  }
0x2c3: {  	v1 =	vld.idx.msk [tilespmem:v3+s15+$0x0], $0xffff;
	_ =	sdelay $0x4  }
0x2c4: {  	(xrf0) =	vadd.scan.msk.s32 $0xffff, v1  }
0x2c5: {  	v4 =	vld.idx.msk [tilespmem:v0+s16+$0x0], $0xffff;
	_ =	sdelay $0x4  }
0x2c6: {  	v1 =	vsub.s32 v4, v1;
	v63, _, _ =	vpop (xrf0)  }
0x2c7: {  	v1 =	vadd.s32 v63, v1  }
0x2c8: {  	[tilespmem:v3+s17+$0x0] =	vst.idx.msk $0xffff, v1;
	v3 =	vlaneseq.u32  }
0x2c9: {  	v1 =	vmul.u32 $0x4E2, v3  }
0x2ca: {  	s14 =	simm.s32 $0x9F40;
	s15 =	simm.s32 $0x19C40;
	s16 =	simm.s32 $0x13C40;
	[tilespmem:$0x1BD40] =	vst v2;
	v2 =	vmul.u32 $0x100, v3  }
.LBB2_41:
0x2cb: {  	v3 =	vadd.s32 s13, v1;
	_ =	sdelay $0x4  }
0x2cc: {  	v4 =	vld.idx.msk [tilespmem:v3+s14+$0x0], $0xffff;
	_ =	sdelay $0x4  }
0x2cd: {  	v4 =	vshrl.u32 v4, $0x10  }
0x2ce: {  	v4 =	vand.u32 $0xFF, v4  }
0x2cf: {  	v4 =	vor.u32 v2, v4;
	_ =	sdelay $0x4  }
0x2d0: {  	v5 =	vld.idx.msk [tilespmem:v4+s15+$0x0], $0xffff;
	_ =	sdelay $0x1  }
0x2d1: {  	p0 =	sne.s32 s13, $0x4E1  }
.Ltmp20:
0x2d2: {  	_ = 	snop;
	(pc) =	sbr.rel @p0 .LBB2_41-.Ltmp20, $4  }
0x2d3: {  	_ = 	snop  }
0x2d4: {  	v6 =	vadd.s32 $0x1, v5  }
0x2d5: {  	[tilespmem:v4+s15+$0x0] =	vst.idx.msk $0xffff, v6  }
0x2d6: {  	s13 =	sadd.s32 $0x1, s13;
	[tilespmem:v3+s16+$0x0] =	vst.idx.msk $0xffff, v5  }
0x2d7: {  	s13 =	simm.s32 $0x0;
	v1 =	vlaneseq.u32;
	s14 =	simm.s32 $0x13C40  }
.LBB2_43:
0x2d8: {  	s15 =	sadd.s32 $0x4E20, s13  }
0x2d9: {  	p0 =	sne.s32 s13, $0x50;
	v2 =	vor.u32 s15, v1  }
.Ltmp21:
0x2da: {  	_ = 	snop;
	(pc) =	sbr.rel @p0 .LBB2_43-.Ltmp21, $4  }
0x2db: {  	_ = 	snop  }
0x2dc: {  	s31 =	sadd.s32 s13, s8  }
0x2dd: {  	v3 =	vor.u32 s31, v1  }
0x2de: {  	s13 =	sadd.s32 $0x10, s13;
	[tilespmem:v2+s14+$0x0] =	vst.idx.msk $0xffff, v3  }
0x2df: {  	s13 =	simm.s32 $0x80;
	s14 =	simm.s32 $0x9F40;
	s15 =	simm.s32 $0x13C40  }
0x2e0: {  	[spmem:s5] =	stream.indirect.scatter [tilespmem:s14], [sflag:$0x1], $0x1, s15, s13, $0xb8;
	[tilespmem:$0x1BDC0] =	vst v63  }
0x2e1: {  	s16 =	simm.s32 $0xEDC0;
	s14 =	simm.s32 $0x1  }
0x2e2: {  	[spmem:s3] =	stream.indirect.scatter [tilespmem:s16], [sflag:$0x2], $0x1, s15, s13, $0xb8;
	[tilespmem:$0x1BDC0] =	vst v63  }
0x2e3: {  	_ =	swait.ge [sflag:s14], $0x80  }
0x2e4: {  	[sflag:s14] =	ssyncset.done $0x0  }
0x2e5: {  	s15 =	simm.s32 $0x2;
	[sflag:s14] =	ssyncadd.s32 $0xFFFFFF80  }
0x2e6: {  	_ =	swait.ge [sflag:s15], $0x80  }
0x2e7: {  	s17 =	simm.s32 $0x80;
	s16 =	simm.s32 $0x400;
	[sflag:s15] =	ssyncset.done $0x0  }
.LBB2_45:
0x2e8: {  	s18 =	sadd.s32 $0x9F40, s17  }
0x2e9: {  	s19 =	sadd.s32 $0x13C40, s17;
	[sflag:s15] =	ssyncadd.s32 $0xFFFFFF80;
	s20 =	smov.u32 s16  }
0x2ea: {  	[spmem:s5] =	stream.indirect.scatter [tilespmem:s18], [sflag:$0x1], $0x1, s19, s13, $0xb8;
	[tilespmem:$0x1BDC0] =	vst v63  }
0x2eb: {  	p0 =	sne.s32 s16, $0x13800;
	s16 =	sadd.s32 $0x200, s16;
	s17 =	sadd.s32 $0xEDC0, s17  }
0x2ec: {  	[spmem:s3] =	stream.indirect.scatter [tilespmem:s17], [sflag:$0x2], $0x1, s19, s13, $0xb8;
	[tilespmem:$0x1BDC0] =	vst v63  }
.Ltmp22:
0x2ed: {  	_ =	swait.ge [sflag:s14], $0x80;
	(pc) =	sbr.rel @p0 .LBB2_45-.Ltmp22, $4  }
0x2ee: {  	[sflag:s14] =	ssyncset.done $0x0  }
0x2ef: {  	[sflag:s14] =	ssyncadd.s32 $0xFFFFFF80  }
0x2f0: {  	_ =	swait.ge [sflag:s15], $0x80  }
0x2f1: {  	s17 =	sshra.s32 s20, $0x2;
	[sflag:s15] =	ssyncset.done $0x0  }
0x2f2: {  	s16 =	sadd.s32 $0x9F40, s17;
	s18 =	sadd.s32 $0x13C40, s17;
	[sflag:s15] =	ssyncadd.s32 $0xFFFFFF80  }
0x2f3: {  	[spmem:s5] =	stream.indirect.scatter [tilespmem:s16], [sflag:$0x1], $0x1, s18, s13, $0xb8;
	[tilespmem:$0x1BDC0] =	vst v63  }
0x2f4: {  	s28 =	sadd.s32 $0xEDC0, s17  }
0x2f5: {  	[spmem:s3] =	stream.indirect.scatter [tilespmem:s28], [sflag:$0x2], $0x1, s18, s13, $0xb8;
	[tilespmem:$0x1BDC0] =	vst v63  }
0x2f6: {  	_ =	swait.ge [sflag:s14], $0x80  }
0x2f7: {  	[sflag:s14] =	ssyncset.done $0x0  }
0x2f8: {  	[sflag:s14] =	ssyncadd.s32 $0xFFFFFF80  }
0x2f9: {  	_ =	swait.ge [sflag:s15], $0x80  }
0x2fa: {  	[sflag:s15] =	ssyncset.done $0x0  }
0x2fb: {  	[sflag:s15] =	ssyncadd.s32 $0xFFFFFF80  }
0x2fc: {  	s29 =	simm.s32 $0x9F40;
	s30 =	simm.s32 $0x3;
	[bflag:$0x0] =	sbarrier.arrive $0xFFFF  }
0x2fd: {  	[tilespmem:s29], [sflag:$0x3] =	stream.linear.gather [spmem:s11], $0x4E20, $0x38;
	[tilespmem:$0x1BDC0] =	vst v63  }
0x2fe: {  	_ =	swait.ge [sflag:s30], $0x4E20  }
0x2ff: {  	[sflag:s30] =	ssyncset.done $0x0  }
0x300: {  	s11 =	simm.s32 $0x0;
	[sflag:s30] =	ssyncadd.s32 $0xFFFFB1E0  }
0x301: {  	[hbm4b:s9+s11] =	stream.linear.scatter [tilespmem:s29], [sflag:$0x3], $0x4E20, $0x38;
	[tilespmem:$0x1BDC0] =	vst v63  }
0x302: {  	_ =	swait.ge [sflag:s30], $0x4E20  }
0x303: {  	[sflag:s30] =	ssyncset.done $0x0  }
0x304: {  	s31 =	simm.s32 $0xEDC0;
	[sflag:s30] =	ssyncadd.s32 $0xFFFFB1E0  }
0x305: {  	[tilespmem:s31], [sflag:$0x3] =	stream.linear.gather [spmem:s12], $0x4E20, $0x38;
	[tilespmem:$0x1BDC0] =	vst v63  }
0x306: {  	_ =	swait.ge [sflag:s30], $0x4E20  }
0x307: {  	[sflag:s30] =	ssyncset.done $0x0  }
0x308: {  	[sflag:s30] =	ssyncadd.s32 $0xFFFFB1E0  }
0x309: {  	[hbm4b:s10+s11] =	stream.linear.scatter [tilespmem:s31], [sflag:$0x3], $0x4E20, $0x38;
	[tilespmem:$0x1BDC0] =	vst v63  }
0x30a: {  	_ =	swait.ge [sflag:s30], $0x4E20  }
0x30b: {  	[sflag:s30] =	ssyncset.done $0x0  }
0x30c: {  	[sflag:s30] =	ssyncadd.s32 $0xFFFFB1E0  }
0x30d: {  	[bflag:$0x0] =	sbarrier.arrive $0xFFFF  }
0x30e: {  	[tilespmem:s29], [sflag:$0x3] =	stream.linear.gather [hbm4b:s9+s11], $0x4E20, $0x38;
	[tilespmem:$0x1BDC0] =	vst v63  }
0x30f: {  	_ =	swait.ge [sflag:s30], $0x4E20  }
0x310: {  	[sflag:s30] =	ssyncset.done $0x0  }
0x311: {  	[sflag:s30] =	ssyncadd.s32 $0xFFFFB1E0  }
0x312: {  	[tilespmem:s31], [sflag:$0x3] =	stream.linear.gather [hbm4b:s10+s11], $0x4E20, $0x38;
	[tilespmem:$0x1BDC0] =	vst v63  }
0x313: {  	_ =	swait.ge [sflag:s30], $0x4E20  }
0x314: {  	[sflag:s30] =	ssyncset.done $0x0  }
0x315: {  	v1 =	vimm.s32 $0x0;
	s9 =	simm.s32 $0x0;
	[sflag:s30] =	ssyncadd.s32 $0xFFFFB1E0  }
.LBB2_47:
0x316: {  	p0 =	sne.s32 s9, $0x3FC0  }
.Ltmp23:
0x317: {  	_ = 	snop;
	(pc) =	sbr.rel @p0 .LBB2_47-.Ltmp23, $3  }
0x318: {  	_ =	sdelay $0x1  }
0x319: {  	s10 =	sshra.s32 s9, $0x2  }
0x31a: {  	s9 =	sadd.s32 $0x40, s9;
	[tilespmem:s10+$0x18C40] =	vst v1  }
0x31b: {  	v2 =	vlaneseq.u32  }
0x31c: {  	v1 =	vmul.u32 $0x4E2, v2  }
0x31d: {  	s9 =	simm.s32 $0x9F40;
	s10 =	simm.s32 $0x18C40;
	v2 =	vmul.u32 $0x100, v2  }
.LBB2_49:
0x31e: {  	v3 =	vadd.s32 s11, v1;
	_ =	sdelay $0x4  }
0x31f: {  	v3 =	vld.idx.msk [tilespmem:v3+s9+$0x0], $0xffff;
	_ =	sdelay $0x4  }
0x320: {  	v3 =	vshrl.u32 v3, $0x18  }
0x321: {  	v4 =	vand.u32 $0x80, v3  }
0x322: {  	v3 =	vand.u32 $0x7F, v3;
	v4 =	vor.u32 v2, v4  }
0x323: {  	v3 =	vor.u32 v3, v4;
	_ =	sdelay $0x4  }
0x324: {  	v4 =	vld.idx.msk [tilespmem:v3+s10+$0x0], $0xffff  }
0x325: {  	p0 =	sne.s32 s11, $0x4E1  }
.Ltmp24:
0x326: {  	_ = 	snop;
	(pc) =	sbr.rel @p0 .LBB2_49-.Ltmp24, $3  }
0x327: {  	_ =	sdelay $0x1  }
0x328: {  	v4 =	vadd.s32 $0x1, v4  }
0x329: {  	s11 =	sadd.s32 $0x1, s11;
	[tilespmem:v3+s10+$0x0] =	vst.idx.msk $0xffff, v4  }
0x32a: {  	v1 =	vlaneseq.u32;
	s10 =	simm.s32 $0x0  }
0x32b: {  	v5 =	vor.u32 $0x100, v1;
	v9 =	vor.u32 s10, v1  }
0x32c: {  	v6 =	vor.u32 $0x200, v1;
	v8 =	vor.u32 s10, v5  }
0x32d: {  	v7 =	vor.u32 $0x300, v1;
	v10 =	vor.u32 s10, v6  }
0x32e: {  	v2 =	vor.u32 $0x400, v1;
	v11 =	vor.u32 s10, v7  }
0x32f: {  	s9 =	simm.s32 $0x18C40;
	v3 =	vor.u32 $0x500, v1;
	v12 =	vor.u32 s10, v2  }
0x330: {  	v4 =	vor.u32 $0x600, v1;
	v13 =	vor.u32 s10, v3;
	v15 =	vld.idx.msk [tilespmem:v9+s9+$0x0], $0xffff  }
0x331: {  	v16 =	vor.u32 s10, v4;
	v14 =	vld.idx.msk [tilespmem:v8+s9+$0x0], $0xffff;
	v8 =	vor.u32 $0x700, v1  }
0x332: {  	v9 =	vor.u32 $0x800, v1;
	v17 =	vld.idx.msk [tilespmem:v10+s9+$0x0], $0xffff;
	v18 =	vor.u32 s10, v8  }
0x333: {  	v10 =	vor.u32 $0x900, v1;
	v19 =	vld.idx.msk [tilespmem:v11+s9+$0x0], $0xffff;
	v20 =	vor.u32 s10, v9  }
0x334: {  	v11 =	vor.u32 $0xA00, v1;
	v21 =	vld.idx.msk [tilespmem:v12+s9+$0x0], $0xffff;
	v22 =	vor.u32 s10, v10  }
0x335: {  	v12 =	vor.u32 $0xB00, v1;
	v23 =	vld.idx.msk [tilespmem:v13+s9+$0x0], $0xffff;
	v24 =	vor.u32 s10, v11  }
0x336: {  	v13 =	vor.u32 $0xC00, v1;
	v25 =	vld.idx.msk [tilespmem:v16+s9+$0x0], $0xffff;
	v26 =	vor.u32 s10, v12;
	v15 =	vadd.s32 v15, v14  }
0x337: {  	v27 =	vor.u32 s10, v13;
	v14 =	vor.u32 $0xD00, v1;
	v18 =	vld.idx.msk [tilespmem:v18+s9+$0x0], $0xffff;
	v16 =	vadd.s32 v17, v15  }
0x338: {  	v15 =	vor.u32 $0xE00, v1;
	v17 =	vld.idx.msk [tilespmem:v20+s9+$0x0], $0xffff;
	v20 =	vor.u32 s10, v14;
	v19 =	vadd.s32 v19, v16  }
0x339: {  	v22 =	vld.idx.msk [tilespmem:v22+s9+$0x0], $0xffff;
	v16 =	vor.u32 $0xF00, v1;
	v28 =	vor.u32 s10, v15;
	v19 =	vadd.s32 v21, v19  }
0x33a: {  	v21 =	vld.idx.msk [tilespmem:v24+s9+$0x0], $0xffff;
	v55 =	vor.u32 s10, v16;
	v19 =	vadd.s32 v23, v19  }
0x33b: {  	v23 =	vld.idx.msk [tilespmem:v26+s9+$0x0], $0xffff;
	v19 =	vadd.s32 v25, v19  }
0x33c: {  	v56 =	vld.idx.msk [tilespmem:v27+s9+$0x0], $0xffff;
	v18 =	vadd.s32 v18, v19  }
0x33d: {  	v19 =	vld.idx.msk [tilespmem:v20+s9+$0x0], $0xffff;
	v17 =	vadd.s32 v17, v18  }
0x33e: {  	v18 =	vld.idx.msk [tilespmem:v28+s9+$0x0], $0xffff;
	v17 =	vadd.s32 v22, v17  }
0x33f: {  	v20 =	vld.idx.msk [tilespmem:v55+s9+$0x0], $0xffff;
	v17 =	vadd.s32 v21, v17  }
0x340: {  	s11 =	simm.s32 $0x10;
	v17 =	vadd.s32 v23, v17  }
0x341: {  	v21 =	vor.u32 s11, v5;
	v17 =	vadd.s32 v56, v17  }
0x342: {  	v22 =	vor.u32 s11, v1;
	v17 =	vadd.s32 v19, v17  }
0x343: {  	v19 =	vor.u32 s11, v6;
	v17 =	vadd.s32 v18, v17  }
0x344: {  	s10 =	simm.s32 $0x1BC40;
	v18 =	vor.u32 s11, v7;
	v17 =	vadd.s32 v20, v17  }
0x345: {  	v20 =	vor.u32 s11, v2;
	[tilespmem:s10+$0x0] =	vst v17  }
0x346: {  	v17 =	vld.idx.msk [tilespmem:v21+s9+$0x0], $0xffff;
	v21 =	vor.u32 s11, v3  }
0x347: {  	v23 =	vor.u32 s11, v4;
	v22 =	vld.idx.msk [tilespmem:v22+s9+$0x0], $0xffff  }
0x348: {  	v57 =	vor.u32 s11, v8;
	v19 =	vld.idx.msk [tilespmem:v19+s9+$0x0], $0xffff  }
0x349: {  	v18 =	vld.idx.msk [tilespmem:v18+s9+$0x0], $0xffff  }
0x34a: {  	v20 =	vld.idx.msk [tilespmem:v20+s9+$0x0], $0xffff  }
0x34b: {  	v58 =	vor.u32 s11, v9;
	v21 =	vld.idx.msk [tilespmem:v21+s9+$0x0], $0xffff  }
0x34c: {  	v59 =	vor.u32 s11, v10;
	v23 =	vld.idx.msk [tilespmem:v23+s9+$0x0], $0xffff;
	v17 =	vadd.s32 v22, v17  }
0x34d: {  	v60 =	vor.u32 s11, v11;
	v22 =	vld.idx.msk [tilespmem:v57+s9+$0x0], $0xffff;
	v17 =	vadd.s32 v19, v17  }
0x34e: {  	v61 =	vor.u32 s11, v12;
	v17 =	vadd.s32 v18, v17  }
0x34f: {  	v62 =	vor.u32 s11, v13;
	v17 =	vadd.s32 v20, v17  }
0x350: {  	v63 =	vor.u32 s11, v14;
	v19 =	vld.idx.msk [tilespmem:v58+s9+$0x0], $0xffff;
	v17 =	vadd.s32 v21, v17  }
0x351: {  	v18 =	vld.idx.msk [tilespmem:v59+s9+$0x0], $0xffff;
	v17 =	vadd.s32 v23, v17;
	v23 =	vor.u32 s11, v15  }
0x352: {  	v20 =	vld.idx.msk [tilespmem:v60+s9+$0x0], $0xffff;
	v17 =	vadd.s32 v22, v17;
	v22 =	vor.u32 s11, v16  }
0x353: {  	v21 =	vld.idx.msk [tilespmem:v61+s9+$0x0], $0xffff  }
0x354: {  	v24 =	vld.idx.msk [tilespmem:v62+s9+$0x0], $0xffff  }
0x355: {  	v25 =	vld.idx.msk [tilespmem:v63+s9+$0x0], $0xffff;
	v17 =	vadd.s32 v19, v17  }
0x356: {  	v17 =	vadd.s32 v18, v17;
	v19 =	vld.idx.msk [tilespmem:v23+s9+$0x0], $0xffff  }
0x357: {  	v17 =	vadd.s32 v20, v17;
	v20 =	vld.idx.msk [tilespmem:v22+s9+$0x0], $0xffff  }
0x358: {  	s11 =	simm.s32 $0x20;
	v17 =	vadd.s32 v21, v17  }
0x359: {  	v18 =	vor.u32 s11, v5;
	v21 =	vadd.s32 v24, v17  }
0x35a: {  	s12 =	simm.s32 $0x30;
	v17 =	vor.u32 s11, v1;
	v21 =	vadd.s32 v25, v21  }
.LBB2_51:
0x35b: {  	p0 =	sne.s32 s12, $0xF0;
	v22 =	vor.u32 s11, v6;
	v19 =	vadd.s32 v19, v21  }
0x35c: {  	v21 =	vor.u32 s11, v7;
	s10 =	sadd.s32 $0x10, s10;
	v19 =	vadd.s32 v20, v19  }
0x35d: {  	v20 =	vor.u32 s11, v2;
	[tilespmem:s10+$0x0] =	vst v19  }
0x35e: {  	v19 =	vor.u32 s11, v3;
	v18 =	vld.idx.msk [tilespmem:v18+s9+$0x0], $0xffff  }
0x35f: {  	v23 =	vor.u32 s11, v4;
	v17 =	vld.idx.msk [tilespmem:v17+s9+$0x0], $0xffff  }
0x360: {  	v24 =	vor.u32 s11, v8;
	v22 =	vld.idx.msk [tilespmem:v22+s9+$0x0], $0xffff  }
0x361: {  	v25 =	vor.u32 s11, v9;
	v21 =	vld.idx.msk [tilespmem:v21+s9+$0x0], $0xffff  }
0x362: {  	v26 =	vor.u32 s11, v10;
	v20 =	vld.idx.msk [tilespmem:v20+s9+$0x0], $0xffff  }
0x363: {  	v27 =	vor.u32 s11, v11;
	v19 =	vld.idx.msk [tilespmem:v19+s9+$0x0], $0xffff  }
0x364: {  	v28 =	vor.u32 s11, v12;
	v23 =	vld.idx.msk [tilespmem:v23+s9+$0x0], $0xffff  }
0x365: {  	v17 =	vadd.s32 v17, v18;
	v18 =	vld.idx.msk [tilespmem:v24+s9+$0x0], $0xffff;
	v24 =	vor.u32 s11, v13  }
0x366: {  	v17 =	vadd.s32 v22, v17;
	v22 =	vld.idx.msk [tilespmem:v25+s9+$0x0], $0xffff;
	v25 =	vor.u32 s11, v14  }
0x367: {  	v17 =	vadd.s32 v21, v17;
	v21 =	vld.idx.msk [tilespmem:v26+s9+$0x0], $0xffff;
	v26 =	vor.u32 s11, v15  }
0x368: {  	v17 =	vadd.s32 v20, v17;
	v20 =	vor.u32 s11, v16;
	s11 =	smov.u32 s12;
	v27 =	vld.idx.msk [tilespmem:v27+s9+$0x0], $0xffff  }
0x369: {  	v17 =	vadd.s32 v19, v17;
	v28 =	vld.idx.msk [tilespmem:v28+s9+$0x0], $0xffff  }
0x36a: {  	v17 =	vadd.s32 v23, v17;
	v23 =	vld.idx.msk [tilespmem:v24+s9+$0x0], $0xffff  }
0x36b: {  	v17 =	vadd.s32 v18, v17;
	v24 =	vld.idx.msk [tilespmem:v25+s9+$0x0], $0xffff  }
0x36c: {  	v17 =	vadd.s32 v22, v17;
	v19 =	vld.idx.msk [tilespmem:v26+s9+$0x0], $0xffff  }
.Ltmp25:
0x36d: {  	v17 =	vadd.s32 v21, v17;
	v20 =	vld.idx.msk [tilespmem:v20+s9+$0x0], $0xffff;
	(pc) =	sbr.rel @p0 .LBB2_51-.Ltmp25, $4  }
0x36e: {  	v17 =	vadd.s32 v27, v17  }
0x36f: {  	v17 =	vadd.s32 v28, v17  }
0x370: {  	v18 =	vor.u32 s12, v5;
	v21 =	vadd.s32 v23, v17  }
0x371: {  	s12 =	sadd.s32 $0x10, s12;
	v17 =	vor.u32 s11, v1;
	v21 =	vadd.s32 v24, v21  }
0x372: {  	_ = 	snop  }
0x373: {  	v1 =	vor.u32 s11, v6;
	v5 =	vadd.s32 v19, v21  }
0x374: {  	v6 =	vor.u32 s11, v7;
	s10 =	sadd.s32 $0x10, s10;
	v5 =	vadd.s32 v20, v5  }
0x375: {  	v2 =	vor.u32 s11, v2;
	[tilespmem:s10+$0x0] =	vst v5  }
0x376: {  	v3 =	vor.u32 s11, v3;
	v5 =	vld.idx.msk [tilespmem:v18+s9+$0x0], $0xffff  }
0x377: {  	v4 =	vor.u32 s11, v4;
	v7 =	vld.idx.msk [tilespmem:v17+s9+$0x0], $0xffff  }
0x378: {  	v8 =	vor.u32 s11, v8;
	v1 =	vld.idx.msk [tilespmem:v1+s9+$0x0], $0xffff  }
0x379: {  	v9 =	vor.u32 s11, v9;
	v6 =	vld.idx.msk [tilespmem:v6+s9+$0x0], $0xffff  }
0x37a: {  	v10 =	vor.u32 s11, v10;
	v2 =	vld.idx.msk [tilespmem:v2+s9+$0x0], $0xffff  }
0x37b: {  	v11 =	vor.u32 s11, v11;
	v3 =	vld.idx.msk [tilespmem:v3+s9+$0x0], $0xffff  }
0x37c: {  	v12 =	vor.u32 s11, v12;
	v4 =	vld.idx.msk [tilespmem:v4+s9+$0x0], $0xffff;
	v5 =	vadd.s32 v7, v5  }
0x37d: {  	v7 =	vld.idx.msk [tilespmem:v8+s9+$0x0], $0xffff;
	v8 =	vor.u32 s11, v13;
	v1 =	vadd.s32 v1, v5  }
0x37e: {  	v61 =	vor.u32 s11, v14;
	v5 =	vld.idx.msk [tilespmem:v9+s9+$0x0], $0xffff;
	v1 =	vadd.s32 v6, v1  }
0x37f: {  	v62 =	vor.u32 s11, v15;
	v6 =	vld.idx.msk [tilespmem:v10+s9+$0x0], $0xffff;
	v1 =	vadd.s32 v2, v1  }
0x380: {  	v63 =	vor.u32 s11, v16;
	v2 =	vld.idx.msk [tilespmem:v11+s9+$0x0], $0xffff;
	v1 =	vadd.s32 v3, v1  }
0x381: {  	v3 =	vld.idx.msk [tilespmem:v12+s9+$0x0], $0xffff;
	v1 =	vadd.s32 v4, v1  }
0x382: {  	v4 =	vld.idx.msk [tilespmem:v8+s9+$0x0], $0xffff;
	v1 =	vadd.s32 v7, v1  }
0x383: {  	v7 =	vld.idx.msk [tilespmem:v61+s9+$0x0], $0xffff;
	v1 =	vadd.s32 v5, v1  }
0x384: {  	v5 =	vld.idx.msk [tilespmem:v62+s9+$0x0], $0xffff;
	v1 =	vadd.s32 v6, v1  }
0x385: {  	v6 =	vld.idx.msk [tilespmem:v63+s9+$0x0], $0xffff;
	v1 =	vadd.s32 v2, v1  }
0x386: {  	v1 =	vadd.s32 v3, v1  }
0x387: {  	v1 =	vadd.s32 v4, v1  }
0x388: {  	v1 =	vadd.s32 v7, v1  }
0x389: {  	v1 =	vadd.s32 v5, v1  }
0x38a: {  	s28 =	sadd.s32 $0x10, s10;
	v1 =	vadd.s32 v6, v1  }
0x38b: {  	s29 =	simm.s32 $0x1BC40;
	s30 =	simm.s32 $0x3;
	[tilespmem:s28+$0x0] =	vst v1  }
0x38c: {  	[spmem:s7] =	stream.linear.scatter [tilespmem:s29], [sflag:$0x3], $0x100, $0x38;
	[tilespmem:$0x1BDC0] =	vst v63  }
0x38d: {  	v1 =	vlaneseq.u32;
	_ =	swait.ge [sflag:s30], $0x100  }
0x38e: {  	v1 =	vmul.u32 $0x100, v1;
	[sflag:s30] =	ssyncset.done $0x0  }
0x38f: {  	s7 =	simm.s32 $0x0;
	[sflag:s30] =	ssyncadd.s32 $0xFFFFFF00  }
0x390: {  	s9 =	simm.s32 $0x1AC40;
	v5 =	vor.u32 s7, v1;
	[bflag:$0x0] =	sbarrier.arrive $0xFFFF  }
0x391: {  	[tilespmem:s9], [sflag:$0x3] =	stream.linear.gather [spmem:s6], $0x1000, $0x38;
	[tilespmem:$0x1BDC0] =	vst v63  }
0x392: {  	_ =	swait.ge [sflag:s30], $0x1000  }
0x393: {  	[sflag:s30] =	ssyncset.done $0x0  }
0x394: {  	[sflag:s30] =	ssyncadd.s32 $0xFFFFF000  }
0x395: {  	v3 =	vld.idx.msk [tilespmem:v5+s9+$0x0], $0xffff;
	_ =	sdelay $0x4  }
0x396: {  	(xrf0) =	vadd.scan.msk.s32 $0xffff, v3;
	_ =	sdelay $0x4  }
0x397: {  	v2 =	vimm.s32 $0x0  }
0x398: {  	v3 =	vsub.s32 v2, v3;
	v6, _, _ =	vpop (xrf0)  }
0x399: {  	v3 =	vadd.s32 v6, v3  }
0x39a: {  	s6 =	simm.s32 $0x18C40;
	[tilespmem:$0x1BD40] =	vst v3  }
0x39b: {  	v7 =	vld.idx.msk [tilespmem:v5+s6+$0x0], $0xffff;
	_ =	sdelay $0x4  }
0x39c: {  	s10 =	simm.s32 $0x1BD40;
	(xrf0) =	vadd.scan.msk.s32 $0xffff, v7  }
0x39d: {  	v8 =	vld.idx.msk [tilespmem:v0+s10+$0x0], $0xffff;
	_ =	sdelay $0x2  }
0x39e: {  	s31 =	simm.s32 $0x1  }
0x39f: {  	v3 =	vor.u32 s31, v1  }
0x3a0: {  	v4 =	vimm.s32 $0xF;
	v7 =	vsub.s32 v8, v7;
	v8, _, _ =	vpop (xrf0)  }
0x3a1: {  	s11 =	simm.s32 $0x19C40;
	v7 =	vadd.s32 v8, v7  }
0x3a2: {  	[tilespmem:v5+s11+$0x0] =	vst.idx.msk $0xffff, v7  }
0x3a3: {  	[tilespmem:$0x1BD40] =	vst v6  }
0x3a4: {  	v5 =	vld.idx.msk [tilespmem:v3+s9+$0x0], $0xffff  }
0x3a5: {  	s12 =	simm.s32 $0x2;
	v6 =	vld.idx.msk [tilespmem:v4+s10+$0x0], $0xffff  }
.LBB2_53:
0x3a6: {  	_ =	sdelay $0x2  }
0x3a7: {  	p0 =	sne.s32 s12, $0xFF;
	s13 =	smov.u32 s12;
	s12 =	sadd.s32 $0x1, s12;
	(xrf0) =	vadd.scan.msk.s32 $0xffff, v5  }
0x3a8: {  	v2 =	vadd.s32 v2, v6;
	_ =	sdelay $0x4  }
0x3a9: {  	v5 =	vsub.s32 v2, v5;
	v6, _, _ =	vpop (xrf0)  }
0x3aa: {  	v5 =	vadd.s32 v6, v5  }
0x3ab: {  	[tilespmem:$0x1BD40] =	vst v5  }
0x3ac: {  	v5 =	vld.idx.msk [tilespmem:v3+s6+$0x0], $0xffff;
	_ =	sdelay $0x5  }
0x3ad: {  	v7 =	vld.idx.msk [tilespmem:v0+s10+$0x0], $0xffff;
	(xrf0) =	vadd.scan.msk.s32 $0xffff, v5;
	_ =	sdelay $0x4  }
0x3ae: {  	v8 =	vor.u32 s13, v1  }
0x3af: {  	v5 =	vsub.s32 v7, v5;
	v7, _, _ =	vpop (xrf0)  }
.Ltmp26:
0x3b0: {  	v5 =	vadd.s32 v7, v5;
	(pc) =	sbr.rel @p0 .LBB2_53-.Ltmp26, $4  }
0x3b1: {  	[tilespmem:v3+s11+$0x0] =	vst.idx.msk $0xffff, v5;
	v3 =	vmov v8  }
0x3b2: {  	[tilespmem:$0x1BD40] =	vst v6  }
0x3b3: {  	v5 =	vld.idx.msk [tilespmem:v8+s9+$0x0], $0xffff  }
0x3b4: {  	v6 =	vld.idx.msk [tilespmem:v4+s10+$0x0], $0xffff  }
0x3b5: {  	_ =	sdelay $0x2  }
0x3b6: {  	(xrf0) =	vadd.scan.msk.s32 $0xffff, v5;
	_ =	sdelay $0x4  }
0x3b7: {  	v1 =	vadd.s32 v2, v6  }
0x3b8: {  	v1 =	vsub.s32 v1, v5;
	v2, _, _ =	vpop (xrf0)  }
0x3b9: {  	v1 =	vadd.s32 v2, v1  }
0x3ba: {  	[tilespmem:$0x1BD40] =	vst v1  }
0x3bb: {  	v1 =	vld.idx.msk [tilespmem:v3+s6+$0x0], $0xffff;
	_ =	sdelay $0x4  }
0x3bc: {  	(xrf0) =	vadd.scan.msk.s32 $0xffff, v1  }
0x3bd: {  	v0 =	vld.idx.msk [tilespmem:v0+s10+$0x0], $0xffff;
	_ =	sdelay $0x4  }
0x3be: {  	v0 =	vsub.s32 v0, v1;
	v1, _, _ =	vpop (xrf0)  }
0x3bf: {  	v0 =	vadd.s32 v1, v0;
	v1 =	vlaneseq.u32  }
0x3c0: {  	[tilespmem:v3+s11+$0x0] =	vst.idx.msk $0xffff, v0;
	v0 =	vmul.u32 $0x4E2, v1  }
0x3c1: {  	s9 =	simm.s32 $0x19C40;
	s6 =	simm.s32 $0x9F40;
	s10 =	simm.s32 $0x13C40;
	v1 =	vmul.u32 $0x100, v1;
	[tilespmem:$0x1BD40] =	vst v2  }
.LBB2_55:
0x3c2: {  	v2 =	vadd.s32 s7, v0;
	_ =	sdelay $0x4  }
0x3c3: {  	v3 =	vld.idx.msk [tilespmem:v2+s6+$0x0], $0xffff;
	_ =	sdelay $0x4  }
0x3c4: {  	v3 =	vshrl.u32 v3, $0x18  }
0x3c5: {  	v4 =	vand.u32 $0x80, v3  }
0x3c6: {  	v3 =	vand.u32 $0x7F, v3;
	v4 =	vor.u32 v1, v4  }
0x3c7: {  	v3 =	vor.u32 v3, v4;
	_ =	sdelay $0x4  }
0x3c8: {  	v4 =	vld.idx.msk [tilespmem:v3+s9+$0x0], $0xffff;
	_ =	sdelay $0x1  }
0x3c9: {  	p0 =	sne.s32 s7, $0x4E1  }
.Ltmp27:
0x3ca: {  	_ = 	snop;
	(pc) =	sbr.rel @p0 .LBB2_55-.Ltmp27, $4  }
0x3cb: {  	_ = 	snop  }
0x3cc: {  	v5 =	vadd.s32 $0x1, v4  }
0x3cd: {  	[tilespmem:v3+s9+$0x0] =	vst.idx.msk $0xffff, v5  }
0x3ce: {  	s7 =	sadd.s32 $0x1, s7;
	[tilespmem:v2+s10+$0x0] =	vst.idx.msk $0xffff, v4  }
0x3cf: {  	s6 =	simm.s32 $0x0;
	v0 =	vlaneseq.u32;
	s7 =	simm.s32 $0x13C40  }
.LBB2_57:
0x3d0: {  	s9 =	sadd.s32 $0x4E20, s6  }
0x3d1: {  	p0 =	sne.s32 s6, $0x50;
	v1 =	vor.u32 s9, v0  }
.Ltmp28:
0x3d2: {  	_ = 	snop;
	(pc) =	sbr.rel @p0 .LBB2_57-.Ltmp28, $4  }
0x3d3: {  	_ = 	snop  }
0x3d4: {  	s31 =	sadd.s32 s6, s8  }
0x3d5: {  	v2 =	vor.u32 s31, v0  }
0x3d6: {  	s6 =	sadd.s32 $0x10, s6;
	[tilespmem:v1+s7+$0x0] =	vst.idx.msk $0xffff, v2  }
0x3d7: {  	s6 =	simm.s32 $0x80;
	s7 =	simm.s32 $0x9F40;
	s8 =	simm.s32 $0x13C40  }
0x3d8: {  	[spmem:s5] =	stream.indirect.scatter [tilespmem:s7], [sflag:$0x1], $0x1, s8, s6, $0xb8;
	[tilespmem:$0x1BDC0] =	vst v63  }
0x3d9: {  	s9 =	simm.s32 $0xEDC0;
	s7 =	simm.s32 $0x1  }
0x3da: {  	[spmem:s3] =	stream.indirect.scatter [tilespmem:s9], [sflag:$0x2], $0x1, s8, s6, $0xb8;
	[tilespmem:$0x1BDC0] =	vst v63  }
0x3db: {  	_ =	swait.ge [sflag:s7], $0x80  }
0x3dc: {  	[sflag:s7] =	ssyncset.done $0x0  }
0x3dd: {  	s8 =	simm.s32 $0x2;
	[sflag:s7] =	ssyncadd.s32 $0xFFFFFF80  }
0x3de: {  	_ =	swait.ge [sflag:s8], $0x80  }
0x3df: {  	s10 =	simm.s32 $0x80;
	s9 =	simm.s32 $0x400;
	[sflag:s8] =	ssyncset.done $0x0  }
.LBB2_59:
0x3e0: {  	s11 =	sadd.s32 $0x9F40, s10  }
0x3e1: {  	s12 =	sadd.s32 $0x13C40, s10;
	[sflag:s8] =	ssyncadd.s32 $0xFFFFFF80;
	s13 =	smov.u32 s9  }
0x3e2: {  	[spmem:s5] =	stream.indirect.scatter [tilespmem:s11], [sflag:$0x1], $0x1, s12, s6, $0xb8;
	[tilespmem:$0x1BDC0] =	vst v63  }
0x3e3: {  	p0 =	sne.s32 s9, $0x13800;
	s9 =	sadd.s32 $0x200, s9;
	s10 =	sadd.s32 $0xEDC0, s10  }
0x3e4: {  	[spmem:s3] =	stream.indirect.scatter [tilespmem:s10], [sflag:$0x2], $0x1, s12, s6, $0xb8;
	[tilespmem:$0x1BDC0] =	vst v63  }
.Ltmp29:
0x3e5: {  	_ =	swait.ge [sflag:s7], $0x80;
	(pc) =	sbr.rel @p0 .LBB2_59-.Ltmp29, $4  }
0x3e6: {  	[sflag:s7] =	ssyncset.done $0x0  }
0x3e7: {  	[sflag:s7] =	ssyncadd.s32 $0xFFFFFF80  }
0x3e8: {  	_ =	swait.ge [sflag:s8], $0x80  }
0x3e9: {  	s10 =	sshra.s32 s13, $0x2;
	[sflag:s8] =	ssyncset.done $0x0  }
0x3ea: {  	s9 =	sadd.s32 $0x9F40, s10;
	s11 =	sadd.s32 $0x13C40, s10;
	[sflag:s8] =	ssyncadd.s32 $0xFFFFFF80  }
0x3eb: {  	[spmem:s5] =	stream.indirect.scatter [tilespmem:s9], [sflag:$0x1], $0x1, s11, s6, $0xb8;
	[tilespmem:$0x1BDC0] =	vst v63  }
0x3ec: {  	s22 =	sadd.s32 $0xEDC0, s10  }
0x3ed: {  	[spmem:s3] =	stream.indirect.scatter [tilespmem:s22], [sflag:$0x2], $0x1, s11, s6, $0xb8;
	[tilespmem:$0x1BDC0] =	vst v63  }
0x3ee: {  	_ =	swait.ge [sflag:s7], $0x80  }
0x3ef: {  	[sflag:s7] =	ssyncset.done $0x0  }
0x3f0: {  	[sflag:s7] =	ssyncadd.s32 $0xFFFFFF80  }
0x3f1: {  	_ =	swait.ge [sflag:s8], $0x80  }
0x3f2: {  	s23 =	smul.u32 $0x2710, s0;
	[sflag:s8] =	ssyncset.done $0x0  }
0x3f3: {  	s25 =	simm.s32 $0x9F40;
	[sflag:s8] =	ssyncadd.s32 $0xFFFFFF80  }
0x3f4: {  	s26 =	simm.s32 $0x3;
	s24 =	sadd.s32 s23, s5;
	[bflag:$0x0] =	sbarrier.arrive $0xFFFF  }
0x3f5: {  	[tilespmem:s25], [sflag:$0x3] =	stream.linear.gather [spmem:s24], $0x2710, $0x38;
	[tilespmem:$0x1BDC0] =	vst v63  }
0x3f6: {  	_ =	swait.ge [sflag:s26], $0x2710  }
0x3f7: {  	[sflag:s26] =	ssyncset.done $0x0  }
0x3f8: {  	s29 =	simm.s32 $0xEDC0;
	s28 =	sadd.s32 s23, s3;
	[sflag:s26] =	ssyncadd.s32 $0xFFFFD8F0  }
0x3f9: {  	[tilespmem:s29], [sflag:$0x3] =	stream.linear.gather [spmem:s28], $0x2710, $0x38;
	[tilespmem:$0x1BDC0] =	vst v63  }
0x3fa: {  	_ =	swait.ge [sflag:s26], $0x2710  }
0x3fb: {  	s30 =	sshrl.u32 s23, $0x3;
	[sflag:s26] =	ssyncset.done $0x0  }
0x3fc: {  	s31 =	simm.s32 $0x0;
	s4 =	sadd.s32 s4, s30;
	[sflag:s26] =	ssyncadd.s32 $0xFFFFD8F0  }
0x3fd: {  	[hbm4b:s4+s31] =	stream.linear.scatter [tilespmem:s25], [sflag:$0x3], $0x2710, $0x38;
	[tilespmem:$0x1BDC0] =	vst v63  }
0x3fe: {  	_ =	swait.ge [sflag:s26], $0x2710  }
0x3ff: {  	[sflag:s26] =	ssyncset.done $0x0  }
0x400: {  	s2 =	sadd.s32 s2, s30;
	[sflag:s26] =	ssyncadd.s32 $0xFFFFD8F0  }
0x401: {  	[hbm4b:s2+s31] =	stream.linear.scatter [tilespmem:s29], [sflag:$0x3], $0x2710, $0x38;
	[tilespmem:$0x1BDC0] =	vst v63  }
0x402: {  	_ =	swait.ge [sflag:s26], $0x2710  }
0x403: {  	[sflag:s26] =	ssyncset.done $0x0  }
0x404: {  	[sflag:s26] =	ssyncadd.s32 $0xFFFFD8F0  }
0x405: {  	_ =	sfence.sel $0x180000  }
0x406: {  	[bflag:$0x0] =	sbarrier.arrive $0xFFFF  }
0x407: {  	p0 =	sne.s32 s0, $0x0;
	_ =	strace $0x9000004A  }
0x408: {  	s0 =	sadd.s32 @!p0 $0x100000, s1;
	[bflag:$0x2] =	sbarrier.arrive $0xFFFF  }
0x409: {  	[sflag:s0] =	ssyncadd.tile.s32 @!p0 $0x1;
	_ =	shalt  }
.Lfunc_end2:
_tile_overlayer_lowered:
.L_overlay_start_2:
0x40a: {  	(tag) =	ssettag $0x2  }
0x40b: {  	s0 =	rddreg [dreg:$0x0];
	s2 =	stileid.u32  }
0x40c: {  	s1 =	rddreg [dreg:$0x1];
	p0 =	sne.s32 s2, $0x0  }
0x40d: {  	s3 =	rddreg [dreg:$0x2];
	[bflag:$0x3] =	sbarrier.arrive $0xFFFF;
	s2 =	simm.s32 @!p0 $0x1C03  }
0x40e: {  	[timem:s3], [sflag:s2] =	dma.local @!p0 [hbm:s0], s1  }
0x40f: {  	s0 =	simm.s32 @!p0 $0x3  }
0x410: {  	_ =	swait.ge @!p0 [sflag:s0], s1  }
0x411: {  	s1 =	ssub.s32 @!p0 $0x0, s1;
	[sflag:s0] =	ssyncset.done @!p0 $0x0  }
0x412: {  	[sflag:s0] =	ssyncadd.s32 @!p0 s1  }
0x413: {  	[bflag:$0x3] =	sbarrier.arrive $0xFFFF  }
0x414: {  	_ =	shalt  }

</sc_bundles>
